<compile_context>
chip_gen: v7x
topology: tpu7x:2x2x1
jax: 0.10.2.dev20260603
libtpu: 0.0.44.dev20260713+nightly
codegen_flags: <defaults>
</compile_context>

<pallas_src>
import jax
import jax.numpy as jnp
from jax import lax
from jax.experimental import pallas as pl
from jax.experimental.pallas import tpu as pltpu
from jax.experimental.pallas import tpu_sc as plsc

N_N = 10000
N_P = 10240
N_E = 320000
D = 128
NC, NS = 2, 16
NW = NC * NS
B = 80
TPW = N_P // NS


NB_H = N_E // NW // B
GRP = 25


def _hist_body(ei_ref, hist_hbm, idx_all, ones_v, zero_v, hist_sh,
               sem):
    c = lax.axis_index("c")
    s = lax.axis_index("s")
    one = jnp.full((16,), 1.0, jnp.float32)
    zero = jnp.zeros((16,), jnp.float32)
    for k in range(B // 16):
        ones_v[pl.ds(k * 16, 16)] = one
    for k in range(TPW // 16):
        zero_v[pl.ds(k * 16, 16)] = zero
    pltpu.sync_copy(zero_v, hist_sh.at[pl.ds(s * TPW, TPW)])

    base = (s * NC + c) * (N_E // NW)

    def fbody(g, carry):
        for k in range(GRP):
            j = g * GRP + k
            pltpu.async_copy(ei_ref.at[pl.ds(base + j * B, B)],
                             idx_all.at[j], sem)
        for k in range(GRP):
            pltpu.make_async_copy(ei_ref.at[pl.ds(base + k * B, B)],
                                  idx_all.at[k], sem).wait()
        return carry

    lax.fori_loop(0, NB_H // GRP, fbody, 0)
    plsc.subcore_barrier()

    def body(g, carry):
        for k in range(GRP):
            pltpu.async_copy(ones_v, hist_sh.at[idx_all.at[g * GRP + k]], sem,
                             add=True)
        for k in range(GRP):
            pltpu.make_async_copy(ones_v, hist_sh.at[idx_all.at[g * GRP + k]],
                                  sem).wait()
        return carry

    lax.fori_loop(0, NB_H // GRP, body, 0)
    plsc.subcore_barrier()
    pltpu.sync_copy(hist_sh.at[pl.ds(s * TPW, TPW)],
                    hist_hbm.at[c, 0, pl.ds(s * TPW, TPW)])


B_A = 80
NB_A = N_E // NW // B_A
NBUF = 2


def _agg_body(h_ref, ei_ref, part_hbm, ideg_hbm, sidx_all, didx_all,
              rows0, rows1, ones_v, zid_v,
              acc_sh, ideg_sh, gsem0, gsem1, ssem0, ssem1, hsem):
    c = lax.axis_index("c")
    s = lax.axis_index("s")
    wid = s * NC + c
    zero = jnp.zeros((16,), jnp.float32)

    def zbody(j, carry):
        for k in range(D // 16):
            rows0[j, pl.ds(k * 16, 16)] = zero
        return carry

    lax.fori_loop(0, B_A, zbody, 0)
    one = jnp.full((16,), 1.0, jnp.float32)
    zero16 = jnp.zeros((16,), jnp.float32)
    for k in range(B_A // 16):
        ones_v[pl.ds(k * 16, 16)] = one
    for k in range(TPW // 16):
        zid_v[pl.ds(k * 16, 16)] = zero16

    nz = jnp.where(s == NS - 1, (N_N - (NS - 1) * TPW) // B_A, TPW // B_A)

    def zfire(k, carry):
        pltpu.async_copy(rows0, acc_sh.at[pl.ds(s * TPW + k * B_A, B_A)],
                         gsem1)
        return carry

    lax.fori_loop(0, nz, zfire, 0)
    pltpu.async_copy(zid_v, ideg_sh.at[pl.ds(s * TPW, TPW)], gsem1)

    base = wid * (N_E // NW)
    pltpu.sync_copy(ei_ref.at[pl.ds(base, N_E // NW)], sidx_all)

    GRP_F = 25

    def fbody(g, carry):
        for k in range(GRP_F):
            j = g * GRP_F + k
            pltpu.async_copy(ei_ref.at[pl.ds(N_E + base + j * B_A, B_A)],
                             didx_all.at[j], gsem0)
        for k in range(GRP_F):
            pltpu.make_async_copy(ei_ref.at[pl.ds(N_E + base + k * B_A, B_A)],
                                  didx_all.at[k], gsem0).wait()
        return carry

    lax.fori_loop(0, NB_A // GRP_F, fbody, 0)

    def zdrain(k, carry):
        pltpu.make_async_copy(rows0, acc_sh.at[pl.ds(s * TPW + k * B_A, B_A)],
                              gsem1).wait()
        return carry

    lax.fori_loop(0, nz, zdrain, 0)
    pltpu.make_async_copy(zid_v, ideg_sh.at[pl.ds(s * TPW, TPW)],
                          gsem1).wait()
    plsc.subcore_barrier()

    rows = (rows0, rows1)
    gsem = (gsem0, gsem1)
    ssem = (ssem0, ssem1)

    for b in range(NBUF):
        pltpu.async_copy(h_ref.at[sidx_all.at[pl.ds(b * B_A, B_A)]], rows[b],
                         gsem[b])

    def body(i, carry):
        for b in range(NBUF):
            j = NBUF * i + b

            @pl.when(j < NB_A)
            def _():
                pltpu.make_async_copy(
                    h_ref.at[sidx_all.at[pl.ds(j * B_A, B_A)]],
                    rows[b], gsem[b]).wait()
                pltpu.async_copy(rows[b], acc_sh.at[didx_all.at[j]],
                                 ssem[b], add=True)
                pltpu.async_copy(ones_v, ideg_sh.at[didx_all.at[j]],
                                 hsem, add=True)
                pltpu.make_async_copy(rows[b], acc_sh.at[didx_all.at[j]],
                                      ssem[b]).wait()

                @pl.when(j + NBUF < NB_A)
                def _():
                    pltpu.async_copy(
                        h_ref.at[sidx_all.at[pl.ds((j + NBUF) * B_A, B_A)]],
                        rows[b], gsem[b])

        return carry

    lax.fori_loop(0, (NB_A + NBUF - 1) // NBUF, body, 0)

    def hdrain(j, carry):
        pltpu.make_async_copy(ones_v, ideg_sh.at[didx_all.at[j]],
                              hsem).wait()
        return carry

    lax.fori_loop(0, NB_A, hdrain, 0)
    plsc.subcore_barrier()
    pltpu.sync_copy(ideg_sh.at[pl.ds(s * TPW, TPW)],
                    ideg_hbm.at[c, 0, pl.ds(s * TPW, TPW)])
    LAST = N_N - (NS - 1) * TPW

    @pl.when(s < NS - 1)
    def _():
        pltpu.sync_copy(acc_sh.at[pl.ds(s * TPW, TPW)],
                        part_hbm.at[c, pl.ds(s * TPW, TPW)])

    @pl.when(s == NS - 1)
    def _():
        pltpu.sync_copy(acc_sh.at[pl.ds(s * TPW, LAST)],
                        part_hbm.at[c, pl.ds(s * TPW, LAST)])


def _prep_body(feat_ref, od_ref, h_ref):
    h_ref[...] = feat_ref[...] * lax.rsqrt(jnp.maximum(od_ref[...], 1.0))


def _final_body(p0_ref, p1_ref, h_ref, id_ref, w1_ref, w2_ref, o_ref):
    cs = p0_ref[0] + p1_ref[0]
    nd = lax.rsqrt(jnp.maximum(id_ref[...], 1.0))
    acc = jnp.dot(cs, w1_ref[...], preferred_element_type=jnp.float32)
    acc = acc + jnp.dot(h_ref[...] * cs, w2_ref[...],
                        preferred_element_type=jnp.float32)
    o_ref[...] = acc * nd


_mesh = plsc.VectorSubcoreMesh(core_axis_name="c", subcore_axis_name="s")

_hist = pl.kernel(
    _hist_body,
    out_type=jax.ShapeDtypeStruct((2, 1, N_P), jnp.float32),
    mesh=_mesh,
    scratch_types=[
        pltpu.VMEM((NB_H, B), jnp.int32),
        pltpu.VMEM((B,), jnp.float32),
        pltpu.VMEM((TPW,), jnp.float32),
        pltpu.VMEM_SHARED((N_P,), jnp.float32),
        pltpu.SemaphoreType.DMA,
    ],
)

_agg = pl.kernel(
    _agg_body,
    out_type=[jax.ShapeDtypeStruct((2, N_N, D), jnp.float32),
              jax.ShapeDtypeStruct((2, 1, N_P), jnp.float32)],
    mesh=_mesh,
    scratch_types=[
        pltpu.VMEM((N_E // NW,), jnp.int32),
        pltpu.VMEM((NB_A, B_A), jnp.int32),
        pltpu.VMEM((B_A, D), jnp.float32),
        pltpu.VMEM((B_A, D), jnp.float32),
        pltpu.VMEM((B_A,), jnp.float32),
        pltpu.VMEM((TPW,), jnp.float32),
        pltpu.VMEM_SHARED((N_N, D), jnp.float32),
        pltpu.VMEM_SHARED((N_P,), jnp.float32),
        pltpu.SemaphoreType.DMA,
        pltpu.SemaphoreType.DMA,
        pltpu.SemaphoreType.DMA,
        pltpu.SemaphoreType.DMA,
        pltpu.SemaphoreType.DMA,
    ],
)

_RB = 1000


@jax.jit
def kernel(feat, edge_index, weight1, weight2):
    ei_flat = edge_index.reshape(2 * N_E)
    hist = _hist(ei_flat)
    od = (hist[0, 0, :N_N] + hist[1, 0, :N_N]).reshape(N_N, 1)

    h = pl.pallas_call(
        _prep_body,
        grid=(N_N // _RB,),
        in_specs=[
            pl.BlockSpec((_RB, D), lambda i: (i, 0)),
            pl.BlockSpec((_RB, 1), lambda i: (i, 0)),
        ],
        out_specs=pl.BlockSpec((_RB, D), lambda i: (i, 0)),
        out_shape=jax.ShapeDtypeStruct((N_N, D), jnp.float32),
    )(feat, od)

    part, ideg = _agg(h, ei_flat)
    ind = (ideg[0, 0, :N_N] + ideg[1, 0, :N_N]).reshape(N_N, 1)

    out = pl.pallas_call(
        _final_body,
        grid=(N_N // _RB,),
        in_specs=[
            pl.BlockSpec((1, _RB, D), lambda i: (0, i, 0)),
            pl.BlockSpec((1, _RB, D), lambda i: (1, i, 0)),
            pl.BlockSpec((_RB, D), lambda i: (i, 0)),
            pl.BlockSpec((_RB, 1), lambda i: (i, 0)),
            pl.BlockSpec((D, D), lambda i: (0, 0)),
            pl.BlockSpec((D, D), lambda i: (0, 0)),
        ],
        out_specs=pl.BlockSpec((_RB, D), lambda i: (i, 0)),
        out_shape=jax.ShapeDtypeStruct((N_N, D), jnp.float32),
    )(part, part, h, ind, weight1, weight2)
    return out

# --- scband reference (transcript-rebuilt; emitter-appended) ---
"""Pipeline reference for scband-ngcfconv-83348135346295 (READ-ONLY COPY).

The authoritative reference and input builder live on the scoring server;
editing this copy changes nothing except your own understanding.
"""

import jax, jax.numpy as jnp
import numpy as np

N_NODES = 10000
N_EDGES = 320000
D_IN = 128
D_OUT = 128


def setup_inputs(seed: int = 0) -> dict:
    key = jax.random.key(seed)
    k1, k2, k3, k4 = jax.random.split(key, 4)
    feat = jax.random.normal(k1, (N_NODES, D_IN), dtype=jnp.float32)
    edge_index = jax.random.randint(k2, (2, N_EDGES), 0, N_NODES, dtype=jnp.int32)
    # xavier uniform init for weight1 / weight2
    bound = float(np.sqrt(6.0 / (D_IN + D_OUT)))
    weight1 = jax.random.uniform(k3, (D_IN, D_OUT), dtype=jnp.float32, minval=-bound, maxval=bound)
    weight2 = jax.random.uniform(k4, (D_IN, D_OUT), dtype=jnp.float32, minval=-bound, maxval=bound)
    return {"feat": feat, "edge_index": edge_index, "weight1": weight1, "weight2": weight2}


def reference(feat, edge_index, weight1, weight2):
    src = edge_index[0]
    dst = edge_index[1]
    # norm == 'both': normalize src features by out-degree^{-1/2}
    out_deg = jnp.maximum(jnp.bincount(src, length=N_NODES).astype(jnp.float32), 1.0)
    norm_src = jnp.power(out_deg, -0.5)
    h = feat * norm_src[:, None]
    # message passing 1: copy_u -> sum  (copy_sum[dst] = sum_{e: dst(e)=v} h[src(e)])
    m1 = jnp.take(h, src, axis=0)
    copy_sum = jax.ops.segment_sum(m1, dst, num_segments=N_NODES)
    # message passing 2: elementwise src*dst -> sum
    m2 = jnp.take(h, src, axis=0) * jnp.take(h, dst, axis=0)
    inner_multi_sum = jax.ops.segment_sum(m2, dst, num_segments=N_NODES)
    rst1 = jnp.matmul(copy_sum, weight1)
    rst2 = jnp.matmul(inner_multi_sum, weight2)
    rst = rst1 + rst2
    # right-side normalization by in-degree^{-1/2}
    in_deg = jnp.maximum(jnp.bincount(dst, length=N_NODES).astype(jnp.float32), 1.0)
    norm_dst = jnp.power(in_deg, -0.5)
    rst = rst * norm_dst[:, None]
    return rst

if __name__ == "__main__":
    import jax
    _d = setup_inputs()
    print(jax.jit(kernel)(*tuple(_d.values())))

</pallas_src>

<mosaic_0001>
#map = affine_map<(d0, d1) -> (0, 0)>
#map1 = affine_map<(d0, d1) -> (0)>
#map2 = affine_map<(d0, d1) -> (0, 0, 0)>
module attributes {stable_mosaic.version = 14 : i64} {
  func.func @_agg_body(%arg0: i32, %arg1: i32, %arg2: memref<10000x128xf32, #tpu.memory_space<hbm>>, %arg3: memref<640000xi32, #tpu.memory_space<hbm>>, %arg4: memref<2x10000x128xf32, #tpu.memory_space<hbm>>, %arg5: memref<2x1x10240xf32, #tpu.memory_space<hbm>>, %arg6: memref<10000xi32, #tpu.memory_space<vmem>>, %arg7: memref<125x80xi32, #tpu.memory_space<vmem>>, %arg8: memref<80x128xf32, #tpu.memory_space<vmem>>, %arg9: memref<80x128xf32, #tpu.memory_space<vmem>>, %arg10: memref<80xf32, #tpu.memory_space<vmem>>, %arg11: memref<640xf32, #tpu.memory_space<vmem>>, %arg12: memref<10000x128xf32, #tpu.memory_space<vmem_shared>>, %arg13: memref<10240xf32, #tpu.memory_space<vmem_shared>>, %arg14: memref<!tpu.dma_semaphore, #tpu.memory_space<semaphore_mem>>, %arg15: memref<!tpu.dma_semaphore, #tpu.memory_space<semaphore_mem>>, %arg16: memref<!tpu.dma_semaphore, #tpu.memory_space<semaphore_mem>>, %arg17: memref<!tpu.dma_semaphore, #tpu.memory_space<semaphore_mem>>, %arg18: memref<!tpu.dma_semaphore, #tpu.memory_space<semaphore_mem>>) attributes {dimension_semantics = [#tpu.dimension_semantics<core_parallel>, #tpu.dimension_semantics<subcore_parallel>], iteration_bounds = array<i64: 2, 16>, scalar_prefetch = 0 : i64, scratch_operands = 13 : i64, tpu.core_type = #tpu.core_type<sc_vector_subcore>, window_params = [{transform_indices = #map}, {transform_indices = #map1}, {transform_indices = #map2}, {transform_indices = #map2}]} {
    %mul3A = arith.constant 2 : i32
    %mul3A_0 = arith.muli %arg1, %mul3A : i32
    %add3A = arith.addi %mul3A_0, %arg0 : i32
    %broadcast_in_dim3A = arith.constant 0.000000e+00 : f32
    %broadcast_in_dim3A_1 = vector.broadcast %broadcast_in_dim3A : f32 to vector<16xf32>
    %scan3A = arith.constant 0 : i32
    %scan3A_2 = arith.constant 0 : i32
    %scan3A_3 = arith.constant 80 : i32
    %scan3A_4 = arith.addi %scan3A_2, %scan3A_3 : i32
    %scan3A_5 = arith.constant 1 : i32
    scf.for %scan3A_259 = %scan3A_2 to %scan3A_4 step %scan3A_5  : i32 {
      %swap3A_260 = arith.index_cast %scan3A_259 : i32 to index
      %swap3A_261 = arith.constant 0 : index
      %swap3A_262 = tpu.vector_load %arg8[%swap3A_260, %swap3A_261] {strides = array<i32>} : memref<80x128xf32, #tpu.memory_space<vmem>>, vector<1x16xf32>,
      %swap3A_263 = vector.shape_cast %swap3A_262 : vector<1x16xf32> to vector<16xf32>
      %swap3A_264 = vector.shape_cast %broadcast_in_dim3A_1 : vector<16xf32> to vector<1x16xf32>
      tpu.vector_store %arg8[%swap3A_260, %swap3A_261], %swap3A_264 {strides = array<i32>} : memref<80x128xf32, #tpu.memory_space<vmem>>, vector<1x16xf32>,
      %swap3A_265 = arith.index_cast %scan3A_259 : i32 to index
      %swap3A_266 = arith.constant 16 : index
      %swap3A_267 = tpu.vector_load %arg8[%swap3A_265, %swap3A_266] {strides = array<i32>} : memref<80x128xf32, #tpu.memory_space<vmem>>, vector<1x16xf32>,
      %swap3A_268 = vector.shape_cast %swap3A_267 : vector<1x16xf32> to vector<16xf32>
      %swap3A_269 = vector.shape_cast %broadcast_in_dim3A_1 : vector<16xf32> to vector<1x16xf32>
      tpu.vector_store %arg8[%swap3A_265, %swap3A_266], %swap3A_269 {strides = array<i32>} : memref<80x128xf32, #tpu.memory_space<vmem>>, vector<1x16xf32>,
      %swap3A_270 = arith.index_cast %scan3A_259 : i32 to index
      %swap3A_271 = arith.constant 32 : index
      %swap3A_272 = tpu.vector_load %arg8[%swap3A_270, %swap3A_271] {strides = array<i32>} : memref<80x128xf32, #tpu.memory_space<vmem>>, vector<1x16xf32>,
      %swap3A_273 = vector.shape_cast %swap3A_272 : vector<1x16xf32> to vector<16xf32>
      %swap3A_274 = vector.shape_cast %broadcast_in_dim3A_1 : vector<16xf32> to vector<1x16xf32>
      tpu.vector_store %arg8[%swap3A_270, %swap3A_271], %swap3A_274 {strides = array<i32>} : memref<80x128xf32, #tpu.memory_space<vmem>>, vector<1x16xf32>,
      %swap3A_275 = arith.index_cast %scan3A_259 : i32 to index
      %swap3A_276 = arith.constant 48 : index
      %swap3A_277 = tpu.vector_load %arg8[%swap3A_275, %swap3A_276] {strides = array<i32>} : memref<80x128xf32, #tpu.memory_space<vmem>>, vector<1x16xf32>,
      %swap3A_278 = vector.shape_cast %swap3A_277 : vector<1x16xf32> to vector<16xf32>
      %swap3A_279 = vector.shape_cast %broadcast_in_dim3A_1 : vector<16xf32> to vector<1x16xf32>
      tpu.vector_store %arg8[%swap3A_275, %swap3A_276], %swap3A_279 {strides = array<i32>} : memref<80x128xf32, #tpu.memory_space<vmem>>, vector<1x16xf32>,
      %swap3A_280 = arith.index_cast %scan3A_259 : i32 to index
      %swap3A_281 = arith.constant 64 : index
      %swap3A_282 = tpu.vector_load %arg8[%swap3A_280, %swap3A_281] {strides = array<i32>} : memref<80x128xf32, #tpu.memory_space<vmem>>, vector<1x16xf32>,
      %swap3A_283 = vector.shape_cast %swap3A_282 : vector<1x16xf32> to vector<16xf32>
      %swap3A_284 = vector.shape_cast %broadcast_in_dim3A_1 : vector<16xf32> to vector<1x16xf32>
      tpu.vector_store %arg8[%swap3A_280, %swap3A_281], %swap3A_284 {strides = array<i32>} : memref<80x128xf32, #tpu.memory_space<vmem>>, vector<1x16xf32>,
      %swap3A_285 = arith.index_cast %scan3A_259 : i32 to index
      %swap3A_286 = arith.constant 80 : index
      %swap3A_287 = tpu.vector_load %arg8[%swap3A_285, %swap3A_286] {strides = array<i32>} : memref<80x128xf32, #tpu.memory_space<vmem>>, vector<1x16xf32>,
      %swap3A_288 = vector.shape_cast %swap3A_287 : vector<1x16xf32> to vector<16xf32>
      %swap3A_289 = vector.shape_cast %broadcast_in_dim3A_1 : vector<16xf32> to vector<1x16xf32>
      tpu.vector_store %arg8[%swap3A_285, %swap3A_286], %swap3A_289 {strides = array<i32>} : memref<80x128xf32, #tpu.memory_space<vmem>>, vector<1x16xf32>,
      %swap3A_290 = arith.index_cast %scan3A_259 : i32 to index
      %swap3A_291 = arith.constant 96 : index
      %swap3A_292 = tpu.vector_load %arg8[%swap3A_290, %swap3A_291] {strides = array<i32>} : memref<80x128xf32, #tpu.memory_space<vmem>>, vector<1x16xf32>,
      %swap3A_293 = vector.shape_cast %swap3A_292 : vector<1x16xf32> to vector<16xf32>
      %swap3A_294 = vector.shape_cast %broadcast_in_dim3A_1 : vector<16xf32> to vector<1x16xf32>
      tpu.vector_store %arg8[%swap3A_290, %swap3A_291], %swap3A_294 {strides = array<i32>} : memref<80x128xf32, #tpu.memory_space<vmem>>, vector<1x16xf32>,
      %swap3A_295 = arith.index_cast %scan3A_259 : i32 to index
      %swap3A_296 = arith.constant 112 : index
      %swap3A_297 = tpu.vector_load %arg8[%swap3A_295, %swap3A_296] {strides = array<i32>} : memref<80x128xf32, #tpu.memory_space<vmem>>, vector<1x16xf32>,
      %swap3A_298 = vector.shape_cast %swap3A_297 : vector<1x16xf32> to vector<16xf32>
      %swap3A_299 = vector.shape_cast %broadcast_in_dim3A_1 : vector<16xf32> to vector<1x16xf32>
      tpu.vector_store %arg8[%swap3A_295, %swap3A_296], %swap3A_299 {strides = array<i32>} : memref<80x128xf32, #tpu.memory_space<vmem>>, vector<1x16xf32>,
    }
    %scan3A_6 = arith.constant 80 : i32
    %broadcast_in_dim3A_7 = arith.constant 1.000000e+00 : f32
    %broadcast_in_dim3A_8 = vector.broadcast %broadcast_in_dim3A_7 : f32 to vector<16xf32>
    %broadcast_in_dim3A_9 = arith.constant 0.000000e+00 : f32
    %broadcast_in_dim3A_10 = vector.broadcast %broadcast_in_dim3A_9 : f32 to vector<16xf32>
    %swap3A = arith.constant 0 : index
    %swap3A_11 = tpu.vector_load %arg10[%swap3A] {strides = array<i32>} : memref<80xf32, #tpu.memory_space<vmem>>, vector<16xf32>,
    %swap3A_12 = vector.shape_cast %swap3A_11 : vector<16xf32> to vector<16xf32>
    %swap3A_13 = vector.shape_cast %broadcast_in_dim3A_8 : vector<16xf32> to vector<16xf32>
    tpu.vector_store %arg10[%swap3A], %swap3A_13 {strides = array<i32>} : memref<80xf32, #tpu.memory_space<vmem>>, vector<16xf32>,
    %swap3A_14 = arith.constant 16 : index
    %swap3A_15 = tpu.vector_load %arg10[%swap3A_14] {strides = array<i32>} : memref<80xf32, #tpu.memory_space<vmem>>, vector<16xf32>,
    %swap3A_16 = vector.shape_cast %swap3A_15 : vector<16xf32> to vector<16xf32>
    %swap3A_17 = vector.shape_cast %broadcast_in_dim3A_8 : vector<16xf32> to vector<16xf32>
    tpu.vector_store %arg10[%swap3A_14], %swap3A_17 {strides = array<i32>} : memref<80xf32, #tpu.memory_space<vmem>>, vector<16xf32>,
    %swap3A_18 = arith.constant 32 : index
    %swap3A_19 = tpu.vector_load %arg10[%swap3A_18] {strides = array<i32>} : memref<80xf32, #tpu.memory_space<vmem>>, vector<16xf32>,
    %swap3A_20 = vector.shape_cast %swap3A_19 : vector<16xf32> to vector<16xf32>
    %swap3A_21 = vector.shape_cast %broadcast_in_dim3A_8 : vector<16xf32> to vector<16xf32>
    tpu.vector_store %arg10[%swap3A_18], %swap3A_21 {strides = array<i32>} : memref<80xf32, #tpu.memory_space<vmem>>, vector<16xf32>,
    %swap3A_22 = arith.constant 48 : index
    %swap3A_23 = tpu.vector_load %arg10[%swap3A_22] {strides = array<i32>} : memref<80xf32, #tpu.memory_space<vmem>>, vector<16xf32>,
    %swap3A_24 = vector.shape_cast %swap3A_23 : vector<16xf32> to vector<16xf32>
    %swap3A_25 = vector.shape_cast %broadcast_in_dim3A_8 : vector<16xf32> to vector<16xf32>
    tpu.vector_store %arg10[%swap3A_22], %swap3A_25 {strides = array<i32>} : memref<80xf32, #tpu.memory_space<vmem>>, vector<16xf32>,
    %swap3A_26 = arith.constant 64 : index
    %swap3A_27 = tpu.vector_load %arg10[%swap3A_26] {strides = array<i32>} : memref<80xf32, #tpu.memory_space<vmem>>, vector<16xf32>,
    %swap3A_28 = vector.shape_cast %swap3A_27 : vector<16xf32> to vector<16xf32>
    %swap3A_29 = vector.shape_cast %broadcast_in_dim3A_8 : vector<16xf32> to vector<16xf32>
    tpu.vector_store %arg10[%swap3A_26], %swap3A_29 {strides = array<i32>} : memref<80xf32, #tpu.memory_space<vmem>>, vector<16xf32>,
    %swap3A_30 = arith.constant 0 : index
    %swap3A_31 = tpu.vector_load %arg11[%swap3A_30] {strides = array<i32>} : memref<640xf32, #tpu.memory_space<vmem>>, vector<16xf32>,
    %swap3A_32 = vector.shape_cast %swap3A_31 : vector<16xf32> to vector<16xf32>
    %swap3A_33 = vector.shape_cast %broadcast_in_dim3A_10 : vector<16xf32> to vector<16xf32>
    tpu.vector_store %arg11[%swap3A_30], %swap3A_33 {strides = array<i32>} : memref<640xf32, #tpu.memory_space<vmem>>, vector<16xf32>,
    %swap3A_34 = arith.constant 16 : index
    %swap3A_35 = tpu.vector_load %arg11[%swap3A_34] {strides = array<i32>} : memref<640xf32, #tpu.memory_space<vmem>>, vector<16xf32>,
    %swap3A_36 = vector.shape_cast %swap3A_35 : vector<16xf32> to vector<16xf32>
    %swap3A_37 = vector.shape_cast %broadcast_in_dim3A_10 : vector<16xf32> to vector<16xf32>
    tpu.vector_store %arg11[%swap3A_34], %swap3A_37 {strides = array<i32>} : memref<640xf32, #tpu.memory_space<vmem>>, vector<16xf32>,
    %swap3A_38 = arith.constant 32 : index
    %swap3A_39 = tpu.vector_load %arg11[%swap3A_38] {strides = array<i32>} : memref<640xf32, #tpu.memory_space<vmem>>, vector<16xf32>,
    %swap3A_40 = vector.shape_cast %swap3A_39 : vector<16xf32> to vector<16xf32>
    %swap3A_41 = vector.shape_cast %broadcast_in_dim3A_10 : vector<16xf32> to vector<16xf32>
    tpu.vector_store %arg11[%swap3A_38], %swap3A_41 {strides = array<i32>} : memref<640xf32, #tpu.memory_space<vmem>>, vector<16xf32>,
    %swap3A_42 = arith.constant 48 : index
    %swap3A_43 = tpu.vector_load %arg11[%swap3A_42] {strides = array<i32>} : memref<640xf32, #tpu.memory_space<vmem>>, vector<16xf32>,
    %swap3A_44 = vector.shape_cast %swap3A_43 : vector<16xf32> to vector<16xf32>
    %swap3A_45 = vector.shape_cast %broadcast_in_dim3A_10 : vector<16xf32> to vector<16xf32>
    tpu.vector_store %arg11[%swap3A_42], %swap3A_45 {strides = array<i32>} : memref<640xf32, #tpu.memory_space<vmem>>, vector<16xf32>,
    %swap3A_46 = arith.constant 64 : index
    %swap3A_47 = tpu.vector_load %arg11[%swap3A_46] {strides = array<i32>} : memref<640xf32, #tpu.memory_space<vmem>>, vector<16xf32>,
    %swap3A_48 = vector.shape_cast %swap3A_47 : vector<16xf32> to vector<16xf32>
    %swap3A_49 = vector.shape_cast %broadcast_in_dim3A_10 : vector<16xf32> to vector<16xf32>
    tpu.vector_store %arg11[%swap3A_46], %swap3A_49 {strides = array<i32>} : memref<640xf32, #tpu.memory_space<vmem>>, vector<16xf32>,
    %swap3A_50 = arith.constant 80 : index
    %swap3A_51 = tpu.vector_load %arg11[%swap3A_50] {strides = array<i32>} : memref<640xf32, #tpu.memory_space<vmem>>, vector<16xf32>,
    %swap3A_52 = vector.shape_cast %swap3A_51 : vector<16xf32> to vector<16xf32>
    %swap3A_53 = vector.shape_cast %broadcast_in_dim3A_10 : vector<16xf32> to vector<16xf32>
    tpu.vector_store %arg11[%swap3A_50], %swap3A_53 {strides = array<i32>} : memref<640xf32, #tpu.memory_space<vmem>>, vector<16xf32>,
    %swap3A_54 = arith.constant 96 : index
    %swap3A_55 = tpu.vector_load %arg11[%swap3A_54] {strides = array<i32>} : memref<640xf32, #tpu.memory_space<vmem>>, vector<16xf32>,
    %swap3A_56 = vector.shape_cast %swap3A_55 : vector<16xf32> to vector<16xf32>
    %swap3A_57 = vector.shape_cast %broadcast_in_dim3A_10 : vector<16xf32> to vector<16xf32>
    tpu.vector_store %arg11[%swap3A_54], %swap3A_57 {strides = array<i32>} : memref<640xf32, #tpu.memory_space<vmem>>, vector<16xf32>,
    %swap3A_58 = arith.constant 112 : index
    %swap3A_59 = tpu.vector_load %arg11[%swap3A_58] {strides = array<i32>} : memref<640xf32, #tpu.memory_space<vmem>>, vector<16xf32>,
    %swap3A_60 = vector.shape_cast %swap3A_59 : vector<16xf32> to vector<16xf32>
    %swap3A_61 = vector.shape_cast %broadcast_in_dim3A_10 : vector<16xf32> to vector<16xf32>
    tpu.vector_store %arg11[%swap3A_58], %swap3A_61 {strides = array<i32>} : memref<640xf32, #tpu.memory_space<vmem>>, vector<16xf32>,
    %swap3A_62 = arith.constant 128 : index
    %swap3A_63 = tpu.vector_load %arg11[%swap3A_62] {strides = array<i32>} : memref<640xf32, #tpu.memory_space<vmem>>, vector<16xf32>,
    %swap3A_64 = vector.shape_cast %swap3A_63 : vector<16xf32> to vector<16xf32>
    %swap3A_65 = vector.shape_cast %broadcast_in_dim3A_10 : vector<16xf32> to vector<16xf32>
    tpu.vector_store %arg11[%swap3A_62], %swap3A_65 {strides = array<i32>} : memref<640xf32, #tpu.memory_space<vmem>>, vector<16xf32>,
    %swap3A_66 = arith.constant 144 : index
    %swap3A_67 = tpu.vector_load %arg11[%swap3A_66] {strides = array<i32>} : memref<640xf32, #tpu.memory_space<vmem>>, vector<16xf32>,
    %swap3A_68 = vector.shape_cast %swap3A_67 : vector<16xf32> to vector<16xf32>
    %swap3A_69 = vector.shape_cast %broadcast_in_dim3A_10 : vector<16xf32> to vector<16xf32>
    tpu.vector_store %arg11[%swap3A_66], %swap3A_69 {strides = array<i32>} : memref<640xf32, #tpu.memory_space<vmem>>, vector<16xf32>,
    %swap3A_70 = arith.constant 160 : index
    %swap3A_71 = tpu.vector_load %arg11[%swap3A_70] {strides = array<i32>} : memref<640xf32, #tpu.memory_space<vmem>>, vector<16xf32>,
    %swap3A_72 = vector.shape_cast %swap3A_71 : vector<16xf32> to vector<16xf32>
    %swap3A_73 = vector.shape_cast %broadcast_in_dim3A_10 : vector<16xf32> to vector<16xf32>
    tpu.vector_store %arg11[%swap3A_70], %swap3A_73 {strides = array<i32>} : memref<640xf32, #tpu.memory_space<vmem>>, vector<16xf32>,
    %swap3A_74 = arith.constant 176 : index
    %swap3A_75 = tpu.vector_load %arg11[%swap3A_74] {strides = array<i32>} : memref<640xf32, #tpu.memory_space<vmem>>, vector<16xf32>,
    %swap3A_76 = vector.shape_cast %swap3A_75 : vector<16xf32> to vector<16xf32>
    %swap3A_77 = vector.shape_cast %broadcast_in_dim3A_10 : vector<16xf32> to vector<16xf32>
    tpu.vector_store %arg11[%swap3A_74], %swap3A_77 {strides = array<i32>} : memref<640xf32, #tpu.memory_space<vmem>>, vector<16xf32>,
    %swap3A_78 = arith.constant 192 : index
    %swap3A_79 = tpu.vector_load %arg11[%swap3A_78] {strides = array<i32>} : memref<640xf32, #tpu.memory_space<vmem>>, vector<16xf32>,
    %swap3A_80 = vector.shape_cast %swap3A_79 : vector<16xf32> to vector<16xf32>
    %swap3A_81 = vector.shape_cast %broadcast_in_dim3A_10 : vector<16xf32> to vector<16xf32>
    tpu.vector_store %arg11[%swap3A_78], %swap3A_81 {strides = array<i32>} : memref<640xf32, #tpu.memory_space<vmem>>, vector<16xf32>,
    %swap3A_82 = arith.constant 208 : index
    %swap3A_83 = tpu.vector_load %arg11[%swap3A_82] {strides = array<i32>} : memref<640xf32, #tpu.memory_space<vmem>>, vector<16xf32>,
    %swap3A_84 = vector.shape_cast %swap3A_83 : vector<16xf32> to vector<16xf32>
    %swap3A_85 = vector.shape_cast %broadcast_in_dim3A_10 : vector<16xf32> to vector<16xf32>
    tpu.vector_store %arg11[%swap3A_82], %swap3A_85 {strides = array<i32>} : memref<640xf32, #tpu.memory_space<vmem>>, vector<16xf32>,
    %swap3A_86 = arith.constant 224 : index
    %swap3A_87 = tpu.vector_load %arg11[%swap3A_86] {strides = array<i32>} : memref<640xf32, #tpu.memory_space<vmem>>, vector<16xf32>,
    %swap3A_88 = vector.shape_cast %swap3A_87 : vector<16xf32> to vector<16xf32>
    %swap3A_89 = vector.shape_cast %broadcast_in_dim3A_10 : vector<16xf32> to vector<16xf32>
    tpu.vector_store %arg11[%swap3A_86], %swap3A_89 {strides = array<i32>} : memref<640xf32, #tpu.memory_space<vmem>>, vector<16xf32>,
    %swap3A_90 = arith.constant 240 : index
    %swap3A_91 = tpu.vector_load %arg11[%swap3A_90] {strides = array<i32>} : memref<640xf32, #tpu.memory_space<vmem>>, vector<16xf32>,
    %swap3A_92 = vector.shape_cast %swap3A_91 : vector<16xf32> to vector<16xf32>
    %swap3A_93 = vector.shape_cast %broadcast_in_dim3A_10 : vector<16xf32> to vector<16xf32>
    tpu.vector_store %arg11[%swap3A_90], %swap3A_93 {strides = array<i32>} : memref<640xf32, #tpu.memory_space<vmem>>, vector<16xf32>,
    %swap3A_94 = arith.constant 256 : index
    %swap3A_95 = tpu.vector_load %arg11[%swap3A_94] {strides = array<i32>} : memref<640xf32, #tpu.memory_space<vmem>>, vector<16xf32>,
    %swap3A_96 = vector.shape_cast %swap3A_95 : vector<16xf32> to vector<16xf32>
    %swap3A_97 = vector.shape_cast %broadcast_in_dim3A_10 : vector<16xf32> to vector<16xf32>
    tpu.vector_store %arg11[%swap3A_94], %swap3A_97 {strides = array<i32>} : memref<640xf32, #tpu.memory_space<vmem>>, vector<16xf32>,
    %swap3A_98 = arith.constant 272 : index
    %swap3A_99 = tpu.vector_load %arg11[%swap3A_98] {strides = array<i32>} : memref<640xf32, #tpu.memory_space<vmem>>, vector<16xf32>,
    %swap3A_100 = vector.shape_cast %swap3A_99 : vector<16xf32> to vector<16xf32>
    %swap3A_101 = vector.shape_cast %broadcast_in_dim3A_10 : vector<16xf32> to vector<16xf32>
    tpu.vector_store %arg11[%swap3A_98], %swap3A_101 {strides = array<i32>} : memref<640xf32, #tpu.memory_space<vmem>>, vector<16xf32>,
    %swap3A_102 = arith.constant 288 : index
    %swap3A_103 = tpu.vector_load %arg11[%swap3A_102] {strides = array<i32>} : memref<640xf32, #tpu.memory_space<vmem>>, vector<16xf32>,
    %swap3A_104 = vector.shape_cast %swap3A_103 : vector<16xf32> to vector<16xf32>
    %swap3A_105 = vector.shape_cast %broadcast_in_dim3A_10 : vector<16xf32> to vector<16xf32>
    tpu.vector_store %arg11[%swap3A_102], %swap3A_105 {strides = array<i32>} : memref<640xf32, #tpu.memory_space<vmem>>, vector<16xf32>,
    %swap3A_106 = arith.constant 304 : index
    %swap3A_107 = tpu.vector_load %arg11[%swap3A_106] {strides = array<i32>} : memref<640xf32, #tpu.memory_space<vmem>>, vector<16xf32>,
    %swap3A_108 = vector.shape_cast %swap3A_107 : vector<16xf32> to vector<16xf32>
    %swap3A_109 = vector.shape_cast %broadcast_in_dim3A_10 : vector<16xf32> to vector<16xf32>
    tpu.vector_store %arg11[%swap3A_106], %swap3A_109 {strides = array<i32>} : memref<640xf32, #tpu.memory_space<vmem>>, vector<16xf32>,
    %swap3A_110 = arith.constant 320 : index
    %swap3A_111 = tpu.vector_load %arg11[%swap3A_110] {strides = array<i32>} : memref<640xf32, #tpu.memory_space<vmem>>, vector<16xf32>,
    %swap3A_112 = vector.shape_cast %swap3A_111 : vector<16xf32> to vector<16xf32>
    %swap3A_113 = vector.shape_cast %broadcast_in_dim3A_10 : vector<16xf32> to vector<16xf32>
    tpu.vector_store %arg11[%swap3A_110], %swap3A_113 {strides = array<i32>} : memref<640xf32, #tpu.memory_space<vmem>>, vector<16xf32>,
    %swap3A_114 = arith.constant 336 : index
    %swap3A_115 = tpu.vector_load %arg11[%swap3A_114] {strides = array<i32>} : memref<640xf32, #tpu.memory_space<vmem>>, vector<16xf32>,
    %swap3A_116 = vector.shape_cast %swap3A_115 : vector<16xf32> to vector<16xf32>
    %swap3A_117 = vector.shape_cast %broadcast_in_dim3A_10 : vector<16xf32> to vector<16xf32>
    tpu.vector_store %arg11[%swap3A_114], %swap3A_117 {strides = array<i32>} : memref<640xf32, #tpu.memory_space<vmem>>, vector<16xf32>,
    %swap3A_118 = arith.constant 352 : index
    %swap3A_119 = tpu.vector_load %arg11[%swap3A_118] {strides = array<i32>} : memref<640xf32, #tpu.memory_space<vmem>>, vector<16xf32>,
    %swap3A_120 = vector.shape_cast %swap3A_119 : vector<16xf32> to vector<16xf32>
    %swap3A_121 = vector.shape_cast %broadcast_in_dim3A_10 : vector<16xf32> to vector<16xf32>
    tpu.vector_store %arg11[%swap3A_118], %swap3A_121 {strides = array<i32>} : memref<640xf32, #tpu.memory_space<vmem>>, vector<16xf32>,
    %swap3A_122 = arith.constant 368 : index
    %swap3A_123 = tpu.vector_load %arg11[%swap3A_122] {strides = array<i32>} : memref<640xf32, #tpu.memory_space<vmem>>, vector<16xf32>,
    %swap3A_124 = vector.shape_cast %swap3A_123 : vector<16xf32> to vector<16xf32>
    %swap3A_125 = vector.shape_cast %broadcast_in_dim3A_10 : vector<16xf32> to vector<16xf32>
    tpu.vector_store %arg11[%swap3A_122], %swap3A_125 {strides = array<i32>} : memref<640xf32, #tpu.memory_space<vmem>>, vector<16xf32>,
    %swap3A_126 = arith.constant 384 : index
    %swap3A_127 = tpu.vector_load %arg11[%swap3A_126] {strides = array<i32>} : memref<640xf32, #tpu.memory_space<vmem>>, vector<16xf32>,
    %swap3A_128 = vector.shape_cast %swap3A_127 : vector<16xf32> to vector<16xf32>
    %swap3A_129 = vector.shape_cast %broadcast_in_dim3A_10 : vector<16xf32> to vector<16xf32>
    tpu.vector_store %arg11[%swap3A_126], %swap3A_129 {strides = array<i32>} : memref<640xf32, #tpu.memory_space<vmem>>, vector<16xf32>,
    %swap3A_130 = arith.constant 400 : index
    %swap3A_131 = tpu.vector_load %arg11[%swap3A_130] {strides = array<i32>} : memref<640xf32, #tpu.memory_space<vmem>>, vector<16xf32>,
    %swap3A_132 = vector.shape_cast %swap3A_131 : vector<16xf32> to vector<16xf32>
    %swap3A_133 = vector.shape_cast %broadcast_in_dim3A_10 : vector<16xf32> to vector<16xf32>
    tpu.vector_store %arg11[%swap3A_130], %swap3A_133 {strides = array<i32>} : memref<640xf32, #tpu.memory_space<vmem>>, vector<16xf32>,
    %swap3A_134 = arith.constant 416 : index
    %swap3A_135 = tpu.vector_load %arg11[%swap3A_134] {strides = array<i32>} : memref<640xf32, #tpu.memory_space<vmem>>, vector<16xf32>,
    %swap3A_136 = vector.shape_cast %swap3A_135 : vector<16xf32> to vector<16xf32>
    %swap3A_137 = vector.shape_cast %broadcast_in_dim3A_10 : vector<16xf32> to vector<16xf32>
    tpu.vector_store %arg11[%swap3A_134], %swap3A_137 {strides = array<i32>} : memref<640xf32, #tpu.memory_space<vmem>>, vector<16xf32>,
    %swap3A_138 = arith.constant 432 : index
    %swap3A_139 = tpu.vector_load %arg11[%swap3A_138] {strides = array<i32>} : memref<640xf32, #tpu.memory_space<vmem>>, vector<16xf32>,
    %swap3A_140 = vector.shape_cast %swap3A_139 : vector<16xf32> to vector<16xf32>
    %swap3A_141 = vector.shape_cast %broadcast_in_dim3A_10 : vector<16xf32> to vector<16xf32>
    tpu.vector_store %arg11[%swap3A_138], %swap3A_141 {strides = array<i32>} : memref<640xf32, #tpu.memory_space<vmem>>, vector<16xf32>,
    %swap3A_142 = arith.constant 448 : index
    %swap3A_143 = tpu.vector_load %arg11[%swap3A_142] {strides = array<i32>} : memref<640xf32, #tpu.memory_space<vmem>>, vector<16xf32>,
    %swap3A_144 = vector.shape_cast %swap3A_143 : vector<16xf32> to vector<16xf32>
    %swap3A_145 = vector.shape_cast %broadcast_in_dim3A_10 : vector<16xf32> to vector<16xf32>
    tpu.vector_store %arg11[%swap3A_142], %swap3A_145 {strides = array<i32>} : memref<640xf32, #tpu.memory_space<vmem>>, vector<16xf32>,
    %swap3A_146 = arith.constant 464 : index
    %swap3A_147 = tpu.vector_load %arg11[%swap3A_146] {strides = array<i32>} : memref<640xf32, #tpu.memory_space<vmem>>, vector<16xf32>,
    %swap3A_148 = vector.shape_cast %swap3A_147 : vector<16xf32> to vector<16xf32>
    %swap3A_149 = vector.shape_cast %broadcast_in_dim3A_10 : vector<16xf32> to vector<16xf32>
    tpu.vector_store %arg11[%swap3A_146], %swap3A_149 {strides = array<i32>} : memref<640xf32, #tpu.memory_space<vmem>>, vector<16xf32>,
    %swap3A_150 = arith.constant 480 : index
    %swap3A_151 = tpu.vector_load %arg11[%swap3A_150] {strides = array<i32>} : memref<640xf32, #tpu.memory_space<vmem>>, vector<16xf32>,
    %swap3A_152 = vector.shape_cast %swap3A_151 : vector<16xf32> to vector<16xf32>
    %swap3A_153 = vector.shape_cast %broadcast_in_dim3A_10 : vector<16xf32> to vector<16xf32>
    tpu.vector_store %arg11[%swap3A_150], %swap3A_153 {strides = array<i32>} : memref<640xf32, #tpu.memory_space<vmem>>, vector<16xf32>,
    %swap3A_154 = arith.constant 496 : index
    %swap3A_155 = tpu.vector_load %arg11[%swap3A_154] {strides = array<i32>} : memref<640xf32, #tpu.memory_space<vmem>>, vector<16xf32>,
    %swap3A_156 = vector.shape_cast %swap3A_155 : vector<16xf32> to vector<16xf32>
    %swap3A_157 = vector.shape_cast %broadcast_in_dim3A_10 : vector<16xf32> to vector<16xf32>
    tpu.vector_store %arg11[%swap3A_154], %swap3A_157 {strides = array<i32>} : memref<640xf32, #tpu.memory_space<vmem>>, vector<16xf32>,
    %swap3A_158 = arith.constant 512 : index
    %swap3A_159 = tpu.vector_load %arg11[%swap3A_158] {strides = array<i32>} : memref<640xf32, #tpu.memory_space<vmem>>, vector<16xf32>,
    %swap3A_160 = vector.shape_cast %swap3A_159 : vector<16xf32> to vector<16xf32>
    %swap3A_161 = vector.shape_cast %broadcast_in_dim3A_10 : vector<16xf32> to vector<16xf32>
    tpu.vector_store %arg11[%swap3A_158], %swap3A_161 {strides = array<i32>} : memref<640xf32, #tpu.memory_space<vmem>>, vector<16xf32>,
    %swap3A_162 = arith.constant 528 : index
    %swap3A_163 = tpu.vector_load %arg11[%swap3A_162] {strides = array<i32>} : memref<640xf32, #tpu.memory_space<vmem>>, vector<16xf32>,
    %swap3A_164 = vector.shape_cast %swap3A_163 : vector<16xf32> to vector<16xf32>
    %swap3A_165 = vector.shape_cast %broadcast_in_dim3A_10 : vector<16xf32> to vector<16xf32>
    tpu.vector_store %arg11[%swap3A_162], %swap3A_165 {strides = array<i32>} : memref<640xf32, #tpu.memory_space<vmem>>, vector<16xf32>,
    %swap3A_166 = arith.constant 544 : index
    %swap3A_167 = tpu.vector_load %arg11[%swap3A_166] {strides = array<i32>} : memref<640xf32, #tpu.memory_space<vmem>>, vector<16xf32>,
    %swap3A_168 = vector.shape_cast %swap3A_167 : vector<16xf32> to vector<16xf32>
    %swap3A_169 = vector.shape_cast %broadcast_in_dim3A_10 : vector<16xf32> to vector<16xf32>
    tpu.vector_store %arg11[%swap3A_166], %swap3A_169 {strides = array<i32>} : memref<640xf32, #tpu.memory_space<vmem>>, vector<16xf32>,
    %swap3A_170 = arith.constant 560 : index
    %swap3A_171 = tpu.vector_load %arg11[%swap3A_170] {strides = array<i32>} : memref<640xf32, #tpu.memory_space<vmem>>, vector<16xf32>,
    %swap3A_172 = vector.shape_cast %swap3A_171 : vector<16xf32> to vector<16xf32>
    %swap3A_173 = vector.shape_cast %broadcast_in_dim3A_10 : vector<16xf32> to vector<16xf32>
    tpu.vector_store %arg11[%swap3A_170], %swap3A_173 {strides = array<i32>} : memref<640xf32, #tpu.memory_space<vmem>>, vector<16xf32>,
    %swap3A_174 = arith.constant 576 : index
    %swap3A_175 = tpu.vector_load %arg11[%swap3A_174] {strides = array<i32>} : memref<640xf32, #tpu.memory_space<vmem>>, vector<16xf32>,
    %swap3A_176 = vector.shape_cast %swap3A_175 : vector<16xf32> to vector<16xf32>
    %swap3A_177 = vector.shape_cast %broadcast_in_dim3A_10 : vector<16xf32> to vector<16xf32>
    tpu.vector_store %arg11[%swap3A_174], %swap3A_177 {strides = array<i32>} : memref<640xf32, #tpu.memory_space<vmem>>, vector<16xf32>,
    %swap3A_178 = arith.constant 592 : index
    %swap3A_179 = tpu.vector_load %arg11[%swap3A_178] {strides = array<i32>} : memref<640xf32, #tpu.memory_space<vmem>>, vector<16xf32>,
    %swap3A_180 = vector.shape_cast %swap3A_179 : vector<16xf32> to vector<16xf32>
    %swap3A_181 = vector.shape_cast %broadcast_in_dim3A_10 : vector<16xf32> to vector<16xf32>
    tpu.vector_store %arg11[%swap3A_178], %swap3A_181 {strides = array<i32>} : memref<640xf32, #tpu.memory_space<vmem>>, vector<16xf32>,
    %swap3A_182 = arith.constant 608 : index
    %swap3A_183 = tpu.vector_load %arg11[%swap3A_182] {strides = array<i32>} : memref<640xf32, #tpu.memory_space<vmem>>, vector<16xf32>,
    %swap3A_184 = vector.shape_cast %swap3A_183 : vector<16xf32> to vector<16xf32>
    %swap3A_185 = vector.shape_cast %broadcast_in_dim3A_10 : vector<16xf32> to vector<16xf32>
    tpu.vector_store %arg11[%swap3A_182], %swap3A_185 {strides = array<i32>} : memref<640xf32, #tpu.memory_space<vmem>>, vector<16xf32>,
    %swap3A_186 = arith.constant 624 : index
    %swap3A_187 = tpu.vector_load %arg11[%swap3A_186] {strides = array<i32>} : memref<640xf32, #tpu.memory_space<vmem>>, vector<16xf32>,
    %swap3A_188 = vector.shape_cast %swap3A_187 : vector<16xf32> to vector<16xf32>
    %swap3A_189 = vector.shape_cast %broadcast_in_dim3A_10 : vector<16xf32> to vector<16xf32>
    tpu.vector_store %arg11[%swap3A_186], %swap3A_189 {strides = array<i32>} : memref<640xf32, #tpu.memory_space<vmem>>, vector<16xf32>,
    %eq3A = arith.constant 15 : i32
    %eq3A_190 = arith.cmpi eq, %arg1, %eq3A : i32
    %jit3A = arith.constant 5 : i32
    %jit3A_191 = arith.constant 8 : i32
    %select_n3A = arith.select %eq3A_190, %jit3A, %jit3A_191 : i32
    %while3A = arith.constant 0 : i32
    %while3A_192 = arith.constant 0 : i32
    %while3A_193 = arith.subi %select_n3A, %while3A_192 : i32
    %while3A_194 = arith.addi %while3A_192, %while3A_193 : i32
    %while3A_195 = arith.constant 1 : i32
    %while3A_196 = arith.divsi %while3A_193, %while3A_195 : i32
    %while3A_197 = arith.muli %while3A_196, %while3A_195 : i32
    %while3A_198 = arith.addi %while3A_192, %while3A_197 : i32
    %while3A_199 = arith.constant 1 : i32
    scf.for %while3A_259 = %while3A_192 to %while3A_198 step %while3A_199  : i32 {
      %mul3A_260 = arith.constant 640 : i32
      %mul3A_261 = arith.muli %arg1, %mul3A_260 : i32
      %mul3A_262 = arith.constant 80 : i32
      %mul3A_263 = arith.muli %while3A_259, %mul3A_262 : i32
      %add3A_264 = arith.addi %mul3A_261, %mul3A_263 : i32
      %dma_start3A_265 = arith.constant 0 : i32
      %dma_start3A_266 = tpu.memref_slice %arg12[%add3A_264, %dma_start3A_265] : memref<10000x128xf32, #tpu.memory_space<vmem_shared>> -> memref<80x128xf32, #tpu.memory_space<vmem_shared>>
      %dma_start3A_267 = arith.constant 0 : i32
      %dma_start3A_268 = tpu.memref_slice %arg12[%add3A_264, %dma_start3A_267] : memref<10000x128xf32, #tpu.memory_space<vmem_shared>> -> memref<80x128xf32, #tpu.memory_space<vmem_shared>>
      tpu.enqueue_dma source(%arg8 : memref<80x128xf32, #tpu.memory_space<vmem>>) target(%dma_start3A_268 : memref<80x128xf32, #tpu.memory_space<vmem_shared>>) target_semaphore(%arg15 : memref<!tpu.dma_semaphore, #tpu.memory_space<semaphore_mem>>)
    }
    %while3A_200 = arith.constant 1 : i32
    scf.for %while3A_259 = %while3A_198 to %while3A_194 step %while3A_200  : i32 {
      %mul3A_260 = arith.constant 640 : i32
      %mul3A_261 = arith.muli %arg1, %mul3A_260 : i32
      %mul3A_262 = arith.constant 80 : i32
      %mul3A_263 = arith.muli %while3A_259, %mul3A_262 : i32
      %add3A_264 = arith.addi %mul3A_261, %mul3A_263 : i32
      %dma_start3A_265 = arith.constant 0 : i32
      %dma_start3A_266 = tpu.memref_slice %arg12[%add3A_264, %dma_start3A_265] : memref<10000x128xf32, #tpu.memory_space<vmem_shared>> -> memref<80x128xf32, #tpu.memory_space<vmem_shared>>
      %dma_start3A_267 = arith.constant 0 : i32
      %dma_start3A_268 = tpu.memref_slice %arg12[%add3A_264, %dma_start3A_267] : memref<10000x128xf32, #tpu.memory_space<vmem_shared>> -> memref<80x128xf32, #tpu.memory_space<vmem_shared>>
      tpu.enqueue_dma source(%arg8 : memref<80x128xf32, #tpu.memory_space<vmem>>) target(%dma_start3A_268 : memref<80x128xf32, #tpu.memory_space<vmem_shared>>) target_semaphore(%arg15 : memref<!tpu.dma_semaphore, #tpu.memory_space<semaphore_mem>>)
    }
    %mul3A_201 = arith.constant 640 : i32
    %mul3A_202 = arith.muli %arg1, %mul3A_201 : i32
    %dma_start3A = tpu.memref_slice %arg13[%mul3A_202] : memref<10240xf32, #tpu.memory_space<vmem_shared>> -> memref<640xf32, #tpu.memory_space<vmem_shared>>
    %dma_start3A_203 = tpu.memref_slice %arg13[%mul3A_202] : memref<10240xf32, #tpu.memory_space<vmem_shared>> -> memref<640xf32, #tpu.memory_space<vmem_shared>>
    tpu.enqueue_dma source(%arg11 : memref<640xf32, #tpu.memory_space<vmem>>) target(%dma_start3A_203 : memref<640xf32, #tpu.memory_space<vmem_shared>>) target_semaphore(%arg15 : memref<!tpu.dma_semaphore, #tpu.memory_space<semaphore_mem>>)
    %mul3A_204 = arith.constant 10000 : i32
    %mul3A_205 = arith.muli %add3A, %mul3A_204 : i32
    "tpu.region"() ({
      %run_scoped3A_259 = tpu.sem_alloc : memref<!tpu.dma_semaphore, #tpu.memory_space<semaphore_mem>>
      %dma_start3A_260 = tpu.memref_slice %arg3[%mul3A_205] : memref<640000xi32, #tpu.memory_space<hbm>> -> memref<10000xi32, #tpu.memory_space<hbm>>
      %dma_start3A_261 = tpu.memref_slice %arg3[%mul3A_205] : memref<640000xi32, #tpu.memory_space<hbm>> -> memref<10000xi32, #tpu.memory_space<hbm>>
      tpu.enqueue_dma source(%dma_start3A_261 : memref<10000xi32, #tpu.memory_space<hbm>>) target(%arg6 : memref<10000xi32, #tpu.memory_space<vmem>>) target_semaphore(%run_scoped3A_259 : memref<!tpu.dma_semaphore, #tpu.memory_space<semaphore_mem>>)
      %dma_wait3A_262 = tpu.memref_slice %arg3[%mul3A_205] : memref<640000xi32, #tpu.memory_space<hbm>> -> memref<10000xi32, #tpu.memory_space<hbm>>
      %dma_wait3A_263 = tpu.memref_slice %arg3[%mul3A_205] : memref<640000xi32, #tpu.memory_space<hbm>> -> memref<10000xi32, #tpu.memory_space<hbm>>
      tpu.wait_dma2 semaphore(%run_scoped3A_259 : memref<!tpu.dma_semaphore, #tpu.memory_space<semaphore_mem>>) src(%dma_wait3A_263 : memref<10000xi32, #tpu.memory_space<hbm>>) dst(%arg6 : memref<10000xi32, #tpu.memory_space<vmem>>)
      tpu.yield
    }) : () -> ()
    %scan3A_206 = arith.constant 0 : i32
    %scan3A_207 = arith.constant 0 : i32
    %scan3A_208 = arith.constant 5 : i32
    %scan3A_209 = arith.addi %scan3A_207, %scan3A_208 : i32
    %scan3A_210 = arith.constant 1 : i32
    scf.for %scan3A_259 = %scan3A_207 to %scan3A_209 step %scan3A_210  : i32 {
      %mul3A_260 = arith.constant 25 : i32
      %mul3A_261 = arith.muli %scan3A_259, %mul3A_260 : i32
      %add3A_262 = arith.constant 0 : i32
      %add3A_263 = arith.addi %mul3A_261, %add3A_262 : i32
      %add3A_264 = arith.constant 320000 : i32
      %add3A_265 = arith.addi %add3A_264, %mul3A_205 : i32
      %mul3A_266 = arith.constant 80 : i32
      %mul3A_267 = arith.muli %add3A_263, %mul3A_266 : i32
      %add3A_268 = arith.addi %add3A_265, %mul3A_267 : i32
      %dma_start3A_269 = arith.constant 0 : i32
      %dma_start3A_270 = tpu.memref_slice %arg7[%add3A_263, %dma_start3A_269] : memref<125x80xi32, #tpu.memory_space<vmem>> -> memref<1x80xi32, #tpu.memory_space<vmem>>
      %dma_start3A_271 = tpu.memref_squeeze %dma_start3A_270 : memref<1x80xi32, #tpu.memory_space<vmem>> -> memref<80xi32, #tpu.memory_space<vmem>>
      %dma_start3A_272 = tpu.memref_slice %arg3[%add3A_268] : memref<640000xi32, #tpu.memory_space<hbm>> -> memref<80xi32, #tpu.memory_space<hbm>>
      %dma_start3A_273 = arith.constant 0 : i32
      %dma_start3A_274 = tpu.memref_slice %arg7[%add3A_263, %dma_start3A_273] : memref<125x80xi32, #tpu.memory_space<vmem>> -> memref<1x80xi32, #tpu.memory_space<vmem>>
      %dma_start3A_275 = tpu.memref_squeeze %dma_start3A_274 : memref<1x80xi32, #tpu.memory_space<vmem>> -> memref<80xi32, #tpu.memory_space<vmem>>
      %dma_start3A_276 = tpu.memref_slice %arg3[%add3A_268] : memref<640000xi32, #tpu.memory_space<hbm>> -> memref<80xi32, #tpu.memory_space<hbm>>
      tpu.enqueue_dma source(%dma_start3A_276 : memref<80xi32, #tpu.memory_space<hbm>>) target(%dma_start3A_275 : memref<80xi32, #tpu.memory_space<vmem>>) target_semaphore(%arg14 : memref<!tpu.dma_semaphore, #tpu.memory_space<semaphore_mem>>)
      %mul3A_277 = arith.constant 25 : i32
      %mul3A_278 = arith.muli %scan3A_259, %mul3A_277 : i32
      %add3A_279 = arith.constant 1 : i32
      %add3A_280 = arith.addi %mul3A_278, %add3A_279 : i32
      %add3A_281 = arith.constant 320000 : i32
      %add3A_282 = arith.addi %add3A_281, %mul3A_205 : i32
      %mul3A_283 = arith.constant 80 : i32
      %mul3A_284 = arith.muli %add3A_280, %mul3A_283 : i32
      %add3A_285 = arith.addi %add3A_282, %mul3A_284 : i32
      %dma_start3A_286 = arith.constant 0 : i32
      %dma_start3A_287 = tpu.memref_slice %arg7[%add3A_280, %dma_start3A_286] : memref<125x80xi32, #tpu.memory_space<vmem>> -> memref<1x80xi32, #tpu.memory_space<vmem>>
      %dma_start3A_288 = tpu.memref_squeeze %dma_start3A_287 : memref<1x80xi32, #tpu.memory_space<vmem>> -> memref<80xi32, #tpu.memory_space<vmem>>
      %dma_start3A_289 = tpu.memref_slice %arg3[%add3A_285] : memref<640000xi32, #tpu.memory_space<hbm>> -> memref<80xi32, #tpu.memory_space<hbm>>
      %dma_start3A_290 = arith.constant 0 : i32
      %dma_start3A_291 = tpu.memref_slice %arg7[%add3A_280, %dma_start3A_290] : memref<125x80xi32, #tpu.memory_space<vmem>> -> memref<1x80xi32, #tpu.memory_space<vmem>>
      %dma_start3A_292 = tpu.memref_squeeze %dma_start3A_291 : memref<1x80xi32, #tpu.memory_space<vmem>> -> memref<80xi32, #tpu.memory_space<vmem>>
      %dma_start3A_293 = tpu.memref_slice %arg3[%add3A_285] : memref<640000xi32, #tpu.memory_space<hbm>> -> memref<80xi32, #tpu.memory_space<hbm>>
      tpu.enqueue_dma source(%dma_start3A_293 : memref<80xi32, #tpu.memory_space<hbm>>) target(%dma_start3A_292 : memref<80xi32, #tpu.memory_space<vmem>>) target_semaphore(%arg14 : memref<!tpu.dma_semaphore, #tpu.memory_space<semaphore_mem>>)
      %mul3A_294 = arith.constant 25 : i32
      %mul3A_295 = arith.muli %scan3A_259, %mul3A_294 : i32
      %add3A_296 = arith.constant 2 : i32
      %add3A_297 = arith.addi %mul3A_295, %add3A_296 : i32
      %add3A_298 = arith.constant 320000 : i32
      %add3A_299 = arith.addi %add3A_298, %mul3A_205 : i32
      %mul3A_300 = arith.constant 80 : i32
      %mul3A_301 = arith.muli %add3A_297, %mul3A_300 : i32
      %add3A_302 = arith.addi %add3A_299, %mul3A_301 : i32
      %dma_start3A_303 = arith.constant 0 : i32
      %dma_start3A_304 = tpu.memref_slice %arg7[%add3A_297, %dma_start3A_303] : memref<125x80xi32, #tpu.memory_space<vmem>> -> memref<1x80xi32, #tpu.memory_space<vmem>>
      %dma_start3A_305 = tpu.memref_squeeze %dma_start3A_304 : memref<1x80xi32, #tpu.memory_space<vmem>> -> memref<80xi32, #tpu.memory_space<vmem>>
      %dma_start3A_306 = tpu.memref_slice %arg3[%add3A_302] : memref<640000xi32, #tpu.memory_space<hbm>> -> memref<80xi32, #tpu.memory_space<hbm>>
      %dma_start3A_307 = arith.constant 0 : i32
      %dma_start3A_308 = tpu.memref_slice %arg7[%add3A_297, %dma_start3A_307] : memref<125x80xi32, #tpu.memory_space<vmem>> -> memref<1x80xi32, #tpu.memory_space<vmem>>
      %dma_start3A_309 = tpu.memref_squeeze %dma_start3A_308 : memref<1x80xi32, #tpu.memory_space<vmem>> -> memref<80xi32, #tpu.memory_space<vmem>>
      %dma_start3A_310 = tpu.memref_slice %arg3[%add3A_302] : memref<640000xi32, #tpu.memory_space<hbm>> -> memref<80xi32, #tpu.memory_space<hbm>>
      tpu.enqueue_dma source(%dma_start3A_310 : memref<80xi32, #tpu.memory_space<hbm>>) target(%dma_start3A_309 : memref<80xi32, #tpu.memory_space<vmem>>) target_semaphore(%arg14 : memref<!tpu.dma_semaphore, #tpu.memory_space<semaphore_mem>>)
      %mul3A_311 = arith.constant 25 : i32
      %mul3A_312 = arith.muli %scan3A_259, %mul3A_311 : i32
      %add3A_313 = arith.constant 3 : i32
      %add3A_314 = arith.addi %mul3A_312, %add3A_313 : i32
      %add3A_315 = arith.constant 320000 : i32
      %add3A_316 = arith.addi %add3A_315, %mul3A_205 : i32
      %mul3A_317 = arith.constant 80 : i32
      %mul3A_318 = arith.muli %add3A_314, %mul3A_317 : i32
      %add3A_319 = arith.addi %add3A_316, %mul3A_318 : i32
      %dma_start3A_320 = arith.constant 0 : i32
      %dma_start3A_321 = tpu.memref_slice %arg7[%add3A_314, %dma_start3A_320] : memref<125x80xi32, #tpu.memory_space<vmem>> -> memref<1x80xi32, #tpu.memory_space<vmem>>
      %dma_start3A_322 = tpu.memref_squeeze %dma_start3A_321 : memref<1x80xi32, #tpu.memory_space<vmem>> -> memref<80xi32, #tpu.memory_space<vmem>>
      %dma_start3A_323 = tpu.memref_slice %arg3[%add3A_319] : memref<640000xi32, #tpu.memory_space<hbm>> -> memref<80xi32, #tpu.memory_space<hbm>>
      %dma_start3A_324 = arith.constant 0 : i32
      %dma_start3A_325 = tpu.memref_slice %arg7[%add3A_314, %dma_start3A_324] : memref<125x80xi32, #tpu.memory_space<vmem>> -> memref<1x80xi32, #tpu.memory_space<vmem>>
      %dma_start3A_326 = tpu.memref_squeeze %dma_start3A_325 : memref<1x80xi32, #tpu.memory_space<vmem>> -> memref<80xi32, #tpu.memory_space<vmem>>
      %dma_start3A_327 = tpu.memref_slice %arg3[%add3A_319] : memref<640000xi32, #tpu.memory_space<hbm>> -> memref<80xi32, #tpu.memory_space<hbm>>
      tpu.enqueue_dma source(%dma_start3A_327 : memref<80xi32, #tpu.memory_space<hbm>>) target(%dma_start3A_326 : memref<80xi32, #tpu.memory_space<vmem>>) target_semaphore(%arg14 : memref<!tpu.dma_semaphore, #tpu.memory_space<semaphore_mem>>)
      %mul3A_328 = arith.constant 25 : i32
      %mul3A_329 = arith.muli %scan3A_259, %mul3A_328 : i32
      %add3A_330 = arith.constant 4 : i32
      %add3A_331 = arith.addi %mul3A_329, %add3A_330 : i32
      %add3A_332 = arith.constant 320000 : i32
      %add3A_333 = arith.addi %add3A_332, %mul3A_205 : i32
      %mul3A_334 = arith.constant 80 : i32
      %mul3A_335 = arith.muli %add3A_331, %mul3A_334 : i32
      %add3A_336 = arith.addi %add3A_333, %mul3A_335 : i32
      %dma_start3A_337 = arith.constant 0 : i32
      %dma_start3A_338 = tpu.memref_slice %arg7[%add3A_331, %dma_start3A_337] : memref<125x80xi32, #tpu.memory_space<vmem>> -> memref<1x80xi32, #tpu.memory_space<vmem>>
      %dma_start3A_339 = tpu.memref_squeeze %dma_start3A_338 : memref<1x80xi32, #tpu.memory_space<vmem>> -> memref<80xi32, #tpu.memory_space<vmem>>
      %dma_start3A_340 = tpu.memref_slice %arg3[%add3A_336] : memref<640000xi32, #tpu.memory_space<hbm>> -> memref<80xi32, #tpu.memory_space<hbm>>
      %dma_start3A_341 = arith.constant 0 : i32
      %dma_start3A_342 = tpu.memref_slice %arg7[%add3A_331, %dma_start3A_341] : memref<125x80xi32, #tpu.memory_space<vmem>> -> memref<1x80xi32, #tpu.memory_space<vmem>>
      %dma_start3A_343 = tpu.memref_squeeze %dma_start3A_342 : memref<1x80xi32, #tpu.memory_space<vmem>> -> memref<80xi32, #tpu.memory_space<vmem>>
      %dma_start3A_344 = tpu.memref_slice %arg3[%add3A_336] : memref<640000xi32, #tpu.memory_space<hbm>> -> memref<80xi32, #tpu.memory_space<hbm>>
      tpu.enqueue_dma source(%dma_start3A_344 : memref<80xi32, #tpu.memory_space<hbm>>) target(%dma_start3A_343 : memref<80xi32, #tpu.memory_space<vmem>>) target_semaphore(%arg14 : memref<!tpu.dma_semaphore, #tpu.memory_space<semaphore_mem>>)
      %mul3A_345 = arith.constant 25 : i32
      %mul3A_346 = arith.muli %scan3A_259, %mul3A_345 : i32
      %add3A_347 = arith.constant 5 : i32
      %add3A_348 = arith.addi %mul3A_346, %add3A_347 : i32
      %add3A_349 = arith.constant 320000 : i32
      %add3A_350 = arith.addi %add3A_349, %mul3A_205 : i32
      %mul3A_351 = arith.constant 80 : i32
      %mul3A_352 = arith.muli %add3A_348, %mul3A_351 : i32
      %add3A_353 = arith.addi %add3A_350, %mul3A_352 : i32
      %dma_start3A_354 = arith.constant 0 : i32
      %dma_start3A_355 = tpu.memref_slice %arg7[%add3A_348, %dma_start3A_354] : memref<125x80xi32, #tpu.memory_space<vmem>> -> memref<1x80xi32, #tpu.memory_space<vmem>>
      %dma_start3A_356 = tpu.memref_squeeze %dma_start3A_355 : memref<1x80xi32, #tpu.memory_space<vmem>> -> memref<80xi32, #tpu.memory_space<vmem>>
      %dma_start3A_357 = tpu.memref_slice %arg3[%add3A_353] : memref<640000xi32, #tpu.memory_space<hbm>> -> memref<80xi32, #tpu.memory_space<hbm>>
      %dma_start3A_358 = arith.constant 0 : i32
      %dma_start3A_359 = tpu.memref_slice %arg7[%add3A_348, %dma_start3A_358] : memref<125x80xi32, #tpu.memory_space<vmem>> -> memref<1x80xi32, #tpu.memory_space<vmem>>
      %dma_start3A_360 = tpu.memref_squeeze %dma_start3A_359 : memref<1x80xi32, #tpu.memory_space<vmem>> -> memref<80xi32, #tpu.memory_space<vmem>>
      %dma_start3A_361 = tpu.memref_slice %arg3[%add3A_353] : memref<640000xi32, #tpu.memory_space<hbm>> -> memref<80xi32, #tpu.memory_space<hbm>>
      tpu.enqueue_dma source(%dma_start3A_361 : memref<80xi32, #tpu.memory_space<hbm>>) target(%dma_start3A_360 : memref<80xi32, #tpu.memory_space<vmem>>) target_semaphore(%arg14 : memref<!tpu.dma_semaphore, #tpu.memory_space<semaphore_mem>>)
      %mul3A_362 = arith.constant 25 : i32
      %mul3A_363 = arith.muli %scan3A_259, %mul3A_362 : i32
      %add3A_364 = arith.constant 6 : i32
      %add3A_365 = arith.addi %mul3A_363, %add3A_364 : i32
      %add3A_366 = arith.constant 320000 : i32
      %add3A_367 = arith.addi %add3A_366, %mul3A_205 : i32
      %mul3A_368 = arith.constant 80 : i32
      %mul3A_369 = arith.muli %add3A_365, %mul3A_368 : i32
      %add3A_370 = arith.addi %add3A_367, %mul3A_369 : i32
      %dma_start3A_371 = arith.constant 0 : i32
      %dma_start3A_372 = tpu.memref_slice %arg7[%add3A_365, %dma_start3A_371] : memref<125x80xi32, #tpu.memory_space<vmem>> -> memref<1x80xi32, #tpu.memory_space<vmem>>
      %dma_start3A_373 = tpu.memref_squeeze %dma_start3A_372 : memref<1x80xi32, #tpu.memory_space<vmem>> -> memref<80xi32, #tpu.memory_space<vmem>>
      %dma_start3A_374 = tpu.memref_slice %arg3[%add3A_370] : memref<640000xi32, #tpu.memory_space<hbm>> -> memref<80xi32, #tpu.memory_space<hbm>>
      %dma_start3A_375 = arith.constant 0 : i32
      %dma_start3A_376 = tpu.memref_slice %arg7[%add3A_365, %dma_start3A_375] : memref<125x80xi32, #tpu.memory_space<vmem>> -> memref<1x80xi32, #tpu.memory_space<vmem>>
      %dma_start3A_377 = tpu.memref_squeeze %dma_start3A_376 : memref<1x80xi32, #tpu.memory_space<vmem>> -> memref<80xi32, #tpu.memory_space<vmem>>
      %dma_start3A_378 = tpu.memref_slice %arg3[%add3A_370] : memref<640000xi32, #tpu.memory_space<hbm>> -> memref<80xi32, #tpu.memory_space<hbm>>
      tpu.enqueue_dma source(%dma_start3A_378 : memref<80xi32, #tpu.memory_space<hbm>>) target(%dma_start3A_377 : memref<80xi32, #tpu.memory_space<vmem>>) target_semaphore(%arg14 : memref<!tpu.dma_semaphore, #tpu.memory_space<semaphore_mem>>)
      %mul3A_379 = arith.constant 25 : i32
      %mul3A_380 = arith.muli %scan3A_259, %mul3A_379 : i32
      %add3A_381 = arith.constant 7 : i32
      %add3A_382 = arith.addi %mul3A_380, %add3A_381 : i32
      %add3A_383 = arith.constant 320000 : i32
      %add3A_384 = arith.addi %add3A_383, %mul3A_205 : i32
      %mul3A_385 = arith.constant 80 : i32
      %mul3A_386 = arith.muli %add3A_382, %mul3A_385 : i32
      %add3A_387 = arith.addi %add3A_384, %mul3A_386 : i32
      %dma_start3A_388 = arith.constant 0 : i32
      %dma_start3A_389 = tpu.memref_slice %arg7[%add3A_382, %dma_start3A_388] : memref<125x80xi32, #tpu.memory_space<vmem>> -> memref<1x80xi32, #tpu.memory_space<vmem>>
      %dma_start3A_390 = tpu.memref_squeeze %dma_start3A_389 : memref<1x80xi32, #tpu.memory_space<vmem>> -> memref<80xi32, #tpu.memory_space<vmem>>
      %dma_start3A_391 = tpu.memref_slice %arg3[%add3A_387] : memref<640000xi32, #tpu.memory_space<hbm>> -> memref<80xi32, #tpu.memory_space<hbm>>
      %dma_start3A_392 = arith.constant 0 : i32
      %dma_start3A_393 = tpu.memref_slice %arg7[%add3A_382, %dma_start3A_392] : memref<125x80xi32, #tpu.memory_space<vmem>> -> memref<1x80xi32, #tpu.memory_space<vmem>>
      %dma_start3A_394 = tpu.memref_squeeze %dma_start3A_393 : memref<1x80xi32, #tpu.memory_space<vmem>> -> memref<80xi32, #tpu.memory_space<vmem>>
      %dma_start3A_395 = tpu.memref_slice %arg3[%add3A_387] : memref<640000xi32, #tpu.memory_space<hbm>> -> memref<80xi32, #tpu.memory_space<hbm>>
      tpu.enqueue_dma source(%dma_start3A_395 : memref<80xi32, #tpu.memory_space<hbm>>) target(%dma_start3A_394 : memref<80xi32, #tpu.memory_space<vmem>>) target_semaphore(%arg14 : memref<!tpu.dma_semaphore, #tpu.memory_space<semaphore_mem>>)
      %mul3A_396 = arith.constant 25 : i32
      %mul3A_397 = arith.muli %scan3A_259, %mul3A_396 : i32
      %add3A_398 = arith.constant 8 : i32
      %add3A_399 = arith.addi %mul3A_397, %add3A_398 : i32
      %add3A_400 = arith.constant 320000 : i32
      %add3A_401 = arith.addi %add3A_400, %mul3A_205 : i32
      %mul3A_402 = arith.constant 80 : i32
      %mul3A_403 = arith.muli %add3A_399, %mul3A_402 : i32
      %add3A_404 = arith.addi %add3A_401, %mul3A_403 : i32
      %dma_start3A_405 = arith.constant 0 : i32
      %dma_start3A_406 = tpu.memref_slice %arg7[%add3A_399, %dma_start3A_405] : memref<125x80xi32, #tpu.memory_space<vmem>> -> memref<1x80xi32, #tpu.memory_space<vmem>>
      %dma_start3A_407 = tpu.memref_squeeze %dma_start3A_406 : memref<1x80xi32, #tpu.memory_space<vmem>> -> memref<80xi32, #tpu.memory_space<vmem>>
      %dma_start3A_408 = tpu.memref_slice %arg3[%add3A_404] : memref<640000xi32, #tpu.memory_space<hbm>> -> memref<80xi32, #tpu.memory_space<hbm>>
      %dma_start3A_409 = arith.constant 0 : i32
      %dma_start3A_410 = tpu.memref_slice %arg7[%add3A_399, %dma_start3A_409] : memref<125x80xi32, #tpu.memory_space<vmem>> -> memref<1x80xi32, #tpu.memory_space<vmem>>
      %dma_start3A_411 = tpu.memref_squeeze %dma_start3A_410 : memref<1x80xi32, #tpu.memory_space<vmem>> -> memref<80xi32, #tpu.memory_space<vmem>>
      %dma_start3A_412 = tpu.memref_slice %arg3[%add3A_404] : memref<640000xi32, #tpu.memory_space<hbm>> -> memref<80xi32, #tpu.memory_space<hbm>>
      tpu.enqueue_dma source(%dma_start3A_412 : memref<80xi32, #tpu.memory_space<hbm>>) target(%dma_start3A_411 : memref<80xi32, #tpu.memory_space<vmem>>) target_semaphore(%arg14 : memref<!tpu.dma_semaphore, #tpu.memory_space<semaphore_mem>>)
      %mul3A_413 = arith.constant 25 : i32
      %mul3A_414 = arith.muli %scan3A_259, %mul3A_413 : i32
      %add3A_415 = arith.constant 9 : i32
      %add3A_416 = arith.addi %mul3A_414, %add3A_415 : i32
      %add3A_417 = arith.constant 320000 : i32
      %add3A_418 = arith.addi %add3A_417, %mul3A_205 : i32
      %mul3A_419 = arith.constant 80 : i32
      %mul3A_420 = arith.muli %add3A_416, %mul3A_419 : i32
      %add3A_421 = arith.addi %add3A_418, %mul3A_420 : i32
      %dma_start3A_422 = arith.constant 0 : i32
      %dma_start3A_423 = tpu.memref_slice %arg7[%add3A_416, %dma_start3A_422] : memref<125x80xi32, #tpu.memory_space<vmem>> -> memref<1x80xi32, #tpu.memory_space<vmem>>
      %dma_start3A_424 = tpu.memref_squeeze %dma_start3A_423 : memref<1x80xi32, #tpu.memory_space<vmem>> -> memref<80xi32, #tpu.memory_space<vmem>>
      %dma_start3A_425 = tpu.memref_slice %arg3[%add3A_421] : memref<640000xi32, #tpu.memory_space<hbm>> -> memref<80xi32, #tpu.memory_space<hbm>>
      %dma_start3A_426 = arith.constant 0 : i32
      %dma_start3A_427 = tpu.memref_slice %arg7[%add3A_416, %dma_start3A_426] : memref<125x80xi32, #tpu.memory_space<vmem>> -> memref<1x80xi32, #tpu.memory_space<vmem>>
      %dma_start3A_428 = tpu.memref_squeeze %dma_start3A_427 : memref<1x80xi32, #tpu.memory_space<vmem>> -> memref<80xi32, #tpu.memory_space<vmem>>
      %dma_start3A_429 = tpu.memref_slice %arg3[%add3A_421] : memref<640000xi32, #tpu.memory_space<hbm>> -> memref<80xi32, #tpu.memory_space<hbm>>
      tpu.enqueue_dma source(%dma_start3A_429 : memref<80xi32, #tpu.memory_space<hbm>>) target(%dma_start3A_428 : memref<80xi32, #tpu.memory_space<vmem>>) target_semaphore(%arg14 : memref<!tpu.dma_semaphore, #tpu.memory_space<semaphore_mem>>)
      %mul3A_430 = arith.constant 25 : i32
      %mul3A_431 = arith.muli %scan3A_259, %mul3A_430 : i32
      %add3A_432 = arith.constant 10 : i32
      %add3A_433 = arith.addi %mul3A_431, %add3A_432 : i32
      %add3A_434 = arith.constant 320000 : i32
      %add3A_435 = arith.addi %add3A_434, %mul3A_205 : i32
      %mul3A_436 = arith.constant 80 : i32
      %mul3A_437 = arith.muli %add3A_433, %mul3A_436 : i32
      %add3A_438 = arith.addi %add3A_435, %mul3A_437 : i32
      %dma_start3A_439 = arith.constant 0 : i32
      %dma_start3A_440 = tpu.memref_slice %arg7[%add3A_433, %dma_start3A_439] : memref<125x80xi32, #tpu.memory_space<vmem>> -> memref<1x80xi32, #tpu.memory_space<vmem>>
      %dma_start3A_441 = tpu.memref_squeeze %dma_start3A_440 : memref<1x80xi32, #tpu.memory_space<vmem>> -> memref<80xi32, #tpu.memory_space<vmem>>
      %dma_start3A_442 = tpu.memref_slice %arg3[%add3A_438] : memref<640000xi32, #tpu.memory_space<hbm>> -> memref<80xi32, #tpu.memory_space<hbm>>
      %dma_start3A_443 = arith.constant 0 : i32
      %dma_start3A_444 = tpu.memref_slice %arg7[%add3A_433, %dma_start3A_443] : memref<125x80xi32, #tpu.memory_space<vmem>> -> memref<1x80xi32, #tpu.memory_space<vmem>>
      %dma_start3A_445 = tpu.memref_squeeze %dma_start3A_444 : memref<1x80xi32, #tpu.memory_space<vmem>> -> memref<80xi32, #tpu.memory_space<vmem>>
      %dma_start3A_446 = tpu.memref_slice %arg3[%add3A_438] : memref<640000xi32, #tpu.memory_space<hbm>> -> memref<80xi32, #tpu.memory_space<hbm>>
      tpu.enqueue_dma source(%dma_start3A_446 : memref<80xi32, #tpu.memory_space<hbm>>) target(%dma_start3A_445 : memref<80xi32, #tpu.memory_space<vmem>>) target_semaphore(%arg14 : memref<!tpu.dma_semaphore, #tpu.memory_space<semaphore_mem>>)
      %mul3A_447 = arith.constant 25 : i32
      %mul3A_448 = arith.muli %scan3A_259, %mul3A_447 : i32
      %add3A_449 = arith.constant 11 : i32
      %add3A_450 = arith.addi %mul3A_448, %add3A_449 : i32
      %add3A_451 = arith.constant 320000 : i32
      %add3A_452 = arith.addi %add3A_451, %mul3A_205 : i32
      %mul3A_453 = arith.constant 80 : i32
      %mul3A_454 = arith.muli %add3A_450, %mul3A_453 : i32
      %add3A_455 = arith.addi %add3A_452, %mul3A_454 : i32
      %dma_start3A_456 = arith.constant 0 : i32
      %dma_start3A_457 = tpu.memref_slice %arg7[%add3A_450, %dma_start3A_456] : memref<125x80xi32, #tpu.memory_space<vmem>> -> memref<1x80xi32, #tpu.memory_space<vmem>>
      %dma_start3A_458 = tpu.memref_squeeze %dma_start3A_457 : memref<1x80xi32, #tpu.memory_space<vmem>> -> memref<80xi32, #tpu.memory_space<vmem>>
      %dma_start3A_459 = tpu.memref_slice %arg3[%add3A_455] : memref<640000xi32, #tpu.memory_space<hbm>> -> memref<80xi32, #tpu.memory_space<hbm>>
      %dma_start3A_460 = arith.constant 0 : i32
      %dma_start3A_461 = tpu.memref_slice %arg7[%add3A_450, %dma_start3A_460] : memref<125x80xi32, #tpu.memory_space<vmem>> -> memref<1x80xi32, #tpu.memory_space<vmem>>
      %dma_start3A_462 = tpu.memref_squeeze %dma_start3A_461 : memref<1x80xi32, #tpu.memory_space<vmem>> -> memref<80xi32, #tpu.memory_space<vmem>>
      %dma_start3A_463 = tpu.memref_slice %arg3[%add3A_455] : memref<640000xi32, #tpu.memory_space<hbm>> -> memref<80xi32, #tpu.memory_space<hbm>>
      tpu.enqueue_dma source(%dma_start3A_463 : memref<80xi32, #tpu.memory_space<hbm>>) target(%dma_start3A_462 : memref<80xi32, #tpu.memory_space<vmem>>) target_semaphore(%arg14 : memref<!tpu.dma_semaphore, #tpu.memory_space<semaphore_mem>>)
      %mul3A_464 = arith.constant 25 : i32
      %mul3A_465 = arith.muli %scan3A_259, %mul3A_464 : i32
      %add3A_466 = arith.constant 12 : i32
      %add3A_467 = arith.addi %mul3A_465, %add3A_466 : i32
      %add3A_468 = arith.constant 320000 : i32
      %add3A_469 = arith.addi %add3A_468, %mul3A_205 : i32
      %mul3A_470 = arith.constant 80 : i32
      %mul3A_471 = arith.muli %add3A_467, %mul3A_470 : i32
      %add3A_472 = arith.addi %add3A_469, %mul3A_471 : i32
      %dma_start3A_473 = arith.constant 0 : i32
      %dma_start3A_474 = tpu.memref_slice %arg7[%add3A_467, %dma_start3A_473] : memref<125x80xi32, #tpu.memory_space<vmem>> -> memref<1x80xi32, #tpu.memory_space<vmem>>
      %dma_start3A_475 = tpu.memref_squeeze %dma_start3A_474 : memref<1x80xi32, #tpu.memory_space<vmem>> -> memref<80xi32, #tpu.memory_space<vmem>>
      %dma_start3A_476 = tpu.memref_slice %arg3[%add3A_472] : memref<640000xi32, #tpu.memory_space<hbm>> -> memref<80xi32, #tpu.memory_space<hbm>>
      %dma_start3A_477 = arith.constant 0 : i32
      %dma_start3A_478 = tpu.memref_slice %arg7[%add3A_467, %dma_start3A_477] : memref<125x80xi32, #tpu.memory_space<vmem>> -> memref<1x80xi32, #tpu.memory_space<vmem>>
      %dma_start3A_479 = tpu.memref_squeeze %dma_start3A_478 : memref<1x80xi32, #tpu.memory_space<vmem>> -> memref<80xi32, #tpu.memory_space<vmem>>
      %dma_start3A_480 = tpu.memref_slice %arg3[%add3A_472] : memref<640000xi32, #tpu.memory_space<hbm>> -> memref<80xi32, #tpu.memory_space<hbm>>
      tpu.enqueue_dma source(%dma_start3A_480 : memref<80xi32, #tpu.memory_space<hbm>>) target(%dma_start3A_479 : memref<80xi32, #tpu.memory_space<vmem>>) target_semaphore(%arg14 : memref<!tpu.dma_semaphore, #tpu.memory_space<semaphore_mem>>)
      %mul3A_481 = arith.constant 25 : i32
      %mul3A_482 = arith.muli %scan3A_259, %mul3A_481 : i32
      %add3A_483 = arith.constant 13 : i32
      %add3A_484 = arith.addi %mul3A_482, %add3A_483 : i32
      %add3A_485 = arith.constant 320000 : i32
      %add3A_486 = arith.addi %add3A_485, %mul3A_205 : i32
      %mul3A_487 = arith.constant 80 : i32
      %mul3A_488 = arith.muli %add3A_484, %mul3A_487 : i32
      %add3A_489 = arith.addi %add3A_486, %mul3A_488 : i32
      %dma_start3A_490 = arith.constant 0 : i32
      %dma_start3A_491 = tpu.memref_slice %arg7[%add3A_484, %dma_start3A_490] : memref<125x80xi32, #tpu.memory_space<vmem>> -> memref<1x80xi32, #tpu.memory_space<vmem>>
      %dma_start3A_492 = tpu.memref_squeeze %dma_start3A_491 : memref<1x80xi32, #tpu.memory_space<vmem>> -> memref<80xi32, #tpu.memory_space<vmem>>
      %dma_start3A_493 = tpu.memref_slice %arg3[%add3A_489] : memref<640000xi32, #tpu.memory_space<hbm>> -> memref<80xi32, #tpu.memory_space<hbm>>
      %dma_start3A_494 = arith.constant 0 : i32
      %dma_start3A_495 = tpu.memref_slice %arg7[%add3A_484, %dma_start3A_494] : memref<125x80xi32, #tpu.memory_space<vmem>> -> memref<1x80xi32, #tpu.memory_space<vmem>>
      %dma_start3A_496 = tpu.memref_squeeze %dma_start3A_495 : memref<1x80xi32, #tpu.memory_space<vmem>> -> memref<80xi32, #tpu.memory_space<vmem>>
      %dma_start3A_497 = tpu.memref_slice %arg3[%add3A_489] : memref<640000xi32, #tpu.memory_space<hbm>> -> memref<80xi32, #tpu.memory_space<hbm>>
      tpu.enqueue_dma source(%dma_start3A_497 : memref<80xi32, #tpu.memory_space<hbm>>) target(%dma_start3A_496 : memref<80xi32, #tpu.memory_space<vmem>>) target_semaphore(%arg14 : memref<!tpu.dma_semaphore, #tpu.memory_space<semaphore_mem>>)
      %mul3A_498 = arith.constant 25 : i32
      %mul3A_499 = arith.muli %scan3A_259, %mul3A_498 : i32
      %add3A_500 = arith.constant 14 : i32
      %add3A_501 = arith.addi %mul3A_499, %add3A_500 : i32
      %add3A_502 = arith.constant 320000 : i32
      %add3A_503 = arith.addi %add3A_502, %mul3A_205 : i32
      %mul3A_504 = arith.constant 80 : i32
      %mul3A_505 = arith.muli %add3A_501, %mul3A_504 : i32
      %add3A_506 = arith.addi %add3A_503, %mul3A_505 : i32
      %dma_start3A_507 = arith.constant 0 : i32
      %dma_start3A_508 = tpu.memref_slice %arg7[%add3A_501, %dma_start3A_507] : memref<125x80xi32, #tpu.memory_space<vmem>> -> memref<1x80xi32, #tpu.memory_space<vmem>>
      %dma_start3A_509 = tpu.memref_squeeze %dma_start3A_508 : memref<1x80xi32, #tpu.memory_space<vmem>> -> memref<80xi32, #tpu.memory_space<vmem>>
      %dma_start3A_510 = tpu.memref_slice %arg3[%add3A_506] : memref<640000xi32, #tpu.memory_space<hbm>> -> memref<80xi32, #tpu.memory_space<hbm>>
      %dma_start3A_511 = arith.constant 0 : i32
      %dma_start3A_512 = tpu.memref_slice %arg7[%add3A_501, %dma_start3A_511] : memref<125x80xi32, #tpu.memory_space<vmem>> -> memref<1x80xi32, #tpu.memory_space<vmem>>
      %dma_start3A_513 = tpu.memref_squeeze %dma_start3A_512 : memref<1x80xi32, #tpu.memory_space<vmem>> -> memref<80xi32, #tpu.memory_space<vmem>>
      %dma_start3A_514 = tpu.memref_slice %arg3[%add3A_506] : memref<640000xi32, #tpu.memory_space<hbm>> -> memref<80xi32, #tpu.memory_space<hbm>>
      tpu.enqueue_dma source(%dma_start3A_514 : memref<80xi32, #tpu.memory_space<hbm>>) target(%dma_start3A_513 : memref<80xi32, #tpu.memory_space<vmem>>) target_semaphore(%arg14 : memref<!tpu.dma_semaphore, #tpu.memory_space<semaphore_mem>>)
      %mul3A_515 = arith.constant 25 : i32
      %mul3A_516 = arith.muli %scan3A_259, %mul3A_515 : i32
      %add3A_517 = arith.constant 15 : i32
      %add3A_518 = arith.addi %mul3A_516, %add3A_517 : i32
      %add3A_519 = arith.constant 320000 : i32
      %add3A_520 = arith.addi %add3A_519, %mul3A_205 : i32
      %mul3A_521 = arith.constant 80 : i32
      %mul3A_522 = arith.muli %add3A_518, %mul3A_521 : i32
      %add3A_523 = arith.addi %add3A_520, %mul3A_522 : i32
      %dma_start3A_524 = arith.constant 0 : i32
      %dma_start3A_525 = tpu.memref_slice %arg7[%add3A_518, %dma_start3A_524] : memref<125x80xi32, #tpu.memory_space<vmem>> -> memref<1x80xi32, #tpu.memory_space<vmem>>
      %dma_start3A_526 = tpu.memref_squeeze %dma_start3A_525 : memref<1x80xi32, #tpu.memory_space<vmem>> -> memref<80xi32, #tpu.memory_space<vmem>>
      %dma_start3A_527 = tpu.memref_slice %arg3[%add3A_523] : memref<640000xi32, #tpu.memory_space<hbm>> -> memref<80xi32, #tpu.memory_space<hbm>>
      %dma_start3A_528 = arith.constant 0 : i32
      %dma_start3A_529 = tpu.memref_slice %arg7[%add3A_518, %dma_start3A_528] : memref<125x80xi32, #tpu.memory_space<vmem>> -> memref<1x80xi32, #tpu.memory_space<vmem>>
      %dma_start3A_530 = tpu.memref_squeeze %dma_start3A_529 : memref<1x80xi32, #tpu.memory_space<vmem>> -> memref<80xi32, #tpu.memory_space<vmem>>
      %dma_start3A_531 = tpu.memref_slice %arg3[%add3A_523] : memref<640000xi32, #tpu.memory_space<hbm>> -> memref<80xi32, #tpu.memory_space<hbm>>
      tpu.enqueue_dma source(%dma_start3A_531 : memref<80xi32, #tpu.memory_space<hbm>>) target(%dma_start3A_530 : memref<80xi32, #tpu.memory_space<vmem>>) target_semaphore(%arg14 : memref<!tpu.dma_semaphore, #tpu.memory_space<semaphore_mem>>)
      %mul3A_532 = arith.constant 25 : i32
      %mul3A_533 = arith.muli %scan3A_259, %mul3A_532 : i32
      %add3A_534 = arith.constant 16 : i32
      %add3A_535 = arith.addi %mul3A_533, %add3A_534 : i32
      %add3A_536 = arith.constant 320000 : i32
      %add3A_537 = arith.addi %add3A_536, %mul3A_205 : i32
      %mul3A_538 = arith.constant 80 : i32
      %mul3A_539 = arith.muli %add3A_535, %mul3A_538 : i32
      %add3A_540 = arith.addi %add3A_537, %mul3A_539 : i32
      %dma_start3A_541 = arith.constant 0 : i32
      %dma_start3A_542 = tpu.memref_slice %arg7[%add3A_535, %dma_start3A_541] : memref<125x80xi32, #tpu.memory_space<vmem>> -> memref<1x80xi32, #tpu.memory_space<vmem>>
      %dma_start3A_543 = tpu.memref_squeeze %dma_start3A_542 : memref<1x80xi32, #tpu.memory_space<vmem>> -> memref<80xi32, #tpu.memory_space<vmem>>
      %dma_start3A_544 = tpu.memref_slice %arg3[%add3A_540] : memref<640000xi32, #tpu.memory_space<hbm>> -> memref<80xi32, #tpu.memory_space<hbm>>
      %dma_start3A_545 = arith.constant 0 : i32
      %dma_start3A_546 = tpu.memref_slice %arg7[%add3A_535, %dma_start3A_545] : memref<125x80xi32, #tpu.memory_space<vmem>> -> memref<1x80xi32, #tpu.memory_space<vmem>>
      %dma_start3A_547 = tpu.memref_squeeze %dma_start3A_546 : memref<1x80xi32, #tpu.memory_space<vmem>> -> memref<80xi32, #tpu.memory_space<vmem>>
      %dma_start3A_548 = tpu.memref_slice %arg3[%add3A_540] : memref<640000xi32, #tpu.memory_space<hbm>> -> memref<80xi32, #tpu.memory_space<hbm>>
      tpu.enqueue_dma source(%dma_start3A_548 : memref<80xi32, #tpu.memory_space<hbm>>) target(%dma_start3A_547 : memref<80xi32, #tpu.memory_space<vmem>>) target_semaphore(%arg14 : memref<!tpu.dma_semaphore, #tpu.memory_space<semaphore_mem>>)
      %mul3A_549 = arith.constant 25 : i32
      %mul3A_550 = arith.muli %scan3A_259, %mul3A_549 : i32
      %add3A_551 = arith.constant 17 : i32
      %add3A_552 = arith.addi %mul3A_550, %add3A_551 : i32
      %add3A_553 = arith.constant 320000 : i32
      %add3A_554 = arith.addi %add3A_553, %mul3A_205 : i32
      %mul3A_555 = arith.constant 80 : i32
      %mul3A_556 = arith.muli %add3A_552, %mul3A_555 : i32
      %add3A_557 = arith.addi %add3A_554, %mul3A_556 : i32
      %dma_start3A_558 = arith.constant 0 : i32
      %dma_start3A_559 = tpu.memref_slice %arg7[%add3A_552, %dma_start3A_558] : memref<125x80xi32, #tpu.memory_space<vmem>> -> memref<1x80xi32, #tpu.memory_space<vmem>>
      %dma_start3A_560 = tpu.memref_squeeze %dma_start3A_559 : memref<1x80xi32, #tpu.memory_space<vmem>> -> memref<80xi32, #tpu.memory_space<vmem>>
      %dma_start3A_561 = tpu.memref_slice %arg3[%add3A_557] : memref<640000xi32, #tpu.memory_space<hbm>> -> memref<80xi32, #tpu.memory_space<hbm>>
      %dma_start3A_562 = arith.constant 0 : i32
      %dma_start3A_563 = tpu.memref_slice %arg7[%add3A_552, %dma_start3A_562] : memref<125x80xi32, #tpu.memory_space<vmem>> -> memref<1x80xi32, #tpu.memory_space<vmem>>
      %dma_start3A_564 = tpu.memref_squeeze %dma_start3A_563 : memref<1x80xi32, #tpu.memory_space<vmem>> -> memref<80xi32, #tpu.memory_space<vmem>>
      %dma_start3A_565 = tpu.memref_slice %arg3[%add3A_557] : memref<640000xi32, #tpu.memory_space<hbm>> -> memref<80xi32, #tpu.memory_space<hbm>>
      tpu.enqueue_dma source(%dma_start3A_565 : memref<80xi32, #tpu.memory_space<hbm>>) target(%dma_start3A_564 : memref<80xi32, #tpu.memory_space<vmem>>) target_semaphore(%arg14 : memref<!tpu.dma_semaphore, #tpu.memory_space<semaphore_mem>>)
      %mul3A_566 = arith.constant 25 : i32
      %mul3A_567 = arith.muli %scan3A_259, %mul3A_566 : i32
      %add3A_568 = arith.constant 18 : i32
      %add3A_569 = arith.addi %mul3A_567, %add3A_568 : i32
      %add3A_570 = arith.constant 320000 : i32
      %add3A_571 = arith.addi %add3A_570, %mul3A_205 : i32
      %mul3A_572 = arith.constant 80 : i32
      %mul3A_573 = arith.muli %add3A_569, %mul3A_572 : i32
      %add3A_574 = arith.addi %add3A_571, %mul3A_573 : i32
      %dma_start3A_575 = arith.constant 0 : i32
      %dma_start3A_576 = tpu.memref_slice %arg7[%add3A_569, %dma_start3A_575] : memref<125x80xi32, #tpu.memory_space<vmem>> -> memref<1x80xi32, #tpu.memory_space<vmem>>
      %dma_start3A_577 = tpu.memref_squeeze %dma_start3A_576 : memref<1x80xi32, #tpu.memory_space<vmem>> -> memref<80xi32, #tpu.memory_space<vmem>>
      %dma_start3A_578 = tpu.memref_slice %arg3[%add3A_574] : memref<640000xi32, #tpu.memory_space<hbm>> -> memref<80xi32, #tpu.memory_space<hbm>>
      %dma_start3A_579 = arith.constant 0 : i32
      %dma_start3A_580 = tpu.memref_slice %arg7[%add3A_569, %dma_start3A_579] : memref<125x80xi32, #tpu.memory_space<vmem>> -> memref<1x80xi32, #tpu.memory_space<vmem>>
      %dma_start3A_581 = tpu.memref_squeeze %dma_start3A_580 : memref<1x80xi32, #tpu.memory_space<vmem>> -> memref<80xi32, #tpu.memory_space<vmem>>
      %dma_start3A_582 = tpu.memref_slice %arg3[%add3A_574] : memref<640000xi32, #tpu.memory_space<hbm>> -> memref<80xi32, #tpu.memory_space<hbm>>
      tpu.enqueue_dma source(%dma_start3A_582 : memref<80xi32, #tpu.memory_space<hbm>>) target(%dma_start3A_581 : memref<80xi32, #tpu.memory_space<vmem>>) target_semaphore(%arg14 : memref<!tpu.dma_semaphore, #tpu.memory_space<semaphore_mem>>)
      %mul3A_583 = arith.constant 25 : i32
      %mul3A_584 = arith.muli %scan3A_259, %mul3A_583 : i32
      %add3A_585 = arith.constant 19 : i32
      %add3A_586 = arith.addi %mul3A_584, %add3A_585 : i32
      %add3A_587 = arith.constant 320000 : i32
      %add3A_588 = arith.addi %add3A_587, %mul3A_205 : i32
      %mul3A_589 = arith.constant 80 : i32
      %mul3A_590 = arith.muli %add3A_586, %mul3A_589 : i32
      %add3A_591 = arith.addi %add3A_588, %mul3A_590 : i32
      %dma_start3A_592 = arith.constant 0 : i32
      %dma_start3A_593 = tpu.memref_slice %arg7[%add3A_586, %dma_start3A_592] : memref<125x80xi32, #tpu.memory_space<vmem>> -> memref<1x80xi32, #tpu.memory_space<vmem>>
      %dma_start3A_594 = tpu.memref_squeeze %dma_start3A_593 : memref<1x80xi32, #tpu.memory_space<vmem>> -> memref<80xi32, #tpu.memory_space<vmem>>
      %dma_start3A_595 = tpu.memref_slice %arg3[%add3A_591] : memref<640000xi32, #tpu.memory_space<hbm>> -> memref<80xi32, #tpu.memory_space<hbm>>
      %dma_start3A_596 = arith.constant 0 : i32
      %dma_start3A_597 = tpu.memref_slice %arg7[%add3A_586, %dma_start3A_596] : memref<125x80xi32, #tpu.memory_space<vmem>> -> memref<1x80xi32, #tpu.memory_space<vmem>>
      %dma_start3A_598 = tpu.memref_squeeze %dma_start3A_597 : memref<1x80xi32, #tpu.memory_space<vmem>> -> memref<80xi32, #tpu.memory_space<vmem>>
      %dma_start3A_599 = tpu.memref_slice %arg3[%add3A_591] : memref<640000xi32, #tpu.memory_space<hbm>> -> memref<80xi32, #tpu.memory_space<hbm>>
      tpu.enqueue_dma source(%dma_start3A_599 : memref<80xi32, #tpu.memory_space<hbm>>) target(%dma_start3A_598 : memref<80xi32, #tpu.memory_space<vmem>>) target_semaphore(%arg14 : memref<!tpu.dma_semaphore, #tpu.memory_space<semaphore_mem>>)
      %mul3A_600 = arith.constant 25 : i32
      %mul3A_601 = arith.muli %scan3A_259, %mul3A_600 : i32
      %add3A_602 = arith.constant 20 : i32
      %add3A_603 = arith.addi %mul3A_601, %add3A_602 : i32
      %add3A_604 = arith.constant 320000 : i32
      %add3A_605 = arith.addi %add3A_604, %mul3A_205 : i32
      %mul3A_606 = arith.constant 80 : i32
      %mul3A_607 = arith.muli %add3A_603, %mul3A_606 : i32
      %add3A_608 = arith.addi %add3A_605, %mul3A_607 : i32
      %dma_start3A_609 = arith.constant 0 : i32
      %dma_start3A_610 = tpu.memref_slice %arg7[%add3A_603, %dma_start3A_609] : memref<125x80xi32, #tpu.memory_space<vmem>> -> memref<1x80xi32, #tpu.memory_space<vmem>>
      %dma_start3A_611 = tpu.memref_squeeze %dma_start3A_610 : memref<1x80xi32, #tpu.memory_space<vmem>> -> memref<80xi32, #tpu.memory_space<vmem>>
      %dma_start3A_612 = tpu.memref_slice %arg3[%add3A_608] : memref<640000xi32, #tpu.memory_space<hbm>> -> memref<80xi32, #tpu.memory_space<hbm>>
      %dma_start3A_613 = arith.constant 0 : i32
      %dma_start3A_614 = tpu.memref_slice %arg7[%add3A_603, %dma_start3A_613] : memref<125x80xi32, #tpu.memory_space<vmem>> -> memref<1x80xi32, #tpu.memory_space<vmem>>
      %dma_start3A_615 = tpu.memref_squeeze %dma_start3A_614 : memref<1x80xi32, #tpu.memory_space<vmem>> -> memref<80xi32, #tpu.memory_space<vmem>>
      %dma_start3A_616 = tpu.memref_slice %arg3[%add3A_608] : memref<640000xi32, #tpu.memory_space<hbm>> -> memref<80xi32, #tpu.memory_space<hbm>>
      tpu.enqueue_dma source(%dma_start3A_616 : memref<80xi32, #tpu.memory_space<hbm>>) target(%dma_start3A_615 : memref<80xi32, #tpu.memory_space<vmem>>) target_semaphore(%arg14 : memref<!tpu.dma_semaphore, #tpu.memory_space<semaphore_mem>>)
      %mul3A_617 = arith.constant 25 : i32
      %mul3A_618 = arith.muli %scan3A_259, %mul3A_617 : i32
      %add3A_619 = arith.constant 21 : i32
      %add3A_620 = arith.addi %mul3A_618, %add3A_619 : i32
      %add3A_621 = arith.constant 320000 : i32
      %add3A_622 = arith.addi %add3A_621, %mul3A_205 : i32
      %mul3A_623 = arith.constant 80 : i32
      %mul3A_624 = arith.muli %add3A_620, %mul3A_623 : i32
      %add3A_625 = arith.addi %add3A_622, %mul3A_624 : i32
      %dma_start3A_626 = arith.constant 0 : i32
      %dma_start3A_627 = tpu.memref_slice %arg7[%add3A_620, %dma_start3A_626] : memref<125x80xi32, #tpu.memory_space<vmem>> -> memref<1x80xi32, #tpu.memory_space<vmem>>
      %dma_start3A_628 = tpu.memref_squeeze %dma_start3A_627 : memref<1x80xi32, #tpu.memory_space<vmem>> -> memref<80xi32, #tpu.memory_space<vmem>>
      %dma_start3A_629 = tpu.memref_slice %arg3[%add3A_625] : memref<640000xi32, #tpu.memory_space<hbm>> -> memref<80xi32, #tpu.memory_space<hbm>>
      %dma_start3A_630 = arith.constant 0 : i32
      %dma_start3A_631 = tpu.memref_slice %arg7[%add3A_620, %dma_start3A_630] : memref<125x80xi32, #tpu.memory_space<vmem>> -> memref<1x80xi32, #tpu.memory_space<vmem>>
      %dma_start3A_632 = tpu.memref_squeeze %dma_start3A_631 : memref<1x80xi32, #tpu.memory_space<vmem>> -> memref<80xi32, #tpu.memory_space<vmem>>
      %dma_start3A_633 = tpu.memref_slice %arg3[%add3A_625] : memref<640000xi32, #tpu.memory_space<hbm>> -> memref<80xi32, #tpu.memory_space<hbm>>
      tpu.enqueue_dma source(%dma_start3A_633 : memref<80xi32, #tpu.memory_space<hbm>>) target(%dma_start3A_632 : memref<80xi32, #tpu.memory_space<vmem>>) target_semaphore(%arg14 : memref<!tpu.dma_semaphore, #tpu.memory_space<semaphore_mem>>)
      %mul3A_634 = arith.constant 25 : i32
      %mul3A_635 = arith.muli %scan3A_259, %mul3A_634 : i32
      %add3A_636 = arith.constant 22 : i32
      %add3A_637 = arith.addi %mul3A_635, %add3A_636 : i32
      %add3A_638 = arith.constant 320000 : i32
      %add3A_639 = arith.addi %add3A_638, %mul3A_205 : i32
      %mul3A_640 = arith.constant 80 : i32
      %mul3A_641 = arith.muli %add3A_637, %mul3A_640 : i32
      %add3A_642 = arith.addi %add3A_639, %mul3A_641 : i32
      %dma_start3A_643 = arith.constant 0 : i32
      %dma_start3A_644 = tpu.memref_slice %arg7[%add3A_637, %dma_start3A_643] : memref<125x80xi32, #tpu.memory_space<vmem>> -> memref<1x80xi32, #tpu.memory_space<vmem>>
      %dma_start3A_645 = tpu.memref_squeeze %dma_start3A_644 : memref<1x80xi32, #tpu.memory_space<vmem>> -> memref<80xi32, #tpu.memory_space<vmem>>
      %dma_start3A_646 = tpu.memref_slice %arg3[%add3A_642] : memref<640000xi32, #tpu.memory_space<hbm>> -> memref<80xi32, #tpu.memory_space<hbm>>
      %dma_start3A_647 = arith.constant 0 : i32
      %dma_start3A_648 = tpu.memref_slice %arg7[%add3A_637, %dma_start3A_647] : memref<125x80xi32, #tpu.memory_space<vmem>> -> memref<1x80xi32, #tpu.memory_space<vmem>>
      %dma_start3A_649 = tpu.memref_squeeze %dma_start3A_648 : memref<1x80xi32, #tpu.memory_space<vmem>> -> memref<80xi32, #tpu.memory_space<vmem>>
      %dma_start3A_650 = tpu.memref_slice %arg3[%add3A_642] : memref<640000xi32, #tpu.memory_space<hbm>> -> memref<80xi32, #tpu.memory_space<hbm>>
      tpu.enqueue_dma source(%dma_start3A_650 : memref<80xi32, #tpu.memory_space<hbm>>) target(%dma_start3A_649 : memref<80xi32, #tpu.memory_space<vmem>>) target_semaphore(%arg14 : memref<!tpu.dma_semaphore, #tpu.memory_space<semaphore_mem>>)
      %mul3A_651 = arith.constant 25 : i32
      %mul3A_652 = arith.muli %scan3A_259, %mul3A_651 : i32
      %add3A_653 = arith.constant 23 : i32
      %add3A_654 = arith.addi %mul3A_652, %add3A_653 : i32
      %add3A_655 = arith.constant 320000 : i32
      %add3A_656 = arith.addi %add3A_655, %mul3A_205 : i32
      %mul3A_657 = arith.constant 80 : i32
      %mul3A_658 = arith.muli %add3A_654, %mul3A_657 : i32
      %add3A_659 = arith.addi %add3A_656, %mul3A_658 : i32
      %dma_start3A_660 = arith.constant 0 : i32
      %dma_start3A_661 = tpu.memref_slice %arg7[%add3A_654, %dma_start3A_660] : memref<125x80xi32, #tpu.memory_space<vmem>> -> memref<1x80xi32, #tpu.memory_space<vmem>>
      %dma_start3A_662 = tpu.memref_squeeze %dma_start3A_661 : memref<1x80xi32, #tpu.memory_space<vmem>> -> memref<80xi32, #tpu.memory_space<vmem>>
      %dma_start3A_663 = tpu.memref_slice %arg3[%add3A_659] : memref<640000xi32, #tpu.memory_space<hbm>> -> memref<80xi32, #tpu.memory_space<hbm>>
      %dma_start3A_664 = arith.constant 0 : i32
      %dma_start3A_665 = tpu.memref_slice %arg7[%add3A_654, %dma_start3A_664] : memref<125x80xi32, #tpu.memory_space<vmem>> -> memref<1x80xi32, #tpu.memory_space<vmem>>
      %dma_start3A_666 = tpu.memref_squeeze %dma_start3A_665 : memref<1x80xi32, #tpu.memory_space<vmem>> -> memref<80xi32, #tpu.memory_space<vmem>>
      %dma_start3A_667 = tpu.memref_slice %arg3[%add3A_659] : memref<640000xi32, #tpu.memory_space<hbm>> -> memref<80xi32, #tpu.memory_space<hbm>>
      tpu.enqueue_dma source(%dma_start3A_667 : memref<80xi32, #tpu.memory_space<hbm>>) target(%dma_start3A_666 : memref<80xi32, #tpu.memory_space<vmem>>) target_semaphore(%arg14 : memref<!tpu.dma_semaphore, #tpu.memory_space<semaphore_mem>>)
      %mul3A_668 = arith.constant 25 : i32
      %mul3A_669 = arith.muli %scan3A_259, %mul3A_668 : i32
      %add3A_670 = arith.constant 24 : i32
      %add3A_671 = arith.addi %mul3A_669, %add3A_670 : i32
      %add3A_672 = arith.constant 320000 : i32
      %add3A_673 = arith.addi %add3A_672, %mul3A_205 : i32
      %mul3A_674 = arith.constant 80 : i32
      %mul3A_675 = arith.muli %add3A_671, %mul3A_674 : i32
      %add3A_676 = arith.addi %add3A_673, %mul3A_675 : i32
      %dma_start3A_677 = arith.constant 0 : i32
      %dma_start3A_678 = tpu.memref_slice %arg7[%add3A_671, %dma_start3A_677] : memref<125x80xi32, #tpu.memory_space<vmem>> -> memref<1x80xi32, #tpu.memory_space<vmem>>
      %dma_start3A_679 = tpu.memref_squeeze %dma_start3A_678 : memref<1x80xi32, #tpu.memory_space<vmem>> -> memref<80xi32, #tpu.memory_space<vmem>>
      %dma_start3A_680 = tpu.memref_slice %arg3[%add3A_676] : memref<640000xi32, #tpu.memory_space<hbm>> -> memref<80xi32, #tpu.memory_space<hbm>>
      %dma_start3A_681 = arith.constant 0 : i32
      %dma_start3A_682 = tpu.memref_slice %arg7[%add3A_671, %dma_start3A_681] : memref<125x80xi32, #tpu.memory_space<vmem>> -> memref<1x80xi32, #tpu.memory_space<vmem>>
      %dma_start3A_683 = tpu.memref_squeeze %dma_start3A_682 : memref<1x80xi32, #tpu.memory_space<vmem>> -> memref<80xi32, #tpu.memory_space<vmem>>
      %dma_start3A_684 = tpu.memref_slice %arg3[%add3A_676] : memref<640000xi32, #tpu.memory_space<hbm>> -> memref<80xi32, #tpu.memory_space<hbm>>
      tpu.enqueue_dma source(%dma_start3A_684 : memref<80xi32, #tpu.memory_space<hbm>>) target(%dma_start3A_683 : memref<80xi32, #tpu.memory_space<vmem>>) target_semaphore(%arg14 : memref<!tpu.dma_semaphore, #tpu.memory_space<semaphore_mem>>)
      %add3A_685 = arith.constant 320000 : i32
      %add3A_686 = arith.addi %add3A_685, %mul3A_205 : i32
      %add3A_687 = arith.constant 0 : i32
      %add3A_688 = arith.addi %add3A_686, %add3A_687 : i32
      %dma_wait3A_689 = arith.constant 0 : i32
      %dma_wait3A_690 = arith.constant 0 : i32
      %dma_wait3A_691 = tpu.memref_slice %arg7[%dma_wait3A_689, %dma_wait3A_690] : memref<125x80xi32, #tpu.memory_space<vmem>> -> memref<1x80xi32, #tpu.memory_space<vmem>>
      %dma_wait3A_692 = tpu.memref_squeeze %dma_wait3A_691 : memref<1x80xi32, #tpu.memory_space<vmem>> -> memref<80xi32, #tpu.memory_space<vmem>>
      %dma_wait3A_693 = tpu.memref_slice %arg3[%add3A_688] : memref<640000xi32, #tpu.memory_space<hbm>> -> memref<80xi32, #tpu.memory_space<hbm>>
      %dma_wait3A_694 = arith.constant 0 : i32
      %dma_wait3A_695 = tpu.memref_slice %arg7[%dma_wait3A_689, %dma_wait3A_694] : memref<125x80xi32, #tpu.memory_space<vmem>> -> memref<1x80xi32, #tpu.memory_space<vmem>>
      %dma_wait3A_696 = tpu.memref_squeeze %dma_wait3A_695 : memref<1x80xi32, #tpu.memory_space<vmem>> -> memref<80xi32, #tpu.memory_space<vmem>>
      %dma_wait3A_697 = tpu.memref_slice %arg3[%add3A_688] : memref<640000xi32, #tpu.memory_space<hbm>> -> memref<80xi32, #tpu.memory_space<hbm>>
      tpu.wait_dma2 semaphore(%arg14 : memref<!tpu.dma_semaphore, #tpu.memory_space<semaphore_mem>>) src(%dma_wait3A_697 : memref<80xi32, #tpu.memory_space<hbm>>) dst(%dma_wait3A_696 : memref<80xi32, #tpu.memory_space<vmem>>)
      %add3A_698 = arith.constant 320000 : i32
      %add3A_699 = arith.addi %add3A_698, %mul3A_205 : i32
      %add3A_700 = arith.constant 80 : i32
      %add3A_701 = arith.addi %add3A_699, %add3A_700 : i32
      %dma_wait3A_702 = arith.constant 1 : i32
      %dma_wait3A_703 = arith.constant 0 : i32
      %dma_wait3A_704 = tpu.memref_slice %arg7[%dma_wait3A_702, %dma_wait3A_703] : memref<125x80xi32, #tpu.memory_space<vmem>> -> memref<1x80xi32, #tpu.memory_space<vmem>>
      %dma_wait3A_705 = tpu.memref_squeeze %dma_wait3A_704 : memref<1x80xi32, #tpu.memory_space<vmem>> -> memref<80xi32, #tpu.memory_space<vmem>>
      %dma_wait3A_706 = tpu.memref_slice %arg3[%add3A_701] : memref<640000xi32, #tpu.memory_space<hbm>> -> memref<80xi32, #tpu.memory_space<hbm>>
      %dma_wait3A_707 = arith.constant 0 : i32
      %dma_wait3A_708 = tpu.memref_slice %arg7[%dma_wait3A_702, %dma_wait3A_707] : memref<125x80xi32, #tpu.memory_space<vmem>> -> memref<1x80xi32, #tpu.memory_space<vmem>>
      %dma_wait3A_709 = tpu.memref_squeeze %dma_wait3A_708 : memref<1x80xi32, #tpu.memory_space<vmem>> -> memref<80xi32, #tpu.memory_space<vmem>>
      %dma_wait3A_710 = tpu.memref_slice %arg3[%add3A_701] : memref<640000xi32, #tpu.memory_space<hbm>> -> memref<80xi32, #tpu.memory_space<hbm>>
      tpu.wait_dma2 semaphore(%arg14 : memref<!tpu.dma_semaphore, #tpu.memory_space<semaphore_mem>>) src(%dma_wait3A_710 : memref<80xi32, #tpu.memory_space<hbm>>) dst(%dma_wait3A_709 : memref<80xi32, #tpu.memory_space<vmem>>)
      %add3A_711 = arith.constant 320000 : i32
      %add3A_712 = arith.addi %add3A_711, %mul3A_205 : i32
      %add3A_713 = arith.constant 160 : i32
      %add3A_714 = arith.addi %add3A_712, %add3A_713 : i32
      %dma_wait3A_715 = arith.constant 2 : i32
      %dma_wait3A_716 = arith.constant 0 : i32
      %dma_wait3A_717 = tpu.memref_slice %arg7[%dma_wait3A_715, %dma_wait3A_716] : memref<125x80xi32, #tpu.memory_space<vmem>> -> memref<1x80xi32, #tpu.memory_space<vmem>>
      %dma_wait3A_718 = tpu.memref_squeeze %dma_wait3A_717 : memref<1x80xi32, #tpu.memory_space<vmem>> -> memref<80xi32, #tpu.memory_space<vmem>>
      %dma_wait3A_719 = tpu.memref_slice %arg3[%add3A_714] : memref<640000xi32, #tpu.memory_space<hbm>> -> memref<80xi32, #tpu.memory_space<hbm>>
      %dma_wait3A_720 = arith.constant 0 : i32
      %dma_wait3A_721 = tpu.memref_slice %arg7[%dma_wait3A_715, %dma_wait3A_720] : memref<125x80xi32, #tpu.memory_space<vmem>> -> memref<1x80xi32, #tpu.memory_space<vmem>>
      %dma_wait3A_722 = tpu.memref_squeeze %dma_wait3A_721 : memref<1x80xi32, #tpu.memory_space<vmem>> -> memref<80xi32, #tpu.memory_space<vmem>>
      %dma_wait3A_723 = tpu.memref_slice %arg3[%add3A_714] : memref<640000xi32, #tpu.memory_space<hbm>> -> memref<80xi32, #tpu.memory_space<hbm>>
      tpu.wait_dma2 semaphore(%arg14 : memref<!tpu.dma_semaphore, #tpu.memory_space<semaphore_mem>>) src(%dma_wait3A_723 : memref<80xi32, #tpu.memory_space<hbm>>) dst(%dma_wait3A_722 : memref<80xi32, #tpu.memory_space<vmem>>)
      %add3A_724 = arith.constant 320000 : i32
      %add3A_725 = arith.addi %add3A_724, %mul3A_205 : i32
      %add3A_726 = arith.constant 240 : i32
      %add3A_727 = arith.addi %add3A_725, %add3A_726 : i32
      %dma_wait3A_728 = arith.constant 3 : i32
      %dma_wait3A_729 = arith.constant 0 : i32
      %dma_wait3A_730 = tpu.memref_slice %arg7[%dma_wait3A_728, %dma_wait3A_729] : memref<125x80xi32, #tpu.memory_space<vmem>> -> memref<1x80xi32, #tpu.memory_space<vmem>>
      %dma_wait3A_731 = tpu.memref_squeeze %dma_wait3A_730 : memref<1x80xi32, #tpu.memory_space<vmem>> -> memref<80xi32, #tpu.memory_space<vmem>>
      %dma_wait3A_732 = tpu.memref_slice %arg3[%add3A_727] : memref<640000xi32, #tpu.memory_space<hbm>> -> memref<80xi32, #tpu.memory_space<hbm>>
      %dma_wait3A_733 = arith.constant 0 : i32
      %dma_wait3A_734 = tpu.memref_slice %arg7[%dma_wait3A_728, %dma_wait3A_733] : memref<125x80xi32, #tpu.memory_space<vmem>> -> memref<1x80xi32, #tpu.memory_space<vmem>>
      %dma_wait3A_735 = tpu.memref_squeeze %dma_wait3A_734 : memref<1x80xi32, #tpu.memory_space<vmem>> -> memref<80xi32, #tpu.memory_space<vmem>>
      %dma_wait3A_736 = tpu.memref_slice %arg3[%add3A_727] : memref<640000xi32, #tpu.memory_space<hbm>> -> memref<80xi32, #tpu.memory_space<hbm>>
      tpu.wait_dma2 semaphore(%arg14 : memref<!tpu.dma_semaphore, #tpu.memory_space<semaphore_mem>>) src(%dma_wait3A_736 : memref<80xi32, #tpu.memory_space<hbm>>) dst(%dma_wait3A_735 : memref<80xi32, #tpu.memory_space<vmem>>)
      %add3A_737 = arith.constant 320000 : i32
      %add3A_738 = arith.addi %add3A_737, %mul3A_205 : i32
      %add3A_739 = arith.constant 320 : i32
      %add3A_740 = arith.addi %add3A_738, %add3A_739 : i32
      %dma_wait3A_741 = arith.constant 4 : i32
      %dma_wait3A_742 = arith.constant 0 : i32
      %dma_wait3A_743 = tpu.memref_slice %arg7[%dma_wait3A_741, %dma_wait3A_742] : memref<125x80xi32, #tpu.memory_space<vmem>> -> memref<1x80xi32, #tpu.memory_space<vmem>>
      %dma_wait3A_744 = tpu.memref_squeeze %dma_wait3A_743 : memref<1x80xi32, #tpu.memory_space<vmem>> -> memref<80xi32, #tpu.memory_space<vmem>>
      %dma_wait3A_745 = tpu.memref_slice %arg3[%add3A_740] : memref<640000xi32, #tpu.memory_space<hbm>> -> memref<80xi32, #tpu.memory_space<hbm>>
      %dma_wait3A_746 = arith.constant 0 : i32
      %dma_wait3A_747 = tpu.memref_slice %arg7[%dma_wait3A_741, %dma_wait3A_746] : memref<125x80xi32, #tpu.memory_space<vmem>> -> memref<1x80xi32, #tpu.memory_space<vmem>>
      %dma_wait3A_748 = tpu.memref_squeeze %dma_wait3A_747 : memref<1x80xi32, #tpu.memory_space<vmem>> -> memref<80xi32, #tpu.memory_space<vmem>>
      %dma_wait3A_749 = tpu.memref_slice %arg3[%add3A_740] : memref<640000xi32, #tpu.memory_space<hbm>> -> memref<80xi32, #tpu.memory_space<hbm>>
      tpu.wait_dma2 semaphore(%arg14 : memref<!tpu.dma_semaphore, #tpu.memory_space<semaphore_mem>>) src(%dma_wait3A_749 : memref<80xi32, #tpu.memory_space<hbm>>) dst(%dma_wait3A_748 : memref<80xi32, #tpu.memory_space<vmem>>)
      %add3A_750 = arith.constant 320000 : i32
      %add3A_751 = arith.addi %add3A_750, %mul3A_205 : i32
      %add3A_752 = arith.constant 400 : i32
      %add3A_753 = arith.addi %add3A_751, %add3A_752 : i32
      %dma_wait3A_754 = arith.constant 5 : i32
      %dma_wait3A_755 = arith.constant 0 : i32
      %dma_wait3A_756 = tpu.memref_slice %arg7[%dma_wait3A_754, %dma_wait3A_755] : memref<125x80xi32, #tpu.memory_space<vmem>> -> memref<1x80xi32, #tpu.memory_space<vmem>>
      %dma_wait3A_757 = tpu.memref_squeeze %dma_wait3A_756 : memref<1x80xi32, #tpu.memory_space<vmem>> -> memref<80xi32, #tpu.memory_space<vmem>>
      %dma_wait3A_758 = tpu.memref_slice %arg3[%add3A_753] : memref<640000xi32, #tpu.memory_space<hbm>> -> memref<80xi32, #tpu.memory_space<hbm>>
      %dma_wait3A_759 = arith.constant 0 : i32
      %dma_wait3A_760 = tpu.memref_slice %arg7[%dma_wait3A_754, %dma_wait3A_759] : memref<125x80xi32, #tpu.memory_space<vmem>> -> memref<1x80xi32, #tpu.memory_space<vmem>>
      %dma_wait3A_761 = tpu.memref_squeeze %dma_wait3A_760 : memref<1x80xi32, #tpu.memory_space<vmem>> -> memref<80xi32, #tpu.memory_space<vmem>>
      %dma_wait3A_762 = tpu.memref_slice %arg3[%add3A_753] : memref<640000xi32, #tpu.memory_space<hbm>> -> memref<80xi32, #tpu.memory_space<hbm>>
      tpu.wait_dma2 semaphore(%arg14 : memref<!tpu.dma_semaphore, #tpu.memory_space<semaphore_mem>>) src(%dma_wait3A_762 : memref<80xi32, #tpu.memory_space<hbm>>) dst(%dma_wait3A_761 : memref<80xi32, #tpu.memory_space<vmem>>)
      %add3A_763 = arith.constant 320000 : i32
      %add3A_764 = arith.addi %add3A_763, %mul3A_205 : i32
      %add3A_765 = arith.constant 480 : i32
      %add3A_766 = arith.addi %add3A_764, %add3A_765 : i32
      %dma_wait3A_767 = arith.constant 6 : i32
      %dma_wait3A_768 = arith.constant 0 : i32
      %dma_wait3A_769 = tpu.memref_slice %arg7[%dma_wait3A_767, %dma_wait3A_768] : memref<125x80xi32, #tpu.memory_space<vmem>> -> memref<1x80xi32, #tpu.memory_space<vmem>>
      %dma_wait3A_770 = tpu.memref_squeeze %dma_wait3A_769 : memref<1x80xi32, #tpu.memory_space<vmem>> -> memref<80xi32, #tpu.memory_space<vmem>>
      %dma_wait3A_771 = tpu.memref_slice %arg3[%add3A_766] : memref<640000xi32, #tpu.memory_space<hbm>> -> memref<80xi32, #tpu.memory_space<hbm>>
      %dma_wait3A_772 = arith.constant 0 : i32
      %dma_wait3A_773 = tpu.memref_slice %arg7[%dma_wait3A_767, %dma_wait3A_772] : memref<125x80xi32, #tpu.memory_space<vmem>> -> memref<1x80xi32, #tpu.memory_space<vmem>>
      %dma_wait3A_774 = tpu.memref_squeeze %dma_wait3A_773 : memref<1x80xi32, #tpu.memory_space<vmem>> -> memref<80xi32, #tpu.memory_space<vmem>>
      %dma_wait3A_775 = tpu.memref_slice %arg3[%add3A_766] : memref<640000xi32, #tpu.memory_space<hbm>> -> memref<80xi32, #tpu.memory_space<hbm>>
      tpu.wait_dma2 semaphore(%arg14 : memref<!tpu.dma_semaphore, #tpu.memory_space<semaphore_mem>>) src(%dma_wait3A_775 : memref<80xi32, #tpu.memory_space<hbm>>) dst(%dma_wait3A_774 : memref<80xi32, #tpu.memory_space<vmem>>)
      %add3A_776 = arith.constant 320000 : i32
      %add3A_777 = arith.addi %add3A_776, %mul3A_205 : i32
      %add3A_778 = arith.constant 560 : i32
      %add3A_779 = arith.addi %add3A_777, %add3A_778 : i32
      %dma_wait3A_780 = arith.constant 7 : i32
      %dma_wait3A_781 = arith.constant 0 : i32
      %dma_wait3A_782 = tpu.memref_slice %arg7[%dma_wait3A_780, %dma_wait3A_781] : memref<125x80xi32, #tpu.memory_space<vmem>> -> memref<1x80xi32, #tpu.memory_space<vmem>>
      %dma_wait3A_783 = tpu.memref_squeeze %dma_wait3A_782 : memref<1x80xi32, #tpu.memory_space<vmem>> -> memref<80xi32, #tpu.memory_space<vmem>>
      %dma_wait3A_784 = tpu.memref_slice %arg3[%add3A_779] : memref<640000xi32, #tpu.memory_space<hbm>> -> memref<80xi32, #tpu.memory_space<hbm>>
      %dma_wait3A_785 = arith.constant 0 : i32
      %dma_wait3A_786 = tpu.memref_slice %arg7[%dma_wait3A_780, %dma_wait3A_785] : memref<125x80xi32, #tpu.memory_space<vmem>> -> memref<1x80xi32, #tpu.memory_space<vmem>>
      %dma_wait3A_787 = tpu.memref_squeeze %dma_wait3A_786 : memref<1x80xi32, #tpu.memory_space<vmem>> -> memref<80xi32, #tpu.memory_space<vmem>>
      %dma_wait3A_788 = tpu.memref_slice %arg3[%add3A_779] : memref<640000xi32, #tpu.memory_space<hbm>> -> memref<80xi32, #tpu.memory_space<hbm>>
      tpu.wait_dma2 semaphore(%arg14 : memref<!tpu.dma_semaphore, #tpu.memory_space<semaphore_mem>>) src(%dma_wait3A_788 : memref<80xi32, #tpu.memory_space<hbm>>) dst(%dma_wait3A_787 : memref<80xi32, #tpu.memory_space<vmem>>)
      %add3A_789 = arith.constant 320000 : i32
      %add3A_790 = arith.addi %add3A_789, %mul3A_205 : i32
      %add3A_791 = arith.constant 640 : i32
      %add3A_792 = arith.addi %add3A_790, %add3A_791 : i32
      %dma_wait3A_793 = arith.constant 8 : i32
      %dma_wait3A_794 = arith.constant 0 : i32
      %dma_wait3A_795 = tpu.memref_slice %arg7[%dma_wait3A_793, %dma_wait3A_794] : memref<125x80xi32, #tpu.memory_space<vmem>> -> memref<1x80xi32, #tpu.memory_space<vmem>>
      %dma_wait3A_796 = tpu.memref_squeeze %dma_wait3A_795 : memref<1x80xi32, #tpu.memory_space<vmem>> -> memref<80xi32, #tpu.memory_space<vmem>>
      %dma_wait3A_797 = tpu.memref_slice %arg3[%add3A_792] : memref<640000xi32, #tpu.memory_space<hbm>> -> memref<80xi32, #tpu.memory_space<hbm>>
      %dma_wait3A_798 = arith.constant 0 : i32
      %dma_wait3A_799 = tpu.memref_slice %arg7[%dma_wait3A_793, %dma_wait3A_798] : memref<125x80xi32, #tpu.memory_space<vmem>> -> memref<1x80xi32, #tpu.memory_space<vmem>>
      %dma_wait3A_800 = tpu.memref_squeeze %dma_wait3A_799 : memref<1x80xi32, #tpu.memory_space<vmem>> -> memref<80xi32, #tpu.memory_space<vmem>>
      %dma_wait3A_801 = tpu.memref_slice %arg3[%add3A_792] : memref<640000xi32, #tpu.memory_space<hbm>> -> memref<80xi32, #tpu.memory_space<hbm>>
      tpu.wait_dma2 semaphore(%arg14 : memref<!tpu.dma_semaphore, #tpu.memory_space<semaphore_mem>>) src(%dma_wait3A_801 : memref<80xi32, #tpu.memory_space<hbm>>) dst(%dma_wait3A_800 : memref<80xi32, #tpu.memory_space<vmem>>)
      %add3A_802 = arith.constant 320000 : i32
      %add3A_803 = arith.addi %add3A_802, %mul3A_205 : i32
      %add3A_804 = arith.constant 720 : i32
      %add3A_805 = arith.addi %add3A_803, %add3A_804 : i32
      %dma_wait3A_806 = arith.constant 9 : i32
      %dma_wait3A_807 = arith.constant 0 : i32
      %dma_wait3A_808 = tpu.memref_slice %arg7[%dma_wait3A_806, %dma_wait3A_807] : memref<125x80xi32, #tpu.memory_space<vmem>> -> memref<1x80xi32, #tpu.memory_space<vmem>>
      %dma_wait3A_809 = tpu.memref_squeeze %dma_wait3A_808 : memref<1x80xi32, #tpu.memory_space<vmem>> -> memref<80xi32, #tpu.memory_space<vmem>>
      %dma_wait3A_810 = tpu.memref_slice %arg3[%add3A_805] : memref<640000xi32, #tpu.memory_space<hbm>> -> memref<80xi32, #tpu.memory_space<hbm>>
      %dma_wait3A_811 = arith.constant 0 : i32
      %dma_wait3A_812 = tpu.memref_slice %arg7[%dma_wait3A_806, %dma_wait3A_811] : memref<125x80xi32, #tpu.memory_space<vmem>> -> memref<1x80xi32, #tpu.memory_space<vmem>>
      %dma_wait3A_813 = tpu.memref_squeeze %dma_wait3A_812 : memref<1x80xi32, #tpu.memory_space<vmem>> -> memref<80xi32, #tpu.memory_space<vmem>>
      %dma_wait3A_814 = tpu.memref_slice %arg3[%add3A_805] : memref<640000xi32, #tpu.memory_space<hbm>> -> memref<80xi32, #tpu.memory_space<hbm>>
      tpu.wait_dma2 semaphore(%arg14 : memref<!tpu.dma_semaphore, #tpu.memory_space<semaphore_mem>>) src(%dma_wait3A_814 : memref<80xi32, #tpu.memory_space<hbm>>) dst(%dma_wait3A_813 : memref<80xi32, #tpu.memory_space<vmem>>)
      %add3A_815 = arith.constant 320000 : i32
      %add3A_816 = arith.addi %add3A_815, %mul3A_205 : i32
      %add3A_817 = arith.constant 800 : i32
      %add3A_818 = arith.addi %add3A_816, %add3A_817 : i32
      %dma_wait3A_819 = arith.constant 10 : i32
      %dma_wait3A_820 = arith.constant 0 : i32
      %dma_wait3A_821 = tpu.memref_slice %arg7[%dma_wait3A_819, %dma_wait3A_820] : memref<125x80xi32, #tpu.memory_space<vmem>> -> memref<1x80xi32, #tpu.memory_space<vmem>>
      %dma_wait3A_822 = tpu.memref_squeeze %dma_wait3A_821 : memref<1x80xi32, #tpu.memory_space<vmem>> -> memref<80xi32, #tpu.memory_space<vmem>>
      %dma_wait3A_823 = tpu.memref_slice %arg3[%add3A_818] : memref<640000xi32, #tpu.memory_space<hbm>> -> memref<80xi32, #tpu.memory_space<hbm>>
      %dma_wait3A_824 = arith.constant 0 : i32
      %dma_wait3A_825 = tpu.memref_slice %arg7[%dma_wait3A_819, %dma_wait3A_824] : memref<125x80xi32, #tpu.memory_space<vmem>> -> memref<1x80xi32, #tpu.memory_space<vmem>>
      %dma_wait3A_826 = tpu.memref_squeeze %dma_wait3A_825 : memref<1x80xi32, #tpu.memory_space<vmem>> -> memref<80xi32, #tpu.memory_space<vmem>>
      %dma_wait3A_827 = tpu.memref_slice %arg3[%add3A_818] : memref<640000xi32, #tpu.memory_space<hbm>> -> memref<80xi32, #tpu.memory_space<hbm>>
      tpu.wait_dma2 semaphore(%arg14 : memref<!tpu.dma_semaphore, #tpu.memory_space<semaphore_mem>>) src(%dma_wait3A_827 : memref<80xi32, #tpu.memory_space<hbm>>) dst(%dma_wait3A_826 : memref<80xi32, #tpu.memory_space<vmem>>)
      %add3A_828 = arith.constant 320000 : i32
      %add3A_829 = arith.addi %add3A_828, %mul3A_205 : i32
      %add3A_830 = arith.constant 880 : i32
      %add3A_831 = arith.addi %add3A_829, %add3A_830 : i32
      %dma_wait3A_832 = arith.constant 11 : i32
      %dma_wait3A_833 = arith.constant 0 : i32
      %dma_wait3A_834 = tpu.memref_slice %arg7[%dma_wait3A_832, %dma_wait3A_833] : memref<125x80xi32, #tpu.memory_space<vmem>> -> memref<1x80xi32, #tpu.memory_space<vmem>>
      %dma_wait3A_835 = tpu.memref_squeeze %dma_wait3A_834 : memref<1x80xi32, #tpu.memory_space<vmem>> -> memref<80xi32, #tpu.memory_space<vmem>>
      %dma_wait3A_836 = tpu.memref_slice %arg3[%add3A_831] : memref<640000xi32, #tpu.memory_space<hbm>> -> memref<80xi32, #tpu.memory_space<hbm>>
      %dma_wait3A_837 = arith.constant 0 : i32
      %dma_wait3A_838 = tpu.memref_slice %arg7[%dma_wait3A_832, %dma_wait3A_837] : memref<125x80xi32, #tpu.memory_space<vmem>> -> memref<1x80xi32, #tpu.memory_space<vmem>>
      %dma_wait3A_839 = tpu.memref_squeeze %dma_wait3A_838 : memref<1x80xi32, #tpu.memory_space<vmem>> -> memref<80xi32, #tpu.memory_space<vmem>>
      %dma_wait3A_840 = tpu.memref_slice %arg3[%add3A_831] : memref<640000xi32, #tpu.memory_space<hbm>> -> memref<80xi32, #tpu.memory_space<hbm>>
      tpu.wait_dma2 semaphore(%arg14 : memref<!tpu.dma_semaphore, #tpu.memory_space<semaphore_mem>>) src(%dma_wait3A_840 : memref<80xi32, #tpu.memory_space<hbm>>) dst(%dma_wait3A_839 : memref<80xi32, #tpu.memory_space<vmem>>)
      %add3A_841 = arith.constant 320000 : i32
      %add3A_842 = arith.addi %add3A_841, %mul3A_205 : i32
      %add3A_843 = arith.constant 960 : i32
      %add3A_844 = arith.addi %add3A_842, %add3A_843 : i32
      %dma_wait3A_845 = arith.constant 12 : i32
      %dma_wait3A_846 = arith.constant 0 : i32
      %dma_wait3A_847 = tpu.memref_slice %arg7[%dma_wait3A_845, %dma_wait3A_846] : memref<125x80xi32, #tpu.memory_space<vmem>> -> memref<1x80xi32, #tpu.memory_space<vmem>>
      %dma_wait3A_848 = tpu.memref_squeeze %dma_wait3A_847 : memref<1x80xi32, #tpu.memory_space<vmem>> -> memref<80xi32, #tpu.memory_space<vmem>>
      %dma_wait3A_849 = tpu.memref_slice %arg3[%add3A_844] : memref<640000xi32, #tpu.memory_space<hbm>> -> memref<80xi32, #tpu.memory_space<hbm>>
      %dma_wait3A_850 = arith.constant 0 : i32
      %dma_wait3A_851 = tpu.memref_slice %arg7[%dma_wait3A_845, %dma_wait3A_850] : memref<125x80xi32, #tpu.memory_space<vmem>> -> memref<1x80xi32, #tpu.memory_space<vmem>>
      %dma_wait3A_852 = tpu.memref_squeeze %dma_wait3A_851 : memref<1x80xi32, #tpu.memory_space<vmem>> -> memref<80xi32, #tpu.memory_space<vmem>>
      %dma_wait3A_853 = tpu.memref_slice %arg3[%add3A_844] : memref<640000xi32, #tpu.memory_space<hbm>> -> memref<80xi32, #tpu.memory_space<hbm>>
      tpu.wait_dma2 semaphore(%arg14 : memref<!tpu.dma_semaphore, #tpu.memory_space<semaphore_mem>>) src(%dma_wait3A_853 : memref<80xi32, #tpu.memory_space<hbm>>) dst(%dma_wait3A_852 : memref<80xi32, #tpu.memory_space<vmem>>)
      %add3A_854 = arith.constant 320000 : i32
      %add3A_855 = arith.addi %add3A_854, %mul3A_205 : i32
      %add3A_856 = arith.constant 1040 : i32
      %add3A_857 = arith.addi %add3A_855, %add3A_856 : i32
      %dma_wait3A_858 = arith.constant 13 : i32
      %dma_wait3A_859 = arith.constant 0 : i32
      %dma_wait3A_860 = tpu.memref_slice %arg7[%dma_wait3A_858, %dma_wait3A_859] : memref<125x80xi32, #tpu.memory_space<vmem>> -> memref<1x80xi32, #tpu.memory_space<vmem>>
      %dma_wait3A_861 = tpu.memref_squeeze %dma_wait3A_860 : memref<1x80xi32, #tpu.memory_space<vmem>> -> memref<80xi32, #tpu.memory_space<vmem>>
      %dma_wait3A_862 = tpu.memref_slice %arg3[%add3A_857] : memref<640000xi32, #tpu.memory_space<hbm>> -> memref<80xi32, #tpu.memory_space<hbm>>
      %dma_wait3A_863 = arith.constant 0 : i32
      %dma_wait3A_864 = tpu.memref_slice %arg7[%dma_wait3A_858, %dma_wait3A_863] : memref<125x80xi32, #tpu.memory_space<vmem>> -> memref<1x80xi32, #tpu.memory_space<vmem>>
      %dma_wait3A_865 = tpu.memref_squeeze %dma_wait3A_864 : memref<1x80xi32, #tpu.memory_space<vmem>> -> memref<80xi32, #tpu.memory_space<vmem>>
      %dma_wait3A_866 = tpu.memref_slice %arg3[%add3A_857] : memref<640000xi32, #tpu.memory_space<hbm>> -> memref<80xi32, #tpu.memory_space<hbm>>
      tpu.wait_dma2 semaphore(%arg14 : memref<!tpu.dma_semaphore, #tpu.memory_space<semaphore_mem>>) src(%dma_wait3A_866 : memref<80xi32, #tpu.memory_space<hbm>>) dst(%dma_wait3A_865 : memref<80xi32, #tpu.memory_space<vmem>>)
      %add3A_867 = arith.constant 320000 : i32
      %add3A_868 = arith.addi %add3A_867, %mul3A_205 : i32
      %add3A_869 = arith.constant 1120 : i32
      %add3A_870 = arith.addi %add3A_868, %add3A_869 : i32
      %dma_wait3A_871 = arith.constant 14 : i32
      %dma_wait3A_872 = arith.constant 0 : i32
      %dma_wait3A_873 = tpu.memref_slice %arg7[%dma_wait3A_871, %dma_wait3A_872] : memref<125x80xi32, #tpu.memory_space<vmem>> -> memref<1x80xi32, #tpu.memory_space<vmem>>
      %dma_wait3A_874 = tpu.memref_squeeze %dma_wait3A_873 : memref<1x80xi32, #tpu.memory_space<vmem>> -> memref<80xi32, #tpu.memory_space<vmem>>
      %dma_wait3A_875 = tpu.memref_slice %arg3[%add3A_870] : memref<640000xi32, #tpu.memory_space<hbm>> -> memref<80xi32, #tpu.memory_space<hbm>>
      %dma_wait3A_876 = arith.constant 0 : i32
      %dma_wait3A_877 = tpu.memref_slice %arg7[%dma_wait3A_871, %dma_wait3A_876] : memref<125x80xi32, #tpu.memory_space<vmem>> -> memref<1x80xi32, #tpu.memory_space<vmem>>
      %dma_wait3A_878 = tpu.memref_squeeze %dma_wait3A_877 : memref<1x80xi32, #tpu.memory_space<vmem>> -> memref<80xi32, #tpu.memory_space<vmem>>
      %dma_wait3A_879 = tpu.memref_slice %arg3[%add3A_870] : memref<640000xi32, #tpu.memory_space<hbm>> -> memref<80xi32, #tpu.memory_space<hbm>>
      tpu.wait_dma2 semaphore(%arg14 : memref<!tpu.dma_semaphore, #tpu.memory_space<semaphore_mem>>) src(%dma_wait3A_879 : memref<80xi32, #tpu.memory_space<hbm>>) dst(%dma_wait3A_878 : memref<80xi32, #tpu.memory_space<vmem>>)
      %add3A_880 = arith.constant 320000 : i32
      %add3A_881 = arith.addi %add3A_880, %mul3A_205 : i32
      %add3A_882 = arith.constant 1200 : i32
      %add3A_883 = arith.addi %add3A_881, %add3A_882 : i32
      %dma_wait3A_884 = arith.constant 15 : i32
      %dma_wait3A_885 = arith.constant 0 : i32
      %dma_wait3A_886 = tpu.memref_slice %arg7[%dma_wait3A_884, %dma_wait3A_885] : memref<125x80xi32, #tpu.memory_space<vmem>> -> memref<1x80xi32, #tpu.memory_space<vmem>>
      %dma_wait3A_887 = tpu.memref_squeeze %dma_wait3A_886 : memref<1x80xi32, #tpu.memory_space<vmem>> -> memref<80xi32, #tpu.memory_space<vmem>>
      %dma_wait3A_888 = tpu.memref_slice %arg3[%add3A_883] : memref<640000xi32, #tpu.memory_space<hbm>> -> memref<80xi32, #tpu.memory_space<hbm>>
      %dma_wait3A_889 = arith.constant 0 : i32
      %dma_wait3A_890 = tpu.memref_slice %arg7[%dma_wait3A_884, %dma_wait3A_889] : memref<125x80xi32, #tpu.memory_space<vmem>> -> memref<1x80xi32, #tpu.memory_space<vmem>>
      %dma_wait3A_891 = tpu.memref_squeeze %dma_wait3A_890 : memref<1x80xi32, #tpu.memory_space<vmem>> -> memref<80xi32, #tpu.memory_space<vmem>>
      %dma_wait3A_892 = tpu.memref_slice %arg3[%add3A_883] : memref<640000xi32, #tpu.memory_space<hbm>> -> memref<80xi32, #tpu.memory_space<hbm>>
      tpu.wait_dma2 semaphore(%arg14 : memref<!tpu.dma_semaphore, #tpu.memory_space<semaphore_mem>>) src(%dma_wait3A_892 : memref<80xi32, #tpu.memory_space<hbm>>) dst(%dma_wait3A_891 : memref<80xi32, #tpu.memory_space<vmem>>)
      %add3A_893 = arith.constant 320000 : i32
      %add3A_894 = arith.addi %add3A_893, %mul3A_205 : i32
      %add3A_895 = arith.constant 1280 : i32
      %add3A_896 = arith.addi %add3A_894, %add3A_895 : i32
      %dma_wait3A_897 = arith.constant 16 : i32
      %dma_wait3A_898 = arith.constant 0 : i32
      %dma_wait3A_899 = tpu.memref_slice %arg7[%dma_wait3A_897, %dma_wait3A_898] : memref<125x80xi32, #tpu.memory_space<vmem>> -> memref<1x80xi32, #tpu.memory_space<vmem>>
      %dma_wait3A_900 = tpu.memref_squeeze %dma_wait3A_899 : memref<1x80xi32, #tpu.memory_space<vmem>> -> memref<80xi32, #tpu.memory_space<vmem>>
      %dma_wait3A_901 = tpu.memref_slice %arg3[%add3A_896] : memref<640000xi32, #tpu.memory_space<hbm>> -> memref<80xi32, #tpu.memory_space<hbm>>
      %dma_wait3A_902 = arith.constant 0 : i32
      %dma_wait3A_903 = tpu.memref_slice %arg7[%dma_wait3A_897, %dma_wait3A_902] : memref<125x80xi32, #tpu.memory_space<vmem>> -> memref<1x80xi32, #tpu.memory_space<vmem>>
      %dma_wait3A_904 = tpu.memref_squeeze %dma_wait3A_903 : memref<1x80xi32, #tpu.memory_space<vmem>> -> memref<80xi32, #tpu.memory_space<vmem>>
      %dma_wait3A_905 = tpu.memref_slice %arg3[%add3A_896] : memref<640000xi32, #tpu.memory_space<hbm>> -> memref<80xi32, #tpu.memory_space<hbm>>
      tpu.wait_dma2 semaphore(%arg14 : memref<!tpu.dma_semaphore, #tpu.memory_space<semaphore_mem>>) src(%dma_wait3A_905 : memref<80xi32, #tpu.memory_space<hbm>>) dst(%dma_wait3A_904 : memref<80xi32, #tpu.memory_space<vmem>>)
      %add3A_906 = arith.constant 320000 : i32
      %add3A_907 = arith.addi %add3A_906, %mul3A_205 : i32
      %add3A_908 = arith.constant 1360 : i32
      %add3A_909 = arith.addi %add3A_907, %add3A_908 : i32
      %dma_wait3A_910 = arith.constant 17 : i32
      %dma_wait3A_911 = arith.constant 0 : i32
      %dma_wait3A_912 = tpu.memref_slice %arg7[%dma_wait3A_910, %dma_wait3A_911] : memref<125x80xi32, #tpu.memory_space<vmem>> -> memref<1x80xi32, #tpu.memory_space<vmem>>
      %dma_wait3A_913 = tpu.memref_squeeze %dma_wait3A_912 : memref<1x80xi32, #tpu.memory_space<vmem>> -> memref<80xi32, #tpu.memory_space<vmem>>
      %dma_wait3A_914 = tpu.memref_slice %arg3[%add3A_909] : memref<640000xi32, #tpu.memory_space<hbm>> -> memref<80xi32, #tpu.memory_space<hbm>>
      %dma_wait3A_915 = arith.constant 0 : i32
      %dma_wait3A_916 = tpu.memref_slice %arg7[%dma_wait3A_910, %dma_wait3A_915] : memref<125x80xi32, #tpu.memory_space<vmem>> -> memref<1x80xi32, #tpu.memory_space<vmem>>
      %dma_wait3A_917 = tpu.memref_squeeze %dma_wait3A_916 : memref<1x80xi32, #tpu.memory_space<vmem>> -> memref<80xi32, #tpu.memory_space<vmem>>
      %dma_wait3A_918 = tpu.memref_slice %arg3[%add3A_909] : memref<640000xi32, #tpu.memory_space<hbm>> -> memref<80xi32, #tpu.memory_space<hbm>>
      tpu.wait_dma2 semaphore(%arg14 : memref<!tpu.dma_semaphore, #tpu.memory_space<semaphore_mem>>) src(%dma_wait3A_918 : memref<80xi32, #tpu.memory_space<hbm>>) dst(%dma_wait3A_917 : memref<80xi32, #tpu.memory_space<vmem>>)
      %add3A_919 = arith.constant 320000 : i32
      %add3A_920 = arith.addi %add3A_919, %mul3A_205 : i32
      %add3A_921 = arith.constant 1440 : i32
      %add3A_922 = arith.addi %add3A_920, %add3A_921 : i32
      %dma_wait3A_923 = arith.constant 18 : i32
      %dma_wait3A_924 = arith.constant 0 : i32
      %dma_wait3A_925 = tpu.memref_slice %arg7[%dma_wait3A_923, %dma_wait3A_924] : memref<125x80xi32, #tpu.memory_space<vmem>> -> memref<1x80xi32, #tpu.memory_space<vmem>>
      %dma_wait3A_926 = tpu.memref_squeeze %dma_wait3A_925 : memref<1x80xi32, #tpu.memory_space<vmem>> -> memref<80xi32, #tpu.memory_space<vmem>>
      %dma_wait3A_927 = tpu.memref_slice %arg3[%add3A_922] : memref<640000xi32, #tpu.memory_space<hbm>> -> memref<80xi32, #tpu.memory_space<hbm>>
      %dma_wait3A_928 = arith.constant 0 : i32
      %dma_wait3A_929 = tpu.memref_slice %arg7[%dma_wait3A_923, %dma_wait3A_928] : memref<125x80xi32, #tpu.memory_space<vmem>> -> memref<1x80xi32, #tpu.memory_space<vmem>>
      %dma_wait3A_930 = tpu.memref_squeeze %dma_wait3A_929 : memref<1x80xi32, #tpu.memory_space<vmem>> -> memref<80xi32, #tpu.memory_space<vmem>>
      %dma_wait3A_931 = tpu.memref_slice %arg3[%add3A_922] : memref<640000xi32, #tpu.memory_space<hbm>> -> memref<80xi32, #tpu.memory_space<hbm>>
      tpu.wait_dma2 semaphore(%arg14 : memref<!tpu.dma_semaphore, #tpu.memory_space<semaphore_mem>>) src(%dma_wait3A_931 : memref<80xi32, #tpu.memory_space<hbm>>) dst(%dma_wait3A_930 : memref<80xi32, #tpu.memory_space<vmem>>)
      %add3A_932 = arith.constant 320000 : i32
      %add3A_933 = arith.addi %add3A_932, %mul3A_205 : i32
      %add3A_934 = arith.constant 1520 : i32
      %add3A_935 = arith.addi %add3A_933, %add3A_934 : i32
      %dma_wait3A_936 = arith.constant 19 : i32
      %dma_wait3A_937 = arith.constant 0 : i32
      %dma_wait3A_938 = tpu.memref_slice %arg7[%dma_wait3A_936, %dma_wait3A_937] : memref<125x80xi32, #tpu.memory_space<vmem>> -> memref<1x80xi32, #tpu.memory_space<vmem>>
      %dma_wait3A_939 = tpu.memref_squeeze %dma_wait3A_938 : memref<1x80xi32, #tpu.memory_space<vmem>> -> memref<80xi32, #tpu.memory_space<vmem>>
      %dma_wait3A_940 = tpu.memref_slice %arg3[%add3A_935] : memref<640000xi32, #tpu.memory_space<hbm>> -> memref<80xi32, #tpu.memory_space<hbm>>
      %dma_wait3A_941 = arith.constant 0 : i32
      %dma_wait3A_942 = tpu.memref_slice %arg7[%dma_wait3A_936, %dma_wait3A_941] : memref<125x80xi32, #tpu.memory_space<vmem>> -> memref<1x80xi32, #tpu.memory_space<vmem>>
      %dma_wait3A_943 = tpu.memref_squeeze %dma_wait3A_942 : memref<1x80xi32, #tpu.memory_space<vmem>> -> memref<80xi32, #tpu.memory_space<vmem>>
      %dma_wait3A_944 = tpu.memref_slice %arg3[%add3A_935] : memref<640000xi32, #tpu.memory_space<hbm>> -> memref<80xi32, #tpu.memory_space<hbm>>
      tpu.wait_dma2 semaphore(%arg14 : memref<!tpu.dma_semaphore, #tpu.memory_space<semaphore_mem>>) src(%dma_wait3A_944 : memref<80xi32, #tpu.memory_space<hbm>>) dst(%dma_wait3A_943 : memref<80xi32, #tpu.memory_space<vmem>>)
      %add3A_945 = arith.constant 320000 : i32
      %add3A_946 = arith.addi %add3A_945, %mul3A_205 : i32
      %add3A_947 = arith.constant 1600 : i32
      %add3A_948 = arith.addi %add3A_946, %add3A_947 : i32
      %dma_wait3A_949 = arith.constant 20 : i32
      %dma_wait3A_950 = arith.constant 0 : i32
      %dma_wait3A_951 = tpu.memref_slice %arg7[%dma_wait3A_949, %dma_wait3A_950] : memref<125x80xi32, #tpu.memory_space<vmem>> -> memref<1x80xi32, #tpu.memory_space<vmem>>
      %dma_wait3A_952 = tpu.memref_squeeze %dma_wait3A_951 : memref<1x80xi32, #tpu.memory_space<vmem>> -> memref<80xi32, #tpu.memory_space<vmem>>
      %dma_wait3A_953 = tpu.memref_slice %arg3[%add3A_948] : memref<640000xi32, #tpu.memory_space<hbm>> -> memref<80xi32, #tpu.memory_space<hbm>>
      %dma_wait3A_954 = arith.constant 0 : i32
      %dma_wait3A_955 = tpu.memref_slice %arg7[%dma_wait3A_949, %dma_wait3A_954] : memref<125x80xi32, #tpu.memory_space<vmem>> -> memref<1x80xi32, #tpu.memory_space<vmem>>
      %dma_wait3A_956 = tpu.memref_squeeze %dma_wait3A_955 : memref<1x80xi32, #tpu.memory_space<vmem>> -> memref<80xi32, #tpu.memory_space<vmem>>
      %dma_wait3A_957 = tpu.memref_slice %arg3[%add3A_948] : memref<640000xi32, #tpu.memory_space<hbm>> -> memref<80xi32, #tpu.memory_space<hbm>>
      tpu.wait_dma2 semaphore(%arg14 : memref<!tpu.dma_semaphore, #tpu.memory_space<semaphore_mem>>) src(%dma_wait3A_957 : memref<80xi32, #tpu.memory_space<hbm>>) dst(%dma_wait3A_956 : memref<80xi32, #tpu.memory_space<vmem>>)
      %add3A_958 = arith.constant 320000 : i32
      %add3A_959 = arith.addi %add3A_958, %mul3A_205 : i32
      %add3A_960 = arith.constant 1680 : i32
      %add3A_961 = arith.addi %add3A_959, %add3A_960 : i32
      %dma_wait3A_962 = arith.constant 21 : i32
      %dma_wait3A_963 = arith.constant 0 : i32
      %dma_wait3A_964 = tpu.memref_slice %arg7[%dma_wait3A_962, %dma_wait3A_963] : memref<125x80xi32, #tpu.memory_space<vmem>> -> memref<1x80xi32, #tpu.memory_space<vmem>>
      %dma_wait3A_965 = tpu.memref_squeeze %dma_wait3A_964 : memref<1x80xi32, #tpu.memory_space<vmem>> -> memref<80xi32, #tpu.memory_space<vmem>>
      %dma_wait3A_966 = tpu.memref_slice %arg3[%add3A_961] : memref<640000xi32, #tpu.memory_space<hbm>> -> memref<80xi32, #tpu.memory_space<hbm>>
      %dma_wait3A_967 = arith.constant 0 : i32
      %dma_wait3A_968 = tpu.memref_slice %arg7[%dma_wait3A_962, %dma_wait3A_967] : memref<125x80xi32, #tpu.memory_space<vmem>> -> memref<1x80xi32, #tpu.memory_space<vmem>>
      %dma_wait3A_969 = tpu.memref_squeeze %dma_wait3A_968 : memref<1x80xi32, #tpu.memory_space<vmem>> -> memref<80xi32, #tpu.memory_space<vmem>>
      %dma_wait3A_970 = tpu.memref_slice %arg3[%add3A_961] : memref<640000xi32, #tpu.memory_space<hbm>> -> memref<80xi32, #tpu.memory_space<hbm>>
      tpu.wait_dma2 semaphore(%arg14 : memref<!tpu.dma_semaphore, #tpu.memory_space<semaphore_mem>>) src(%dma_wait3A_970 : memref<80xi32, #tpu.memory_space<hbm>>) dst(%dma_wait3A_969 : memref<80xi32, #tpu.memory_space<vmem>>)
      %add3A_971 = arith.constant 320000 : i32
      %add3A_972 = arith.addi %add3A_971, %mul3A_205 : i32
      %add3A_973 = arith.constant 1760 : i32
      %add3A_974 = arith.addi %add3A_972, %add3A_973 : i32
      %dma_wait3A_975 = arith.constant 22 : i32
      %dma_wait3A_976 = arith.constant 0 : i32
      %dma_wait3A_977 = tpu.memref_slice %arg7[%dma_wait3A_975, %dma_wait3A_976] : memref<125x80xi32, #tpu.memory_space<vmem>> -> memref<1x80xi32, #tpu.memory_space<vmem>>
      %dma_wait3A_978 = tpu.memref_squeeze %dma_wait3A_977 : memref<1x80xi32, #tpu.memory_space<vmem>> -> memref<80xi32, #tpu.memory_space<vmem>>
      %dma_wait3A_979 = tpu.memref_slice %arg3[%add3A_974] : memref<640000xi32, #tpu.memory_space<hbm>> -> memref<80xi32, #tpu.memory_space<hbm>>
      %dma_wait3A_980 = arith.constant 0 : i32
      %dma_wait3A_981 = tpu.memref_slice %arg7[%dma_wait3A_975, %dma_wait3A_980] : memref<125x80xi32, #tpu.memory_space<vmem>> -> memref<1x80xi32, #tpu.memory_space<vmem>>
      %dma_wait3A_982 = tpu.memref_squeeze %dma_wait3A_981 : memref<1x80xi32, #tpu.memory_space<vmem>> -> memref<80xi32, #tpu.memory_space<vmem>>
      %dma_wait3A_983 = tpu.memref_slice %arg3[%add3A_974] : memref<640000xi32, #tpu.memory_space<hbm>> -> memref<80xi32, #tpu.memory_space<hbm>>
      tpu.wait_dma2 semaphore(%arg14 : memref<!tpu.dma_semaphore, #tpu.memory_space<semaphore_mem>>) src(%dma_wait3A_983 : memref<80xi32, #tpu.memory_space<hbm>>) dst(%dma_wait3A_982 : memref<80xi32, #tpu.memory_space<vmem>>)
      %add3A_984 = arith.constant 320000 : i32
      %add3A_985 = arith.addi %add3A_984, %mul3A_205 : i32
      %add3A_986 = arith.constant 1840 : i32
      %add3A_987 = arith.addi %add3A_985, %add3A_986 : i32
      %dma_wait3A_988 = arith.constant 23 : i32
      %dma_wait3A_989 = arith.constant 0 : i32
      %dma_wait3A_990 = tpu.memref_slice %arg7[%dma_wait3A_988, %dma_wait3A_989] : memref<125x80xi32, #tpu.memory_space<vmem>> -> memref<1x80xi32, #tpu.memory_space<vmem>>
      %dma_wait3A_991 = tpu.memref_squeeze %dma_wait3A_990 : memref<1x80xi32, #tpu.memory_space<vmem>> -> memref<80xi32, #tpu.memory_space<vmem>>
      %dma_wait3A_992 = tpu.memref_slice %arg3[%add3A_987] : memref<640000xi32, #tpu.memory_space<hbm>> -> memref<80xi32, #tpu.memory_space<hbm>>
      %dma_wait3A_993 = arith.constant 0 : i32
      %dma_wait3A_994 = tpu.memref_slice %arg7[%dma_wait3A_988, %dma_wait3A_993] : memref<125x80xi32, #tpu.memory_space<vmem>> -> memref<1x80xi32, #tpu.memory_space<vmem>>
      %dma_wait3A_995 = tpu.memref_squeeze %dma_wait3A_994 : memref<1x80xi32, #tpu.memory_space<vmem>> -> memref<80xi32, #tpu.memory_space<vmem>>
      %dma_wait3A_996 = tpu.memref_slice %arg3[%add3A_987] : memref<640000xi32, #tpu.memory_space<hbm>> -> memref<80xi32, #tpu.memory_space<hbm>>
      tpu.wait_dma2 semaphore(%arg14 : memref<!tpu.dma_semaphore, #tpu.memory_space<semaphore_mem>>) src(%dma_wait3A_996 : memref<80xi32, #tpu.memory_space<hbm>>) dst(%dma_wait3A_995 : memref<80xi32, #tpu.memory_space<vmem>>)
      %add3A_997 = arith.constant 320000 : i32
      %add3A_998 = arith.addi %add3A_997, %mul3A_205 : i32
      %add3A_999 = arith.constant 1920 : i32
      %add3A_1000 = arith.addi %add3A_998, %add3A_999 : i32
      %dma_wait3A_1001 = arith.constant 24 : i32
      %dma_wait3A_1002 = arith.constant 0 : i32
      %dma_wait3A_1003 = tpu.memref_slice %arg7[%dma_wait3A_1001, %dma_wait3A_1002] : memref<125x80xi32, #tpu.memory_space<vmem>> -> memref<1x80xi32, #tpu.memory_space<vmem>>
      %dma_wait3A_1004 = tpu.memref_squeeze %dma_wait3A_1003 : memref<1x80xi32, #tpu.memory_space<vmem>> -> memref<80xi32, #tpu.memory_space<vmem>>
      %dma_wait3A_1005 = tpu.memref_slice %arg3[%add3A_1000] : memref<640000xi32, #tpu.memory_space<hbm>> -> memref<80xi32, #tpu.memory_space<hbm>>
      %dma_wait3A_1006 = arith.constant 0 : i32
      %dma_wait3A_1007 = tpu.memref_slice %arg7[%dma_wait3A_1001, %dma_wait3A_1006] : memref<125x80xi32, #tpu.memory_space<vmem>> -> memref<1x80xi32, #tpu.memory_space<vmem>>
      %dma_wait3A_1008 = tpu.memref_squeeze %dma_wait3A_1007 : memref<1x80xi32, #tpu.memory_space<vmem>> -> memref<80xi32, #tpu.memory_space<vmem>>
      %dma_wait3A_1009 = tpu.memref_slice %arg3[%add3A_1000] : memref<640000xi32, #tpu.memory_space<hbm>> -> memref<80xi32, #tpu.memory_space<hbm>>
      tpu.wait_dma2 semaphore(%arg14 : memref<!tpu.dma_semaphore, #tpu.memory_space<semaphore_mem>>) src(%dma_wait3A_1009 : memref<80xi32, #tpu.memory_space<hbm>>) dst(%dma_wait3A_1008 : memref<80xi32, #tpu.memory_space<vmem>>)
    }
    %scan3A_211 = arith.constant 5 : i32
    %while3A_212 = arith.constant 0 : i32
    %while3A_213 = arith.constant 0 : i32
    %while3A_214 = arith.subi %select_n3A, %while3A_213 : i32
    %while3A_215 = arith.addi %while3A_213, %while3A_214 : i32
    %while3A_216 = arith.constant 1 : i32
    %while3A_217 = arith.divsi %while3A_214, %while3A_216 : i32
    %while3A_218 = arith.muli %while3A_217, %while3A_216 : i32
    %while3A_219 = arith.addi %while3A_213, %while3A_218 : i32
    %while3A_220 = arith.constant 1 : i32
    scf.for %while3A_259 = %while3A_213 to %while3A_219 step %while3A_220  : i32 {
      %mul3A_260 = arith.constant 640 : i32
      %mul3A_261 = arith.muli %arg1, %mul3A_260 : i32
      %mul3A_262 = arith.constant 80 : i32
      %mul3A_263 = arith.muli %while3A_259, %mul3A_262 : i32
      %add3A_264 = arith.addi %mul3A_261, %mul3A_263 : i32
      %dma_wait3A_265 = arith.constant 0 : i32
      %dma_wait3A_266 = tpu.memref_slice %arg12[%add3A_264, %dma_wait3A_265] : memref<10000x128xf32, #tpu.memory_space<vmem_shared>> -> memref<80x128xf32, #tpu.memory_space<vmem_shared>>
      %dma_wait3A_267 = arith.constant 0 : i32
      %dma_wait3A_268 = tpu.memref_slice %arg12[%add3A_264, %dma_wait3A_267] : memref<10000x128xf32, #tpu.memory_space<vmem_shared>> -> memref<80x128xf32, #tpu.memory_space<vmem_shared>>
      tpu.wait_dma2 semaphore(%arg15 : memref<!tpu.dma_semaphore, #tpu.memory_space<semaphore_mem>>) src(%arg8 : memref<80x128xf32, #tpu.memory_space<vmem>>) dst(%dma_wait3A_268 : memref<80x128xf32, #tpu.memory_space<vmem_shared>>)
    }
    %while3A_221 = arith.constant 1 : i32
    scf.for %while3A_259 = %while3A_219 to %while3A_215 step %while3A_221  : i32 {
      %mul3A_260 = arith.constant 640 : i32
      %mul3A_261 = arith.muli %arg1, %mul3A_260 : i32
      %mul3A_262 = arith.constant 80 : i32
      %mul3A_263 = arith.muli %while3A_259, %mul3A_262 : i32
      %add3A_264 = arith.addi %mul3A_261, %mul3A_263 : i32
      %dma_wait3A_265 = arith.constant 0 : i32
      %dma_wait3A_266 = tpu.memref_slice %arg12[%add3A_264, %dma_wait3A_265] : memref<10000x128xf32, #tpu.memory_space<vmem_shared>> -> memref<80x128xf32, #tpu.memory_space<vmem_shared>>
      %dma_wait3A_267 = arith.constant 0 : i32
      %dma_wait3A_268 = tpu.memref_slice %arg12[%add3A_264, %dma_wait3A_267] : memref<10000x128xf32, #tpu.memory_space<vmem_shared>> -> memref<80x128xf32, #tpu.memory_space<vmem_shared>>
      tpu.wait_dma2 semaphore(%arg15 : memref<!tpu.dma_semaphore, #tpu.memory_space<semaphore_mem>>) src(%arg8 : memref<80x128xf32, #tpu.memory_space<vmem>>) dst(%dma_wait3A_268 : memref<80x128xf32, #tpu.memory_space<vmem_shared>>)
    }
    %mul3A_222 = arith.constant 640 : i32
    %mul3A_223 = arith.muli %arg1, %mul3A_222 : i32
    %dma_wait3A = tpu.memref_slice %arg13[%mul3A_223] : memref<10240xf32, #tpu.memory_space<vmem_shared>> -> memref<640xf32, #tpu.memory_space<vmem_shared>>
    %dma_wait3A_224 = tpu.memref_slice %arg13[%mul3A_223] : memref<10240xf32, #tpu.memory_space<vmem_shared>> -> memref<640xf32, #tpu.memory_space<vmem_shared>>
    tpu.wait_dma2 semaphore(%arg15 : memref<!tpu.dma_semaphore, #tpu.memory_space<semaphore_mem>>) src(%arg11 : memref<640xf32, #tpu.memory_space<vmem>>) dst(%dma_wait3A_224 : memref<640xf32, #tpu.memory_space<vmem_shared>>)
    %barrier3A = arith.constant 0 : index
    tpu.barrier barrier_id(%barrier3A)
    %dma_start3A_225 = arith.constant 0 : i32
    %dma_start3A_226 = tpu.memref_slice %arg6[%dma_start3A_225] : memref<10000xi32, #tpu.memory_space<vmem>> -> memref<80xi32, #tpu.memory_space<vmem>>
    %dma_start3A_227 = arith.constant 0 : i32
    %dma_start3A_228 = arith.constant 0 : i32
    %dma_start3A_229 = tpu.memref_slice %arg2[%dma_start3A_227, %dma_start3A_228] : memref<10000x128xf32, #tpu.memory_space<hbm>> -> memref<10000x128xf32, #tpu.memory_space<hbm>>
    tpu.enqueue_indirect_dma source(%dma_start3A_229 : memref<10000x128xf32, #tpu.memory_space<hbm>>) target(%arg8 : memref<80x128xf32, #tpu.memory_space<vmem>>) offsets(%dma_start3A_226 : memref<80xi32, #tpu.memory_space<vmem>>) semaphore(%arg14 : memref<!tpu.dma_semaphore, #tpu.memory_space<semaphore_mem>>)
    %dma_start3A_230 = arith.constant 80 : i32
    %dma_start3A_231 = tpu.memref_slice %arg6[%dma_start3A_230] : memref<10000xi32, #tpu.memory_space<vmem>> -> memref<80xi32, #tpu.memory_space<vmem>>
    %dma_start3A_232 = arith.constant 0 : i32
    %dma_start3A_233 = arith.constant 0 : i32
    %dma_start3A_234 = tpu.memref_slice %arg2[%dma_start3A_232, %dma_start3A_233] : memref<10000x128xf32, #tpu.memory_space<hbm>> -> memref<10000x128xf32, #tpu.memory_space<hbm>>
    tpu.enqueue_indirect_dma source(%dma_start3A_234 : memref<10000x128xf32, #tpu.memory_space<hbm>>) target(%arg9 : memref<80x128xf32, #tpu.memory_space<vmem>>) offsets(%dma_start3A_231 : memref<80xi32, #tpu.memory_space<vmem>>) semaphore(%arg15 : memref<!tpu.dma_semaphore, #tpu.memory_space<semaphore_mem>>)
    %scan3A_235 = arith.constant 0 : i32
    %scan3A_236 = arith.constant 0 : i32
    %scan3A_237 = arith.constant 63 : i32
    %scan3A_238 = arith.addi %scan3A_236, %scan3A_237 : i32
    %scan3A_239 = arith.constant 1 : i32
    scf.for %scan3A_259 = %scan3A_236 to %scan3A_238 step %scan3A_239  : i32 {
      %mul3A_260 = arith.constant 2 : i32
      %mul3A_261 = arith.muli %mul3A_260, %scan3A_259 : i32
      %add3A_262 = arith.constant 0 : i32
      %add3A_263 = arith.addi %mul3A_261, %add3A_262 : i32
      %lt3A_264 = arith.constant 125 : i32
      %lt3A_265 = arith.cmpi slt, %add3A_263, %lt3A_264 : i32
      %convert_element_type3A_266 = arith.extui %lt3A_265 : i1 to i32
      %cond3A_267 = arith.constant 0 : i32
      %cond3A_268 = arith.cmpi ne, %convert_element_type3A_266, %cond3A_267 : i32
      scf.if %cond3A_268 {
        %mul3A_278 = arith.constant 80 : i32
        %mul3A_279 = arith.muli %add3A_263, %mul3A_278 : i32
        %dma_wait3A_280 = tpu.memref_slice %arg6[%mul3A_279] : memref<10000xi32, #tpu.memory_space<vmem>> -> memref<80xi32, #tpu.memory_space<vmem>>
        %dma_wait3A_281 = arith.constant 0 : i32
        %dma_wait3A_282 = arith.constant 0 : i32
        %dma_wait3A_283 = tpu.memref_slice %arg2[%dma_wait3A_281, %dma_wait3A_282] : memref<10000x128xf32, #tpu.memory_space<hbm>> -> memref<10000x128xf32, #tpu.memory_space<hbm>>
        tpu.wait_indirect_dma semaphore(%arg14 : memref<!tpu.dma_semaphore, #tpu.memory_space<semaphore_mem>>) src(%dma_wait3A_283 : memref<10000x128xf32, #tpu.memory_space<hbm>>) dst(%arg8 : memref<80x128xf32, #tpu.memory_space<vmem>>)
        %dma_start3A_284 = arith.constant 0 : i32
        %dma_start3A_285 = tpu.memref_slice %arg7[%add3A_263, %dma_start3A_284] : memref<125x80xi32, #tpu.memory_space<vmem>> -> memref<1x80xi32, #tpu.memory_space<vmem>>
        %dma_start3A_286 = tpu.memref_squeeze %dma_start3A_285 : memref<1x80xi32, #tpu.memory_space<vmem>> -> memref<80xi32, #tpu.memory_space<vmem>>
        %dma_start3A_287 = arith.constant 0 : i32
        %dma_start3A_288 = arith.constant 0 : i32
        %dma_start3A_289 = tpu.memref_slice %arg12[%dma_start3A_287, %dma_start3A_288] : memref<10000x128xf32, #tpu.memory_space<vmem_shared>> -> memref<10000x128xf32, #tpu.memory_space<vmem_shared>>
        tpu.enqueue_indirect_dma source(%arg8 : memref<80x128xf32, #tpu.memory_space<vmem>>) target(%dma_start3A_289 : memref<10000x128xf32, #tpu.memory_space<vmem_shared>>) offsets(%dma_start3A_286 : memref<80xi32, #tpu.memory_space<vmem>>) semaphore(%arg16 : memref<!tpu.dma_semaphore, #tpu.memory_space<semaphore_mem>>) {add = true}
        %dma_start3A_290 = arith.constant 0 : i32
        %dma_start3A_291 = tpu.memref_slice %arg7[%add3A_263, %dma_start3A_290] : memref<125x80xi32, #tpu.memory_space<vmem>> -> memref<1x80xi32, #tpu.memory_space<vmem>>
        %dma_start3A_292 = tpu.memref_squeeze %dma_start3A_291 : memref<1x80xi32, #tpu.memory_space<vmem>> -> memref<80xi32, #tpu.memory_space<vmem>>
        %dma_start3A_293 = arith.constant 0 : i32
        %dma_start3A_294 = tpu.memref_slice %arg13[%dma_start3A_293] : memref<10240xf32, #tpu.memory_space<vmem_shared>> -> memref<10240xf32, #tpu.memory_space<vmem_shared>>
        tpu.enqueue_indirect_dma source(%arg10 : memref<80xf32, #tpu.memory_space<vmem>>) target(%dma_start3A_294 : memref<10240xf32, #tpu.memory_space<vmem_shared>>) offsets(%dma_start3A_292 : memref<80xi32, #tpu.memory_space<vmem>>) semaphore(%arg18 : memref<!tpu.dma_semaphore, #tpu.memory_space<semaphore_mem>>) {add = true}
        %dma_wait3A_295 = arith.constant 0 : i32
        %dma_wait3A_296 = tpu.memref_slice %arg7[%add3A_263, %dma_wait3A_295] : memref<125x80xi32, #tpu.memory_space<vmem>> -> memref<1x80xi32, #tpu.memory_space<vmem>>
        %dma_wait3A_297 = tpu.memref_squeeze %dma_wait3A_296 : memref<1x80xi32, #tpu.memory_space<vmem>> -> memref<80xi32, #tpu.memory_space<vmem>>
        %dma_wait3A_298 = arith.constant 0 : i32
        %dma_wait3A_299 = arith.constant 0 : i32
        %dma_wait3A_300 = tpu.memref_slice %arg12[%dma_wait3A_298, %dma_wait3A_299] : memref<10000x128xf32, #tpu.memory_space<vmem_shared>> -> memref<10000x128xf32, #tpu.memory_space<vmem_shared>>
        tpu.wait_indirect_dma semaphore(%arg16 : memref<!tpu.dma_semaphore, #tpu.memory_space<semaphore_mem>>) src(%arg8 : memref<80x128xf32, #tpu.memory_space<vmem>>) dst(%dma_wait3A_300 : memref<10000x128xf32, #tpu.memory_space<vmem_shared>>)
        %add3A_301 = arith.constant 2 : i32
        %add3A_302 = arith.addi %add3A_263, %add3A_301 : i32
        %lt3A_303 = arith.constant 125 : i32
        %lt3A_304 = arith.cmpi slt, %add3A_302, %lt3A_303 : i32
        %convert_element_type3A_305 = arith.extui %lt3A_304 : i1 to i32
        %cond3A_306 = arith.constant 0 : i32
        %cond3A_307 = arith.cmpi ne, %convert_element_type3A_305, %cond3A_306 : i32
        scf.if %cond3A_307 {
          %add3A_308 = arith.constant 2 : i32
          %add3A_309 = arith.addi %add3A_263, %add3A_308 : i32
          %mul3A_310 = arith.constant 80 : i32
          %mul3A_311 = arith.muli %add3A_309, %mul3A_310 : i32
          %dma_start3A_312 = tpu.memref_slice %arg6[%mul3A_311] : memref<10000xi32, #tpu.memory_space<vmem>> -> memref<80xi32, #tpu.memory_space<vmem>>
          %dma_start3A_313 = arith.constant 0 : i32
          %dma_start3A_314 = arith.constant 0 : i32
          %dma_start3A_315 = tpu.memref_slice %arg2[%dma_start3A_313, %dma_start3A_314] : memref<10000x128xf32, #tpu.memory_space<hbm>> -> memref<10000x128xf32, #tpu.memory_space<hbm>>
          tpu.enqueue_indirect_dma source(%dma_start3A_315 : memref<10000x128xf32, #tpu.memory_space<hbm>>) target(%arg8 : memref<80x128xf32, #tpu.memory_space<vmem>>) offsets(%dma_start3A_312 : memref<80xi32, #tpu.memory_space<vmem>>) semaphore(%arg14 : memref<!tpu.dma_semaphore, #tpu.memory_space<semaphore_mem>>)
        } else {
        }
      } else {
      }
      %mul3A_269 = arith.constant 2 : i32
      %mul3A_270 = arith.muli %mul3A_269, %scan3A_259 : i32
      %add3A_271 = arith.constant 1 : i32
      %add3A_272 = arith.addi %mul3A_270, %add3A_271 : i32
      %lt3A_273 = arith.constant 125 : i32
      %lt3A_274 = arith.cmpi slt, %add3A_272, %lt3A_273 : i32
      %convert_element_type3A_275 = arith.extui %lt3A_274 : i1 to i32
      %cond3A_276 = arith.constant 0 : i32
      %cond3A_277 = arith.cmpi ne, %convert_element_type3A_275, %cond3A_276 : i32
      scf.if %cond3A_277 {
        %mul3A_278 = arith.constant 80 : i32
        %mul3A_279 = arith.muli %add3A_272, %mul3A_278 : i32
        %dma_wait3A_280 = tpu.memref_slice %arg6[%mul3A_279] : memref<10000xi32, #tpu.memory_space<vmem>> -> memref<80xi32, #tpu.memory_space<vmem>>
        %dma_wait3A_281 = arith.constant 0 : i32
        %dma_wait3A_282 = arith.constant 0 : i32
        %dma_wait3A_283 = tpu.memref_slice %arg2[%dma_wait3A_281, %dma_wait3A_282] : memref<10000x128xf32, #tpu.memory_space<hbm>> -> memref<10000x128xf32, #tpu.memory_space<hbm>>
        tpu.wait_indirect_dma semaphore(%arg15 : memref<!tpu.dma_semaphore, #tpu.memory_space<semaphore_mem>>) src(%dma_wait3A_283 : memref<10000x128xf32, #tpu.memory_space<hbm>>) dst(%arg9 : memref<80x128xf32, #tpu.memory_space<vmem>>)
        %dma_start3A_284 = arith.constant 0 : i32
        %dma_start3A_285 = tpu.memref_slice %arg7[%add3A_272, %dma_start3A_284] : memref<125x80xi32, #tpu.memory_space<vmem>> -> memref<1x80xi32, #tpu.memory_space<vmem>>
        %dma_start3A_286 = tpu.memref_squeeze %dma_start3A_285 : memref<1x80xi32, #tpu.memory_space<vmem>> -> memref<80xi32, #tpu.memory_space<vmem>>
        %dma_start3A_287 = arith.constant 0 : i32
        %dma_start3A_288 = arith.constant 0 : i32
        %dma_start3A_289 = tpu.memref_slice %arg12[%dma_start3A_287, %dma_start3A_288] : memref<10000x128xf32, #tpu.memory_space<vmem_shared>> -> memref<10000x128xf32, #tpu.memory_space<vmem_shared>>
        tpu.enqueue_indirect_dma source(%arg9 : memref<80x128xf32, #tpu.memory_space<vmem>>) target(%dma_start3A_289 : memref<10000x128xf32, #tpu.memory_space<vmem_shared>>) offsets(%dma_start3A_286 : memref<80xi32, #tpu.memory_space<vmem>>) semaphore(%arg17 : memref<!tpu.dma_semaphore, #tpu.memory_space<semaphore_mem>>) {add = true}
        %dma_start3A_290 = arith.constant 0 : i32
        %dma_start3A_291 = tpu.memref_slice %arg7[%add3A_272, %dma_start3A_290] : memref<125x80xi32, #tpu.memory_space<vmem>> -> memref<1x80xi32, #tpu.memory_space<vmem>>
        %dma_start3A_292 = tpu.memref_squeeze %dma_start3A_291 : memref<1x80xi32, #tpu.memory_space<vmem>> -> memref<80xi32, #tpu.memory_space<vmem>>
        %dma_start3A_293 = arith.constant 0 : i32
        %dma_start3A_294 = tpu.memref_slice %arg13[%dma_start3A_293] : memref<10240xf32, #tpu.memory_space<vmem_shared>> -> memref<10240xf32, #tpu.memory_space<vmem_shared>>
        tpu.enqueue_indirect_dma source(%arg10 : memref<80xf32, #tpu.memory_space<vmem>>) target(%dma_start3A_294 : memref<10240xf32, #tpu.memory_space<vmem_shared>>) offsets(%dma_start3A_292 : memref<80xi32, #tpu.memory_space<vmem>>) semaphore(%arg18 : memref<!tpu.dma_semaphore, #tpu.memory_space<semaphore_mem>>) {add = true}
        %dma_wait3A_295 = arith.constant 0 : i32
        %dma_wait3A_296 = tpu.memref_slice %arg7[%add3A_272, %dma_wait3A_295] : memref<125x80xi32, #tpu.memory_space<vmem>> -> memref<1x80xi32, #tpu.memory_space<vmem>>
        %dma_wait3A_297 = tpu.memref_squeeze %dma_wait3A_296 : memref<1x80xi32, #tpu.memory_space<vmem>> -> memref<80xi32, #tpu.memory_space<vmem>>
        %dma_wait3A_298 = arith.constant 0 : i32
        %dma_wait3A_299 = arith.constant 0 : i32
        %dma_wait3A_300 = tpu.memref_slice %arg12[%dma_wait3A_298, %dma_wait3A_299] : memref<10000x128xf32, #tpu.memory_space<vmem_shared>> -> memref<10000x128xf32, #tpu.memory_space<vmem_shared>>
        tpu.wait_indirect_dma semaphore(%arg17 : memref<!tpu.dma_semaphore, #tpu.memory_space<semaphore_mem>>) src(%arg9 : memref<80x128xf32, #tpu.memory_space<vmem>>) dst(%dma_wait3A_300 : memref<10000x128xf32, #tpu.memory_space<vmem_shared>>)
        %add3A_301 = arith.constant 2 : i32
        %add3A_302 = arith.addi %add3A_272, %add3A_301 : i32
        %lt3A_303 = arith.constant 125 : i32
        %lt3A_304 = arith.cmpi slt, %add3A_302, %lt3A_303 : i32
        %convert_element_type3A_305 = arith.extui %lt3A_304 : i1 to i32
        %cond3A_306 = arith.constant 0 : i32
        %cond3A_307 = arith.cmpi ne, %convert_element_type3A_305, %cond3A_306 : i32
        scf.if %cond3A_307 {
          %add3A_308 = arith.constant 2 : i32
          %add3A_309 = arith.addi %add3A_272, %add3A_308 : i32
          %mul3A_310 = arith.constant 80 : i32
          %mul3A_311 = arith.muli %add3A_309, %mul3A_310 : i32
          %dma_start3A_312 = tpu.memref_slice %arg6[%mul3A_311] : memref<10000xi32, #tpu.memory_space<vmem>> -> memref<80xi32, #tpu.memory_space<vmem>>
          %dma_start3A_313 = arith.constant 0 : i32
          %dma_start3A_314 = arith.constant 0 : i32
          %dma_start3A_315 = tpu.memref_slice %arg2[%dma_start3A_313, %dma_start3A_314] : memref<10000x128xf32, #tpu.memory_space<hbm>> -> memref<10000x128xf32, #tpu.memory_space<hbm>>
          tpu.enqueue_indirect_dma source(%dma_start3A_315 : memref<10000x128xf32, #tpu.memory_space<hbm>>) target(%arg9 : memref<80x128xf32, #tpu.memory_space<vmem>>) offsets(%dma_start3A_312 : memref<80xi32, #tpu.memory_space<vmem>>) semaphore(%arg15 : memref<!tpu.dma_semaphore, #tpu.memory_space<semaphore_mem>>)
        } else {
        }
      } else {
      }
    }
    %scan3A_240 = arith.constant 63 : i32
    %scan3A_241 = arith.constant 0 : i32
    %scan3A_242 = arith.constant 0 : i32
    %scan3A_243 = arith.constant 125 : i32
    %scan3A_244 = arith.addi %scan3A_242, %scan3A_243 : i32
    %scan3A_245 = arith.constant 1 : i32
    scf.for %scan3A_259 = %scan3A_242 to %scan3A_244 step %scan3A_245  : i32 {
      %dma_wait3A_260 = arith.constant 0 : i32
      %dma_wait3A_261 = tpu.memref_slice %arg7[%scan3A_259, %dma_wait3A_260] : memref<125x80xi32, #tpu.memory_space<vmem>> -> memref<1x80xi32, #tpu.memory_space<vmem>>
      %dma_wait3A_262 = tpu.memref_squeeze %dma_wait3A_261 : memref<1x80xi32, #tpu.memory_space<vmem>> -> memref<80xi32, #tpu.memory_space<vmem>>
      %dma_wait3A_263 = arith.constant 0 : i32
      %dma_wait3A_264 = tpu.memref_slice %arg13[%dma_wait3A_263] : memref<10240xf32, #tpu.memory_space<vmem_shared>> -> memref<10240xf32, #tpu.memory_space<vmem_shared>>
      tpu.wait_indirect_dma semaphore(%arg18 : memref<!tpu.dma_semaphore, #tpu.memory_space<semaphore_mem>>) src(%arg10 : memref<80xf32, #tpu.memory_space<vmem>>) dst(%dma_wait3A_264 : memref<10240xf32, #tpu.memory_space<vmem_shared>>)
    }
    %scan3A_246 = arith.constant 125 : i32
    %barrier3A_247 = arith.constant 0 : index
    tpu.barrier barrier_id(%barrier3A_247)
    %mul3A_248 = arith.constant 640 : i32
    %mul3A_249 = arith.muli %arg1, %mul3A_248 : i32
    %mul3A_250 = arith.constant 640 : i32
    %mul3A_251 = arith.muli %arg1, %mul3A_250 : i32
    %run_scoped3A = arith.constant 0 : i32
    "tpu.region"() ({
      %run_scoped3A_259 = tpu.sem_alloc : memref<!tpu.dma_semaphore, #tpu.memory_space<semaphore_mem>>
      %dma_start3A_260 = tpu.memref_slice %arg5[%arg0, %run_scoped3A, %mul3A_251] : memref<2x1x10240xf32, #tpu.memory_space<hbm>> -> memref<1x1x640xf32, #tpu.memory_space<hbm>>
      %dma_start3A_261 = tpu.memref_squeeze %dma_start3A_260 : memref<1x1x640xf32, #tpu.memory_space<hbm>> -> memref<640xf32, #tpu.memory_space<hbm>>
      %dma_start3A_262 = tpu.memref_slice %arg13[%mul3A_249] : memref<10240xf32, #tpu.memory_space<vmem_shared>> -> memref<640xf32, #tpu.memory_space<vmem_shared>>
      tpu.enqueue_dma source(%dma_start3A_262 : memref<640xf32, #tpu.memory_space<vmem_shared>>) target(%dma_start3A_261 : memref<640xf32, #tpu.memory_space<hbm>>) target_semaphore(%run_scoped3A_259 : memref<!tpu.dma_semaphore, #tpu.memory_space<semaphore_mem>>)
      %dma_wait3A_263 = tpu.memref_slice %arg5[%arg0, %run_scoped3A, %mul3A_251] : memref<2x1x10240xf32, #tpu.memory_space<hbm>> -> memref<1x1x640xf32, #tpu.memory_space<hbm>>
      %dma_wait3A_264 = tpu.memref_squeeze %dma_wait3A_263 : memref<1x1x640xf32, #tpu.memory_space<hbm>> -> memref<640xf32, #tpu.memory_space<hbm>>
      %dma_wait3A_265 = tpu.memref_slice %arg13[%mul3A_249] : memref<10240xf32, #tpu.memory_space<vmem_shared>> -> memref<640xf32, #tpu.memory_space<vmem_shared>>
      tpu.wait_dma2 semaphore(%run_scoped3A_259 : memref<!tpu.dma_semaphore, #tpu.memory_space<semaphore_mem>>) src(%dma_wait3A_265 : memref<640xf32, #tpu.memory_space<vmem_shared>>) dst(%dma_wait3A_264 : memref<640xf32, #tpu.memory_space<hbm>>)
      tpu.yield
    }) : () -> ()
    %lt3A = arith.constant 15 : i32
    %lt3A_252 = arith.cmpi slt, %arg1, %lt3A : i32
    %convert_element_type3A = arith.extui %lt3A_252 : i1 to i32
    %cond3A = arith.constant 0 : i32
    %cond3A_253 = arith.cmpi ne, %convert_element_type3A, %cond3A : i32
    scf.if %cond3A_253 {
      %mul3A_259 = arith.constant 640 : i32
      %mul3A_260 = arith.muli %arg1, %mul3A_259 : i32
      %mul3A_261 = arith.constant 640 : i32
      %mul3A_262 = arith.muli %arg1, %mul3A_261 : i32
      "tpu.region"() ({
        %run_scoped3A_263 = tpu.sem_alloc : memref<!tpu.dma_semaphore, #tpu.memory_space<semaphore_mem>>
        %dma_start3A_264 = arith.constant 0 : i32
        %dma_start3A_265 = tpu.memref_slice %arg4[%arg0, %mul3A_262, %dma_start3A_264] : memref<2x10000x128xf32, #tpu.memory_space<hbm>> -> memref<1x640x128xf32, #tpu.memory_space<hbm>>
        %dma_start3A_266 = tpu.memref_squeeze %dma_start3A_265 : memref<1x640x128xf32, #tpu.memory_space<hbm>> -> memref<640x128xf32, #tpu.memory_space<hbm>>
        %dma_start3A_267 = arith.constant 0 : i32
        %dma_start3A_268 = tpu.memref_slice %arg12[%mul3A_260, %dma_start3A_267] : memref<10000x128xf32, #tpu.memory_space<vmem_shared>> -> memref<640x128xf32, #tpu.memory_space<vmem_shared>>
        tpu.enqueue_dma source(%dma_start3A_268 : memref<640x128xf32, #tpu.memory_space<vmem_shared>>) target(%dma_start3A_266 : memref<640x128xf32, #tpu.memory_space<hbm>>) target_semaphore(%run_scoped3A_263 : memref<!tpu.dma_semaphore, #tpu.memory_space<semaphore_mem>>)
        %dma_wait3A_269 = arith.constant 0 : i32
        %dma_wait3A_270 = tpu.memref_slice %arg4[%arg0, %mul3A_262, %dma_wait3A_269] : memref<2x10000x128xf32, #tpu.memory_space<hbm>> -> memref<1x640x128xf32, #tpu.memory_space<hbm>>
        %dma_wait3A_271 = tpu.memref_squeeze %dma_wait3A_270 : memref<1x640x128xf32, #tpu.memory_space<hbm>> -> memref<640x128xf32, #tpu.memory_space<hbm>>
        %dma_wait3A_272 = arith.constant 0 : i32
        %dma_wait3A_273 = tpu.memref_slice %arg12[%mul3A_260, %dma_wait3A_272] : memref<10000x128xf32, #tpu.memory_space<vmem_shared>> -> memref<640x128xf32, #tpu.memory_space<vmem_shared>>
        tpu.wait_dma2 semaphore(%run_scoped3A_263 : memref<!tpu.dma_semaphore, #tpu.memory_space<semaphore_mem>>) src(%dma_wait3A_273 : memref<640x128xf32, #tpu.memory_space<vmem_shared>>) dst(%dma_wait3A_271 : memref<640x128xf32, #tpu.memory_space<hbm>>)
        tpu.yield
      }) : () -> ()
    } else {
    }
    %eq3A_254 = arith.constant 15 : i32
    %eq3A_255 = arith.cmpi eq, %arg1, %eq3A_254 : i32
    %convert_element_type3A_256 = arith.extui %eq3A_255 : i1 to i32
    %cond3A_257 = arith.constant 0 : i32
    %cond3A_258 = arith.cmpi ne, %convert_element_type3A_256, %cond3A_257 : i32
    scf.if %cond3A_258 {
      %mul3A_259 = arith.constant 640 : i32
      %mul3A_260 = arith.muli %arg1, %mul3A_259 : i32
      %mul3A_261 = arith.constant 640 : i32
      %mul3A_262 = arith.muli %arg1, %mul3A_261 : i32
      "tpu.region"() ({
        %run_scoped3A_263 = tpu.sem_alloc : memref<!tpu.dma_semaphore, #tpu.memory_space<semaphore_mem>>
        %dma_start3A_264 = arith.constant 0 : i32
        %dma_start3A_265 = tpu.memref_slice %arg4[%arg0, %mul3A_262, %dma_start3A_264] : memref<2x10000x128xf32, #tpu.memory_space<hbm>> -> memref<1x400x128xf32, #tpu.memory_space<hbm>>
        %dma_start3A_266 = tpu.memref_squeeze %dma_start3A_265 : memref<1x400x128xf32, #tpu.memory_space<hbm>> -> memref<400x128xf32, #tpu.memory_space<hbm>>
        %dma_start3A_267 = arith.constant 0 : i32
        %dma_start3A_268 = tpu.memref_slice %arg12[%mul3A_260, %dma_start3A_267] : memref<10000x128xf32, #tpu.memory_space<vmem_shared>> -> memref<400x128xf32, #tpu.memory_space<vmem_shared>>
        tpu.enqueue_dma source(%dma_start3A_268 : memref<400x128xf32, #tpu.memory_space<vmem_shared>>) target(%dma_start3A_266 : memref<400x128xf32, #tpu.memory_space<hbm>>) target_semaphore(%run_scoped3A_263 : memref<!tpu.dma_semaphore, #tpu.memory_space<semaphore_mem>>)
        %dma_wait3A_269 = arith.constant 0 : i32
        %dma_wait3A_270 = tpu.memref_slice %arg4[%arg0, %mul3A_262, %dma_wait3A_269] : memref<2x10000x128xf32, #tpu.memory_space<hbm>> -> memref<1x400x128xf32, #tpu.memory_space<hbm>>
        %dma_wait3A_271 = tpu.memref_squeeze %dma_wait3A_270 : memref<1x400x128xf32, #tpu.memory_space<hbm>> -> memref<400x128xf32, #tpu.memory_space<hbm>>
        %dma_wait3A_272 = arith.constant 0 : i32
        %dma_wait3A_273 = tpu.memref_slice %arg12[%mul3A_260, %dma_wait3A_272] : memref<10000x128xf32, #tpu.memory_space<vmem_shared>> -> memref<400x128xf32, #tpu.memory_space<vmem_shared>>
        tpu.wait_dma2 semaphore(%run_scoped3A_263 : memref<!tpu.dma_semaphore, #tpu.memory_space<semaphore_mem>>) src(%dma_wait3A_273 : memref<400x128xf32, #tpu.memory_space<vmem_shared>>) dst(%dma_wait3A_271 : memref<400x128xf32, #tpu.memory_space<hbm>>)
        tpu.yield
      }) : () -> ()
    } else {
    }
    return
  }
}

#map = affine_map<(d0, d1) -> (0)>
#map1 = affine_map<(d0, d1) -> (0, 0, 0)>
module attributes {stable_mosaic.version = 14 : i64} {
  func.func @_hist_body(%arg0: i32, %arg1: i32, %arg2: memref<640000xi32, #tpu.memory_space<hbm>>, %arg3: memref<2x1x10240xf32, #tpu.memory_space<hbm>>, %arg4: memref<125x80xi32, #tpu.memory_space<vmem>>, %arg5: memref<80xf32, #tpu.memory_space<vmem>>, %arg6: memref<640xf32, #tpu.memory_space<vmem>>, %arg7: memref<10240xf32, #tpu.memory_space<vmem_shared>>, %arg8: memref<!tpu.dma_semaphore, #tpu.memory_space<semaphore_mem>>) attributes {dimension_semantics = [#tpu.dimension_semantics<core_parallel>, #tpu.dimension_semantics<subcore_parallel>], iteration_bounds = array<i64: 2, 16>, scalar_prefetch = 0 : i64, scratch_operands = 5 : i64, tpu.core_type = #tpu.core_type<sc_vector_subcore>, window_params = [{transform_indices = #map}, {transform_indices = #map1}]} {
    %broadcast_in_dim3A = arith.constant 1.000000e+00 : f32
    %broadcast_in_dim3A_0 = vector.broadcast %broadcast_in_dim3A : f32 to vector<16xf32>
    %broadcast_in_dim3A_1 = arith.constant 0.000000e+00 : f32
    %broadcast_in_dim3A_2 = vector.broadcast %broadcast_in_dim3A_1 : f32 to vector<16xf32>
    %swap3A = arith.constant 0 : index
    %swap3A_3 = tpu.vector_load %arg5[%swap3A] {strides = array<i32>} : memref<80xf32, #tpu.memory_space<vmem>>, vector<16xf32>,
    %swap3A_4 = vector.shape_cast %swap3A_3 : vector<16xf32> to vector<16xf32>
    %swap3A_5 = vector.shape_cast %broadcast_in_dim3A_0 : vector<16xf32> to vector<16xf32>
    tpu.vector_store %arg5[%swap3A], %swap3A_5 {strides = array<i32>} : memref<80xf32, #tpu.memory_space<vmem>>, vector<16xf32>,
    %swap3A_6 = arith.constant 16 : index
    %swap3A_7 = tpu.vector_load %arg5[%swap3A_6] {strides = array<i32>} : memref<80xf32, #tpu.memory_space<vmem>>, vector<16xf32>,
    %swap3A_8 = vector.shape_cast %swap3A_7 : vector<16xf32> to vector<16xf32>
    %swap3A_9 = vector.shape_cast %broadcast_in_dim3A_0 : vector<16xf32> to vector<16xf32>
    tpu.vector_store %arg5[%swap3A_6], %swap3A_9 {strides = array<i32>} : memref<80xf32, #tpu.memory_space<vmem>>, vector<16xf32>,
    %swap3A_10 = arith.constant 32 : index
    %swap3A_11 = tpu.vector_load %arg5[%swap3A_10] {strides = array<i32>} : memref<80xf32, #tpu.memory_space<vmem>>, vector<16xf32>,
    %swap3A_12 = vector.shape_cast %swap3A_11 : vector<16xf32> to vector<16xf32>
    %swap3A_13 = vector.shape_cast %broadcast_in_dim3A_0 : vector<16xf32> to vector<16xf32>
    tpu.vector_store %arg5[%swap3A_10], %swap3A_13 {strides = array<i32>} : memref<80xf32, #tpu.memory_space<vmem>>, vector<16xf32>,
    %swap3A_14 = arith.constant 48 : index
    %swap3A_15 = tpu.vector_load %arg5[%swap3A_14] {strides = array<i32>} : memref<80xf32, #tpu.memory_space<vmem>>, vector<16xf32>,
    %swap3A_16 = vector.shape_cast %swap3A_15 : vector<16xf32> to vector<16xf32>
    %swap3A_17 = vector.shape_cast %broadcast_in_dim3A_0 : vector<16xf32> to vector<16xf32>
    tpu.vector_store %arg5[%swap3A_14], %swap3A_17 {strides = array<i32>} : memref<80xf32, #tpu.memory_space<vmem>>, vector<16xf32>,
    %swap3A_18 = arith.constant 64 : index
    %swap3A_19 = tpu.vector_load %arg5[%swap3A_18] {strides = array<i32>} : memref<80xf32, #tpu.memory_space<vmem>>, vector<16xf32>,
    %swap3A_20 = vector.shape_cast %swap3A_19 : vector<16xf32> to vector<16xf32>
    %swap3A_21 = vector.shape_cast %broadcast_in_dim3A_0 : vector<16xf32> to vector<16xf32>
    tpu.vector_store %arg5[%swap3A_18], %swap3A_21 {strides = array<i32>} : memref<80xf32, #tpu.memory_space<vmem>>, vector<16xf32>,
    %swap3A_22 = arith.constant 0 : index
    %swap3A_23 = tpu.vector_load %arg6[%swap3A_22] {strides = array<i32>} : memref<640xf32, #tpu.memory_space<vmem>>, vector<16xf32>,
    %swap3A_24 = vector.shape_cast %swap3A_23 : vector<16xf32> to vector<16xf32>
    %swap3A_25 = vector.shape_cast %broadcast_in_dim3A_2 : vector<16xf32> to vector<16xf32>
    tpu.vector_store %arg6[%swap3A_22], %swap3A_25 {strides = array<i32>} : memref<640xf32, #tpu.memory_space<vmem>>, vector<16xf32>,
    %swap3A_26 = arith.constant 16 : index
    %swap3A_27 = tpu.vector_load %arg6[%swap3A_26] {strides = array<i32>} : memref<640xf32, #tpu.memory_space<vmem>>, vector<16xf32>,
    %swap3A_28 = vector.shape_cast %swap3A_27 : vector<16xf32> to vector<16xf32>
    %swap3A_29 = vector.shape_cast %broadcast_in_dim3A_2 : vector<16xf32> to vector<16xf32>
    tpu.vector_store %arg6[%swap3A_26], %swap3A_29 {strides = array<i32>} : memref<640xf32, #tpu.memory_space<vmem>>, vector<16xf32>,
    %swap3A_30 = arith.constant 32 : index
    %swap3A_31 = tpu.vector_load %arg6[%swap3A_30] {strides = array<i32>} : memref<640xf32, #tpu.memory_space<vmem>>, vector<16xf32>,
    %swap3A_32 = vector.shape_cast %swap3A_31 : vector<16xf32> to vector<16xf32>
    %swap3A_33 = vector.shape_cast %broadcast_in_dim3A_2 : vector<16xf32> to vector<16xf32>
    tpu.vector_store %arg6[%swap3A_30], %swap3A_33 {strides = array<i32>} : memref<640xf32, #tpu.memory_space<vmem>>, vector<16xf32>,
    %swap3A_34 = arith.constant 48 : index
    %swap3A_35 = tpu.vector_load %arg6[%swap3A_34] {strides = array<i32>} : memref<640xf32, #tpu.memory_space<vmem>>, vector<16xf32>,
    %swap3A_36 = vector.shape_cast %swap3A_35 : vector<16xf32> to vector<16xf32>
    %swap3A_37 = vector.shape_cast %broadcast_in_dim3A_2 : vector<16xf32> to vector<16xf32>
    tpu.vector_store %arg6[%swap3A_34], %swap3A_37 {strides = array<i32>} : memref<640xf32, #tpu.memory_space<vmem>>, vector<16xf32>,
    %swap3A_38 = arith.constant 64 : index
    %swap3A_39 = tpu.vector_load %arg6[%swap3A_38] {strides = array<i32>} : memref<640xf32, #tpu.memory_space<vmem>>, vector<16xf32>,
    %swap3A_40 = vector.shape_cast %swap3A_39 : vector<16xf32> to vector<16xf32>
    %swap3A_41 = vector.shape_cast %broadcast_in_dim3A_2 : vector<16xf32> to vector<16xf32>
    tpu.vector_store %arg6[%swap3A_38], %swap3A_41 {strides = array<i32>} : memref<640xf32, #tpu.memory_space<vmem>>, vector<16xf32>,
    %swap3A_42 = arith.constant 80 : index
    %swap3A_43 = tpu.vector_load %arg6[%swap3A_42] {strides = array<i32>} : memref<640xf32, #tpu.memory_space<vmem>>, vector<16xf32>,
    %swap3A_44 = vector.shape_cast %swap3A_43 : vector<16xf32> to vector<16xf32>
    %swap3A_45 = vector.shape_cast %broadcast_in_dim3A_2 : vector<16xf32> to vector<16xf32>
    tpu.vector_store %arg6[%swap3A_42], %swap3A_45 {strides = array<i32>} : memref<640xf32, #tpu.memory_space<vmem>>, vector<16xf32>,
    %swap3A_46 = arith.constant 96 : index
    %swap3A_47 = tpu.vector_load %arg6[%swap3A_46] {strides = array<i32>} : memref<640xf32, #tpu.memory_space<vmem>>, vector<16xf32>,
    %swap3A_48 = vector.shape_cast %swap3A_47 : vector<16xf32> to vector<16xf32>
    %swap3A_49 = vector.shape_cast %broadcast_in_dim3A_2 : vector<16xf32> to vector<16xf32>
    tpu.vector_store %arg6[%swap3A_46], %swap3A_49 {strides = array<i32>} : memref<640xf32, #tpu.memory_space<vmem>>, vector<16xf32>,
    %swap3A_50 = arith.constant 112 : index
    %swap3A_51 = tpu.vector_load %arg6[%swap3A_50] {strides = array<i32>} : memref<640xf32, #tpu.memory_space<vmem>>, vector<16xf32>,
    %swap3A_52 = vector.shape_cast %swap3A_51 : vector<16xf32> to vector<16xf32>
    %swap3A_53 = vector.shape_cast %broadcast_in_dim3A_2 : vector<16xf32> to vector<16xf32>
    tpu.vector_store %arg6[%swap3A_50], %swap3A_53 {strides = array<i32>} : memref<640xf32, #tpu.memory_space<vmem>>, vector<16xf32>,
    %swap3A_54 = arith.constant 128 : index
    %swap3A_55 = tpu.vector_load %arg6[%swap3A_54] {strides = array<i32>} : memref<640xf32, #tpu.memory_space<vmem>>, vector<16xf32>,
    %swap3A_56 = vector.shape_cast %swap3A_55 : vector<16xf32> to vector<16xf32>
    %swap3A_57 = vector.shape_cast %broadcast_in_dim3A_2 : vector<16xf32> to vector<16xf32>
    tpu.vector_store %arg6[%swap3A_54], %swap3A_57 {strides = array<i32>} : memref<640xf32, #tpu.memory_space<vmem>>, vector<16xf32>,
    %swap3A_58 = arith.constant 144 : index
    %swap3A_59 = tpu.vector_load %arg6[%swap3A_58] {strides = array<i32>} : memref<640xf32, #tpu.memory_space<vmem>>, vector<16xf32>,
    %swap3A_60 = vector.shape_cast %swap3A_59 : vector<16xf32> to vector<16xf32>
    %swap3A_61 = vector.shape_cast %broadcast_in_dim3A_2 : vector<16xf32> to vector<16xf32>
    tpu.vector_store %arg6[%swap3A_58], %swap3A_61 {strides = array<i32>} : memref<640xf32, #tpu.memory_space<vmem>>, vector<16xf32>,
    %swap3A_62 = arith.constant 160 : index
    %swap3A_63 = tpu.vector_load %arg6[%swap3A_62] {strides = array<i32>} : memref<640xf32, #tpu.memory_space<vmem>>, vector<16xf32>,
    %swap3A_64 = vector.shape_cast %swap3A_63 : vector<16xf32> to vector<16xf32>
    %swap3A_65 = vector.shape_cast %broadcast_in_dim3A_2 : vector<16xf32> to vector<16xf32>
    tpu.vector_store %arg6[%swap3A_62], %swap3A_65 {strides = array<i32>} : memref<640xf32, #tpu.memory_space<vmem>>, vector<16xf32>,
    %swap3A_66 = arith.constant 176 : index
    %swap3A_67 = tpu.vector_load %arg6[%swap3A_66] {strides = array<i32>} : memref<640xf32, #tpu.memory_space<vmem>>, vector<16xf32>,
    %swap3A_68 = vector.shape_cast %swap3A_67 : vector<16xf32> to vector<16xf32>
    %swap3A_69 = vector.shape_cast %broadcast_in_dim3A_2 : vector<16xf32> to vector<16xf32>
    tpu.vector_store %arg6[%swap3A_66], %swap3A_69 {strides = array<i32>} : memref<640xf32, #tpu.memory_space<vmem>>, vector<16xf32>,
    %swap3A_70 = arith.constant 192 : index
    %swap3A_71 = tpu.vector_load %arg6[%swap3A_70] {strides = array<i32>} : memref<640xf32, #tpu.memory_space<vmem>>, vector<16xf32>,
    %swap3A_72 = vector.shape_cast %swap3A_71 : vector<16xf32> to vector<16xf32>
    %swap3A_73 = vector.shape_cast %broadcast_in_dim3A_2 : vector<16xf32> to vector<16xf32>
    tpu.vector_store %arg6[%swap3A_70], %swap3A_73 {strides = array<i32>} : memref<640xf32, #tpu.memory_space<vmem>>, vector<16xf32>,
    %swap3A_74 = arith.constant 208 : index
    %swap3A_75 = tpu.vector_load %arg6[%swap3A_74] {strides = array<i32>} : memref<640xf32, #tpu.memory_space<vmem>>, vector<16xf32>,
    %swap3A_76 = vector.shape_cast %swap3A_75 : vector<16xf32> to vector<16xf32>
    %swap3A_77 = vector.shape_cast %broadcast_in_dim3A_2 : vector<16xf32> to vector<16xf32>
    tpu.vector_store %arg6[%swap3A_74], %swap3A_77 {strides = array<i32>} : memref<640xf32, #tpu.memory_space<vmem>>, vector<16xf32>,
    %swap3A_78 = arith.constant 224 : index
    %swap3A_79 = tpu.vector_load %arg6[%swap3A_78] {strides = array<i32>} : memref<640xf32, #tpu.memory_space<vmem>>, vector<16xf32>,
    %swap3A_80 = vector.shape_cast %swap3A_79 : vector<16xf32> to vector<16xf32>
    %swap3A_81 = vector.shape_cast %broadcast_in_dim3A_2 : vector<16xf32> to vector<16xf32>
    tpu.vector_store %arg6[%swap3A_78], %swap3A_81 {strides = array<i32>} : memref<640xf32, #tpu.memory_space<vmem>>, vector<16xf32>,
    %swap3A_82 = arith.constant 240 : index
    %swap3A_83 = tpu.vector_load %arg6[%swap3A_82] {strides = array<i32>} : memref<640xf32, #tpu.memory_space<vmem>>, vector<16xf32>,
    %swap3A_84 = vector.shape_cast %swap3A_83 : vector<16xf32> to vector<16xf32>
    %swap3A_85 = vector.shape_cast %broadcast_in_dim3A_2 : vector<16xf32> to vector<16xf32>
    tpu.vector_store %arg6[%swap3A_82], %swap3A_85 {strides = array<i32>} : memref<640xf32, #tpu.memory_space<vmem>>, vector<16xf32>,
    %swap3A_86 = arith.constant 256 : index
    %swap3A_87 = tpu.vector_load %arg6[%swap3A_86] {strides = array<i32>} : memref<640xf32, #tpu.memory_space<vmem>>, vector<16xf32>,
    %swap3A_88 = vector.shape_cast %swap3A_87 : vector<16xf32> to vector<16xf32>
    %swap3A_89 = vector.shape_cast %broadcast_in_dim3A_2 : vector<16xf32> to vector<16xf32>
    tpu.vector_store %arg6[%swap3A_86], %swap3A_89 {strides = array<i32>} : memref<640xf32, #tpu.memory_space<vmem>>, vector<16xf32>,
    %swap3A_90 = arith.constant 272 : index
    %swap3A_91 = tpu.vector_load %arg6[%swap3A_90] {strides = array<i32>} : memref<640xf32, #tpu.memory_space<vmem>>, vector<16xf32>,
    %swap3A_92 = vector.shape_cast %swap3A_91 : vector<16xf32> to vector<16xf32>
    %swap3A_93 = vector.shape_cast %broadcast_in_dim3A_2 : vector<16xf32> to vector<16xf32>
    tpu.vector_store %arg6[%swap3A_90], %swap3A_93 {strides = array<i32>} : memref<640xf32, #tpu.memory_space<vmem>>, vector<16xf32>,
    %swap3A_94 = arith.constant 288 : index
    %swap3A_95 = tpu.vector_load %arg6[%swap3A_94] {strides = array<i32>} : memref<640xf32, #tpu.memory_space<vmem>>, vector<16xf32>,
    %swap3A_96 = vector.shape_cast %swap3A_95 : vector<16xf32> to vector<16xf32>
    %swap3A_97 = vector.shape_cast %broadcast_in_dim3A_2 : vector<16xf32> to vector<16xf32>
    tpu.vector_store %arg6[%swap3A_94], %swap3A_97 {strides = array<i32>} : memref<640xf32, #tpu.memory_space<vmem>>, vector<16xf32>,
    %swap3A_98 = arith.constant 304 : index
    %swap3A_99 = tpu.vector_load %arg6[%swap3A_98] {strides = array<i32>} : memref<640xf32, #tpu.memory_space<vmem>>, vector<16xf32>,
    %swap3A_100 = vector.shape_cast %swap3A_99 : vector<16xf32> to vector<16xf32>
    %swap3A_101 = vector.shape_cast %broadcast_in_dim3A_2 : vector<16xf32> to vector<16xf32>
    tpu.vector_store %arg6[%swap3A_98], %swap3A_101 {strides = array<i32>} : memref<640xf32, #tpu.memory_space<vmem>>, vector<16xf32>,
    %swap3A_102 = arith.constant 320 : index
    %swap3A_103 = tpu.vector_load %arg6[%swap3A_102] {strides = array<i32>} : memref<640xf32, #tpu.memory_space<vmem>>, vector<16xf32>,
    %swap3A_104 = vector.shape_cast %swap3A_103 : vector<16xf32> to vector<16xf32>
    %swap3A_105 = vector.shape_cast %broadcast_in_dim3A_2 : vector<16xf32> to vector<16xf32>
    tpu.vector_store %arg6[%swap3A_102], %swap3A_105 {strides = array<i32>} : memref<640xf32, #tpu.memory_space<vmem>>, vector<16xf32>,
    %swap3A_106 = arith.constant 336 : index
    %swap3A_107 = tpu.vector_load %arg6[%swap3A_106] {strides = array<i32>} : memref<640xf32, #tpu.memory_space<vmem>>, vector<16xf32>,
    %swap3A_108 = vector.shape_cast %swap3A_107 : vector<16xf32> to vector<16xf32>
    %swap3A_109 = vector.shape_cast %broadcast_in_dim3A_2 : vector<16xf32> to vector<16xf32>
    tpu.vector_store %arg6[%swap3A_106], %swap3A_109 {strides = array<i32>} : memref<640xf32, #tpu.memory_space<vmem>>, vector<16xf32>,
    %swap3A_110 = arith.constant 352 : index
    %swap3A_111 = tpu.vector_load %arg6[%swap3A_110] {strides = array<i32>} : memref<640xf32, #tpu.memory_space<vmem>>, vector<16xf32>,
    %swap3A_112 = vector.shape_cast %swap3A_111 : vector<16xf32> to vector<16xf32>
    %swap3A_113 = vector.shape_cast %broadcast_in_dim3A_2 : vector<16xf32> to vector<16xf32>
    tpu.vector_store %arg6[%swap3A_110], %swap3A_113 {strides = array<i32>} : memref<640xf32, #tpu.memory_space<vmem>>, vector<16xf32>,
    %swap3A_114 = arith.constant 368 : index
    %swap3A_115 = tpu.vector_load %arg6[%swap3A_114] {strides = array<i32>} : memref<640xf32, #tpu.memory_space<vmem>>, vector<16xf32>,
    %swap3A_116 = vector.shape_cast %swap3A_115 : vector<16xf32> to vector<16xf32>
    %swap3A_117 = vector.shape_cast %broadcast_in_dim3A_2 : vector<16xf32> to vector<16xf32>
    tpu.vector_store %arg6[%swap3A_114], %swap3A_117 {strides = array<i32>} : memref<640xf32, #tpu.memory_space<vmem>>, vector<16xf32>,
    %swap3A_118 = arith.constant 384 : index
    %swap3A_119 = tpu.vector_load %arg6[%swap3A_118] {strides = array<i32>} : memref<640xf32, #tpu.memory_space<vmem>>, vector<16xf32>,
    %swap3A_120 = vector.shape_cast %swap3A_119 : vector<16xf32> to vector<16xf32>
    %swap3A_121 = vector.shape_cast %broadcast_in_dim3A_2 : vector<16xf32> to vector<16xf32>
    tpu.vector_store %arg6[%swap3A_118], %swap3A_121 {strides = array<i32>} : memref<640xf32, #tpu.memory_space<vmem>>, vector<16xf32>,
    %swap3A_122 = arith.constant 400 : index
    %swap3A_123 = tpu.vector_load %arg6[%swap3A_122] {strides = array<i32>} : memref<640xf32, #tpu.memory_space<vmem>>, vector<16xf32>,
    %swap3A_124 = vector.shape_cast %swap3A_123 : vector<16xf32> to vector<16xf32>
    %swap3A_125 = vector.shape_cast %broadcast_in_dim3A_2 : vector<16xf32> to vector<16xf32>
    tpu.vector_store %arg6[%swap3A_122], %swap3A_125 {strides = array<i32>} : memref<640xf32, #tpu.memory_space<vmem>>, vector<16xf32>,
    %swap3A_126 = arith.constant 416 : index
    %swap3A_127 = tpu.vector_load %arg6[%swap3A_126] {strides = array<i32>} : memref<640xf32, #tpu.memory_space<vmem>>, vector<16xf32>,
    %swap3A_128 = vector.shape_cast %swap3A_127 : vector<16xf32> to vector<16xf32>
    %swap3A_129 = vector.shape_cast %broadcast_in_dim3A_2 : vector<16xf32> to vector<16xf32>
    tpu.vector_store %arg6[%swap3A_126], %swap3A_129 {strides = array<i32>} : memref<640xf32, #tpu.memory_space<vmem>>, vector<16xf32>,
    %swap3A_130 = arith.constant 432 : index
    %swap3A_131 = tpu.vector_load %arg6[%swap3A_130] {strides = array<i32>} : memref<640xf32, #tpu.memory_space<vmem>>, vector<16xf32>,
    %swap3A_132 = vector.shape_cast %swap3A_131 : vector<16xf32> to vector<16xf32>
    %swap3A_133 = vector.shape_cast %broadcast_in_dim3A_2 : vector<16xf32> to vector<16xf32>
    tpu.vector_store %arg6[%swap3A_130], %swap3A_133 {strides = array<i32>} : memref<640xf32, #tpu.memory_space<vmem>>, vector<16xf32>,
    %swap3A_134 = arith.constant 448 : index
    %swap3A_135 = tpu.vector_load %arg6[%swap3A_134] {strides = array<i32>} : memref<640xf32, #tpu.memory_space<vmem>>, vector<16xf32>,
    %swap3A_136 = vector.shape_cast %swap3A_135 : vector<16xf32> to vector<16xf32>
    %swap3A_137 = vector.shape_cast %broadcast_in_dim3A_2 : vector<16xf32> to vector<16xf32>
    tpu.vector_store %arg6[%swap3A_134], %swap3A_137 {strides = array<i32>} : memref<640xf32, #tpu.memory_space<vmem>>, vector<16xf32>,
    %swap3A_138 = arith.constant 464 : index
    %swap3A_139 = tpu.vector_load %arg6[%swap3A_138] {strides = array<i32>} : memref<640xf32, #tpu.memory_space<vmem>>, vector<16xf32>,
    %swap3A_140 = vector.shape_cast %swap3A_139 : vector<16xf32> to vector<16xf32>
    %swap3A_141 = vector.shape_cast %broadcast_in_dim3A_2 : vector<16xf32> to vector<16xf32>
    tpu.vector_store %arg6[%swap3A_138], %swap3A_141 {strides = array<i32>} : memref<640xf32, #tpu.memory_space<vmem>>, vector<16xf32>,
    %swap3A_142 = arith.constant 480 : index
    %swap3A_143 = tpu.vector_load %arg6[%swap3A_142] {strides = array<i32>} : memref<640xf32, #tpu.memory_space<vmem>>, vector<16xf32>,
    %swap3A_144 = vector.shape_cast %swap3A_143 : vector<16xf32> to vector<16xf32>
    %swap3A_145 = vector.shape_cast %broadcast_in_dim3A_2 : vector<16xf32> to vector<16xf32>
    tpu.vector_store %arg6[%swap3A_142], %swap3A_145 {strides = array<i32>} : memref<640xf32, #tpu.memory_space<vmem>>, vector<16xf32>,
    %swap3A_146 = arith.constant 496 : index
    %swap3A_147 = tpu.vector_load %arg6[%swap3A_146] {strides = array<i32>} : memref<640xf32, #tpu.memory_space<vmem>>, vector<16xf32>,
    %swap3A_148 = vector.shape_cast %swap3A_147 : vector<16xf32> to vector<16xf32>
    %swap3A_149 = vector.shape_cast %broadcast_in_dim3A_2 : vector<16xf32> to vector<16xf32>
    tpu.vector_store %arg6[%swap3A_146], %swap3A_149 {strides = array<i32>} : memref<640xf32, #tpu.memory_space<vmem>>, vector<16xf32>,
    %swap3A_150 = arith.constant 512 : index
    %swap3A_151 = tpu.vector_load %arg6[%swap3A_150] {strides = array<i32>} : memref<640xf32, #tpu.memory_space<vmem>>, vector<16xf32>,
    %swap3A_152 = vector.shape_cast %swap3A_151 : vector<16xf32> to vector<16xf32>
    %swap3A_153 = vector.shape_cast %broadcast_in_dim3A_2 : vector<16xf32> to vector<16xf32>
    tpu.vector_store %arg6[%swap3A_150], %swap3A_153 {strides = array<i32>} : memref<640xf32, #tpu.memory_space<vmem>>, vector<16xf32>,
    %swap3A_154 = arith.constant 528 : index
    %swap3A_155 = tpu.vector_load %arg6[%swap3A_154] {strides = array<i32>} : memref<640xf32, #tpu.memory_space<vmem>>, vector<16xf32>,
    %swap3A_156 = vector.shape_cast %swap3A_155 : vector<16xf32> to vector<16xf32>
    %swap3A_157 = vector.shape_cast %broadcast_in_dim3A_2 : vector<16xf32> to vector<16xf32>
    tpu.vector_store %arg6[%swap3A_154], %swap3A_157 {strides = array<i32>} : memref<640xf32, #tpu.memory_space<vmem>>, vector<16xf32>,
    %swap3A_158 = arith.constant 544 : index
    %swap3A_159 = tpu.vector_load %arg6[%swap3A_158] {strides = array<i32>} : memref<640xf32, #tpu.memory_space<vmem>>, vector<16xf32>,
    %swap3A_160 = vector.shape_cast %swap3A_159 : vector<16xf32> to vector<16xf32>
    %swap3A_161 = vector.shape_cast %broadcast_in_dim3A_2 : vector<16xf32> to vector<16xf32>
    tpu.vector_store %arg6[%swap3A_158], %swap3A_161 {strides = array<i32>} : memref<640xf32, #tpu.memory_space<vmem>>, vector<16xf32>,
    %swap3A_162 = arith.constant 560 : index
    %swap3A_163 = tpu.vector_load %arg6[%swap3A_162] {strides = array<i32>} : memref<640xf32, #tpu.memory_space<vmem>>, vector<16xf32>,
    %swap3A_164 = vector.shape_cast %swap3A_163 : vector<16xf32> to vector<16xf32>
    %swap3A_165 = vector.shape_cast %broadcast_in_dim3A_2 : vector<16xf32> to vector<16xf32>
    tpu.vector_store %arg6[%swap3A_162], %swap3A_165 {strides = array<i32>} : memref<640xf32, #tpu.memory_space<vmem>>, vector<16xf32>,
    %swap3A_166 = arith.constant 576 : index
    %swap3A_167 = tpu.vector_load %arg6[%swap3A_166] {strides = array<i32>} : memref<640xf32, #tpu.memory_space<vmem>>, vector<16xf32>,
    %swap3A_168 = vector.shape_cast %swap3A_167 : vector<16xf32> to vector<16xf32>
    %swap3A_169 = vector.shape_cast %broadcast_in_dim3A_2 : vector<16xf32> to vector<16xf32>
    tpu.vector_store %arg6[%swap3A_166], %swap3A_169 {strides = array<i32>} : memref<640xf32, #tpu.memory_space<vmem>>, vector<16xf32>,
    %swap3A_170 = arith.constant 592 : index
    %swap3A_171 = tpu.vector_load %arg6[%swap3A_170] {strides = array<i32>} : memref<640xf32, #tpu.memory_space<vmem>>, vector<16xf32>,
    %swap3A_172 = vector.shape_cast %swap3A_171 : vector<16xf32> to vector<16xf32>
    %swap3A_173 = vector.shape_cast %broadcast_in_dim3A_2 : vector<16xf32> to vector<16xf32>
    tpu.vector_store %arg6[%swap3A_170], %swap3A_173 {strides = array<i32>} : memref<640xf32, #tpu.memory_space<vmem>>, vector<16xf32>,
    %swap3A_174 = arith.constant 608 : index
    %swap3A_175 = tpu.vector_load %arg6[%swap3A_174] {strides = array<i32>} : memref<640xf32, #tpu.memory_space<vmem>>, vector<16xf32>,
    %swap3A_176 = vector.shape_cast %swap3A_175 : vector<16xf32> to vector<16xf32>
    %swap3A_177 = vector.shape_cast %broadcast_in_dim3A_2 : vector<16xf32> to vector<16xf32>
    tpu.vector_store %arg6[%swap3A_174], %swap3A_177 {strides = array<i32>} : memref<640xf32, #tpu.memory_space<vmem>>, vector<16xf32>,
    %swap3A_178 = arith.constant 624 : index
    %swap3A_179 = tpu.vector_load %arg6[%swap3A_178] {strides = array<i32>} : memref<640xf32, #tpu.memory_space<vmem>>, vector<16xf32>,
    %swap3A_180 = vector.shape_cast %swap3A_179 : vector<16xf32> to vector<16xf32>
    %swap3A_181 = vector.shape_cast %broadcast_in_dim3A_2 : vector<16xf32> to vector<16xf32>
    tpu.vector_store %arg6[%swap3A_178], %swap3A_181 {strides = array<i32>} : memref<640xf32, #tpu.memory_space<vmem>>, vector<16xf32>,
    %mul3A = arith.constant 640 : i32
    %mul3A_182 = arith.muli %arg1, %mul3A : i32
    "tpu.region"() ({
      %run_scoped3A_203 = tpu.sem_alloc : memref<!tpu.dma_semaphore, #tpu.memory_space<semaphore_mem>>
      %dma_start3A = tpu.memref_slice %arg7[%mul3A_182] : memref<10240xf32, #tpu.memory_space<vmem_shared>> -> memref<640xf32, #tpu.memory_space<vmem_shared>>
      %dma_start3A_204 = tpu.memref_slice %arg7[%mul3A_182] : memref<10240xf32, #tpu.memory_space<vmem_shared>> -> memref<640xf32, #tpu.memory_space<vmem_shared>>
      tpu.enqueue_dma source(%arg6 : memref<640xf32, #tpu.memory_space<vmem>>) target(%dma_start3A_204 : memref<640xf32, #tpu.memory_space<vmem_shared>>) target_semaphore(%run_scoped3A_203 : memref<!tpu.dma_semaphore, #tpu.memory_space<semaphore_mem>>)
      %dma_wait3A = tpu.memref_slice %arg7[%mul3A_182] : memref<10240xf32, #tpu.memory_space<vmem_shared>> -> memref<640xf32, #tpu.memory_space<vmem_shared>>
      %dma_wait3A_205 = tpu.memref_slice %arg7[%mul3A_182] : memref<10240xf32, #tpu.memory_space<vmem_shared>> -> memref<640xf32, #tpu.memory_space<vmem_shared>>
      tpu.wait_dma2 semaphore(%run_scoped3A_203 : memref<!tpu.dma_semaphore, #tpu.memory_space<semaphore_mem>>) src(%arg6 : memref<640xf32, #tpu.memory_space<vmem>>) dst(%dma_wait3A_205 : memref<640xf32, #tpu.memory_space<vmem_shared>>)
      tpu.yield
    }) : () -> ()
    %mul3A_183 = arith.constant 2 : i32
    %mul3A_184 = arith.muli %arg1, %mul3A_183 : i32
    %add3A = arith.addi %mul3A_184, %arg0 : i32
    %mul3A_185 = arith.constant 10000 : i32
    %mul3A_186 = arith.muli %add3A, %mul3A_185 : i32
    %scan3A = arith.constant 0 : i32
    %scan3A_187 = arith.constant 0 : i32
    %scan3A_188 = arith.constant 5 : i32
    %scan3A_189 = arith.addi %scan3A_187, %scan3A_188 : i32
    %scan3A_190 = arith.constant 1 : i32
    scf.for %scan3A_203 = %scan3A_187 to %scan3A_189 step %scan3A_190  : i32 {
      %mul3A_204 = arith.constant 25 : i32
      %mul3A_205 = arith.muli %scan3A_203, %mul3A_204 : i32
      %add3A_206 = arith.constant 0 : i32
      %add3A_207 = arith.addi %mul3A_205, %add3A_206 : i32
      %mul3A_208 = arith.constant 80 : i32
      %mul3A_209 = arith.muli %add3A_207, %mul3A_208 : i32
      %add3A_210 = arith.addi %mul3A_186, %mul3A_209 : i32
      %dma_start3A = arith.constant 0 : i32
      %dma_start3A_211 = tpu.memref_slice %arg4[%add3A_207, %dma_start3A] : memref<125x80xi32, #tpu.memory_space<vmem>> -> memref<1x80xi32, #tpu.memory_space<vmem>>
      %dma_start3A_212 = tpu.memref_squeeze %dma_start3A_211 : memref<1x80xi32, #tpu.memory_space<vmem>> -> memref<80xi32, #tpu.memory_space<vmem>>
      %dma_start3A_213 = tpu.memref_slice %arg2[%add3A_210] : memref<640000xi32, #tpu.memory_space<hbm>> -> memref<80xi32, #tpu.memory_space<hbm>>
      %dma_start3A_214 = arith.constant 0 : i32
      %dma_start3A_215 = tpu.memref_slice %arg4[%add3A_207, %dma_start3A_214] : memref<125x80xi32, #tpu.memory_space<vmem>> -> memref<1x80xi32, #tpu.memory_space<vmem>>
      %dma_start3A_216 = tpu.memref_squeeze %dma_start3A_215 : memref<1x80xi32, #tpu.memory_space<vmem>> -> memref<80xi32, #tpu.memory_space<vmem>>
      %dma_start3A_217 = tpu.memref_slice %arg2[%add3A_210] : memref<640000xi32, #tpu.memory_space<hbm>> -> memref<80xi32, #tpu.memory_space<hbm>>
      tpu.enqueue_dma source(%dma_start3A_217 : memref<80xi32, #tpu.memory_space<hbm>>) target(%dma_start3A_216 : memref<80xi32, #tpu.memory_space<vmem>>) target_semaphore(%arg8 : memref<!tpu.dma_semaphore, #tpu.memory_space<semaphore_mem>>)
      %mul3A_218 = arith.constant 25 : i32
      %mul3A_219 = arith.muli %scan3A_203, %mul3A_218 : i32
      %add3A_220 = arith.constant 1 : i32
      %add3A_221 = arith.addi %mul3A_219, %add3A_220 : i32
      %mul3A_222 = arith.constant 80 : i32
      %mul3A_223 = arith.muli %add3A_221, %mul3A_222 : i32
      %add3A_224 = arith.addi %mul3A_186, %mul3A_223 : i32
      %dma_start3A_225 = arith.constant 0 : i32
      %dma_start3A_226 = tpu.memref_slice %arg4[%add3A_221, %dma_start3A_225] : memref<125x80xi32, #tpu.memory_space<vmem>> -> memref<1x80xi32, #tpu.memory_space<vmem>>
      %dma_start3A_227 = tpu.memref_squeeze %dma_start3A_226 : memref<1x80xi32, #tpu.memory_space<vmem>> -> memref<80xi32, #tpu.memory_space<vmem>>
      %dma_start3A_228 = tpu.memref_slice %arg2[%add3A_224] : memref<640000xi32, #tpu.memory_space<hbm>> -> memref<80xi32, #tpu.memory_space<hbm>>
      %dma_start3A_229 = arith.constant 0 : i32
      %dma_start3A_230 = tpu.memref_slice %arg4[%add3A_221, %dma_start3A_229] : memref<125x80xi32, #tpu.memory_space<vmem>> -> memref<1x80xi32, #tpu.memory_space<vmem>>
      %dma_start3A_231 = tpu.memref_squeeze %dma_start3A_230 : memref<1x80xi32, #tpu.memory_space<vmem>> -> memref<80xi32, #tpu.memory_space<vmem>>
      %dma_start3A_232 = tpu.memref_slice %arg2[%add3A_224] : memref<640000xi32, #tpu.memory_space<hbm>> -> memref<80xi32, #tpu.memory_space<hbm>>
      tpu.enqueue_dma source(%dma_start3A_232 : memref<80xi32, #tpu.memory_space<hbm>>) target(%dma_start3A_231 : memref<80xi32, #tpu.memory_space<vmem>>) target_semaphore(%arg8 : memref<!tpu.dma_semaphore, #tpu.memory_space<semaphore_mem>>)
      %mul3A_233 = arith.constant 25 : i32
      %mul3A_234 = arith.muli %scan3A_203, %mul3A_233 : i32
      %add3A_235 = arith.constant 2 : i32
      %add3A_236 = arith.addi %mul3A_234, %add3A_235 : i32
      %mul3A_237 = arith.constant 80 : i32
      %mul3A_238 = arith.muli %add3A_236, %mul3A_237 : i32
      %add3A_239 = arith.addi %mul3A_186, %mul3A_238 : i32
      %dma_start3A_240 = arith.constant 0 : i32
      %dma_start3A_241 = tpu.memref_slice %arg4[%add3A_236, %dma_start3A_240] : memref<125x80xi32, #tpu.memory_space<vmem>> -> memref<1x80xi32, #tpu.memory_space<vmem>>
      %dma_start3A_242 = tpu.memref_squeeze %dma_start3A_241 : memref<1x80xi32, #tpu.memory_space<vmem>> -> memref<80xi32, #tpu.memory_space<vmem>>
      %dma_start3A_243 = tpu.memref_slice %arg2[%add3A_239] : memref<640000xi32, #tpu.memory_space<hbm>> -> memref<80xi32, #tpu.memory_space<hbm>>
      %dma_start3A_244 = arith.constant 0 : i32
      %dma_start3A_245 = tpu.memref_slice %arg4[%add3A_236, %dma_start3A_244] : memref<125x80xi32, #tpu.memory_space<vmem>> -> memref<1x80xi32, #tpu.memory_space<vmem>>
      %dma_start3A_246 = tpu.memref_squeeze %dma_start3A_245 : memref<1x80xi32, #tpu.memory_space<vmem>> -> memref<80xi32, #tpu.memory_space<vmem>>
      %dma_start3A_247 = tpu.memref_slice %arg2[%add3A_239] : memref<640000xi32, #tpu.memory_space<hbm>> -> memref<80xi32, #tpu.memory_space<hbm>>
      tpu.enqueue_dma source(%dma_start3A_247 : memref<80xi32, #tpu.memory_space<hbm>>) target(%dma_start3A_246 : memref<80xi32, #tpu.memory_space<vmem>>) target_semaphore(%arg8 : memref<!tpu.dma_semaphore, #tpu.memory_space<semaphore_mem>>)
      %mul3A_248 = arith.constant 25 : i32
      %mul3A_249 = arith.muli %scan3A_203, %mul3A_248 : i32
      %add3A_250 = arith.constant 3 : i32
      %add3A_251 = arith.addi %mul3A_249, %add3A_250 : i32
      %mul3A_252 = arith.constant 80 : i32
      %mul3A_253 = arith.muli %add3A_251, %mul3A_252 : i32
      %add3A_254 = arith.addi %mul3A_186, %mul3A_253 : i32
      %dma_start3A_255 = arith.constant 0 : i32
      %dma_start3A_256 = tpu.memref_slice %arg4[%add3A_251, %dma_start3A_255] : memref<125x80xi32, #tpu.memory_space<vmem>> -> memref<1x80xi32, #tpu.memory_space<vmem>>
      %dma_start3A_257 = tpu.memref_squeeze %dma_start3A_256 : memref<1x80xi32, #tpu.memory_space<vmem>> -> memref<80xi32, #tpu.memory_space<vmem>>
      %dma_start3A_258 = tpu.memref_slice %arg2[%add3A_254] : memref<640000xi32, #tpu.memory_space<hbm>> -> memref<80xi32, #tpu.memory_space<hbm>>
      %dma_start3A_259 = arith.constant 0 : i32
      %dma_start3A_260 = tpu.memref_slice %arg4[%add3A_251, %dma_start3A_259] : memref<125x80xi32, #tpu.memory_space<vmem>> -> memref<1x80xi32, #tpu.memory_space<vmem>>
      %dma_start3A_261 = tpu.memref_squeeze %dma_start3A_260 : memref<1x80xi32, #tpu.memory_space<vmem>> -> memref<80xi32, #tpu.memory_space<vmem>>
      %dma_start3A_262 = tpu.memref_slice %arg2[%add3A_254] : memref<640000xi32, #tpu.memory_space<hbm>> -> memref<80xi32, #tpu.memory_space<hbm>>
      tpu.enqueue_dma source(%dma_start3A_262 : memref<80xi32, #tpu.memory_space<hbm>>) target(%dma_start3A_261 : memref<80xi32, #tpu.memory_space<vmem>>) target_semaphore(%arg8 : memref<!tpu.dma_semaphore, #tpu.memory_space<semaphore_mem>>)
      %mul3A_263 = arith.constant 25 : i32
      %mul3A_264 = arith.muli %scan3A_203, %mul3A_263 : i32
      %add3A_265 = arith.constant 4 : i32
      %add3A_266 = arith.addi %mul3A_264, %add3A_265 : i32
      %mul3A_267 = arith.constant 80 : i32
      %mul3A_268 = arith.muli %add3A_266, %mul3A_267 : i32
      %add3A_269 = arith.addi %mul3A_186, %mul3A_268 : i32
      %dma_start3A_270 = arith.constant 0 : i32
      %dma_start3A_271 = tpu.memref_slice %arg4[%add3A_266, %dma_start3A_270] : memref<125x80xi32, #tpu.memory_space<vmem>> -> memref<1x80xi32, #tpu.memory_space<vmem>>
      %dma_start3A_272 = tpu.memref_squeeze %dma_start3A_271 : memref<1x80xi32, #tpu.memory_space<vmem>> -> memref<80xi32, #tpu.memory_space<vmem>>
      %dma_start3A_273 = tpu.memref_slice %arg2[%add3A_269] : memref<640000xi32, #tpu.memory_space<hbm>> -> memref<80xi32, #tpu.memory_space<hbm>>
      %dma_start3A_274 = arith.constant 0 : i32
      %dma_start3A_275 = tpu.memref_slice %arg4[%add3A_266, %dma_start3A_274] : memref<125x80xi32, #tpu.memory_space<vmem>> -> memref<1x80xi32, #tpu.memory_space<vmem>>
      %dma_start3A_276 = tpu.memref_squeeze %dma_start3A_275 : memref<1x80xi32, #tpu.memory_space<vmem>> -> memref<80xi32, #tpu.memory_space<vmem>>
      %dma_start3A_277 = tpu.memref_slice %arg2[%add3A_269] : memref<640000xi32, #tpu.memory_space<hbm>> -> memref<80xi32, #tpu.memory_space<hbm>>
      tpu.enqueue_dma source(%dma_start3A_277 : memref<80xi32, #tpu.memory_space<hbm>>) target(%dma_start3A_276 : memref<80xi32, #tpu.memory_space<vmem>>) target_semaphore(%arg8 : memref<!tpu.dma_semaphore, #tpu.memory_space<semaphore_mem>>)
      %mul3A_278 = arith.constant 25 : i32
      %mul3A_279 = arith.muli %scan3A_203, %mul3A_278 : i32
      %add3A_280 = arith.constant 5 : i32
      %add3A_281 = arith.addi %mul3A_279, %add3A_280 : i32
      %mul3A_282 = arith.constant 80 : i32
      %mul3A_283 = arith.muli %add3A_281, %mul3A_282 : i32
      %add3A_284 = arith.addi %mul3A_186, %mul3A_283 : i32
      %dma_start3A_285 = arith.constant 0 : i32
      %dma_start3A_286 = tpu.memref_slice %arg4[%add3A_281, %dma_start3A_285] : memref<125x80xi32, #tpu.memory_space<vmem>> -> memref<1x80xi32, #tpu.memory_space<vmem>>
      %dma_start3A_287 = tpu.memref_squeeze %dma_start3A_286 : memref<1x80xi32, #tpu.memory_space<vmem>> -> memref<80xi32, #tpu.memory_space<vmem>>
      %dma_start3A_288 = tpu.memref_slice %arg2[%add3A_284] : memref<640000xi32, #tpu.memory_space<hbm>> -> memref<80xi32, #tpu.memory_space<hbm>>
      %dma_start3A_289 = arith.constant 0 : i32
      %dma_start3A_290 = tpu.memref_slice %arg4[%add3A_281, %dma_start3A_289] : memref<125x80xi32, #tpu.memory_space<vmem>> -> memref<1x80xi32, #tpu.memory_space<vmem>>
      %dma_start3A_291 = tpu.memref_squeeze %dma_start3A_290 : memref<1x80xi32, #tpu.memory_space<vmem>> -> memref<80xi32, #tpu.memory_space<vmem>>
      %dma_start3A_292 = tpu.memref_slice %arg2[%add3A_284] : memref<640000xi32, #tpu.memory_space<hbm>> -> memref<80xi32, #tpu.memory_space<hbm>>
      tpu.enqueue_dma source(%dma_start3A_292 : memref<80xi32, #tpu.memory_space<hbm>>) target(%dma_start3A_291 : memref<80xi32, #tpu.memory_space<vmem>>) target_semaphore(%arg8 : memref<!tpu.dma_semaphore, #tpu.memory_space<semaphore_mem>>)
      %mul3A_293 = arith.constant 25 : i32
      %mul3A_294 = arith.muli %scan3A_203, %mul3A_293 : i32
      %add3A_295 = arith.constant 6 : i32
      %add3A_296 = arith.addi %mul3A_294, %add3A_295 : i32
      %mul3A_297 = arith.constant 80 : i32
      %mul3A_298 = arith.muli %add3A_296, %mul3A_297 : i32
      %add3A_299 = arith.addi %mul3A_186, %mul3A_298 : i32
      %dma_start3A_300 = arith.constant 0 : i32
      %dma_start3A_301 = tpu.memref_slice %arg4[%add3A_296, %dma_start3A_300] : memref<125x80xi32, #tpu.memory_space<vmem>> -> memref<1x80xi32, #tpu.memory_space<vmem>>
      %dma_start3A_302 = tpu.memref_squeeze %dma_start3A_301 : memref<1x80xi32, #tpu.memory_space<vmem>> -> memref<80xi32, #tpu.memory_space<vmem>>
      %dma_start3A_303 = tpu.memref_slice %arg2[%add3A_299] : memref<640000xi32, #tpu.memory_space<hbm>> -> memref<80xi32, #tpu.memory_space<hbm>>
      %dma_start3A_304 = arith.constant 0 : i32
      %dma_start3A_305 = tpu.memref_slice %arg4[%add3A_296, %dma_start3A_304] : memref<125x80xi32, #tpu.memory_space<vmem>> -> memref<1x80xi32, #tpu.memory_space<vmem>>
      %dma_start3A_306 = tpu.memref_squeeze %dma_start3A_305 : memref<1x80xi32, #tpu.memory_space<vmem>> -> memref<80xi32, #tpu.memory_space<vmem>>
      %dma_start3A_307 = tpu.memref_slice %arg2[%add3A_299] : memref<640000xi32, #tpu.memory_space<hbm>> -> memref<80xi32, #tpu.memory_space<hbm>>
      tpu.enqueue_dma source(%dma_start3A_307 : memref<80xi32, #tpu.memory_space<hbm>>) target(%dma_start3A_306 : memref<80xi32, #tpu.memory_space<vmem>>) target_semaphore(%arg8 : memref<!tpu.dma_semaphore, #tpu.memory_space<semaphore_mem>>)
      %mul3A_308 = arith.constant 25 : i32
      %mul3A_309 = arith.muli %scan3A_203, %mul3A_308 : i32
      %add3A_310 = arith.constant 7 : i32
      %add3A_311 = arith.addi %mul3A_309, %add3A_310 : i32
      %mul3A_312 = arith.constant 80 : i32
      %mul3A_313 = arith.muli %add3A_311, %mul3A_312 : i32
      %add3A_314 = arith.addi %mul3A_186, %mul3A_313 : i32
      %dma_start3A_315 = arith.constant 0 : i32
      %dma_start3A_316 = tpu.memref_slice %arg4[%add3A_311, %dma_start3A_315] : memref<125x80xi32, #tpu.memory_space<vmem>> -> memref<1x80xi32, #tpu.memory_space<vmem>>
      %dma_start3A_317 = tpu.memref_squeeze %dma_start3A_316 : memref<1x80xi32, #tpu.memory_space<vmem>> -> memref<80xi32, #tpu.memory_space<vmem>>
      %dma_start3A_318 = tpu.memref_slice %arg2[%add3A_314] : memref<640000xi32, #tpu.memory_space<hbm>> -> memref<80xi32, #tpu.memory_space<hbm>>
      %dma_start3A_319 = arith.constant 0 : i32
      %dma_start3A_320 = tpu.memref_slice %arg4[%add3A_311, %dma_start3A_319] : memref<125x80xi32, #tpu.memory_space<vmem>> -> memref<1x80xi32, #tpu.memory_space<vmem>>
      %dma_start3A_321 = tpu.memref_squeeze %dma_start3A_320 : memref<1x80xi32, #tpu.memory_space<vmem>> -> memref<80xi32, #tpu.memory_space<vmem>>
      %dma_start3A_322 = tpu.memref_slice %arg2[%add3A_314] : memref<640000xi32, #tpu.memory_space<hbm>> -> memref<80xi32, #tpu.memory_space<hbm>>
      tpu.enqueue_dma source(%dma_start3A_322 : memref<80xi32, #tpu.memory_space<hbm>>) target(%dma_start3A_321 : memref<80xi32, #tpu.memory_space<vmem>>) target_semaphore(%arg8 : memref<!tpu.dma_semaphore, #tpu.memory_space<semaphore_mem>>)
      %mul3A_323 = arith.constant 25 : i32
      %mul3A_324 = arith.muli %scan3A_203, %mul3A_323 : i32
      %add3A_325 = arith.constant 8 : i32
      %add3A_326 = arith.addi %mul3A_324, %add3A_325 : i32
      %mul3A_327 = arith.constant 80 : i32
      %mul3A_328 = arith.muli %add3A_326, %mul3A_327 : i32
      %add3A_329 = arith.addi %mul3A_186, %mul3A_328 : i32
      %dma_start3A_330 = arith.constant 0 : i32
      %dma_start3A_331 = tpu.memref_slice %arg4[%add3A_326, %dma_start3A_330] : memref<125x80xi32, #tpu.memory_space<vmem>> -> memref<1x80xi32, #tpu.memory_space<vmem>>
      %dma_start3A_332 = tpu.memref_squeeze %dma_start3A_331 : memref<1x80xi32, #tpu.memory_space<vmem>> -> memref<80xi32, #tpu.memory_space<vmem>>
      %dma_start3A_333 = tpu.memref_slice %arg2[%add3A_329] : memref<640000xi32, #tpu.memory_space<hbm>> -> memref<80xi32, #tpu.memory_space<hbm>>
      %dma_start3A_334 = arith.constant 0 : i32
      %dma_start3A_335 = tpu.memref_slice %arg4[%add3A_326, %dma_start3A_334] : memref<125x80xi32, #tpu.memory_space<vmem>> -> memref<1x80xi32, #tpu.memory_space<vmem>>
      %dma_start3A_336 = tpu.memref_squeeze %dma_start3A_335 : memref<1x80xi32, #tpu.memory_space<vmem>> -> memref<80xi32, #tpu.memory_space<vmem>>
      %dma_start3A_337 = tpu.memref_slice %arg2[%add3A_329] : memref<640000xi32, #tpu.memory_space<hbm>> -> memref<80xi32, #tpu.memory_space<hbm>>
      tpu.enqueue_dma source(%dma_start3A_337 : memref<80xi32, #tpu.memory_space<hbm>>) target(%dma_start3A_336 : memref<80xi32, #tpu.memory_space<vmem>>) target_semaphore(%arg8 : memref<!tpu.dma_semaphore, #tpu.memory_space<semaphore_mem>>)
      %mul3A_338 = arith.constant 25 : i32
      %mul3A_339 = arith.muli %scan3A_203, %mul3A_338 : i32
      %add3A_340 = arith.constant 9 : i32
      %add3A_341 = arith.addi %mul3A_339, %add3A_340 : i32
      %mul3A_342 = arith.constant 80 : i32
      %mul3A_343 = arith.muli %add3A_341, %mul3A_342 : i32
      %add3A_344 = arith.addi %mul3A_186, %mul3A_343 : i32
      %dma_start3A_345 = arith.constant 0 : i32
      %dma_start3A_346 = tpu.memref_slice %arg4[%add3A_341, %dma_start3A_345] : memref<125x80xi32, #tpu.memory_space<vmem>> -> memref<1x80xi32, #tpu.memory_space<vmem>>
      %dma_start3A_347 = tpu.memref_squeeze %dma_start3A_346 : memref<1x80xi32, #tpu.memory_space<vmem>> -> memref<80xi32, #tpu.memory_space<vmem>>
      %dma_start3A_348 = tpu.memref_slice %arg2[%add3A_344] : memref<640000xi32, #tpu.memory_space<hbm>> -> memref<80xi32, #tpu.memory_space<hbm>>
      %dma_start3A_349 = arith.constant 0 : i32
      %dma_start3A_350 = tpu.memref_slice %arg4[%add3A_341, %dma_start3A_349] : memref<125x80xi32, #tpu.memory_space<vmem>> -> memref<1x80xi32, #tpu.memory_space<vmem>>
      %dma_start3A_351 = tpu.memref_squeeze %dma_start3A_350 : memref<1x80xi32, #tpu.memory_space<vmem>> -> memref<80xi32, #tpu.memory_space<vmem>>
      %dma_start3A_352 = tpu.memref_slice %arg2[%add3A_344] : memref<640000xi32, #tpu.memory_space<hbm>> -> memref<80xi32, #tpu.memory_space<hbm>>
      tpu.enqueue_dma source(%dma_start3A_352 : memref<80xi32, #tpu.memory_space<hbm>>) target(%dma_start3A_351 : memref<80xi32, #tpu.memory_space<vmem>>) target_semaphore(%arg8 : memref<!tpu.dma_semaphore, #tpu.memory_space<semaphore_mem>>)
      %mul3A_353 = arith.constant 25 : i32
      %mul3A_354 = arith.muli %scan3A_203, %mul3A_353 : i32
      %add3A_355 = arith.constant 10 : i32
      %add3A_356 = arith.addi %mul3A_354, %add3A_355 : i32
      %mul3A_357 = arith.constant 80 : i32
      %mul3A_358 = arith.muli %add3A_356, %mul3A_357 : i32
      %add3A_359 = arith.addi %mul3A_186, %mul3A_358 : i32
      %dma_start3A_360 = arith.constant 0 : i32
      %dma_start3A_361 = tpu.memref_slice %arg4[%add3A_356, %dma_start3A_360] : memref<125x80xi32, #tpu.memory_space<vmem>> -> memref<1x80xi32, #tpu.memory_space<vmem>>
      %dma_start3A_362 = tpu.memref_squeeze %dma_start3A_361 : memref<1x80xi32, #tpu.memory_space<vmem>> -> memref<80xi32, #tpu.memory_space<vmem>>
      %dma_start3A_363 = tpu.memref_slice %arg2[%add3A_359] : memref<640000xi32, #tpu.memory_space<hbm>> -> memref<80xi32, #tpu.memory_space<hbm>>
      %dma_start3A_364 = arith.constant 0 : i32
      %dma_start3A_365 = tpu.memref_slice %arg4[%add3A_356, %dma_start3A_364] : memref<125x80xi32, #tpu.memory_space<vmem>> -> memref<1x80xi32, #tpu.memory_space<vmem>>
      %dma_start3A_366 = tpu.memref_squeeze %dma_start3A_365 : memref<1x80xi32, #tpu.memory_space<vmem>> -> memref<80xi32, #tpu.memory_space<vmem>>
      %dma_start3A_367 = tpu.memref_slice %arg2[%add3A_359] : memref<640000xi32, #tpu.memory_space<hbm>> -> memref<80xi32, #tpu.memory_space<hbm>>
      tpu.enqueue_dma source(%dma_start3A_367 : memref<80xi32, #tpu.memory_space<hbm>>) target(%dma_start3A_366 : memref<80xi32, #tpu.memory_space<vmem>>) target_semaphore(%arg8 : memref<!tpu.dma_semaphore, #tpu.memory_space<semaphore_mem>>)
      %mul3A_368 = arith.constant 25 : i32
      %mul3A_369 = arith.muli %scan3A_203, %mul3A_368 : i32
      %add3A_370 = arith.constant 11 : i32
      %add3A_371 = arith.addi %mul3A_369, %add3A_370 : i32
      %mul3A_372 = arith.constant 80 : i32
      %mul3A_373 = arith.muli %add3A_371, %mul3A_372 : i32
      %add3A_374 = arith.addi %mul3A_186, %mul3A_373 : i32
      %dma_start3A_375 = arith.constant 0 : i32
      %dma_start3A_376 = tpu.memref_slice %arg4[%add3A_371, %dma_start3A_375] : memref<125x80xi32, #tpu.memory_space<vmem>> -> memref<1x80xi32, #tpu.memory_space<vmem>>
      %dma_start3A_377 = tpu.memref_squeeze %dma_start3A_376 : memref<1x80xi32, #tpu.memory_space<vmem>> -> memref<80xi32, #tpu.memory_space<vmem>>
      %dma_start3A_378 = tpu.memref_slice %arg2[%add3A_374] : memref<640000xi32, #tpu.memory_space<hbm>> -> memref<80xi32, #tpu.memory_space<hbm>>
      %dma_start3A_379 = arith.constant 0 : i32
      %dma_start3A_380 = tpu.memref_slice %arg4[%add3A_371, %dma_start3A_379] : memref<125x80xi32, #tpu.memory_space<vmem>> -> memref<1x80xi32, #tpu.memory_space<vmem>>
      %dma_start3A_381 = tpu.memref_squeeze %dma_start3A_380 : memref<1x80xi32, #tpu.memory_space<vmem>> -> memref<80xi32, #tpu.memory_space<vmem>>
      %dma_start3A_382 = tpu.memref_slice %arg2[%add3A_374] : memref<640000xi32, #tpu.memory_space<hbm>> -> memref<80xi32, #tpu.memory_space<hbm>>
      tpu.enqueue_dma source(%dma_start3A_382 : memref<80xi32, #tpu.memory_space<hbm>>) target(%dma_start3A_381 : memref<80xi32, #tpu.memory_space<vmem>>) target_semaphore(%arg8 : memref<!tpu.dma_semaphore, #tpu.memory_space<semaphore_mem>>)
      %mul3A_383 = arith.constant 25 : i32
      %mul3A_384 = arith.muli %scan3A_203, %mul3A_383 : i32
      %add3A_385 = arith.constant 12 : i32
      %add3A_386 = arith.addi %mul3A_384, %add3A_385 : i32
      %mul3A_387 = arith.constant 80 : i32
      %mul3A_388 = arith.muli %add3A_386, %mul3A_387 : i32
      %add3A_389 = arith.addi %mul3A_186, %mul3A_388 : i32
      %dma_start3A_390 = arith.constant 0 : i32
      %dma_start3A_391 = tpu.memref_slice %arg4[%add3A_386, %dma_start3A_390] : memref<125x80xi32, #tpu.memory_space<vmem>> -> memref<1x80xi32, #tpu.memory_space<vmem>>
      %dma_start3A_392 = tpu.memref_squeeze %dma_start3A_391 : memref<1x80xi32, #tpu.memory_space<vmem>> -> memref<80xi32, #tpu.memory_space<vmem>>
      %dma_start3A_393 = tpu.memref_slice %arg2[%add3A_389] : memref<640000xi32, #tpu.memory_space<hbm>> -> memref<80xi32, #tpu.memory_space<hbm>>
      %dma_start3A_394 = arith.constant 0 : i32
      %dma_start3A_395 = tpu.memref_slice %arg4[%add3A_386, %dma_start3A_394] : memref<125x80xi32, #tpu.memory_space<vmem>> -> memref<1x80xi32, #tpu.memory_space<vmem>>
      %dma_start3A_396 = tpu.memref_squeeze %dma_start3A_395 : memref<1x80xi32, #tpu.memory_space<vmem>> -> memref<80xi32, #tpu.memory_space<vmem>>
      %dma_start3A_397 = tpu.memref_slice %arg2[%add3A_389] : memref<640000xi32, #tpu.memory_space<hbm>> -> memref<80xi32, #tpu.memory_space<hbm>>
      tpu.enqueue_dma source(%dma_start3A_397 : memref<80xi32, #tpu.memory_space<hbm>>) target(%dma_start3A_396 : memref<80xi32, #tpu.memory_space<vmem>>) target_semaphore(%arg8 : memref<!tpu.dma_semaphore, #tpu.memory_space<semaphore_mem>>)
      %mul3A_398 = arith.constant 25 : i32
      %mul3A_399 = arith.muli %scan3A_203, %mul3A_398 : i32
      %add3A_400 = arith.constant 13 : i32
      %add3A_401 = arith.addi %mul3A_399, %add3A_400 : i32
      %mul3A_402 = arith.constant 80 : i32
      %mul3A_403 = arith.muli %add3A_401, %mul3A_402 : i32
      %add3A_404 = arith.addi %mul3A_186, %mul3A_403 : i32
      %dma_start3A_405 = arith.constant 0 : i32
      %dma_start3A_406 = tpu.memref_slice %arg4[%add3A_401, %dma_start3A_405] : memref<125x80xi32, #tpu.memory_space<vmem>> -> memref<1x80xi32, #tpu.memory_space<vmem>>
      %dma_start3A_407 = tpu.memref_squeeze %dma_start3A_406 : memref<1x80xi32, #tpu.memory_space<vmem>> -> memref<80xi32, #tpu.memory_space<vmem>>
      %dma_start3A_408 = tpu.memref_slice %arg2[%add3A_404] : memref<640000xi32, #tpu.memory_space<hbm>> -> memref<80xi32, #tpu.memory_space<hbm>>
      %dma_start3A_409 = arith.constant 0 : i32
      %dma_start3A_410 = tpu.memref_slice %arg4[%add3A_401, %dma_start3A_409] : memref<125x80xi32, #tpu.memory_space<vmem>> -> memref<1x80xi32, #tpu.memory_space<vmem>>
      %dma_start3A_411 = tpu.memref_squeeze %dma_start3A_410 : memref<1x80xi32, #tpu.memory_space<vmem>> -> memref<80xi32, #tpu.memory_space<vmem>>
      %dma_start3A_412 = tpu.memref_slice %arg2[%add3A_404] : memref<640000xi32, #tpu.memory_space<hbm>> -> memref<80xi32, #tpu.memory_space<hbm>>
      tpu.enqueue_dma source(%dma_start3A_412 : memref<80xi32, #tpu.memory_space<hbm>>) target(%dma_start3A_411 : memref<80xi32, #tpu.memory_space<vmem>>) target_semaphore(%arg8 : memref<!tpu.dma_semaphore, #tpu.memory_space<semaphore_mem>>)
      %mul3A_413 = arith.constant 25 : i32
      %mul3A_414 = arith.muli %scan3A_203, %mul3A_413 : i32
      %add3A_415 = arith.constant 14 : i32
      %add3A_416 = arith.addi %mul3A_414, %add3A_415 : i32
      %mul3A_417 = arith.constant 80 : i32
      %mul3A_418 = arith.muli %add3A_416, %mul3A_417 : i32
      %add3A_419 = arith.addi %mul3A_186, %mul3A_418 : i32
      %dma_start3A_420 = arith.constant 0 : i32
      %dma_start3A_421 = tpu.memref_slice %arg4[%add3A_416, %dma_start3A_420] : memref<125x80xi32, #tpu.memory_space<vmem>> -> memref<1x80xi32, #tpu.memory_space<vmem>>
      %dma_start3A_422 = tpu.memref_squeeze %dma_start3A_421 : memref<1x80xi32, #tpu.memory_space<vmem>> -> memref<80xi32, #tpu.memory_space<vmem>>
      %dma_start3A_423 = tpu.memref_slice %arg2[%add3A_419] : memref<640000xi32, #tpu.memory_space<hbm>> -> memref<80xi32, #tpu.memory_space<hbm>>
      %dma_start3A_424 = arith.constant 0 : i32
      %dma_start3A_425 = tpu.memref_slice %arg4[%add3A_416, %dma_start3A_424] : memref<125x80xi32, #tpu.memory_space<vmem>> -> memref<1x80xi32, #tpu.memory_space<vmem>>
      %dma_start3A_426 = tpu.memref_squeeze %dma_start3A_425 : memref<1x80xi32, #tpu.memory_space<vmem>> -> memref<80xi32, #tpu.memory_space<vmem>>
      %dma_start3A_427 = tpu.memref_slice %arg2[%add3A_419] : memref<640000xi32, #tpu.memory_space<hbm>> -> memref<80xi32, #tpu.memory_space<hbm>>
      tpu.enqueue_dma source(%dma_start3A_427 : memref<80xi32, #tpu.memory_space<hbm>>) target(%dma_start3A_426 : memref<80xi32, #tpu.memory_space<vmem>>) target_semaphore(%arg8 : memref<!tpu.dma_semaphore, #tpu.memory_space<semaphore_mem>>)
      %mul3A_428 = arith.constant 25 : i32
      %mul3A_429 = arith.muli %scan3A_203, %mul3A_428 : i32
      %add3A_430 = arith.constant 15 : i32
      %add3A_431 = arith.addi %mul3A_429, %add3A_430 : i32
      %mul3A_432 = arith.constant 80 : i32
      %mul3A_433 = arith.muli %add3A_431, %mul3A_432 : i32
      %add3A_434 = arith.addi %mul3A_186, %mul3A_433 : i32
      %dma_start3A_435 = arith.constant 0 : i32
      %dma_start3A_436 = tpu.memref_slice %arg4[%add3A_431, %dma_start3A_435] : memref<125x80xi32, #tpu.memory_space<vmem>> -> memref<1x80xi32, #tpu.memory_space<vmem>>
      %dma_start3A_437 = tpu.memref_squeeze %dma_start3A_436 : memref<1x80xi32, #tpu.memory_space<vmem>> -> memref<80xi32, #tpu.memory_space<vmem>>
      %dma_start3A_438 = tpu.memref_slice %arg2[%add3A_434] : memref<640000xi32, #tpu.memory_space<hbm>> -> memref<80xi32, #tpu.memory_space<hbm>>
      %dma_start3A_439 = arith.constant 0 : i32
      %dma_start3A_440 = tpu.memref_slice %arg4[%add3A_431, %dma_start3A_439] : memref<125x80xi32, #tpu.memory_space<vmem>> -> memref<1x80xi32, #tpu.memory_space<vmem>>
      %dma_start3A_441 = tpu.memref_squeeze %dma_start3A_440 : memref<1x80xi32, #tpu.memory_space<vmem>> -> memref<80xi32, #tpu.memory_space<vmem>>
      %dma_start3A_442 = tpu.memref_slice %arg2[%add3A_434] : memref<640000xi32, #tpu.memory_space<hbm>> -> memref<80xi32, #tpu.memory_space<hbm>>
      tpu.enqueue_dma source(%dma_start3A_442 : memref<80xi32, #tpu.memory_space<hbm>>) target(%dma_start3A_441 : memref<80xi32, #tpu.memory_space<vmem>>) target_semaphore(%arg8 : memref<!tpu.dma_semaphore, #tpu.memory_space<semaphore_mem>>)
      %mul3A_443 = arith.constant 25 : i32
      %mul3A_444 = arith.muli %scan3A_203, %mul3A_443 : i32
      %add3A_445 = arith.constant 16 : i32
      %add3A_446 = arith.addi %mul3A_444, %add3A_445 : i32
      %mul3A_447 = arith.constant 80 : i32
      %mul3A_448 = arith.muli %add3A_446, %mul3A_447 : i32
      %add3A_449 = arith.addi %mul3A_186, %mul3A_448 : i32
      %dma_start3A_450 = arith.constant 0 : i32
      %dma_start3A_451 = tpu.memref_slice %arg4[%add3A_446, %dma_start3A_450] : memref<125x80xi32, #tpu.memory_space<vmem>> -> memref<1x80xi32, #tpu.memory_space<vmem>>
      %dma_start3A_452 = tpu.memref_squeeze %dma_start3A_451 : memref<1x80xi32, #tpu.memory_space<vmem>> -> memref<80xi32, #tpu.memory_space<vmem>>
      %dma_start3A_453 = tpu.memref_slice %arg2[%add3A_449] : memref<640000xi32, #tpu.memory_space<hbm>> -> memref<80xi32, #tpu.memory_space<hbm>>
      %dma_start3A_454 = arith.constant 0 : i32
      %dma_start3A_455 = tpu.memref_slice %arg4[%add3A_446, %dma_start3A_454] : memref<125x80xi32, #tpu.memory_space<vmem>> -> memref<1x80xi32, #tpu.memory_space<vmem>>
      %dma_start3A_456 = tpu.memref_squeeze %dma_start3A_455 : memref<1x80xi32, #tpu.memory_space<vmem>> -> memref<80xi32, #tpu.memory_space<vmem>>
      %dma_start3A_457 = tpu.memref_slice %arg2[%add3A_449] : memref<640000xi32, #tpu.memory_space<hbm>> -> memref<80xi32, #tpu.memory_space<hbm>>
      tpu.enqueue_dma source(%dma_start3A_457 : memref<80xi32, #tpu.memory_space<hbm>>) target(%dma_start3A_456 : memref<80xi32, #tpu.memory_space<vmem>>) target_semaphore(%arg8 : memref<!tpu.dma_semaphore, #tpu.memory_space<semaphore_mem>>)
      %mul3A_458 = arith.constant 25 : i32
      %mul3A_459 = arith.muli %scan3A_203, %mul3A_458 : i32
      %add3A_460 = arith.constant 17 : i32
      %add3A_461 = arith.addi %mul3A_459, %add3A_460 : i32
      %mul3A_462 = arith.constant 80 : i32
      %mul3A_463 = arith.muli %add3A_461, %mul3A_462 : i32
      %add3A_464 = arith.addi %mul3A_186, %mul3A_463 : i32
      %dma_start3A_465 = arith.constant 0 : i32
      %dma_start3A_466 = tpu.memref_slice %arg4[%add3A_461, %dma_start3A_465] : memref<125x80xi32, #tpu.memory_space<vmem>> -> memref<1x80xi32, #tpu.memory_space<vmem>>
      %dma_start3A_467 = tpu.memref_squeeze %dma_start3A_466 : memref<1x80xi32, #tpu.memory_space<vmem>> -> memref<80xi32, #tpu.memory_space<vmem>>
      %dma_start3A_468 = tpu.memref_slice %arg2[%add3A_464] : memref<640000xi32, #tpu.memory_space<hbm>> -> memref<80xi32, #tpu.memory_space<hbm>>
      %dma_start3A_469 = arith.constant 0 : i32
      %dma_start3A_470 = tpu.memref_slice %arg4[%add3A_461, %dma_start3A_469] : memref<125x80xi32, #tpu.memory_space<vmem>> -> memref<1x80xi32, #tpu.memory_space<vmem>>
      %dma_start3A_471 = tpu.memref_squeeze %dma_start3A_470 : memref<1x80xi32, #tpu.memory_space<vmem>> -> memref<80xi32, #tpu.memory_space<vmem>>
      %dma_start3A_472 = tpu.memref_slice %arg2[%add3A_464] : memref<640000xi32, #tpu.memory_space<hbm>> -> memref<80xi32, #tpu.memory_space<hbm>>
      tpu.enqueue_dma source(%dma_start3A_472 : memref<80xi32, #tpu.memory_space<hbm>>) target(%dma_start3A_471 : memref<80xi32, #tpu.memory_space<vmem>>) target_semaphore(%arg8 : memref<!tpu.dma_semaphore, #tpu.memory_space<semaphore_mem>>)
      %mul3A_473 = arith.constant 25 : i32
      %mul3A_474 = arith.muli %scan3A_203, %mul3A_473 : i32
      %add3A_475 = arith.constant 18 : i32
      %add3A_476 = arith.addi %mul3A_474, %add3A_475 : i32
      %mul3A_477 = arith.constant 80 : i32
      %mul3A_478 = arith.muli %add3A_476, %mul3A_477 : i32
      %add3A_479 = arith.addi %mul3A_186, %mul3A_478 : i32
      %dma_start3A_480 = arith.constant 0 : i32
      %dma_start3A_481 = tpu.memref_slice %arg4[%add3A_476, %dma_start3A_480] : memref<125x80xi32, #tpu.memory_space<vmem>> -> memref<1x80xi32, #tpu.memory_space<vmem>>
      %dma_start3A_482 = tpu.memref_squeeze %dma_start3A_481 : memref<1x80xi32, #tpu.memory_space<vmem>> -> memref<80xi32, #tpu.memory_space<vmem>>
      %dma_start3A_483 = tpu.memref_slice %arg2[%add3A_479] : memref<640000xi32, #tpu.memory_space<hbm>> -> memref<80xi32, #tpu.memory_space<hbm>>
      %dma_start3A_484 = arith.constant 0 : i32
      %dma_start3A_485 = tpu.memref_slice %arg4[%add3A_476, %dma_start3A_484] : memref<125x80xi32, #tpu.memory_space<vmem>> -> memref<1x80xi32, #tpu.memory_space<vmem>>
      %dma_start3A_486 = tpu.memref_squeeze %dma_start3A_485 : memref<1x80xi32, #tpu.memory_space<vmem>> -> memref<80xi32, #tpu.memory_space<vmem>>
      %dma_start3A_487 = tpu.memref_slice %arg2[%add3A_479] : memref<640000xi32, #tpu.memory_space<hbm>> -> memref<80xi32, #tpu.memory_space<hbm>>
      tpu.enqueue_dma source(%dma_start3A_487 : memref<80xi32, #tpu.memory_space<hbm>>) target(%dma_start3A_486 : memref<80xi32, #tpu.memory_space<vmem>>) target_semaphore(%arg8 : memref<!tpu.dma_semaphore, #tpu.memory_space<semaphore_mem>>)
      %mul3A_488 = arith.constant 25 : i32
      %mul3A_489 = arith.muli %scan3A_203, %mul3A_488 : i32
      %add3A_490 = arith.constant 19 : i32
      %add3A_491 = arith.addi %mul3A_489, %add3A_490 : i32
      %mul3A_492 = arith.constant 80 : i32
      %mul3A_493 = arith.muli %add3A_491, %mul3A_492 : i32
      %add3A_494 = arith.addi %mul3A_186, %mul3A_493 : i32
      %dma_start3A_495 = arith.constant 0 : i32
      %dma_start3A_496 = tpu.memref_slice %arg4[%add3A_491, %dma_start3A_495] : memref<125x80xi32, #tpu.memory_space<vmem>> -> memref<1x80xi32, #tpu.memory_space<vmem>>
      %dma_start3A_497 = tpu.memref_squeeze %dma_start3A_496 : memref<1x80xi32, #tpu.memory_space<vmem>> -> memref<80xi32, #tpu.memory_space<vmem>>
      %dma_start3A_498 = tpu.memref_slice %arg2[%add3A_494] : memref<640000xi32, #tpu.memory_space<hbm>> -> memref<80xi32, #tpu.memory_space<hbm>>
      %dma_start3A_499 = arith.constant 0 : i32
      %dma_start3A_500 = tpu.memref_slice %arg4[%add3A_491, %dma_start3A_499] : memref<125x80xi32, #tpu.memory_space<vmem>> -> memref<1x80xi32, #tpu.memory_space<vmem>>
      %dma_start3A_501 = tpu.memref_squeeze %dma_start3A_500 : memref<1x80xi32, #tpu.memory_space<vmem>> -> memref<80xi32, #tpu.memory_space<vmem>>
      %dma_start3A_502 = tpu.memref_slice %arg2[%add3A_494] : memref<640000xi32, #tpu.memory_space<hbm>> -> memref<80xi32, #tpu.memory_space<hbm>>
      tpu.enqueue_dma source(%dma_start3A_502 : memref<80xi32, #tpu.memory_space<hbm>>) target(%dma_start3A_501 : memref<80xi32, #tpu.memory_space<vmem>>) target_semaphore(%arg8 : memref<!tpu.dma_semaphore, #tpu.memory_space<semaphore_mem>>)
      %mul3A_503 = arith.constant 25 : i32
      %mul3A_504 = arith.muli %scan3A_203, %mul3A_503 : i32
      %add3A_505 = arith.constant 20 : i32
      %add3A_506 = arith.addi %mul3A_504, %add3A_505 : i32
      %mul3A_507 = arith.constant 80 : i32
      %mul3A_508 = arith.muli %add3A_506, %mul3A_507 : i32
      %add3A_509 = arith.addi %mul3A_186, %mul3A_508 : i32
      %dma_start3A_510 = arith.constant 0 : i32
      %dma_start3A_511 = tpu.memref_slice %arg4[%add3A_506, %dma_start3A_510] : memref<125x80xi32, #tpu.memory_space<vmem>> -> memref<1x80xi32, #tpu.memory_space<vmem>>
      %dma_start3A_512 = tpu.memref_squeeze %dma_start3A_511 : memref<1x80xi32, #tpu.memory_space<vmem>> -> memref<80xi32, #tpu.memory_space<vmem>>
      %dma_start3A_513 = tpu.memref_slice %arg2[%add3A_509] : memref<640000xi32, #tpu.memory_space<hbm>> -> memref<80xi32, #tpu.memory_space<hbm>>
      %dma_start3A_514 = arith.constant 0 : i32
      %dma_start3A_515 = tpu.memref_slice %arg4[%add3A_506, %dma_start3A_514] : memref<125x80xi32, #tpu.memory_space<vmem>> -> memref<1x80xi32, #tpu.memory_space<vmem>>
      %dma_start3A_516 = tpu.memref_squeeze %dma_start3A_515 : memref<1x80xi32, #tpu.memory_space<vmem>> -> memref<80xi32, #tpu.memory_space<vmem>>
      %dma_start3A_517 = tpu.memref_slice %arg2[%add3A_509] : memref<640000xi32, #tpu.memory_space<hbm>> -> memref<80xi32, #tpu.memory_space<hbm>>
      tpu.enqueue_dma source(%dma_start3A_517 : memref<80xi32, #tpu.memory_space<hbm>>) target(%dma_start3A_516 : memref<80xi32, #tpu.memory_space<vmem>>) target_semaphore(%arg8 : memref<!tpu.dma_semaphore, #tpu.memory_space<semaphore_mem>>)
      %mul3A_518 = arith.constant 25 : i32
      %mul3A_519 = arith.muli %scan3A_203, %mul3A_518 : i32
      %add3A_520 = arith.constant 21 : i32
      %add3A_521 = arith.addi %mul3A_519, %add3A_520 : i32
      %mul3A_522 = arith.constant 80 : i32
      %mul3A_523 = arith.muli %add3A_521, %mul3A_522 : i32
      %add3A_524 = arith.addi %mul3A_186, %mul3A_523 : i32
      %dma_start3A_525 = arith.constant 0 : i32
      %dma_start3A_526 = tpu.memref_slice %arg4[%add3A_521, %dma_start3A_525] : memref<125x80xi32, #tpu.memory_space<vmem>> -> memref<1x80xi32, #tpu.memory_space<vmem>>
      %dma_start3A_527 = tpu.memref_squeeze %dma_start3A_526 : memref<1x80xi32, #tpu.memory_space<vmem>> -> memref<80xi32, #tpu.memory_space<vmem>>
      %dma_start3A_528 = tpu.memref_slice %arg2[%add3A_524] : memref<640000xi32, #tpu.memory_space<hbm>> -> memref<80xi32, #tpu.memory_space<hbm>>
      %dma_start3A_529 = arith.constant 0 : i32
      %dma_start3A_530 = tpu.memref_slice %arg4[%add3A_521, %dma_start3A_529] : memref<125x80xi32, #tpu.memory_space<vmem>> -> memref<1x80xi32, #tpu.memory_space<vmem>>
      %dma_start3A_531 = tpu.memref_squeeze %dma_start3A_530 : memref<1x80xi32, #tpu.memory_space<vmem>> -> memref<80xi32, #tpu.memory_space<vmem>>
      %dma_start3A_532 = tpu.memref_slice %arg2[%add3A_524] : memref<640000xi32, #tpu.memory_space<hbm>> -> memref<80xi32, #tpu.memory_space<hbm>>
      tpu.enqueue_dma source(%dma_start3A_532 : memref<80xi32, #tpu.memory_space<hbm>>) target(%dma_start3A_531 : memref<80xi32, #tpu.memory_space<vmem>>) target_semaphore(%arg8 : memref<!tpu.dma_semaphore, #tpu.memory_space<semaphore_mem>>)
      %mul3A_533 = arith.constant 25 : i32
      %mul3A_534 = arith.muli %scan3A_203, %mul3A_533 : i32
      %add3A_535 = arith.constant 22 : i32
      %add3A_536 = arith.addi %mul3A_534, %add3A_535 : i32
      %mul3A_537 = arith.constant 80 : i32
      %mul3A_538 = arith.muli %add3A_536, %mul3A_537 : i32
      %add3A_539 = arith.addi %mul3A_186, %mul3A_538 : i32
      %dma_start3A_540 = arith.constant 0 : i32
      %dma_start3A_541 = tpu.memref_slice %arg4[%add3A_536, %dma_start3A_540] : memref<125x80xi32, #tpu.memory_space<vmem>> -> memref<1x80xi32, #tpu.memory_space<vmem>>
      %dma_start3A_542 = tpu.memref_squeeze %dma_start3A_541 : memref<1x80xi32, #tpu.memory_space<vmem>> -> memref<80xi32, #tpu.memory_space<vmem>>
      %dma_start3A_543 = tpu.memref_slice %arg2[%add3A_539] : memref<640000xi32, #tpu.memory_space<hbm>> -> memref<80xi32, #tpu.memory_space<hbm>>
      %dma_start3A_544 = arith.constant 0 : i32
      %dma_start3A_545 = tpu.memref_slice %arg4[%add3A_536, %dma_start3A_544] : memref<125x80xi32, #tpu.memory_space<vmem>> -> memref<1x80xi32, #tpu.memory_space<vmem>>
      %dma_start3A_546 = tpu.memref_squeeze %dma_start3A_545 : memref<1x80xi32, #tpu.memory_space<vmem>> -> memref<80xi32, #tpu.memory_space<vmem>>
      %dma_start3A_547 = tpu.memref_slice %arg2[%add3A_539] : memref<640000xi32, #tpu.memory_space<hbm>> -> memref<80xi32, #tpu.memory_space<hbm>>
      tpu.enqueue_dma source(%dma_start3A_547 : memref<80xi32, #tpu.memory_space<hbm>>) target(%dma_start3A_546 : memref<80xi32, #tpu.memory_space<vmem>>) target_semaphore(%arg8 : memref<!tpu.dma_semaphore, #tpu.memory_space<semaphore_mem>>)
      %mul3A_548 = arith.constant 25 : i32
      %mul3A_549 = arith.muli %scan3A_203, %mul3A_548 : i32
      %add3A_550 = arith.constant 23 : i32
      %add3A_551 = arith.addi %mul3A_549, %add3A_550 : i32
      %mul3A_552 = arith.constant 80 : i32
      %mul3A_553 = arith.muli %add3A_551, %mul3A_552 : i32
      %add3A_554 = arith.addi %mul3A_186, %mul3A_553 : i32
      %dma_start3A_555 = arith.constant 0 : i32
      %dma_start3A_556 = tpu.memref_slice %arg4[%add3A_551, %dma_start3A_555] : memref<125x80xi32, #tpu.memory_space<vmem>> -> memref<1x80xi32, #tpu.memory_space<vmem>>
      %dma_start3A_557 = tpu.memref_squeeze %dma_start3A_556 : memref<1x80xi32, #tpu.memory_space<vmem>> -> memref<80xi32, #tpu.memory_space<vmem>>
      %dma_start3A_558 = tpu.memref_slice %arg2[%add3A_554] : memref<640000xi32, #tpu.memory_space<hbm>> -> memref<80xi32, #tpu.memory_space<hbm>>
      %dma_start3A_559 = arith.constant 0 : i32
      %dma_start3A_560 = tpu.memref_slice %arg4[%add3A_551, %dma_start3A_559] : memref<125x80xi32, #tpu.memory_space<vmem>> -> memref<1x80xi32, #tpu.memory_space<vmem>>
      %dma_start3A_561 = tpu.memref_squeeze %dma_start3A_560 : memref<1x80xi32, #tpu.memory_space<vmem>> -> memref<80xi32, #tpu.memory_space<vmem>>
      %dma_start3A_562 = tpu.memref_slice %arg2[%add3A_554] : memref<640000xi32, #tpu.memory_space<hbm>> -> memref<80xi32, #tpu.memory_space<hbm>>
      tpu.enqueue_dma source(%dma_start3A_562 : memref<80xi32, #tpu.memory_space<hbm>>) target(%dma_start3A_561 : memref<80xi32, #tpu.memory_space<vmem>>) target_semaphore(%arg8 : memref<!tpu.dma_semaphore, #tpu.memory_space<semaphore_mem>>)
      %mul3A_563 = arith.constant 25 : i32
      %mul3A_564 = arith.muli %scan3A_203, %mul3A_563 : i32
      %add3A_565 = arith.constant 24 : i32
      %add3A_566 = arith.addi %mul3A_564, %add3A_565 : i32
      %mul3A_567 = arith.constant 80 : i32
      %mul3A_568 = arith.muli %add3A_566, %mul3A_567 : i32
      %add3A_569 = arith.addi %mul3A_186, %mul3A_568 : i32
      %dma_start3A_570 = arith.constant 0 : i32
      %dma_start3A_571 = tpu.memref_slice %arg4[%add3A_566, %dma_start3A_570] : memref<125x80xi32, #tpu.memory_space<vmem>> -> memref<1x80xi32, #tpu.memory_space<vmem>>
      %dma_start3A_572 = tpu.memref_squeeze %dma_start3A_571 : memref<1x80xi32, #tpu.memory_space<vmem>> -> memref<80xi32, #tpu.memory_space<vmem>>
      %dma_start3A_573 = tpu.memref_slice %arg2[%add3A_569] : memref<640000xi32, #tpu.memory_space<hbm>> -> memref<80xi32, #tpu.memory_space<hbm>>
      %dma_start3A_574 = arith.constant 0 : i32
      %dma_start3A_575 = tpu.memref_slice %arg4[%add3A_566, %dma_start3A_574] : memref<125x80xi32, #tpu.memory_space<vmem>> -> memref<1x80xi32, #tpu.memory_space<vmem>>
      %dma_start3A_576 = tpu.memref_squeeze %dma_start3A_575 : memref<1x80xi32, #tpu.memory_space<vmem>> -> memref<80xi32, #tpu.memory_space<vmem>>
      %dma_start3A_577 = tpu.memref_slice %arg2[%add3A_569] : memref<640000xi32, #tpu.memory_space<hbm>> -> memref<80xi32, #tpu.memory_space<hbm>>
      tpu.enqueue_dma source(%dma_start3A_577 : memref<80xi32, #tpu.memory_space<hbm>>) target(%dma_start3A_576 : memref<80xi32, #tpu.memory_space<vmem>>) target_semaphore(%arg8 : memref<!tpu.dma_semaphore, #tpu.memory_space<semaphore_mem>>)
      %add3A_578 = arith.constant 0 : i32
      %add3A_579 = arith.addi %mul3A_186, %add3A_578 : i32
      %dma_wait3A = arith.constant 0 : i32
      %dma_wait3A_580 = arith.constant 0 : i32
      %dma_wait3A_581 = tpu.memref_slice %arg4[%dma_wait3A, %dma_wait3A_580] : memref<125x80xi32, #tpu.memory_space<vmem>> -> memref<1x80xi32, #tpu.memory_space<vmem>>
      %dma_wait3A_582 = tpu.memref_squeeze %dma_wait3A_581 : memref<1x80xi32, #tpu.memory_space<vmem>> -> memref<80xi32, #tpu.memory_space<vmem>>
      %dma_wait3A_583 = tpu.memref_slice %arg2[%add3A_579] : memref<640000xi32, #tpu.memory_space<hbm>> -> memref<80xi32, #tpu.memory_space<hbm>>
      %dma_wait3A_584 = arith.constant 0 : i32
      %dma_wait3A_585 = tpu.memref_slice %arg4[%dma_wait3A, %dma_wait3A_584] : memref<125x80xi32, #tpu.memory_space<vmem>> -> memref<1x80xi32, #tpu.memory_space<vmem>>
      %dma_wait3A_586 = tpu.memref_squeeze %dma_wait3A_585 : memref<1x80xi32, #tpu.memory_space<vmem>> -> memref<80xi32, #tpu.memory_space<vmem>>
      %dma_wait3A_587 = tpu.memref_slice %arg2[%add3A_579] : memref<640000xi32, #tpu.memory_space<hbm>> -> memref<80xi32, #tpu.memory_space<hbm>>
      tpu.wait_dma2 semaphore(%arg8 : memref<!tpu.dma_semaphore, #tpu.memory_space<semaphore_mem>>) src(%dma_wait3A_587 : memref<80xi32, #tpu.memory_space<hbm>>) dst(%dma_wait3A_586 : memref<80xi32, #tpu.memory_space<vmem>>)
      %add3A_588 = arith.constant 80 : i32
      %add3A_589 = arith.addi %mul3A_186, %add3A_588 : i32
      %dma_wait3A_590 = arith.constant 1 : i32
      %dma_wait3A_591 = arith.constant 0 : i32
      %dma_wait3A_592 = tpu.memref_slice %arg4[%dma_wait3A_590, %dma_wait3A_591] : memref<125x80xi32, #tpu.memory_space<vmem>> -> memref<1x80xi32, #tpu.memory_space<vmem>>
      %dma_wait3A_593 = tpu.memref_squeeze %dma_wait3A_592 : memref<1x80xi32, #tpu.memory_space<vmem>> -> memref<80xi32, #tpu.memory_space<vmem>>
      %dma_wait3A_594 = tpu.memref_slice %arg2[%add3A_589] : memref<640000xi32, #tpu.memory_space<hbm>> -> memref<80xi32, #tpu.memory_space<hbm>>
      %dma_wait3A_595 = arith.constant 0 : i32
      %dma_wait3A_596 = tpu.memref_slice %arg4[%dma_wait3A_590, %dma_wait3A_595] : memref<125x80xi32, #tpu.memory_space<vmem>> -> memref<1x80xi32, #tpu.memory_space<vmem>>
      %dma_wait3A_597 = tpu.memref_squeeze %dma_wait3A_596 : memref<1x80xi32, #tpu.memory_space<vmem>> -> memref<80xi32, #tpu.memory_space<vmem>>
      %dma_wait3A_598 = tpu.memref_slice %arg2[%add3A_589] : memref<640000xi32, #tpu.memory_space<hbm>> -> memref<80xi32, #tpu.memory_space<hbm>>
      tpu.wait_dma2 semaphore(%arg8 : memref<!tpu.dma_semaphore, #tpu.memory_space<semaphore_mem>>) src(%dma_wait3A_598 : memref<80xi32, #tpu.memory_space<hbm>>) dst(%dma_wait3A_597 : memref<80xi32, #tpu.memory_space<vmem>>)
      %add3A_599 = arith.constant 160 : i32
      %add3A_600 = arith.addi %mul3A_186, %add3A_599 : i32
      %dma_wait3A_601 = arith.constant 2 : i32
      %dma_wait3A_602 = arith.constant 0 : i32
      %dma_wait3A_603 = tpu.memref_slice %arg4[%dma_wait3A_601, %dma_wait3A_602] : memref<125x80xi32, #tpu.memory_space<vmem>> -> memref<1x80xi32, #tpu.memory_space<vmem>>
      %dma_wait3A_604 = tpu.memref_squeeze %dma_wait3A_603 : memref<1x80xi32, #tpu.memory_space<vmem>> -> memref<80xi32, #tpu.memory_space<vmem>>
      %dma_wait3A_605 = tpu.memref_slice %arg2[%add3A_600] : memref<640000xi32, #tpu.memory_space<hbm>> -> memref<80xi32, #tpu.memory_space<hbm>>
      %dma_wait3A_606 = arith.constant 0 : i32
      %dma_wait3A_607 = tpu.memref_slice %arg4[%dma_wait3A_601, %dma_wait3A_606] : memref<125x80xi32, #tpu.memory_space<vmem>> -> memref<1x80xi32, #tpu.memory_space<vmem>>
      %dma_wait3A_608 = tpu.memref_squeeze %dma_wait3A_607 : memref<1x80xi32, #tpu.memory_space<vmem>> -> memref<80xi32, #tpu.memory_space<vmem>>
      %dma_wait3A_609 = tpu.memref_slice %arg2[%add3A_600] : memref<640000xi32, #tpu.memory_space<hbm>> -> memref<80xi32, #tpu.memory_space<hbm>>
      tpu.wait_dma2 semaphore(%arg8 : memref<!tpu.dma_semaphore, #tpu.memory_space<semaphore_mem>>) src(%dma_wait3A_609 : memref<80xi32, #tpu.memory_space<hbm>>) dst(%dma_wait3A_608 : memref<80xi32, #tpu.memory_space<vmem>>)
      %add3A_610 = arith.constant 240 : i32
      %add3A_611 = arith.addi %mul3A_186, %add3A_610 : i32
      %dma_wait3A_612 = arith.constant 3 : i32
      %dma_wait3A_613 = arith.constant 0 : i32
      %dma_wait3A_614 = tpu.memref_slice %arg4[%dma_wait3A_612, %dma_wait3A_613] : memref<125x80xi32, #tpu.memory_space<vmem>> -> memref<1x80xi32, #tpu.memory_space<vmem>>
      %dma_wait3A_615 = tpu.memref_squeeze %dma_wait3A_614 : memref<1x80xi32, #tpu.memory_space<vmem>> -> memref<80xi32, #tpu.memory_space<vmem>>
      %dma_wait3A_616 = tpu.memref_slice %arg2[%add3A_611] : memref<640000xi32, #tpu.memory_space<hbm>> -> memref<80xi32, #tpu.memory_space<hbm>>
      %dma_wait3A_617 = arith.constant 0 : i32
      %dma_wait3A_618 = tpu.memref_slice %arg4[%dma_wait3A_612, %dma_wait3A_617] : memref<125x80xi32, #tpu.memory_space<vmem>> -> memref<1x80xi32, #tpu.memory_space<vmem>>
      %dma_wait3A_619 = tpu.memref_squeeze %dma_wait3A_618 : memref<1x80xi32, #tpu.memory_space<vmem>> -> memref<80xi32, #tpu.memory_space<vmem>>
      %dma_wait3A_620 = tpu.memref_slice %arg2[%add3A_611] : memref<640000xi32, #tpu.memory_space<hbm>> -> memref<80xi32, #tpu.memory_space<hbm>>
      tpu.wait_dma2 semaphore(%arg8 : memref<!tpu.dma_semaphore, #tpu.memory_space<semaphore_mem>>) src(%dma_wait3A_620 : memref<80xi32, #tpu.memory_space<hbm>>) dst(%dma_wait3A_619 : memref<80xi32, #tpu.memory_space<vmem>>)
      %add3A_621 = arith.constant 320 : i32
      %add3A_622 = arith.addi %mul3A_186, %add3A_621 : i32
      %dma_wait3A_623 = arith.constant 4 : i32
      %dma_wait3A_624 = arith.constant 0 : i32
      %dma_wait3A_625 = tpu.memref_slice %arg4[%dma_wait3A_623, %dma_wait3A_624] : memref<125x80xi32, #tpu.memory_space<vmem>> -> memref<1x80xi32, #tpu.memory_space<vmem>>
      %dma_wait3A_626 = tpu.memref_squeeze %dma_wait3A_625 : memref<1x80xi32, #tpu.memory_space<vmem>> -> memref<80xi32, #tpu.memory_space<vmem>>
      %dma_wait3A_627 = tpu.memref_slice %arg2[%add3A_622] : memref<640000xi32, #tpu.memory_space<hbm>> -> memref<80xi32, #tpu.memory_space<hbm>>
      %dma_wait3A_628 = arith.constant 0 : i32
      %dma_wait3A_629 = tpu.memref_slice %arg4[%dma_wait3A_623, %dma_wait3A_628] : memref<125x80xi32, #tpu.memory_space<vmem>> -> memref<1x80xi32, #tpu.memory_space<vmem>>
      %dma_wait3A_630 = tpu.memref_squeeze %dma_wait3A_629 : memref<1x80xi32, #tpu.memory_space<vmem>> -> memref<80xi32, #tpu.memory_space<vmem>>
      %dma_wait3A_631 = tpu.memref_slice %arg2[%add3A_622] : memref<640000xi32, #tpu.memory_space<hbm>> -> memref<80xi32, #tpu.memory_space<hbm>>
      tpu.wait_dma2 semaphore(%arg8 : memref<!tpu.dma_semaphore, #tpu.memory_space<semaphore_mem>>) src(%dma_wait3A_631 : memref<80xi32, #tpu.memory_space<hbm>>) dst(%dma_wait3A_630 : memref<80xi32, #tpu.memory_space<vmem>>)
      %add3A_632 = arith.constant 400 : i32
      %add3A_633 = arith.addi %mul3A_186, %add3A_632 : i32
      %dma_wait3A_634 = arith.constant 5 : i32
      %dma_wait3A_635 = arith.constant 0 : i32
      %dma_wait3A_636 = tpu.memref_slice %arg4[%dma_wait3A_634, %dma_wait3A_635] : memref<125x80xi32, #tpu.memory_space<vmem>> -> memref<1x80xi32, #tpu.memory_space<vmem>>
      %dma_wait3A_637 = tpu.memref_squeeze %dma_wait3A_636 : memref<1x80xi32, #tpu.memory_space<vmem>> -> memref<80xi32, #tpu.memory_space<vmem>>
      %dma_wait3A_638 = tpu.memref_slice %arg2[%add3A_633] : memref<640000xi32, #tpu.memory_space<hbm>> -> memref<80xi32, #tpu.memory_space<hbm>>
      %dma_wait3A_639 = arith.constant 0 : i32
      %dma_wait3A_640 = tpu.memref_slice %arg4[%dma_wait3A_634, %dma_wait3A_639] : memref<125x80xi32, #tpu.memory_space<vmem>> -> memref<1x80xi32, #tpu.memory_space<vmem>>
      %dma_wait3A_641 = tpu.memref_squeeze %dma_wait3A_640 : memref<1x80xi32, #tpu.memory_space<vmem>> -> memref<80xi32, #tpu.memory_space<vmem>>
      %dma_wait3A_642 = tpu.memref_slice %arg2[%add3A_633] : memref<640000xi32, #tpu.memory_space<hbm>> -> memref<80xi32, #tpu.memory_space<hbm>>
      tpu.wait_dma2 semaphore(%arg8 : memref<!tpu.dma_semaphore, #tpu.memory_space<semaphore_mem>>) src(%dma_wait3A_642 : memref<80xi32, #tpu.memory_space<hbm>>) dst(%dma_wait3A_641 : memref<80xi32, #tpu.memory_space<vmem>>)
      %add3A_643 = arith.constant 480 : i32
      %add3A_644 = arith.addi %mul3A_186, %add3A_643 : i32
      %dma_wait3A_645 = arith.constant 6 : i32
      %dma_wait3A_646 = arith.constant 0 : i32
      %dma_wait3A_647 = tpu.memref_slice %arg4[%dma_wait3A_645, %dma_wait3A_646] : memref<125x80xi32, #tpu.memory_space<vmem>> -> memref<1x80xi32, #tpu.memory_space<vmem>>
      %dma_wait3A_648 = tpu.memref_squeeze %dma_wait3A_647 : memref<1x80xi32, #tpu.memory_space<vmem>> -> memref<80xi32, #tpu.memory_space<vmem>>
      %dma_wait3A_649 = tpu.memref_slice %arg2[%add3A_644] : memref<640000xi32, #tpu.memory_space<hbm>> -> memref<80xi32, #tpu.memory_space<hbm>>
      %dma_wait3A_650 = arith.constant 0 : i32
      %dma_wait3A_651 = tpu.memref_slice %arg4[%dma_wait3A_645, %dma_wait3A_650] : memref<125x80xi32, #tpu.memory_space<vmem>> -> memref<1x80xi32, #tpu.memory_space<vmem>>
      %dma_wait3A_652 = tpu.memref_squeeze %dma_wait3A_651 : memref<1x80xi32, #tpu.memory_space<vmem>> -> memref<80xi32, #tpu.memory_space<vmem>>
      %dma_wait3A_653 = tpu.memref_slice %arg2[%add3A_644] : memref<640000xi32, #tpu.memory_space<hbm>> -> memref<80xi32, #tpu.memory_space<hbm>>
      tpu.wait_dma2 semaphore(%arg8 : memref<!tpu.dma_semaphore, #tpu.memory_space<semaphore_mem>>) src(%dma_wait3A_653 : memref<80xi32, #tpu.memory_space<hbm>>) dst(%dma_wait3A_652 : memref<80xi32, #tpu.memory_space<vmem>>)
      %add3A_654 = arith.constant 560 : i32
      %add3A_655 = arith.addi %mul3A_186, %add3A_654 : i32
      %dma_wait3A_656 = arith.constant 7 : i32
      %dma_wait3A_657 = arith.constant 0 : i32
      %dma_wait3A_658 = tpu.memref_slice %arg4[%dma_wait3A_656, %dma_wait3A_657] : memref<125x80xi32, #tpu.memory_space<vmem>> -> memref<1x80xi32, #tpu.memory_space<vmem>>
      %dma_wait3A_659 = tpu.memref_squeeze %dma_wait3A_658 : memref<1x80xi32, #tpu.memory_space<vmem>> -> memref<80xi32, #tpu.memory_space<vmem>>
      %dma_wait3A_660 = tpu.memref_slice %arg2[%add3A_655] : memref<640000xi32, #tpu.memory_space<hbm>> -> memref<80xi32, #tpu.memory_space<hbm>>
      %dma_wait3A_661 = arith.constant 0 : i32
      %dma_wait3A_662 = tpu.memref_slice %arg4[%dma_wait3A_656, %dma_wait3A_661] : memref<125x80xi32, #tpu.memory_space<vmem>> -> memref<1x80xi32, #tpu.memory_space<vmem>>
      %dma_wait3A_663 = tpu.memref_squeeze %dma_wait3A_662 : memref<1x80xi32, #tpu.memory_space<vmem>> -> memref<80xi32, #tpu.memory_space<vmem>>
      %dma_wait3A_664 = tpu.memref_slice %arg2[%add3A_655] : memref<640000xi32, #tpu.memory_space<hbm>> -> memref<80xi32, #tpu.memory_space<hbm>>
      tpu.wait_dma2 semaphore(%arg8 : memref<!tpu.dma_semaphore, #tpu.memory_space<semaphore_mem>>) src(%dma_wait3A_664 : memref<80xi32, #tpu.memory_space<hbm>>) dst(%dma_wait3A_663 : memref<80xi32, #tpu.memory_space<vmem>>)
      %add3A_665 = arith.constant 640 : i32
      %add3A_666 = arith.addi %mul3A_186, %add3A_665 : i32
      %dma_wait3A_667 = arith.constant 8 : i32
      %dma_wait3A_668 = arith.constant 0 : i32
      %dma_wait3A_669 = tpu.memref_slice %arg4[%dma_wait3A_667, %dma_wait3A_668] : memref<125x80xi32, #tpu.memory_space<vmem>> -> memref<1x80xi32, #tpu.memory_space<vmem>>
      %dma_wait3A_670 = tpu.memref_squeeze %dma_wait3A_669 : memref<1x80xi32, #tpu.memory_space<vmem>> -> memref<80xi32, #tpu.memory_space<vmem>>
      %dma_wait3A_671 = tpu.memref_slice %arg2[%add3A_666] : memref<640000xi32, #tpu.memory_space<hbm>> -> memref<80xi32, #tpu.memory_space<hbm>>
      %dma_wait3A_672 = arith.constant 0 : i32
      %dma_wait3A_673 = tpu.memref_slice %arg4[%dma_wait3A_667, %dma_wait3A_672] : memref<125x80xi32, #tpu.memory_space<vmem>> -> memref<1x80xi32, #tpu.memory_space<vmem>>
      %dma_wait3A_674 = tpu.memref_squeeze %dma_wait3A_673 : memref<1x80xi32, #tpu.memory_space<vmem>> -> memref<80xi32, #tpu.memory_space<vmem>>
      %dma_wait3A_675 = tpu.memref_slice %arg2[%add3A_666] : memref<640000xi32, #tpu.memory_space<hbm>> -> memref<80xi32, #tpu.memory_space<hbm>>
      tpu.wait_dma2 semaphore(%arg8 : memref<!tpu.dma_semaphore, #tpu.memory_space<semaphore_mem>>) src(%dma_wait3A_675 : memref<80xi32, #tpu.memory_space<hbm>>) dst(%dma_wait3A_674 : memref<80xi32, #tpu.memory_space<vmem>>)
      %add3A_676 = arith.constant 720 : i32
      %add3A_677 = arith.addi %mul3A_186, %add3A_676 : i32
      %dma_wait3A_678 = arith.constant 9 : i32
      %dma_wait3A_679 = arith.constant 0 : i32
      %dma_wait3A_680 = tpu.memref_slice %arg4[%dma_wait3A_678, %dma_wait3A_679] : memref<125x80xi32, #tpu.memory_space<vmem>> -> memref<1x80xi32, #tpu.memory_space<vmem>>
      %dma_wait3A_681 = tpu.memref_squeeze %dma_wait3A_680 : memref<1x80xi32, #tpu.memory_space<vmem>> -> memref<80xi32, #tpu.memory_space<vmem>>
      %dma_wait3A_682 = tpu.memref_slice %arg2[%add3A_677] : memref<640000xi32, #tpu.memory_space<hbm>> -> memref<80xi32, #tpu.memory_space<hbm>>
      %dma_wait3A_683 = arith.constant 0 : i32
      %dma_wait3A_684 = tpu.memref_slice %arg4[%dma_wait3A_678, %dma_wait3A_683] : memref<125x80xi32, #tpu.memory_space<vmem>> -> memref<1x80xi32, #tpu.memory_space<vmem>>
      %dma_wait3A_685 = tpu.memref_squeeze %dma_wait3A_684 : memref<1x80xi32, #tpu.memory_space<vmem>> -> memref<80xi32, #tpu.memory_space<vmem>>
      %dma_wait3A_686 = tpu.memref_slice %arg2[%add3A_677] : memref<640000xi32, #tpu.memory_space<hbm>> -> memref<80xi32, #tpu.memory_space<hbm>>
      tpu.wait_dma2 semaphore(%arg8 : memref<!tpu.dma_semaphore, #tpu.memory_space<semaphore_mem>>) src(%dma_wait3A_686 : memref<80xi32, #tpu.memory_space<hbm>>) dst(%dma_wait3A_685 : memref<80xi32, #tpu.memory_space<vmem>>)
      %add3A_687 = arith.constant 800 : i32
      %add3A_688 = arith.addi %mul3A_186, %add3A_687 : i32
      %dma_wait3A_689 = arith.constant 10 : i32
      %dma_wait3A_690 = arith.constant 0 : i32
      %dma_wait3A_691 = tpu.memref_slice %arg4[%dma_wait3A_689, %dma_wait3A_690] : memref<125x80xi32, #tpu.memory_space<vmem>> -> memref<1x80xi32, #tpu.memory_space<vmem>>
      %dma_wait3A_692 = tpu.memref_squeeze %dma_wait3A_691 : memref<1x80xi32, #tpu.memory_space<vmem>> -> memref<80xi32, #tpu.memory_space<vmem>>
      %dma_wait3A_693 = tpu.memref_slice %arg2[%add3A_688] : memref<640000xi32, #tpu.memory_space<hbm>> -> memref<80xi32, #tpu.memory_space<hbm>>
      %dma_wait3A_694 = arith.constant 0 : i32
      %dma_wait3A_695 = tpu.memref_slice %arg4[%dma_wait3A_689, %dma_wait3A_694] : memref<125x80xi32, #tpu.memory_space<vmem>> -> memref<1x80xi32, #tpu.memory_space<vmem>>
      %dma_wait3A_696 = tpu.memref_squeeze %dma_wait3A_695 : memref<1x80xi32, #tpu.memory_space<vmem>> -> memref<80xi32, #tpu.memory_space<vmem>>
      %dma_wait3A_697 = tpu.memref_slice %arg2[%add3A_688] : memref<640000xi32, #tpu.memory_space<hbm>> -> memref<80xi32, #tpu.memory_space<hbm>>
      tpu.wait_dma2 semaphore(%arg8 : memref<!tpu.dma_semaphore, #tpu.memory_space<semaphore_mem>>) src(%dma_wait3A_697 : memref<80xi32, #tpu.memory_space<hbm>>) dst(%dma_wait3A_696 : memref<80xi32, #tpu.memory_space<vmem>>)
      %add3A_698 = arith.constant 880 : i32
      %add3A_699 = arith.addi %mul3A_186, %add3A_698 : i32
      %dma_wait3A_700 = arith.constant 11 : i32
      %dma_wait3A_701 = arith.constant 0 : i32
      %dma_wait3A_702 = tpu.memref_slice %arg4[%dma_wait3A_700, %dma_wait3A_701] : memref<125x80xi32, #tpu.memory_space<vmem>> -> memref<1x80xi32, #tpu.memory_space<vmem>>
      %dma_wait3A_703 = tpu.memref_squeeze %dma_wait3A_702 : memref<1x80xi32, #tpu.memory_space<vmem>> -> memref<80xi32, #tpu.memory_space<vmem>>
      %dma_wait3A_704 = tpu.memref_slice %arg2[%add3A_699] : memref<640000xi32, #tpu.memory_space<hbm>> -> memref<80xi32, #tpu.memory_space<hbm>>
      %dma_wait3A_705 = arith.constant 0 : i32
      %dma_wait3A_706 = tpu.memref_slice %arg4[%dma_wait3A_700, %dma_wait3A_705] : memref<125x80xi32, #tpu.memory_space<vmem>> -> memref<1x80xi32, #tpu.memory_space<vmem>>
      %dma_wait3A_707 = tpu.memref_squeeze %dma_wait3A_706 : memref<1x80xi32, #tpu.memory_space<vmem>> -> memref<80xi32, #tpu.memory_space<vmem>>
      %dma_wait3A_708 = tpu.memref_slice %arg2[%add3A_699] : memref<640000xi32, #tpu.memory_space<hbm>> -> memref<80xi32, #tpu.memory_space<hbm>>
      tpu.wait_dma2 semaphore(%arg8 : memref<!tpu.dma_semaphore, #tpu.memory_space<semaphore_mem>>) src(%dma_wait3A_708 : memref<80xi32, #tpu.memory_space<hbm>>) dst(%dma_wait3A_707 : memref<80xi32, #tpu.memory_space<vmem>>)
      %add3A_709 = arith.constant 960 : i32
      %add3A_710 = arith.addi %mul3A_186, %add3A_709 : i32
      %dma_wait3A_711 = arith.constant 12 : i32
      %dma_wait3A_712 = arith.constant 0 : i32
      %dma_wait3A_713 = tpu.memref_slice %arg4[%dma_wait3A_711, %dma_wait3A_712] : memref<125x80xi32, #tpu.memory_space<vmem>> -> memref<1x80xi32, #tpu.memory_space<vmem>>
      %dma_wait3A_714 = tpu.memref_squeeze %dma_wait3A_713 : memref<1x80xi32, #tpu.memory_space<vmem>> -> memref<80xi32, #tpu.memory_space<vmem>>
      %dma_wait3A_715 = tpu.memref_slice %arg2[%add3A_710] : memref<640000xi32, #tpu.memory_space<hbm>> -> memref<80xi32, #tpu.memory_space<hbm>>
      %dma_wait3A_716 = arith.constant 0 : i32
      %dma_wait3A_717 = tpu.memref_slice %arg4[%dma_wait3A_711, %dma_wait3A_716] : memref<125x80xi32, #tpu.memory_space<vmem>> -> memref<1x80xi32, #tpu.memory_space<vmem>>
      %dma_wait3A_718 = tpu.memref_squeeze %dma_wait3A_717 : memref<1x80xi32, #tpu.memory_space<vmem>> -> memref<80xi32, #tpu.memory_space<vmem>>
      %dma_wait3A_719 = tpu.memref_slice %arg2[%add3A_710] : memref<640000xi32, #tpu.memory_space<hbm>> -> memref<80xi32, #tpu.memory_space<hbm>>
      tpu.wait_dma2 semaphore(%arg8 : memref<!tpu.dma_semaphore, #tpu.memory_space<semaphore_mem>>) src(%dma_wait3A_719 : memref<80xi32, #tpu.memory_space<hbm>>) dst(%dma_wait3A_718 : memref<80xi32, #tpu.memory_space<vmem>>)
      %add3A_720 = arith.constant 1040 : i32
      %add3A_721 = arith.addi %mul3A_186, %add3A_720 : i32
      %dma_wait3A_722 = arith.constant 13 : i32
      %dma_wait3A_723 = arith.constant 0 : i32
      %dma_wait3A_724 = tpu.memref_slice %arg4[%dma_wait3A_722, %dma_wait3A_723] : memref<125x80xi32, #tpu.memory_space<vmem>> -> memref<1x80xi32, #tpu.memory_space<vmem>>
      %dma_wait3A_725 = tpu.memref_squeeze %dma_wait3A_724 : memref<1x80xi32, #tpu.memory_space<vmem>> -> memref<80xi32, #tpu.memory_space<vmem>>
      %dma_wait3A_726 = tpu.memref_slice %arg2[%add3A_721] : memref<640000xi32, #tpu.memory_space<hbm>> -> memref<80xi32, #tpu.memory_space<hbm>>
      %dma_wait3A_727 = arith.constant 0 : i32
      %dma_wait3A_728 = tpu.memref_slice %arg4[%dma_wait3A_722, %dma_wait3A_727] : memref<125x80xi32, #tpu.memory_space<vmem>> -> memref<1x80xi32, #tpu.memory_space<vmem>>
      %dma_wait3A_729 = tpu.memref_squeeze %dma_wait3A_728 : memref<1x80xi32, #tpu.memory_space<vmem>> -> memref<80xi32, #tpu.memory_space<vmem>>
      %dma_wait3A_730 = tpu.memref_slice %arg2[%add3A_721] : memref<640000xi32, #tpu.memory_space<hbm>> -> memref<80xi32, #tpu.memory_space<hbm>>
      tpu.wait_dma2 semaphore(%arg8 : memref<!tpu.dma_semaphore, #tpu.memory_space<semaphore_mem>>) src(%dma_wait3A_730 : memref<80xi32, #tpu.memory_space<hbm>>) dst(%dma_wait3A_729 : memref<80xi32, #tpu.memory_space<vmem>>)
      %add3A_731 = arith.constant 1120 : i32
      %add3A_732 = arith.addi %mul3A_186, %add3A_731 : i32
      %dma_wait3A_733 = arith.constant 14 : i32
      %dma_wait3A_734 = arith.constant 0 : i32
      %dma_wait3A_735 = tpu.memref_slice %arg4[%dma_wait3A_733, %dma_wait3A_734] : memref<125x80xi32, #tpu.memory_space<vmem>> -> memref<1x80xi32, #tpu.memory_space<vmem>>
      %dma_wait3A_736 = tpu.memref_squeeze %dma_wait3A_735 : memref<1x80xi32, #tpu.memory_space<vmem>> -> memref<80xi32, #tpu.memory_space<vmem>>
      %dma_wait3A_737 = tpu.memref_slice %arg2[%add3A_732] : memref<640000xi32, #tpu.memory_space<hbm>> -> memref<80xi32, #tpu.memory_space<hbm>>
      %dma_wait3A_738 = arith.constant 0 : i32
      %dma_wait3A_739 = tpu.memref_slice %arg4[%dma_wait3A_733, %dma_wait3A_738] : memref<125x80xi32, #tpu.memory_space<vmem>> -> memref<1x80xi32, #tpu.memory_space<vmem>>
      %dma_wait3A_740 = tpu.memref_squeeze %dma_wait3A_739 : memref<1x80xi32, #tpu.memory_space<vmem>> -> memref<80xi32, #tpu.memory_space<vmem>>
      %dma_wait3A_741 = tpu.memref_slice %arg2[%add3A_732] : memref<640000xi32, #tpu.memory_space<hbm>> -> memref<80xi32, #tpu.memory_space<hbm>>
      tpu.wait_dma2 semaphore(%arg8 : memref<!tpu.dma_semaphore, #tpu.memory_space<semaphore_mem>>) src(%dma_wait3A_741 : memref<80xi32, #tpu.memory_space<hbm>>) dst(%dma_wait3A_740 : memref<80xi32, #tpu.memory_space<vmem>>)
      %add3A_742 = arith.constant 1200 : i32
      %add3A_743 = arith.addi %mul3A_186, %add3A_742 : i32
      %dma_wait3A_744 = arith.constant 15 : i32
      %dma_wait3A_745 = arith.constant 0 : i32
      %dma_wait3A_746 = tpu.memref_slice %arg4[%dma_wait3A_744, %dma_wait3A_745] : memref<125x80xi32, #tpu.memory_space<vmem>> -> memref<1x80xi32, #tpu.memory_space<vmem>>
      %dma_wait3A_747 = tpu.memref_squeeze %dma_wait3A_746 : memref<1x80xi32, #tpu.memory_space<vmem>> -> memref<80xi32, #tpu.memory_space<vmem>>
      %dma_wait3A_748 = tpu.memref_slice %arg2[%add3A_743] : memref<640000xi32, #tpu.memory_space<hbm>> -> memref<80xi32, #tpu.memory_space<hbm>>
      %dma_wait3A_749 = arith.constant 0 : i32
      %dma_wait3A_750 = tpu.memref_slice %arg4[%dma_wait3A_744, %dma_wait3A_749] : memref<125x80xi32, #tpu.memory_space<vmem>> -> memref<1x80xi32, #tpu.memory_space<vmem>>
      %dma_wait3A_751 = tpu.memref_squeeze %dma_wait3A_750 : memref<1x80xi32, #tpu.memory_space<vmem>> -> memref<80xi32, #tpu.memory_space<vmem>>
      %dma_wait3A_752 = tpu.memref_slice %arg2[%add3A_743] : memref<640000xi32, #tpu.memory_space<hbm>> -> memref<80xi32, #tpu.memory_space<hbm>>
      tpu.wait_dma2 semaphore(%arg8 : memref<!tpu.dma_semaphore, #tpu.memory_space<semaphore_mem>>) src(%dma_wait3A_752 : memref<80xi32, #tpu.memory_space<hbm>>) dst(%dma_wait3A_751 : memref<80xi32, #tpu.memory_space<vmem>>)
      %add3A_753 = arith.constant 1280 : i32
      %add3A_754 = arith.addi %mul3A_186, %add3A_753 : i32
      %dma_wait3A_755 = arith.constant 16 : i32
      %dma_wait3A_756 = arith.constant 0 : i32
      %dma_wait3A_757 = tpu.memref_slice %arg4[%dma_wait3A_755, %dma_wait3A_756] : memref<125x80xi32, #tpu.memory_space<vmem>> -> memref<1x80xi32, #tpu.memory_space<vmem>>
      %dma_wait3A_758 = tpu.memref_squeeze %dma_wait3A_757 : memref<1x80xi32, #tpu.memory_space<vmem>> -> memref<80xi32, #tpu.memory_space<vmem>>
      %dma_wait3A_759 = tpu.memref_slice %arg2[%add3A_754] : memref<640000xi32, #tpu.memory_space<hbm>> -> memref<80xi32, #tpu.memory_space<hbm>>
      %dma_wait3A_760 = arith.constant 0 : i32
      %dma_wait3A_761 = tpu.memref_slice %arg4[%dma_wait3A_755, %dma_wait3A_760] : memref<125x80xi32, #tpu.memory_space<vmem>> -> memref<1x80xi32, #tpu.memory_space<vmem>>
      %dma_wait3A_762 = tpu.memref_squeeze %dma_wait3A_761 : memref<1x80xi32, #tpu.memory_space<vmem>> -> memref<80xi32, #tpu.memory_space<vmem>>
      %dma_wait3A_763 = tpu.memref_slice %arg2[%add3A_754] : memref<640000xi32, #tpu.memory_space<hbm>> -> memref<80xi32, #tpu.memory_space<hbm>>
      tpu.wait_dma2 semaphore(%arg8 : memref<!tpu.dma_semaphore, #tpu.memory_space<semaphore_mem>>) src(%dma_wait3A_763 : memref<80xi32, #tpu.memory_space<hbm>>) dst(%dma_wait3A_762 : memref<80xi32, #tpu.memory_space<vmem>>)
      %add3A_764 = arith.constant 1360 : i32
      %add3A_765 = arith.addi %mul3A_186, %add3A_764 : i32
      %dma_wait3A_766 = arith.constant 17 : i32
      %dma_wait3A_767 = arith.constant 0 : i32
      %dma_wait3A_768 = tpu.memref_slice %arg4[%dma_wait3A_766, %dma_wait3A_767] : memref<125x80xi32, #tpu.memory_space<vmem>> -> memref<1x80xi32, #tpu.memory_space<vmem>>
      %dma_wait3A_769 = tpu.memref_squeeze %dma_wait3A_768 : memref<1x80xi32, #tpu.memory_space<vmem>> -> memref<80xi32, #tpu.memory_space<vmem>>
      %dma_wait3A_770 = tpu.memref_slice %arg2[%add3A_765] : memref<640000xi32, #tpu.memory_space<hbm>> -> memref<80xi32, #tpu.memory_space<hbm>>
      %dma_wait3A_771 = arith.constant 0 : i32
      %dma_wait3A_772 = tpu.memref_slice %arg4[%dma_wait3A_766, %dma_wait3A_771] : memref<125x80xi32, #tpu.memory_space<vmem>> -> memref<1x80xi32, #tpu.memory_space<vmem>>
      %dma_wait3A_773 = tpu.memref_squeeze %dma_wait3A_772 : memref<1x80xi32, #tpu.memory_space<vmem>> -> memref<80xi32, #tpu.memory_space<vmem>>
      %dma_wait3A_774 = tpu.memref_slice %arg2[%add3A_765] : memref<640000xi32, #tpu.memory_space<hbm>> -> memref<80xi32, #tpu.memory_space<hbm>>
      tpu.wait_dma2 semaphore(%arg8 : memref<!tpu.dma_semaphore, #tpu.memory_space<semaphore_mem>>) src(%dma_wait3A_774 : memref<80xi32, #tpu.memory_space<hbm>>) dst(%dma_wait3A_773 : memref<80xi32, #tpu.memory_space<vmem>>)
      %add3A_775 = arith.constant 1440 : i32
      %add3A_776 = arith.addi %mul3A_186, %add3A_775 : i32
      %dma_wait3A_777 = arith.constant 18 : i32
      %dma_wait3A_778 = arith.constant 0 : i32
      %dma_wait3A_779 = tpu.memref_slice %arg4[%dma_wait3A_777, %dma_wait3A_778] : memref<125x80xi32, #tpu.memory_space<vmem>> -> memref<1x80xi32, #tpu.memory_space<vmem>>
      %dma_wait3A_780 = tpu.memref_squeeze %dma_wait3A_779 : memref<1x80xi32, #tpu.memory_space<vmem>> -> memref<80xi32, #tpu.memory_space<vmem>>
      %dma_wait3A_781 = tpu.memref_slice %arg2[%add3A_776] : memref<640000xi32, #tpu.memory_space<hbm>> -> memref<80xi32, #tpu.memory_space<hbm>>
      %dma_wait3A_782 = arith.constant 0 : i32
      %dma_wait3A_783 = tpu.memref_slice %arg4[%dma_wait3A_777, %dma_wait3A_782] : memref<125x80xi32, #tpu.memory_space<vmem>> -> memref<1x80xi32, #tpu.memory_space<vmem>>
      %dma_wait3A_784 = tpu.memref_squeeze %dma_wait3A_783 : memref<1x80xi32, #tpu.memory_space<vmem>> -> memref<80xi32, #tpu.memory_space<vmem>>
      %dma_wait3A_785 = tpu.memref_slice %arg2[%add3A_776] : memref<640000xi32, #tpu.memory_space<hbm>> -> memref<80xi32, #tpu.memory_space<hbm>>
      tpu.wait_dma2 semaphore(%arg8 : memref<!tpu.dma_semaphore, #tpu.memory_space<semaphore_mem>>) src(%dma_wait3A_785 : memref<80xi32, #tpu.memory_space<hbm>>) dst(%dma_wait3A_784 : memref<80xi32, #tpu.memory_space<vmem>>)
      %add3A_786 = arith.constant 1520 : i32
      %add3A_787 = arith.addi %mul3A_186, %add3A_786 : i32
      %dma_wait3A_788 = arith.constant 19 : i32
      %dma_wait3A_789 = arith.constant 0 : i32
      %dma_wait3A_790 = tpu.memref_slice %arg4[%dma_wait3A_788, %dma_wait3A_789] : memref<125x80xi32, #tpu.memory_space<vmem>> -> memref<1x80xi32, #tpu.memory_space<vmem>>
      %dma_wait3A_791 = tpu.memref_squeeze %dma_wait3A_790 : memref<1x80xi32, #tpu.memory_space<vmem>> -> memref<80xi32, #tpu.memory_space<vmem>>
      %dma_wait3A_792 = tpu.memref_slice %arg2[%add3A_787] : memref<640000xi32, #tpu.memory_space<hbm>> -> memref<80xi32, #tpu.memory_space<hbm>>
      %dma_wait3A_793 = arith.constant 0 : i32
      %dma_wait3A_794 = tpu.memref_slice %arg4[%dma_wait3A_788, %dma_wait3A_793] : memref<125x80xi32, #tpu.memory_space<vmem>> -> memref<1x80xi32, #tpu.memory_space<vmem>>
      %dma_wait3A_795 = tpu.memref_squeeze %dma_wait3A_794 : memref<1x80xi32, #tpu.memory_space<vmem>> -> memref<80xi32, #tpu.memory_space<vmem>>
      %dma_wait3A_796 = tpu.memref_slice %arg2[%add3A_787] : memref<640000xi32, #tpu.memory_space<hbm>> -> memref<80xi32, #tpu.memory_space<hbm>>
      tpu.wait_dma2 semaphore(%arg8 : memref<!tpu.dma_semaphore, #tpu.memory_space<semaphore_mem>>) src(%dma_wait3A_796 : memref<80xi32, #tpu.memory_space<hbm>>) dst(%dma_wait3A_795 : memref<80xi32, #tpu.memory_space<vmem>>)
      %add3A_797 = arith.constant 1600 : i32
      %add3A_798 = arith.addi %mul3A_186, %add3A_797 : i32
      %dma_wait3A_799 = arith.constant 20 : i32
      %dma_wait3A_800 = arith.constant 0 : i32
      %dma_wait3A_801 = tpu.memref_slice %arg4[%dma_wait3A_799, %dma_wait3A_800] : memref<125x80xi32, #tpu.memory_space<vmem>> -> memref<1x80xi32, #tpu.memory_space<vmem>>
      %dma_wait3A_802 = tpu.memref_squeeze %dma_wait3A_801 : memref<1x80xi32, #tpu.memory_space<vmem>> -> memref<80xi32, #tpu.memory_space<vmem>>
      %dma_wait3A_803 = tpu.memref_slice %arg2[%add3A_798] : memref<640000xi32, #tpu.memory_space<hbm>> -> memref<80xi32, #tpu.memory_space<hbm>>
      %dma_wait3A_804 = arith.constant 0 : i32
      %dma_wait3A_805 = tpu.memref_slice %arg4[%dma_wait3A_799, %dma_wait3A_804] : memref<125x80xi32, #tpu.memory_space<vmem>> -> memref<1x80xi32, #tpu.memory_space<vmem>>
      %dma_wait3A_806 = tpu.memref_squeeze %dma_wait3A_805 : memref<1x80xi32, #tpu.memory_space<vmem>> -> memref<80xi32, #tpu.memory_space<vmem>>
      %dma_wait3A_807 = tpu.memref_slice %arg2[%add3A_798] : memref<640000xi32, #tpu.memory_space<hbm>> -> memref<80xi32, #tpu.memory_space<hbm>>
      tpu.wait_dma2 semaphore(%arg8 : memref<!tpu.dma_semaphore, #tpu.memory_space<semaphore_mem>>) src(%dma_wait3A_807 : memref<80xi32, #tpu.memory_space<hbm>>) dst(%dma_wait3A_806 : memref<80xi32, #tpu.memory_space<vmem>>)
      %add3A_808 = arith.constant 1680 : i32
      %add3A_809 = arith.addi %mul3A_186, %add3A_808 : i32
      %dma_wait3A_810 = arith.constant 21 : i32
      %dma_wait3A_811 = arith.constant 0 : i32
      %dma_wait3A_812 = tpu.memref_slice %arg4[%dma_wait3A_810, %dma_wait3A_811] : memref<125x80xi32, #tpu.memory_space<vmem>> -> memref<1x80xi32, #tpu.memory_space<vmem>>
      %dma_wait3A_813 = tpu.memref_squeeze %dma_wait3A_812 : memref<1x80xi32, #tpu.memory_space<vmem>> -> memref<80xi32, #tpu.memory_space<vmem>>
      %dma_wait3A_814 = tpu.memref_slice %arg2[%add3A_809] : memref<640000xi32, #tpu.memory_space<hbm>> -> memref<80xi32, #tpu.memory_space<hbm>>
      %dma_wait3A_815 = arith.constant 0 : i32
      %dma_wait3A_816 = tpu.memref_slice %arg4[%dma_wait3A_810, %dma_wait3A_815] : memref<125x80xi32, #tpu.memory_space<vmem>> -> memref<1x80xi32, #tpu.memory_space<vmem>>
      %dma_wait3A_817 = tpu.memref_squeeze %dma_wait3A_816 : memref<1x80xi32, #tpu.memory_space<vmem>> -> memref<80xi32, #tpu.memory_space<vmem>>
      %dma_wait3A_818 = tpu.memref_slice %arg2[%add3A_809] : memref<640000xi32, #tpu.memory_space<hbm>> -> memref<80xi32, #tpu.memory_space<hbm>>
      tpu.wait_dma2 semaphore(%arg8 : memref<!tpu.dma_semaphore, #tpu.memory_space<semaphore_mem>>) src(%dma_wait3A_818 : memref<80xi32, #tpu.memory_space<hbm>>) dst(%dma_wait3A_817 : memref<80xi32, #tpu.memory_space<vmem>>)
      %add3A_819 = arith.constant 1760 : i32
      %add3A_820 = arith.addi %mul3A_186, %add3A_819 : i32
      %dma_wait3A_821 = arith.constant 22 : i32
      %dma_wait3A_822 = arith.constant 0 : i32
      %dma_wait3A_823 = tpu.memref_slice %arg4[%dma_wait3A_821, %dma_wait3A_822] : memref<125x80xi32, #tpu.memory_space<vmem>> -> memref<1x80xi32, #tpu.memory_space<vmem>>
      %dma_wait3A_824 = tpu.memref_squeeze %dma_wait3A_823 : memref<1x80xi32, #tpu.memory_space<vmem>> -> memref<80xi32, #tpu.memory_space<vmem>>
      %dma_wait3A_825 = tpu.memref_slice %arg2[%add3A_820] : memref<640000xi32, #tpu.memory_space<hbm>> -> memref<80xi32, #tpu.memory_space<hbm>>
      %dma_wait3A_826 = arith.constant 0 : i32
      %dma_wait3A_827 = tpu.memref_slice %arg4[%dma_wait3A_821, %dma_wait3A_826] : memref<125x80xi32, #tpu.memory_space<vmem>> -> memref<1x80xi32, #tpu.memory_space<vmem>>
      %dma_wait3A_828 = tpu.memref_squeeze %dma_wait3A_827 : memref<1x80xi32, #tpu.memory_space<vmem>> -> memref<80xi32, #tpu.memory_space<vmem>>
      %dma_wait3A_829 = tpu.memref_slice %arg2[%add3A_820] : memref<640000xi32, #tpu.memory_space<hbm>> -> memref<80xi32, #tpu.memory_space<hbm>>
      tpu.wait_dma2 semaphore(%arg8 : memref<!tpu.dma_semaphore, #tpu.memory_space<semaphore_mem>>) src(%dma_wait3A_829 : memref<80xi32, #tpu.memory_space<hbm>>) dst(%dma_wait3A_828 : memref<80xi32, #tpu.memory_space<vmem>>)
      %add3A_830 = arith.constant 1840 : i32
      %add3A_831 = arith.addi %mul3A_186, %add3A_830 : i32
      %dma_wait3A_832 = arith.constant 23 : i32
      %dma_wait3A_833 = arith.constant 0 : i32
      %dma_wait3A_834 = tpu.memref_slice %arg4[%dma_wait3A_832, %dma_wait3A_833] : memref<125x80xi32, #tpu.memory_space<vmem>> -> memref<1x80xi32, #tpu.memory_space<vmem>>
      %dma_wait3A_835 = tpu.memref_squeeze %dma_wait3A_834 : memref<1x80xi32, #tpu.memory_space<vmem>> -> memref<80xi32, #tpu.memory_space<vmem>>
      %dma_wait3A_836 = tpu.memref_slice %arg2[%add3A_831] : memref<640000xi32, #tpu.memory_space<hbm>> -> memref<80xi32, #tpu.memory_space<hbm>>
      %dma_wait3A_837 = arith.constant 0 : i32
      %dma_wait3A_838 = tpu.memref_slice %arg4[%dma_wait3A_832, %dma_wait3A_837] : memref<125x80xi32, #tpu.memory_space<vmem>> -> memref<1x80xi32, #tpu.memory_space<vmem>>
      %dma_wait3A_839 = tpu.memref_squeeze %dma_wait3A_838 : memref<1x80xi32, #tpu.memory_space<vmem>> -> memref<80xi32, #tpu.memory_space<vmem>>
      %dma_wait3A_840 = tpu.memref_slice %arg2[%add3A_831] : memref<640000xi32, #tpu.memory_space<hbm>> -> memref<80xi32, #tpu.memory_space<hbm>>
      tpu.wait_dma2 semaphore(%arg8 : memref<!tpu.dma_semaphore, #tpu.memory_space<semaphore_mem>>) src(%dma_wait3A_840 : memref<80xi32, #tpu.memory_space<hbm>>) dst(%dma_wait3A_839 : memref<80xi32, #tpu.memory_space<vmem>>)
      %add3A_841 = arith.constant 1920 : i32
      %add3A_842 = arith.addi %mul3A_186, %add3A_841 : i32
      %dma_wait3A_843 = arith.constant 24 : i32
      %dma_wait3A_844 = arith.constant 0 : i32
      %dma_wait3A_845 = tpu.memref_slice %arg4[%dma_wait3A_843, %dma_wait3A_844] : memref<125x80xi32, #tpu.memory_space<vmem>> -> memref<1x80xi32, #tpu.memory_space<vmem>>
      %dma_wait3A_846 = tpu.memref_squeeze %dma_wait3A_845 : memref<1x80xi32, #tpu.memory_space<vmem>> -> memref<80xi32, #tpu.memory_space<vmem>>
      %dma_wait3A_847 = tpu.memref_slice %arg2[%add3A_842] : memref<640000xi32, #tpu.memory_space<hbm>> -> memref<80xi32, #tpu.memory_space<hbm>>
      %dma_wait3A_848 = arith.constant 0 : i32
      %dma_wait3A_849 = tpu.memref_slice %arg4[%dma_wait3A_843, %dma_wait3A_848] : memref<125x80xi32, #tpu.memory_space<vmem>> -> memref<1x80xi32, #tpu.memory_space<vmem>>
      %dma_wait3A_850 = tpu.memref_squeeze %dma_wait3A_849 : memref<1x80xi32, #tpu.memory_space<vmem>> -> memref<80xi32, #tpu.memory_space<vmem>>
      %dma_wait3A_851 = tpu.memref_slice %arg2[%add3A_842] : memref<640000xi32, #tpu.memory_space<hbm>> -> memref<80xi32, #tpu.memory_space<hbm>>
      tpu.wait_dma2 semaphore(%arg8 : memref<!tpu.dma_semaphore, #tpu.memory_space<semaphore_mem>>) src(%dma_wait3A_851 : memref<80xi32, #tpu.memory_space<hbm>>) dst(%dma_wait3A_850 : memref<80xi32, #tpu.memory_space<vmem>>)
    }
    %scan3A_191 = arith.constant 5 : i32
    %barrier3A = arith.constant 0 : index
    tpu.barrier barrier_id(%barrier3A)
    %scan3A_192 = arith.constant 0 : i32
    %scan3A_193 = arith.constant 0 : i32
    %scan3A_194 = arith.constant 5 : i32
    %scan3A_195 = arith.addi %scan3A_193, %scan3A_194 : i32
    %scan3A_196 = arith.constant 1 : i32
    scf.for %scan3A_203 = %scan3A_193 to %scan3A_195 step %scan3A_196  : i32 {
      %mul3A_204 = arith.constant 25 : i32
      %mul3A_205 = arith.muli %scan3A_203, %mul3A_204 : i32
      %add3A_206 = arith.constant 0 : i32
      %add3A_207 = arith.addi %mul3A_205, %add3A_206 : i32
      %dma_start3A = arith.constant 0 : i32
      %dma_start3A_208 = tpu.memref_slice %arg4[%add3A_207, %dma_start3A] : memref<125x80xi32, #tpu.memory_space<vmem>> -> memref<1x80xi32, #tpu.memory_space<vmem>>
      %dma_start3A_209 = tpu.memref_squeeze %dma_start3A_208 : memref<1x80xi32, #tpu.memory_space<vmem>> -> memref<80xi32, #tpu.memory_space<vmem>>
      %dma_start3A_210 = arith.constant 0 : i32
      %dma_start3A_211 = tpu.memref_slice %arg7[%dma_start3A_210] : memref<10240xf32, #tpu.memory_space<vmem_shared>> -> memref<10240xf32, #tpu.memory_space<vmem_shared>>
      tpu.enqueue_indirect_dma source(%arg5 : memref<80xf32, #tpu.memory_space<vmem>>) target(%dma_start3A_211 : memref<10240xf32, #tpu.memory_space<vmem_shared>>) offsets(%dma_start3A_209 : memref<80xi32, #tpu.memory_space<vmem>>) semaphore(%arg8 : memref<!tpu.dma_semaphore, #tpu.memory_space<semaphore_mem>>) {add = true}
      %mul3A_212 = arith.constant 25 : i32
      %mul3A_213 = arith.muli %scan3A_203, %mul3A_212 : i32
      %add3A_214 = arith.constant 1 : i32
      %add3A_215 = arith.addi %mul3A_213, %add3A_214 : i32
      %dma_start3A_216 = arith.constant 0 : i32
      %dma_start3A_217 = tpu.memref_slice %arg4[%add3A_215, %dma_start3A_216] : memref<125x80xi32, #tpu.memory_space<vmem>> -> memref<1x80xi32, #tpu.memory_space<vmem>>
      %dma_start3A_218 = tpu.memref_squeeze %dma_start3A_217 : memref<1x80xi32, #tpu.memory_space<vmem>> -> memref<80xi32, #tpu.memory_space<vmem>>
      %dma_start3A_219 = arith.constant 0 : i32
      %dma_start3A_220 = tpu.memref_slice %arg7[%dma_start3A_219] : memref<10240xf32, #tpu.memory_space<vmem_shared>> -> memref<10240xf32, #tpu.memory_space<vmem_shared>>
      tpu.enqueue_indirect_dma source(%arg5 : memref<80xf32, #tpu.memory_space<vmem>>) target(%dma_start3A_220 : memref<10240xf32, #tpu.memory_space<vmem_shared>>) offsets(%dma_start3A_218 : memref<80xi32, #tpu.memory_space<vmem>>) semaphore(%arg8 : memref<!tpu.dma_semaphore, #tpu.memory_space<semaphore_mem>>) {add = true}
      %mul3A_221 = arith.constant 25 : i32
      %mul3A_222 = arith.muli %scan3A_203, %mul3A_221 : i32
      %add3A_223 = arith.constant 2 : i32
      %add3A_224 = arith.addi %mul3A_222, %add3A_223 : i32
      %dma_start3A_225 = arith.constant 0 : i32
      %dma_start3A_226 = tpu.memref_slice %arg4[%add3A_224, %dma_start3A_225] : memref<125x80xi32, #tpu.memory_space<vmem>> -> memref<1x80xi32, #tpu.memory_space<vmem>>
      %dma_start3A_227 = tpu.memref_squeeze %dma_start3A_226 : memref<1x80xi32, #tpu.memory_space<vmem>> -> memref<80xi32, #tpu.memory_space<vmem>>
      %dma_start3A_228 = arith.constant 0 : i32
      %dma_start3A_229 = tpu.memref_slice %arg7[%dma_start3A_228] : memref<10240xf32, #tpu.memory_space<vmem_shared>> -> memref<10240xf32, #tpu.memory_space<vmem_shared>>
      tpu.enqueue_indirect_dma source(%arg5 : memref<80xf32, #tpu.memory_space<vmem>>) target(%dma_start3A_229 : memref<10240xf32, #tpu.memory_space<vmem_shared>>) offsets(%dma_start3A_227 : memref<80xi32, #tpu.memory_space<vmem>>) semaphore(%arg8 : memref<!tpu.dma_semaphore, #tpu.memory_space<semaphore_mem>>) {add = true}
      %mul3A_230 = arith.constant 25 : i32
      %mul3A_231 = arith.muli %scan3A_203, %mul3A_230 : i32
      %add3A_232 = arith.constant 3 : i32
      %add3A_233 = arith.addi %mul3A_231, %add3A_232 : i32
      %dma_start3A_234 = arith.constant 0 : i32
      %dma_start3A_235 = tpu.memref_slice %arg4[%add3A_233, %dma_start3A_234] : memref<125x80xi32, #tpu.memory_space<vmem>> -> memref<1x80xi32, #tpu.memory_space<vmem>>
      %dma_start3A_236 = tpu.memref_squeeze %dma_start3A_235 : memref<1x80xi32, #tpu.memory_space<vmem>> -> memref<80xi32, #tpu.memory_space<vmem>>
      %dma_start3A_237 = arith.constant 0 : i32
      %dma_start3A_238 = tpu.memref_slice %arg7[%dma_start3A_237] : memref<10240xf32, #tpu.memory_space<vmem_shared>> -> memref<10240xf32, #tpu.memory_space<vmem_shared>>
      tpu.enqueue_indirect_dma source(%arg5 : memref<80xf32, #tpu.memory_space<vmem>>) target(%dma_start3A_238 : memref<10240xf32, #tpu.memory_space<vmem_shared>>) offsets(%dma_start3A_236 : memref<80xi32, #tpu.memory_space<vmem>>) semaphore(%arg8 : memref<!tpu.dma_semaphore, #tpu.memory_space<semaphore_mem>>) {add = true}
      %mul3A_239 = arith.constant 25 : i32
      %mul3A_240 = arith.muli %scan3A_203, %mul3A_239 : i32
      %add3A_241 = arith.constant 4 : i32
      %add3A_242 = arith.addi %mul3A_240, %add3A_241 : i32
      %dma_start3A_243 = arith.constant 0 : i32
      %dma_start3A_244 = tpu.memref_slice %arg4[%add3A_242, %dma_start3A_243] : memref<125x80xi32, #tpu.memory_space<vmem>> -> memref<1x80xi32, #tpu.memory_space<vmem>>
      %dma_start3A_245 = tpu.memref_squeeze %dma_start3A_244 : memref<1x80xi32, #tpu.memory_space<vmem>> -> memref<80xi32, #tpu.memory_space<vmem>>
      %dma_start3A_246 = arith.constant 0 : i32
      %dma_start3A_247 = tpu.memref_slice %arg7[%dma_start3A_246] : memref<10240xf32, #tpu.memory_space<vmem_shared>> -> memref<10240xf32, #tpu.memory_space<vmem_shared>>
      tpu.enqueue_indirect_dma source(%arg5 : memref<80xf32, #tpu.memory_space<vmem>>) target(%dma_start3A_247 : memref<10240xf32, #tpu.memory_space<vmem_shared>>) offsets(%dma_start3A_245 : memref<80xi32, #tpu.memory_space<vmem>>) semaphore(%arg8 : memref<!tpu.dma_semaphore, #tpu.memory_space<semaphore_mem>>) {add = true}
      %mul3A_248 = arith.constant 25 : i32
      %mul3A_249 = arith.muli %scan3A_203, %mul3A_248 : i32
      %add3A_250 = arith.constant 5 : i32
      %add3A_251 = arith.addi %mul3A_249, %add3A_250 : i32
      %dma_start3A_252 = arith.constant 0 : i32
      %dma_start3A_253 = tpu.memref_slice %arg4[%add3A_251, %dma_start3A_252] : memref<125x80xi32, #tpu.memory_space<vmem>> -> memref<1x80xi32, #tpu.memory_space<vmem>>
      %dma_start3A_254 = tpu.memref_squeeze %dma_start3A_253 : memref<1x80xi32, #tpu.memory_space<vmem>> -> memref<80xi32, #tpu.memory_space<vmem>>
      %dma_start3A_255 = arith.constant 0 : i32
      %dma_start3A_256 = tpu.memref_slice %arg7[%dma_start3A_255] : memref<10240xf32, #tpu.memory_space<vmem_shared>> -> memref<10240xf32, #tpu.memory_space<vmem_shared>>
      tpu.enqueue_indirect_dma source(%arg5 : memref<80xf32, #tpu.memory_space<vmem>>) target(%dma_start3A_256 : memref<10240xf32, #tpu.memory_space<vmem_shared>>) offsets(%dma_start3A_254 : memref<80xi32, #tpu.memory_space<vmem>>) semaphore(%arg8 : memref<!tpu.dma_semaphore, #tpu.memory_space<semaphore_mem>>) {add = true}
      %mul3A_257 = arith.constant 25 : i32
      %mul3A_258 = arith.muli %scan3A_203, %mul3A_257 : i32
      %add3A_259 = arith.constant 6 : i32
      %add3A_260 = arith.addi %mul3A_258, %add3A_259 : i32
      %dma_start3A_261 = arith.constant 0 : i32
      %dma_start3A_262 = tpu.memref_slice %arg4[%add3A_260, %dma_start3A_261] : memref<125x80xi32, #tpu.memory_space<vmem>> -> memref<1x80xi32, #tpu.memory_space<vmem>>
      %dma_start3A_263 = tpu.memref_squeeze %dma_start3A_262 : memref<1x80xi32, #tpu.memory_space<vmem>> -> memref<80xi32, #tpu.memory_space<vmem>>
      %dma_start3A_264 = arith.constant 0 : i32
      %dma_start3A_265 = tpu.memref_slice %arg7[%dma_start3A_264] : memref<10240xf32, #tpu.memory_space<vmem_shared>> -> memref<10240xf32, #tpu.memory_space<vmem_shared>>
      tpu.enqueue_indirect_dma source(%arg5 : memref<80xf32, #tpu.memory_space<vmem>>) target(%dma_start3A_265 : memref<10240xf32, #tpu.memory_space<vmem_shared>>) offsets(%dma_start3A_263 : memref<80xi32, #tpu.memory_space<vmem>>) semaphore(%arg8 : memref<!tpu.dma_semaphore, #tpu.memory_space<semaphore_mem>>) {add = true}
      %mul3A_266 = arith.constant 25 : i32
      %mul3A_267 = arith.muli %scan3A_203, %mul3A_266 : i32
      %add3A_268 = arith.constant 7 : i32
      %add3A_269 = arith.addi %mul3A_267, %add3A_268 : i32
      %dma_start3A_270 = arith.constant 0 : i32
      %dma_start3A_271 = tpu.memref_slice %arg4[%add3A_269, %dma_start3A_270] : memref<125x80xi32, #tpu.memory_space<vmem>> -> memref<1x80xi32, #tpu.memory_space<vmem>>
      %dma_start3A_272 = tpu.memref_squeeze %dma_start3A_271 : memref<1x80xi32, #tpu.memory_space<vmem>> -> memref<80xi32, #tpu.memory_space<vmem>>
      %dma_start3A_273 = arith.constant 0 : i32
      %dma_start3A_274 = tpu.memref_slice %arg7[%dma_start3A_273] : memref<10240xf32, #tpu.memory_space<vmem_shared>> -> memref<10240xf32, #tpu.memory_space<vmem_shared>>
      tpu.enqueue_indirect_dma source(%arg5 : memref<80xf32, #tpu.memory_space<vmem>>) target(%dma_start3A_274 : memref<10240xf32, #tpu.memory_space<vmem_shared>>) offsets(%dma_start3A_272 : memref<80xi32, #tpu.memory_space<vmem>>) semaphore(%arg8 : memref<!tpu.dma_semaphore, #tpu.memory_space<semaphore_mem>>) {add = true}
      %mul3A_275 = arith.constant 25 : i32
      %mul3A_276 = arith.muli %scan3A_203, %mul3A_275 : i32
      %add3A_277 = arith.constant 8 : i32
      %add3A_278 = arith.addi %mul3A_276, %add3A_277 : i32
      %dma_start3A_279 = arith.constant 0 : i32
      %dma_start3A_280 = tpu.memref_slice %arg4[%add3A_278, %dma_start3A_279] : memref<125x80xi32, #tpu.memory_space<vmem>> -> memref<1x80xi32, #tpu.memory_space<vmem>>
      %dma_start3A_281 = tpu.memref_squeeze %dma_start3A_280 : memref<1x80xi32, #tpu.memory_space<vmem>> -> memref<80xi32, #tpu.memory_space<vmem>>
      %dma_start3A_282 = arith.constant 0 : i32
      %dma_start3A_283 = tpu.memref_slice %arg7[%dma_start3A_282] : memref<10240xf32, #tpu.memory_space<vmem_shared>> -> memref<10240xf32, #tpu.memory_space<vmem_shared>>
      tpu.enqueue_indirect_dma source(%arg5 : memref<80xf32, #tpu.memory_space<vmem>>) target(%dma_start3A_283 : memref<10240xf32, #tpu.memory_space<vmem_shared>>) offsets(%dma_start3A_281 : memref<80xi32, #tpu.memory_space<vmem>>) semaphore(%arg8 : memref<!tpu.dma_semaphore, #tpu.memory_space<semaphore_mem>>) {add = true}
      %mul3A_284 = arith.constant 25 : i32
      %mul3A_285 = arith.muli %scan3A_203, %mul3A_284 : i32
      %add3A_286 = arith.constant 9 : i32
      %add3A_287 = arith.addi %mul3A_285, %add3A_286 : i32
      %dma_start3A_288 = arith.constant 0 : i32
      %dma_start3A_289 = tpu.memref_slice %arg4[%add3A_287, %dma_start3A_288] : memref<125x80xi32, #tpu.memory_space<vmem>> -> memref<1x80xi32, #tpu.memory_space<vmem>>
      %dma_start3A_290 = tpu.memref_squeeze %dma_start3A_289 : memref<1x80xi32, #tpu.memory_space<vmem>> -> memref<80xi32, #tpu.memory_space<vmem>>
      %dma_start3A_291 = arith.constant 0 : i32
      %dma_start3A_292 = tpu.memref_slice %arg7[%dma_start3A_291] : memref<10240xf32, #tpu.memory_space<vmem_shared>> -> memref<10240xf32, #tpu.memory_space<vmem_shared>>
      tpu.enqueue_indirect_dma source(%arg5 : memref<80xf32, #tpu.memory_space<vmem>>) target(%dma_start3A_292 : memref<10240xf32, #tpu.memory_space<vmem_shared>>) offsets(%dma_start3A_290 : memref<80xi32, #tpu.memory_space<vmem>>) semaphore(%arg8 : memref<!tpu.dma_semaphore, #tpu.memory_space<semaphore_mem>>) {add = true}
      %mul3A_293 = arith.constant 25 : i32
      %mul3A_294 = arith.muli %scan3A_203, %mul3A_293 : i32
      %add3A_295 = arith.constant 10 : i32
      %add3A_296 = arith.addi %mul3A_294, %add3A_295 : i32
      %dma_start3A_297 = arith.constant 0 : i32
      %dma_start3A_298 = tpu.memref_slice %arg4[%add3A_296, %dma_start3A_297] : memref<125x80xi32, #tpu.memory_space<vmem>> -> memref<1x80xi32, #tpu.memory_space<vmem>>
      %dma_start3A_299 = tpu.memref_squeeze %dma_start3A_298 : memref<1x80xi32, #tpu.memory_space<vmem>> -> memref<80xi32, #tpu.memory_space<vmem>>
      %dma_start3A_300 = arith.constant 0 : i32
      %dma_start3A_301 = tpu.memref_slice %arg7[%dma_start3A_300] : memref<10240xf32, #tpu.memory_space<vmem_shared>> -> memref<10240xf32, #tpu.memory_space<vmem_shared>>
      tpu.enqueue_indirect_dma source(%arg5 : memref<80xf32, #tpu.memory_space<vmem>>) target(%dma_start3A_301 : memref<10240xf32, #tpu.memory_space<vmem_shared>>) offsets(%dma_start3A_299 : memref<80xi32, #tpu.memory_space<vmem>>) semaphore(%arg8 : memref<!tpu.dma_semaphore, #tpu.memory_space<semaphore_mem>>) {add = true}
      %mul3A_302 = arith.constant 25 : i32
      %mul3A_303 = arith.muli %scan3A_203, %mul3A_302 : i32
      %add3A_304 = arith.constant 11 : i32
      %add3A_305 = arith.addi %mul3A_303, %add3A_304 : i32
      %dma_start3A_306 = arith.constant 0 : i32
      %dma_start3A_307 = tpu.memref_slice %arg4[%add3A_305, %dma_start3A_306] : memref<125x80xi32, #tpu.memory_space<vmem>> -> memref<1x80xi32, #tpu.memory_space<vmem>>
      %dma_start3A_308 = tpu.memref_squeeze %dma_start3A_307 : memref<1x80xi32, #tpu.memory_space<vmem>> -> memref<80xi32, #tpu.memory_space<vmem>>
      %dma_start3A_309 = arith.constant 0 : i32
      %dma_start3A_310 = tpu.memref_slice %arg7[%dma_start3A_309] : memref<10240xf32, #tpu.memory_space<vmem_shared>> -> memref<10240xf32, #tpu.memory_space<vmem_shared>>
      tpu.enqueue_indirect_dma source(%arg5 : memref<80xf32, #tpu.memory_space<vmem>>) target(%dma_start3A_310 : memref<10240xf32, #tpu.memory_space<vmem_shared>>) offsets(%dma_start3A_308 : memref<80xi32, #tpu.memory_space<vmem>>) semaphore(%arg8 : memref<!tpu.dma_semaphore, #tpu.memory_space<semaphore_mem>>) {add = true}
      %mul3A_311 = arith.constant 25 : i32
      %mul3A_312 = arith.muli %scan3A_203, %mul3A_311 : i32
      %add3A_313 = arith.constant 12 : i32
      %add3A_314 = arith.addi %mul3A_312, %add3A_313 : i32
      %dma_start3A_315 = arith.constant 0 : i32
      %dma_start3A_316 = tpu.memref_slice %arg4[%add3A_314, %dma_start3A_315] : memref<125x80xi32, #tpu.memory_space<vmem>> -> memref<1x80xi32, #tpu.memory_space<vmem>>
      %dma_start3A_317 = tpu.memref_squeeze %dma_start3A_316 : memref<1x80xi32, #tpu.memory_space<vmem>> -> memref<80xi32, #tpu.memory_space<vmem>>
      %dma_start3A_318 = arith.constant 0 : i32
      %dma_start3A_319 = tpu.memref_slice %arg7[%dma_start3A_318] : memref<10240xf32, #tpu.memory_space<vmem_shared>> -> memref<10240xf32, #tpu.memory_space<vmem_shared>>
      tpu.enqueue_indirect_dma source(%arg5 : memref<80xf32, #tpu.memory_space<vmem>>) target(%dma_start3A_319 : memref<10240xf32, #tpu.memory_space<vmem_shared>>) offsets(%dma_start3A_317 : memref<80xi32, #tpu.memory_space<vmem>>) semaphore(%arg8 : memref<!tpu.dma_semaphore, #tpu.memory_space<semaphore_mem>>) {add = true}
      %mul3A_320 = arith.constant 25 : i32
      %mul3A_321 = arith.muli %scan3A_203, %mul3A_320 : i32
      %add3A_322 = arith.constant 13 : i32
      %add3A_323 = arith.addi %mul3A_321, %add3A_322 : i32
      %dma_start3A_324 = arith.constant 0 : i32
      %dma_start3A_325 = tpu.memref_slice %arg4[%add3A_323, %dma_start3A_324] : memref<125x80xi32, #tpu.memory_space<vmem>> -> memref<1x80xi32, #tpu.memory_space<vmem>>
      %dma_start3A_326 = tpu.memref_squeeze %dma_start3A_325 : memref<1x80xi32, #tpu.memory_space<vmem>> -> memref<80xi32, #tpu.memory_space<vmem>>
      %dma_start3A_327 = arith.constant 0 : i32
      %dma_start3A_328 = tpu.memref_slice %arg7[%dma_start3A_327] : memref<10240xf32, #tpu.memory_space<vmem_shared>> -> memref<10240xf32, #tpu.memory_space<vmem_shared>>
      tpu.enqueue_indirect_dma source(%arg5 : memref<80xf32, #tpu.memory_space<vmem>>) target(%dma_start3A_328 : memref<10240xf32, #tpu.memory_space<vmem_shared>>) offsets(%dma_start3A_326 : memref<80xi32, #tpu.memory_space<vmem>>) semaphore(%arg8 : memref<!tpu.dma_semaphore, #tpu.memory_space<semaphore_mem>>) {add = true}
      %mul3A_329 = arith.constant 25 : i32
      %mul3A_330 = arith.muli %scan3A_203, %mul3A_329 : i32
      %add3A_331 = arith.constant 14 : i32
      %add3A_332 = arith.addi %mul3A_330, %add3A_331 : i32
      %dma_start3A_333 = arith.constant 0 : i32
      %dma_start3A_334 = tpu.memref_slice %arg4[%add3A_332, %dma_start3A_333] : memref<125x80xi32, #tpu.memory_space<vmem>> -> memref<1x80xi32, #tpu.memory_space<vmem>>
      %dma_start3A_335 = tpu.memref_squeeze %dma_start3A_334 : memref<1x80xi32, #tpu.memory_space<vmem>> -> memref<80xi32, #tpu.memory_space<vmem>>
      %dma_start3A_336 = arith.constant 0 : i32
      %dma_start3A_337 = tpu.memref_slice %arg7[%dma_start3A_336] : memref<10240xf32, #tpu.memory_space<vmem_shared>> -> memref<10240xf32, #tpu.memory_space<vmem_shared>>
      tpu.enqueue_indirect_dma source(%arg5 : memref<80xf32, #tpu.memory_space<vmem>>) target(%dma_start3A_337 : memref<10240xf32, #tpu.memory_space<vmem_shared>>) offsets(%dma_start3A_335 : memref<80xi32, #tpu.memory_space<vmem>>) semaphore(%arg8 : memref<!tpu.dma_semaphore, #tpu.memory_space<semaphore_mem>>) {add = true}
      %mul3A_338 = arith.constant 25 : i32
      %mul3A_339 = arith.muli %scan3A_203, %mul3A_338 : i32
      %add3A_340 = arith.constant 15 : i32
      %add3A_341 = arith.addi %mul3A_339, %add3A_340 : i32
      %dma_start3A_342 = arith.constant 0 : i32
      %dma_start3A_343 = tpu.memref_slice %arg4[%add3A_341, %dma_start3A_342] : memref<125x80xi32, #tpu.memory_space<vmem>> -> memref<1x80xi32, #tpu.memory_space<vmem>>
      %dma_start3A_344 = tpu.memref_squeeze %dma_start3A_343 : memref<1x80xi32, #tpu.memory_space<vmem>> -> memref<80xi32, #tpu.memory_space<vmem>>
      %dma_start3A_345 = arith.constant 0 : i32
      %dma_start3A_346 = tpu.memref_slice %arg7[%dma_start3A_345] : memref<10240xf32, #tpu.memory_space<vmem_shared>> -> memref<10240xf32, #tpu.memory_space<vmem_shared>>
      tpu.enqueue_indirect_dma source(%arg5 : memref<80xf32, #tpu.memory_space<vmem>>) target(%dma_start3A_346 : memref<10240xf32, #tpu.memory_space<vmem_shared>>) offsets(%dma_start3A_344 : memref<80xi32, #tpu.memory_space<vmem>>) semaphore(%arg8 : memref<!tpu.dma_semaphore, #tpu.memory_space<semaphore_mem>>) {add = true}
      %mul3A_347 = arith.constant 25 : i32
      %mul3A_348 = arith.muli %scan3A_203, %mul3A_347 : i32
      %add3A_349 = arith.constant 16 : i32
      %add3A_350 = arith.addi %mul3A_348, %add3A_349 : i32
      %dma_start3A_351 = arith.constant 0 : i32
      %dma_start3A_352 = tpu.memref_slice %arg4[%add3A_350, %dma_start3A_351] : memref<125x80xi32, #tpu.memory_space<vmem>> -> memref<1x80xi32, #tpu.memory_space<vmem>>
      %dma_start3A_353 = tpu.memref_squeeze %dma_start3A_352 : memref<1x80xi32, #tpu.memory_space<vmem>> -> memref<80xi32, #tpu.memory_space<vmem>>
      %dma_start3A_354 = arith.constant 0 : i32
      %dma_start3A_355 = tpu.memref_slice %arg7[%dma_start3A_354] : memref<10240xf32, #tpu.memory_space<vmem_shared>> -> memref<10240xf32, #tpu.memory_space<vmem_shared>>
      tpu.enqueue_indirect_dma source(%arg5 : memref<80xf32, #tpu.memory_space<vmem>>) target(%dma_start3A_355 : memref<10240xf32, #tpu.memory_space<vmem_shared>>) offsets(%dma_start3A_353 : memref<80xi32, #tpu.memory_space<vmem>>) semaphore(%arg8 : memref<!tpu.dma_semaphore, #tpu.memory_space<semaphore_mem>>) {add = true}
      %mul3A_356 = arith.constant 25 : i32
      %mul3A_357 = arith.muli %scan3A_203, %mul3A_356 : i32
      %add3A_358 = arith.constant 17 : i32
      %add3A_359 = arith.addi %mul3A_357, %add3A_358 : i32
      %dma_start3A_360 = arith.constant 0 : i32
      %dma_start3A_361 = tpu.memref_slice %arg4[%add3A_359, %dma_start3A_360] : memref<125x80xi32, #tpu.memory_space<vmem>> -> memref<1x80xi32, #tpu.memory_space<vmem>>
      %dma_start3A_362 = tpu.memref_squeeze %dma_start3A_361 : memref<1x80xi32, #tpu.memory_space<vmem>> -> memref<80xi32, #tpu.memory_space<vmem>>
      %dma_start3A_363 = arith.constant 0 : i32
      %dma_start3A_364 = tpu.memref_slice %arg7[%dma_start3A_363] : memref<10240xf32, #tpu.memory_space<vmem_shared>> -> memref<10240xf32, #tpu.memory_space<vmem_shared>>
      tpu.enqueue_indirect_dma source(%arg5 : memref<80xf32, #tpu.memory_space<vmem>>) target(%dma_start3A_364 : memref<10240xf32, #tpu.memory_space<vmem_shared>>) offsets(%dma_start3A_362 : memref<80xi32, #tpu.memory_space<vmem>>) semaphore(%arg8 : memref<!tpu.dma_semaphore, #tpu.memory_space<semaphore_mem>>) {add = true}
      %mul3A_365 = arith.constant 25 : i32
      %mul3A_366 = arith.muli %scan3A_203, %mul3A_365 : i32
      %add3A_367 = arith.constant 18 : i32
      %add3A_368 = arith.addi %mul3A_366, %add3A_367 : i32
      %dma_start3A_369 = arith.constant 0 : i32
      %dma_start3A_370 = tpu.memref_slice %arg4[%add3A_368, %dma_start3A_369] : memref<125x80xi32, #tpu.memory_space<vmem>> -> memref<1x80xi32, #tpu.memory_space<vmem>>
      %dma_start3A_371 = tpu.memref_squeeze %dma_start3A_370 : memref<1x80xi32, #tpu.memory_space<vmem>> -> memref<80xi32, #tpu.memory_space<vmem>>
      %dma_start3A_372 = arith.constant 0 : i32
      %dma_start3A_373 = tpu.memref_slice %arg7[%dma_start3A_372] : memref<10240xf32, #tpu.memory_space<vmem_shared>> -> memref<10240xf32, #tpu.memory_space<vmem_shared>>
      tpu.enqueue_indirect_dma source(%arg5 : memref<80xf32, #tpu.memory_space<vmem>>) target(%dma_start3A_373 : memref<10240xf32, #tpu.memory_space<vmem_shared>>) offsets(%dma_start3A_371 : memref<80xi32, #tpu.memory_space<vmem>>) semaphore(%arg8 : memref<!tpu.dma_semaphore, #tpu.memory_space<semaphore_mem>>) {add = true}
      %mul3A_374 = arith.constant 25 : i32
      %mul3A_375 = arith.muli %scan3A_203, %mul3A_374 : i32
      %add3A_376 = arith.constant 19 : i32
      %add3A_377 = arith.addi %mul3A_375, %add3A_376 : i32
      %dma_start3A_378 = arith.constant 0 : i32
      %dma_start3A_379 = tpu.memref_slice %arg4[%add3A_377, %dma_start3A_378] : memref<125x80xi32, #tpu.memory_space<vmem>> -> memref<1x80xi32, #tpu.memory_space<vmem>>
      %dma_start3A_380 = tpu.memref_squeeze %dma_start3A_379 : memref<1x80xi32, #tpu.memory_space<vmem>> -> memref<80xi32, #tpu.memory_space<vmem>>
      %dma_start3A_381 = arith.constant 0 : i32
      %dma_start3A_382 = tpu.memref_slice %arg7[%dma_start3A_381] : memref<10240xf32, #tpu.memory_space<vmem_shared>> -> memref<10240xf32, #tpu.memory_space<vmem_shared>>
      tpu.enqueue_indirect_dma source(%arg5 : memref<80xf32, #tpu.memory_space<vmem>>) target(%dma_start3A_382 : memref<10240xf32, #tpu.memory_space<vmem_shared>>) offsets(%dma_start3A_380 : memref<80xi32, #tpu.memory_space<vmem>>) semaphore(%arg8 : memref<!tpu.dma_semaphore, #tpu.memory_space<semaphore_mem>>) {add = true}
      %mul3A_383 = arith.constant 25 : i32
      %mul3A_384 = arith.muli %scan3A_203, %mul3A_383 : i32
      %add3A_385 = arith.constant 20 : i32
      %add3A_386 = arith.addi %mul3A_384, %add3A_385 : i32
      %dma_start3A_387 = arith.constant 0 : i32
      %dma_start3A_388 = tpu.memref_slice %arg4[%add3A_386, %dma_start3A_387] : memref<125x80xi32, #tpu.memory_space<vmem>> -> memref<1x80xi32, #tpu.memory_space<vmem>>
      %dma_start3A_389 = tpu.memref_squeeze %dma_start3A_388 : memref<1x80xi32, #tpu.memory_space<vmem>> -> memref<80xi32, #tpu.memory_space<vmem>>
      %dma_start3A_390 = arith.constant 0 : i32
      %dma_start3A_391 = tpu.memref_slice %arg7[%dma_start3A_390] : memref<10240xf32, #tpu.memory_space<vmem_shared>> -> memref<10240xf32, #tpu.memory_space<vmem_shared>>
      tpu.enqueue_indirect_dma source(%arg5 : memref<80xf32, #tpu.memory_space<vmem>>) target(%dma_start3A_391 : memref<10240xf32, #tpu.memory_space<vmem_shared>>) offsets(%dma_start3A_389 : memref<80xi32, #tpu.memory_space<vmem>>) semaphore(%arg8 : memref<!tpu.dma_semaphore, #tpu.memory_space<semaphore_mem>>) {add = true}
      %mul3A_392 = arith.constant 25 : i32
      %mul3A_393 = arith.muli %scan3A_203, %mul3A_392 : i32
      %add3A_394 = arith.constant 21 : i32
      %add3A_395 = arith.addi %mul3A_393, %add3A_394 : i32
      %dma_start3A_396 = arith.constant 0 : i32
      %dma_start3A_397 = tpu.memref_slice %arg4[%add3A_395, %dma_start3A_396] : memref<125x80xi32, #tpu.memory_space<vmem>> -> memref<1x80xi32, #tpu.memory_space<vmem>>
      %dma_start3A_398 = tpu.memref_squeeze %dma_start3A_397 : memref<1x80xi32, #tpu.memory_space<vmem>> -> memref<80xi32, #tpu.memory_space<vmem>>
      %dma_start3A_399 = arith.constant 0 : i32
      %dma_start3A_400 = tpu.memref_slice %arg7[%dma_start3A_399] : memref<10240xf32, #tpu.memory_space<vmem_shared>> -> memref<10240xf32, #tpu.memory_space<vmem_shared>>
      tpu.enqueue_indirect_dma source(%arg5 : memref<80xf32, #tpu.memory_space<vmem>>) target(%dma_start3A_400 : memref<10240xf32, #tpu.memory_space<vmem_shared>>) offsets(%dma_start3A_398 : memref<80xi32, #tpu.memory_space<vmem>>) semaphore(%arg8 : memref<!tpu.dma_semaphore, #tpu.memory_space<semaphore_mem>>) {add = true}
      %mul3A_401 = arith.constant 25 : i32
      %mul3A_402 = arith.muli %scan3A_203, %mul3A_401 : i32
      %add3A_403 = arith.constant 22 : i32
      %add3A_404 = arith.addi %mul3A_402, %add3A_403 : i32
      %dma_start3A_405 = arith.constant 0 : i32
      %dma_start3A_406 = tpu.memref_slice %arg4[%add3A_404, %dma_start3A_405] : memref<125x80xi32, #tpu.memory_space<vmem>> -> memref<1x80xi32, #tpu.memory_space<vmem>>
      %dma_start3A_407 = tpu.memref_squeeze %dma_start3A_406 : memref<1x80xi32, #tpu.memory_space<vmem>> -> memref<80xi32, #tpu.memory_space<vmem>>
      %dma_start3A_408 = arith.constant 0 : i32
      %dma_start3A_409 = tpu.memref_slice %arg7[%dma_start3A_408] : memref<10240xf32, #tpu.memory_space<vmem_shared>> -> memref<10240xf32, #tpu.memory_space<vmem_shared>>
      tpu.enqueue_indirect_dma source(%arg5 : memref<80xf32, #tpu.memory_space<vmem>>) target(%dma_start3A_409 : memref<10240xf32, #tpu.memory_space<vmem_shared>>) offsets(%dma_start3A_407 : memref<80xi32, #tpu.memory_space<vmem>>) semaphore(%arg8 : memref<!tpu.dma_semaphore, #tpu.memory_space<semaphore_mem>>) {add = true}
      %mul3A_410 = arith.constant 25 : i32
      %mul3A_411 = arith.muli %scan3A_203, %mul3A_410 : i32
      %add3A_412 = arith.constant 23 : i32
      %add3A_413 = arith.addi %mul3A_411, %add3A_412 : i32
      %dma_start3A_414 = arith.constant 0 : i32
      %dma_start3A_415 = tpu.memref_slice %arg4[%add3A_413, %dma_start3A_414] : memref<125x80xi32, #tpu.memory_space<vmem>> -> memref<1x80xi32, #tpu.memory_space<vmem>>
      %dma_start3A_416 = tpu.memref_squeeze %dma_start3A_415 : memref<1x80xi32, #tpu.memory_space<vmem>> -> memref<80xi32, #tpu.memory_space<vmem>>
      %dma_start3A_417 = arith.constant 0 : i32
      %dma_start3A_418 = tpu.memref_slice %arg7[%dma_start3A_417] : memref<10240xf32, #tpu.memory_space<vmem_shared>> -> memref<10240xf32, #tpu.memory_space<vmem_shared>>
      tpu.enqueue_indirect_dma source(%arg5 : memref<80xf32, #tpu.memory_space<vmem>>) target(%dma_start3A_418 : memref<10240xf32, #tpu.memory_space<vmem_shared>>) offsets(%dma_start3A_416 : memref<80xi32, #tpu.memory_space<vmem>>) semaphore(%arg8 : memref<!tpu.dma_semaphore, #tpu.memory_space<semaphore_mem>>) {add = true}
      %mul3A_419 = arith.constant 25 : i32
      %mul3A_420 = arith.muli %scan3A_203, %mul3A_419 : i32
      %add3A_421 = arith.constant 24 : i32
      %add3A_422 = arith.addi %mul3A_420, %add3A_421 : i32
      %dma_start3A_423 = arith.constant 0 : i32
      %dma_start3A_424 = tpu.memref_slice %arg4[%add3A_422, %dma_start3A_423] : memref<125x80xi32, #tpu.memory_space<vmem>> -> memref<1x80xi32, #tpu.memory_space<vmem>>
      %dma_start3A_425 = tpu.memref_squeeze %dma_start3A_424 : memref<1x80xi32, #tpu.memory_space<vmem>> -> memref<80xi32, #tpu.memory_space<vmem>>
      %dma_start3A_426 = arith.constant 0 : i32
      %dma_start3A_427 = tpu.memref_slice %arg7[%dma_start3A_426] : memref<10240xf32, #tpu.memory_space<vmem_shared>> -> memref<10240xf32, #tpu.memory_space<vmem_shared>>
      tpu.enqueue_indirect_dma source(%arg5 : memref<80xf32, #tpu.memory_space<vmem>>) target(%dma_start3A_427 : memref<10240xf32, #tpu.memory_space<vmem_shared>>) offsets(%dma_start3A_425 : memref<80xi32, #tpu.memory_space<vmem>>) semaphore(%arg8 : memref<!tpu.dma_semaphore, #tpu.memory_space<semaphore_mem>>) {add = true}
      %mul3A_428 = arith.constant 25 : i32
      %mul3A_429 = arith.muli %scan3A_203, %mul3A_428 : i32
      %add3A_430 = arith.constant 0 : i32
      %add3A_431 = arith.addi %mul3A_429, %add3A_430 : i32
      %dma_wait3A = arith.constant 0 : i32
      %dma_wait3A_432 = tpu.memref_slice %arg4[%add3A_431, %dma_wait3A] : memref<125x80xi32, #tpu.memory_space<vmem>> -> memref<1x80xi32, #tpu.memory_space<vmem>>
      %dma_wait3A_433 = tpu.memref_squeeze %dma_wait3A_432 : memref<1x80xi32, #tpu.memory_space<vmem>> -> memref<80xi32, #tpu.memory_space<vmem>>
      %dma_wait3A_434 = arith.constant 0 : i32
      %dma_wait3A_435 = tpu.memref_slice %arg7[%dma_wait3A_434] : memref<10240xf32, #tpu.memory_space<vmem_shared>> -> memref<10240xf32, #tpu.memory_space<vmem_shared>>
      tpu.wait_indirect_dma semaphore(%arg8 : memref<!tpu.dma_semaphore, #tpu.memory_space<semaphore_mem>>) src(%arg5 : memref<80xf32, #tpu.memory_space<vmem>>) dst(%dma_wait3A_435 : memref<10240xf32, #tpu.memory_space<vmem_shared>>)
      %mul3A_436 = arith.constant 25 : i32
      %mul3A_437 = arith.muli %scan3A_203, %mul3A_436 : i32
      %add3A_438 = arith.constant 1 : i32
      %add3A_439 = arith.addi %mul3A_437, %add3A_438 : i32
      %dma_wait3A_440 = arith.constant 0 : i32
      %dma_wait3A_441 = tpu.memref_slice %arg4[%add3A_439, %dma_wait3A_440] : memref<125x80xi32, #tpu.memory_space<vmem>> -> memref<1x80xi32, #tpu.memory_space<vmem>>
      %dma_wait3A_442 = tpu.memref_squeeze %dma_wait3A_441 : memref<1x80xi32, #tpu.memory_space<vmem>> -> memref<80xi32, #tpu.memory_space<vmem>>
      %dma_wait3A_443 = arith.constant 0 : i32
      %dma_wait3A_444 = tpu.memref_slice %arg7[%dma_wait3A_443] : memref<10240xf32, #tpu.memory_space<vmem_shared>> -> memref<10240xf32, #tpu.memory_space<vmem_shared>>
      tpu.wait_indirect_dma semaphore(%arg8 : memref<!tpu.dma_semaphore, #tpu.memory_space<semaphore_mem>>) src(%arg5 : memref<80xf32, #tpu.memory_space<vmem>>) dst(%dma_wait3A_444 : memref<10240xf32, #tpu.memory_space<vmem_shared>>)
      %mul3A_445 = arith.constant 25 : i32
      %mul3A_446 = arith.muli %scan3A_203, %mul3A_445 : i32
      %add3A_447 = arith.constant 2 : i32
      %add3A_448 = arith.addi %mul3A_446, %add3A_447 : i32
      %dma_wait3A_449 = arith.constant 0 : i32
      %dma_wait3A_450 = tpu.memref_slice %arg4[%add3A_448, %dma_wait3A_449] : memref<125x80xi32, #tpu.memory_space<vmem>> -> memref<1x80xi32, #tpu.memory_space<vmem>>
      %dma_wait3A_451 = tpu.memref_squeeze %dma_wait3A_450 : memref<1x80xi32, #tpu.memory_space<vmem>> -> memref<80xi32, #tpu.memory_space<vmem>>
      %dma_wait3A_452 = arith.constant 0 : i32
      %dma_wait3A_453 = tpu.memref_slice %arg7[%dma_wait3A_452] : memref<10240xf32, #tpu.memory_space<vmem_shared>> -> memref<10240xf32, #tpu.memory_space<vmem_shared>>
      tpu.wait_indirect_dma semaphore(%arg8 : memref<!tpu.dma_semaphore, #tpu.memory_space<semaphore_mem>>) src(%arg5 : memref<80xf32, #tpu.memory_space<vmem>>) dst(%dma_wait3A_453 : memref<10240xf32, #tpu.memory_space<vmem_shared>>)
      %mul3A_454 = arith.constant 25 : i32
      %mul3A_455 = arith.muli %scan3A_203, %mul3A_454 : i32
      %add3A_456 = arith.constant 3 : i32
      %add3A_457 = arith.addi %mul3A_455, %add3A_456 : i32
      %dma_wait3A_458 = arith.constant 0 : i32
      %dma_wait3A_459 = tpu.memref_slice %arg4[%add3A_457, %dma_wait3A_458] : memref<125x80xi32, #tpu.memory_space<vmem>> -> memref<1x80xi32, #tpu.memory_space<vmem>>
      %dma_wait3A_460 = tpu.memref_squeeze %dma_wait3A_459 : memref<1x80xi32, #tpu.memory_space<vmem>> -> memref<80xi32, #tpu.memory_space<vmem>>
      %dma_wait3A_461 = arith.constant 0 : i32
      %dma_wait3A_462 = tpu.memref_slice %arg7[%dma_wait3A_461] : memref<10240xf32, #tpu.memory_space<vmem_shared>> -> memref<10240xf32, #tpu.memory_space<vmem_shared>>
      tpu.wait_indirect_dma semaphore(%arg8 : memref<!tpu.dma_semaphore, #tpu.memory_space<semaphore_mem>>) src(%arg5 : memref<80xf32, #tpu.memory_space<vmem>>) dst(%dma_wait3A_462 : memref<10240xf32, #tpu.memory_space<vmem_shared>>)
      %mul3A_463 = arith.constant 25 : i32
      %mul3A_464 = arith.muli %scan3A_203, %mul3A_463 : i32
      %add3A_465 = arith.constant 4 : i32
      %add3A_466 = arith.addi %mul3A_464, %add3A_465 : i32
      %dma_wait3A_467 = arith.constant 0 : i32
      %dma_wait3A_468 = tpu.memref_slice %arg4[%add3A_466, %dma_wait3A_467] : memref<125x80xi32, #tpu.memory_space<vmem>> -> memref<1x80xi32, #tpu.memory_space<vmem>>
      %dma_wait3A_469 = tpu.memref_squeeze %dma_wait3A_468 : memref<1x80xi32, #tpu.memory_space<vmem>> -> memref<80xi32, #tpu.memory_space<vmem>>
      %dma_wait3A_470 = arith.constant 0 : i32
      %dma_wait3A_471 = tpu.memref_slice %arg7[%dma_wait3A_470] : memref<10240xf32, #tpu.memory_space<vmem_shared>> -> memref<10240xf32, #tpu.memory_space<vmem_shared>>
      tpu.wait_indirect_dma semaphore(%arg8 : memref<!tpu.dma_semaphore, #tpu.memory_space<semaphore_mem>>) src(%arg5 : memref<80xf32, #tpu.memory_space<vmem>>) dst(%dma_wait3A_471 : memref<10240xf32, #tpu.memory_space<vmem_shared>>)
      %mul3A_472 = arith.constant 25 : i32
      %mul3A_473 = arith.muli %scan3A_203, %mul3A_472 : i32
      %add3A_474 = arith.constant 5 : i32
      %add3A_475 = arith.addi %mul3A_473, %add3A_474 : i32
      %dma_wait3A_476 = arith.constant 0 : i32
      %dma_wait3A_477 = tpu.memref_slice %arg4[%add3A_475, %dma_wait3A_476] : memref<125x80xi32, #tpu.memory_space<vmem>> -> memref<1x80xi32, #tpu.memory_space<vmem>>
      %dma_wait3A_478 = tpu.memref_squeeze %dma_wait3A_477 : memref<1x80xi32, #tpu.memory_space<vmem>> -> memref<80xi32, #tpu.memory_space<vmem>>
      %dma_wait3A_479 = arith.constant 0 : i32
      %dma_wait3A_480 = tpu.memref_slice %arg7[%dma_wait3A_479] : memref<10240xf32, #tpu.memory_space<vmem_shared>> -> memref<10240xf32, #tpu.memory_space<vmem_shared>>
      tpu.wait_indirect_dma semaphore(%arg8 : memref<!tpu.dma_semaphore, #tpu.memory_space<semaphore_mem>>) src(%arg5 : memref<80xf32, #tpu.memory_space<vmem>>) dst(%dma_wait3A_480 : memref<10240xf32, #tpu.memory_space<vmem_shared>>)
      %mul3A_481 = arith.constant 25 : i32
      %mul3A_482 = arith.muli %scan3A_203, %mul3A_481 : i32
      %add3A_483 = arith.constant 6 : i32
      %add3A_484 = arith.addi %mul3A_482, %add3A_483 : i32
      %dma_wait3A_485 = arith.constant 0 : i32
      %dma_wait3A_486 = tpu.memref_slice %arg4[%add3A_484, %dma_wait3A_485] : memref<125x80xi32, #tpu.memory_space<vmem>> -> memref<1x80xi32, #tpu.memory_space<vmem>>
      %dma_wait3A_487 = tpu.memref_squeeze %dma_wait3A_486 : memref<1x80xi32, #tpu.memory_space<vmem>> -> memref<80xi32, #tpu.memory_space<vmem>>
      %dma_wait3A_488 = arith.constant 0 : i32
      %dma_wait3A_489 = tpu.memref_slice %arg7[%dma_wait3A_488] : memref<10240xf32, #tpu.memory_space<vmem_shared>> -> memref<10240xf32, #tpu.memory_space<vmem_shared>>
      tpu.wait_indirect_dma semaphore(%arg8 : memref<!tpu.dma_semaphore, #tpu.memory_space<semaphore_mem>>) src(%arg5 : memref<80xf32, #tpu.memory_space<vmem>>) dst(%dma_wait3A_489 : memref<10240xf32, #tpu.memory_space<vmem_shared>>)
      %mul3A_490 = arith.constant 25 : i32
      %mul3A_491 = arith.muli %scan3A_203, %mul3A_490 : i32
      %add3A_492 = arith.constant 7 : i32
      %add3A_493 = arith.addi %mul3A_491, %add3A_492 : i32
      %dma_wait3A_494 = arith.constant 0 : i32
      %dma_wait3A_495 = tpu.memref_slice %arg4[%add3A_493, %dma_wait3A_494] : memref<125x80xi32, #tpu.memory_space<vmem>> -> memref<1x80xi32, #tpu.memory_space<vmem>>
      %dma_wait3A_496 = tpu.memref_squeeze %dma_wait3A_495 : memref<1x80xi32, #tpu.memory_space<vmem>> -> memref<80xi32, #tpu.memory_space<vmem>>
      %dma_wait3A_497 = arith.constant 0 : i32
      %dma_wait3A_498 = tpu.memref_slice %arg7[%dma_wait3A_497] : memref<10240xf32, #tpu.memory_space<vmem_shared>> -> memref<10240xf32, #tpu.memory_space<vmem_shared>>
      tpu.wait_indirect_dma semaphore(%arg8 : memref<!tpu.dma_semaphore, #tpu.memory_space<semaphore_mem>>) src(%arg5 : memref<80xf32, #tpu.memory_space<vmem>>) dst(%dma_wait3A_498 : memref<10240xf32, #tpu.memory_space<vmem_shared>>)
      %mul3A_499 = arith.constant 25 : i32
      %mul3A_500 = arith.muli %scan3A_203, %mul3A_499 : i32
      %add3A_501 = arith.constant 8 : i32
      %add3A_502 = arith.addi %mul3A_500, %add3A_501 : i32
      %dma_wait3A_503 = arith.constant 0 : i32
      %dma_wait3A_504 = tpu.memref_slice %arg4[%add3A_502, %dma_wait3A_503] : memref<125x80xi32, #tpu.memory_space<vmem>> -> memref<1x80xi32, #tpu.memory_space<vmem>>
      %dma_wait3A_505 = tpu.memref_squeeze %dma_wait3A_504 : memref<1x80xi32, #tpu.memory_space<vmem>> -> memref<80xi32, #tpu.memory_space<vmem>>
      %dma_wait3A_506 = arith.constant 0 : i32
      %dma_wait3A_507 = tpu.memref_slice %arg7[%dma_wait3A_506] : memref<10240xf32, #tpu.memory_space<vmem_shared>> -> memref<10240xf32, #tpu.memory_space<vmem_shared>>
      tpu.wait_indirect_dma semaphore(%arg8 : memref<!tpu.dma_semaphore, #tpu.memory_space<semaphore_mem>>) src(%arg5 : memref<80xf32, #tpu.memory_space<vmem>>) dst(%dma_wait3A_507 : memref<10240xf32, #tpu.memory_space<vmem_shared>>)
      %mul3A_508 = arith.constant 25 : i32
      %mul3A_509 = arith.muli %scan3A_203, %mul3A_508 : i32
      %add3A_510 = arith.constant 9 : i32
      %add3A_511 = arith.addi %mul3A_509, %add3A_510 : i32
      %dma_wait3A_512 = arith.constant 0 : i32
      %dma_wait3A_513 = tpu.memref_slice %arg4[%add3A_511, %dma_wait3A_512] : memref<125x80xi32, #tpu.memory_space<vmem>> -> memref<1x80xi32, #tpu.memory_space<vmem>>
      %dma_wait3A_514 = tpu.memref_squeeze %dma_wait3A_513 : memref<1x80xi32, #tpu.memory_space<vmem>> -> memref<80xi32, #tpu.memory_space<vmem>>
      %dma_wait3A_515 = arith.constant 0 : i32
      %dma_wait3A_516 = tpu.memref_slice %arg7[%dma_wait3A_515] : memref<10240xf32, #tpu.memory_space<vmem_shared>> -> memref<10240xf32, #tpu.memory_space<vmem_shared>>
      tpu.wait_indirect_dma semaphore(%arg8 : memref<!tpu.dma_semaphore, #tpu.memory_space<semaphore_mem>>) src(%arg5 : memref<80xf32, #tpu.memory_space<vmem>>) dst(%dma_wait3A_516 : memref<10240xf32, #tpu.memory_space<vmem_shared>>)
      %mul3A_517 = arith.constant 25 : i32
      %mul3A_518 = arith.muli %scan3A_203, %mul3A_517 : i32
      %add3A_519 = arith.constant 10 : i32
      %add3A_520 = arith.addi %mul3A_518, %add3A_519 : i32
      %dma_wait3A_521 = arith.constant 0 : i32
      %dma_wait3A_522 = tpu.memref_slice %arg4[%add3A_520, %dma_wait3A_521] : memref<125x80xi32, #tpu.memory_space<vmem>> -> memref<1x80xi32, #tpu.memory_space<vmem>>
      %dma_wait3A_523 = tpu.memref_squeeze %dma_wait3A_522 : memref<1x80xi32, #tpu.memory_space<vmem>> -> memref<80xi32, #tpu.memory_space<vmem>>
      %dma_wait3A_524 = arith.constant 0 : i32
      %dma_wait3A_525 = tpu.memref_slice %arg7[%dma_wait3A_524] : memref<10240xf32, #tpu.memory_space<vmem_shared>> -> memref<10240xf32, #tpu.memory_space<vmem_shared>>
      tpu.wait_indirect_dma semaphore(%arg8 : memref<!tpu.dma_semaphore, #tpu.memory_space<semaphore_mem>>) src(%arg5 : memref<80xf32, #tpu.memory_space<vmem>>) dst(%dma_wait3A_525 : memref<10240xf32, #tpu.memory_space<vmem_shared>>)
      %mul3A_526 = arith.constant 25 : i32
      %mul3A_527 = arith.muli %scan3A_203, %mul3A_526 : i32
      %add3A_528 = arith.constant 11 : i32
      %add3A_529 = arith.addi %mul3A_527, %add3A_528 : i32
      %dma_wait3A_530 = arith.constant 0 : i32
      %dma_wait3A_531 = tpu.memref_slice %arg4[%add3A_529, %dma_wait3A_530] : memref<125x80xi32, #tpu.memory_space<vmem>> -> memref<1x80xi32, #tpu.memory_space<vmem>>
      %dma_wait3A_532 = tpu.memref_squeeze %dma_wait3A_531 : memref<1x80xi32, #tpu.memory_space<vmem>> -> memref<80xi32, #tpu.memory_space<vmem>>
      %dma_wait3A_533 = arith.constant 0 : i32
      %dma_wait3A_534 = tpu.memref_slice %arg7[%dma_wait3A_533] : memref<10240xf32, #tpu.memory_space<vmem_shared>> -> memref<10240xf32, #tpu.memory_space<vmem_shared>>
      tpu.wait_indirect_dma semaphore(%arg8 : memref<!tpu.dma_semaphore, #tpu.memory_space<semaphore_mem>>) src(%arg5 : memref<80xf32, #tpu.memory_space<vmem>>) dst(%dma_wait3A_534 : memref<10240xf32, #tpu.memory_space<vmem_shared>>)
      %mul3A_535 = arith.constant 25 : i32
      %mul3A_536 = arith.muli %scan3A_203, %mul3A_535 : i32
      %add3A_537 = arith.constant 12 : i32
      %add3A_538 = arith.addi %mul3A_536, %add3A_537 : i32
      %dma_wait3A_539 = arith.constant 0 : i32
      %dma_wait3A_540 = tpu.memref_slice %arg4[%add3A_538, %dma_wait3A_539] : memref<125x80xi32, #tpu.memory_space<vmem>> -> memref<1x80xi32, #tpu.memory_space<vmem>>
      %dma_wait3A_541 = tpu.memref_squeeze %dma_wait3A_540 : memref<1x80xi32, #tpu.memory_space<vmem>> -> memref<80xi32, #tpu.memory_space<vmem>>
      %dma_wait3A_542 = arith.constant 0 : i32
      %dma_wait3A_543 = tpu.memref_slice %arg7[%dma_wait3A_542] : memref<10240xf32, #tpu.memory_space<vmem_shared>> -> memref<10240xf32, #tpu.memory_space<vmem_shared>>
      tpu.wait_indirect_dma semaphore(%arg8 : memref<!tpu.dma_semaphore, #tpu.memory_space<semaphore_mem>>) src(%arg5 : memref<80xf32, #tpu.memory_space<vmem>>) dst(%dma_wait3A_543 : memref<10240xf32, #tpu.memory_space<vmem_shared>>)
      %mul3A_544 = arith.constant 25 : i32
      %mul3A_545 = arith.muli %scan3A_203, %mul3A_544 : i32
      %add3A_546 = arith.constant 13 : i32
      %add3A_547 = arith.addi %mul3A_545, %add3A_546 : i32
      %dma_wait3A_548 = arith.constant 0 : i32
      %dma_wait3A_549 = tpu.memref_slice %arg4[%add3A_547, %dma_wait3A_548] : memref<125x80xi32, #tpu.memory_space<vmem>> -> memref<1x80xi32, #tpu.memory_space<vmem>>
      %dma_wait3A_550 = tpu.memref_squeeze %dma_wait3A_549 : memref<1x80xi32, #tpu.memory_space<vmem>> -> memref<80xi32, #tpu.memory_space<vmem>>
      %dma_wait3A_551 = arith.constant 0 : i32
      %dma_wait3A_552 = tpu.memref_slice %arg7[%dma_wait3A_551] : memref<10240xf32, #tpu.memory_space<vmem_shared>> -> memref<10240xf32, #tpu.memory_space<vmem_shared>>
      tpu.wait_indirect_dma semaphore(%arg8 : memref<!tpu.dma_semaphore, #tpu.memory_space<semaphore_mem>>) src(%arg5 : memref<80xf32, #tpu.memory_space<vmem>>) dst(%dma_wait3A_552 : memref<10240xf32, #tpu.memory_space<vmem_shared>>)
      %mul3A_553 = arith.constant 25 : i32
      %mul3A_554 = arith.muli %scan3A_203, %mul3A_553 : i32
      %add3A_555 = arith.constant 14 : i32
      %add3A_556 = arith.addi %mul3A_554, %add3A_555 : i32
      %dma_wait3A_557 = arith.constant 0 : i32
      %dma_wait3A_558 = tpu.memref_slice %arg4[%add3A_556, %dma_wait3A_557] : memref<125x80xi32, #tpu.memory_space<vmem>> -> memref<1x80xi32, #tpu.memory_space<vmem>>
      %dma_wait3A_559 = tpu.memref_squeeze %dma_wait3A_558 : memref<1x80xi32, #tpu.memory_space<vmem>> -> memref<80xi32, #tpu.memory_space<vmem>>
      %dma_wait3A_560 = arith.constant 0 : i32
      %dma_wait3A_561 = tpu.memref_slice %arg7[%dma_wait3A_560] : memref<10240xf32, #tpu.memory_space<vmem_shared>> -> memref<10240xf32, #tpu.memory_space<vmem_shared>>
      tpu.wait_indirect_dma semaphore(%arg8 : memref<!tpu.dma_semaphore, #tpu.memory_space<semaphore_mem>>) src(%arg5 : memref<80xf32, #tpu.memory_space<vmem>>) dst(%dma_wait3A_561 : memref<10240xf32, #tpu.memory_space<vmem_shared>>)
      %mul3A_562 = arith.constant 25 : i32
      %mul3A_563 = arith.muli %scan3A_203, %mul3A_562 : i32
      %add3A_564 = arith.constant 15 : i32
      %add3A_565 = arith.addi %mul3A_563, %add3A_564 : i32
      %dma_wait3A_566 = arith.constant 0 : i32
      %dma_wait3A_567 = tpu.memref_slice %arg4[%add3A_565, %dma_wait3A_566] : memref<125x80xi32, #tpu.memory_space<vmem>> -> memref<1x80xi32, #tpu.memory_space<vmem>>
      %dma_wait3A_568 = tpu.memref_squeeze %dma_wait3A_567 : memref<1x80xi32, #tpu.memory_space<vmem>> -> memref<80xi32, #tpu.memory_space<vmem>>
      %dma_wait3A_569 = arith.constant 0 : i32
      %dma_wait3A_570 = tpu.memref_slice %arg7[%dma_wait3A_569] : memref<10240xf32, #tpu.memory_space<vmem_shared>> -> memref<10240xf32, #tpu.memory_space<vmem_shared>>
      tpu.wait_indirect_dma semaphore(%arg8 : memref<!tpu.dma_semaphore, #tpu.memory_space<semaphore_mem>>) src(%arg5 : memref<80xf32, #tpu.memory_space<vmem>>) dst(%dma_wait3A_570 : memref<10240xf32, #tpu.memory_space<vmem_shared>>)
      %mul3A_571 = arith.constant 25 : i32
      %mul3A_572 = arith.muli %scan3A_203, %mul3A_571 : i32
      %add3A_573 = arith.constant 16 : i32
      %add3A_574 = arith.addi %mul3A_572, %add3A_573 : i32
      %dma_wait3A_575 = arith.constant 0 : i32
      %dma_wait3A_576 = tpu.memref_slice %arg4[%add3A_574, %dma_wait3A_575] : memref<125x80xi32, #tpu.memory_space<vmem>> -> memref<1x80xi32, #tpu.memory_space<vmem>>
      %dma_wait3A_577 = tpu.memref_squeeze %dma_wait3A_576 : memref<1x80xi32, #tpu.memory_space<vmem>> -> memref<80xi32, #tpu.memory_space<vmem>>
      %dma_wait3A_578 = arith.constant 0 : i32
      %dma_wait3A_579 = tpu.memref_slice %arg7[%dma_wait3A_578] : memref<10240xf32, #tpu.memory_space<vmem_shared>> -> memref<10240xf32, #tpu.memory_space<vmem_shared>>
      tpu.wait_indirect_dma semaphore(%arg8 : memref<!tpu.dma_semaphore, #tpu.memory_space<semaphore_mem>>) src(%arg5 : memref<80xf32, #tpu.memory_space<vmem>>) dst(%dma_wait3A_579 : memref<10240xf32, #tpu.memory_space<vmem_shared>>)
      %mul3A_580 = arith.constant 25 : i32
      %mul3A_581 = arith.muli %scan3A_203, %mul3A_580 : i32
      %add3A_582 = arith.constant 17 : i32
      %add3A_583 = arith.addi %mul3A_581, %add3A_582 : i32
      %dma_wait3A_584 = arith.constant 0 : i32
      %dma_wait3A_585 = tpu.memref_slice %arg4[%add3A_583, %dma_wait3A_584] : memref<125x80xi32, #tpu.memory_space<vmem>> -> memref<1x80xi32, #tpu.memory_space<vmem>>
      %dma_wait3A_586 = tpu.memref_squeeze %dma_wait3A_585 : memref<1x80xi32, #tpu.memory_space<vmem>> -> memref<80xi32, #tpu.memory_space<vmem>>
      %dma_wait3A_587 = arith.constant 0 : i32
      %dma_wait3A_588 = tpu.memref_slice %arg7[%dma_wait3A_587] : memref<10240xf32, #tpu.memory_space<vmem_shared>> -> memref<10240xf32, #tpu.memory_space<vmem_shared>>
      tpu.wait_indirect_dma semaphore(%arg8 : memref<!tpu.dma_semaphore, #tpu.memory_space<semaphore_mem>>) src(%arg5 : memref<80xf32, #tpu.memory_space<vmem>>) dst(%dma_wait3A_588 : memref<10240xf32, #tpu.memory_space<vmem_shared>>)
      %mul3A_589 = arith.constant 25 : i32
      %mul3A_590 = arith.muli %scan3A_203, %mul3A_589 : i32
      %add3A_591 = arith.constant 18 : i32
      %add3A_592 = arith.addi %mul3A_590, %add3A_591 : i32
      %dma_wait3A_593 = arith.constant 0 : i32
      %dma_wait3A_594 = tpu.memref_slice %arg4[%add3A_592, %dma_wait3A_593] : memref<125x80xi32, #tpu.memory_space<vmem>> -> memref<1x80xi32, #tpu.memory_space<vmem>>
      %dma_wait3A_595 = tpu.memref_squeeze %dma_wait3A_594 : memref<1x80xi32, #tpu.memory_space<vmem>> -> memref<80xi32, #tpu.memory_space<vmem>>
      %dma_wait3A_596 = arith.constant 0 : i32
      %dma_wait3A_597 = tpu.memref_slice %arg7[%dma_wait3A_596] : memref<10240xf32, #tpu.memory_space<vmem_shared>> -> memref<10240xf32, #tpu.memory_space<vmem_shared>>
      tpu.wait_indirect_dma semaphore(%arg8 : memref<!tpu.dma_semaphore, #tpu.memory_space<semaphore_mem>>) src(%arg5 : memref<80xf32, #tpu.memory_space<vmem>>) dst(%dma_wait3A_597 : memref<10240xf32, #tpu.memory_space<vmem_shared>>)
      %mul3A_598 = arith.constant 25 : i32
      %mul3A_599 = arith.muli %scan3A_203, %mul3A_598 : i32
      %add3A_600 = arith.constant 19 : i32
      %add3A_601 = arith.addi %mul3A_599, %add3A_600 : i32
      %dma_wait3A_602 = arith.constant 0 : i32
      %dma_wait3A_603 = tpu.memref_slice %arg4[%add3A_601, %dma_wait3A_602] : memref<125x80xi32, #tpu.memory_space<vmem>> -> memref<1x80xi32, #tpu.memory_space<vmem>>
      %dma_wait3A_604 = tpu.memref_squeeze %dma_wait3A_603 : memref<1x80xi32, #tpu.memory_space<vmem>> -> memref<80xi32, #tpu.memory_space<vmem>>
      %dma_wait3A_605 = arith.constant 0 : i32
      %dma_wait3A_606 = tpu.memref_slice %arg7[%dma_wait3A_605] : memref<10240xf32, #tpu.memory_space<vmem_shared>> -> memref<10240xf32, #tpu.memory_space<vmem_shared>>
      tpu.wait_indirect_dma semaphore(%arg8 : memref<!tpu.dma_semaphore, #tpu.memory_space<semaphore_mem>>) src(%arg5 : memref<80xf32, #tpu.memory_space<vmem>>) dst(%dma_wait3A_606 : memref<10240xf32, #tpu.memory_space<vmem_shared>>)
      %mul3A_607 = arith.constant 25 : i32
      %mul3A_608 = arith.muli %scan3A_203, %mul3A_607 : i32
      %add3A_609 = arith.constant 20 : i32
      %add3A_610 = arith.addi %mul3A_608, %add3A_609 : i32
      %dma_wait3A_611 = arith.constant 0 : i32
      %dma_wait3A_612 = tpu.memref_slice %arg4[%add3A_610, %dma_wait3A_611] : memref<125x80xi32, #tpu.memory_space<vmem>> -> memref<1x80xi32, #tpu.memory_space<vmem>>
      %dma_wait3A_613 = tpu.memref_squeeze %dma_wait3A_612 : memref<1x80xi32, #tpu.memory_space<vmem>> -> memref<80xi32, #tpu.memory_space<vmem>>
      %dma_wait3A_614 = arith.constant 0 : i32
      %dma_wait3A_615 = tpu.memref_slice %arg7[%dma_wait3A_614] : memref<10240xf32, #tpu.memory_space<vmem_shared>> -> memref<10240xf32, #tpu.memory_space<vmem_shared>>
      tpu.wait_indirect_dma semaphore(%arg8 : memref<!tpu.dma_semaphore, #tpu.memory_space<semaphore_mem>>) src(%arg5 : memref<80xf32, #tpu.memory_space<vmem>>) dst(%dma_wait3A_615 : memref<10240xf32, #tpu.memory_space<vmem_shared>>)
      %mul3A_616 = arith.constant 25 : i32
      %mul3A_617 = arith.muli %scan3A_203, %mul3A_616 : i32
      %add3A_618 = arith.constant 21 : i32
      %add3A_619 = arith.addi %mul3A_617, %add3A_618 : i32
      %dma_wait3A_620 = arith.constant 0 : i32
      %dma_wait3A_621 = tpu.memref_slice %arg4[%add3A_619, %dma_wait3A_620] : memref<125x80xi32, #tpu.memory_space<vmem>> -> memref<1x80xi32, #tpu.memory_space<vmem>>
      %dma_wait3A_622 = tpu.memref_squeeze %dma_wait3A_621 : memref<1x80xi32, #tpu.memory_space<vmem>> -> memref<80xi32, #tpu.memory_space<vmem>>
      %dma_wait3A_623 = arith.constant 0 : i32
      %dma_wait3A_624 = tpu.memref_slice %arg7[%dma_wait3A_623] : memref<10240xf32, #tpu.memory_space<vmem_shared>> -> memref<10240xf32, #tpu.memory_space<vmem_shared>>
      tpu.wait_indirect_dma semaphore(%arg8 : memref<!tpu.dma_semaphore, #tpu.memory_space<semaphore_mem>>) src(%arg5 : memref<80xf32, #tpu.memory_space<vmem>>) dst(%dma_wait3A_624 : memref<10240xf32, #tpu.memory_space<vmem_shared>>)
      %mul3A_625 = arith.constant 25 : i32
      %mul3A_626 = arith.muli %scan3A_203, %mul3A_625 : i32
      %add3A_627 = arith.constant 22 : i32
      %add3A_628 = arith.addi %mul3A_626, %add3A_627 : i32
      %dma_wait3A_629 = arith.constant 0 : i32
      %dma_wait3A_630 = tpu.memref_slice %arg4[%add3A_628, %dma_wait3A_629] : memref<125x80xi32, #tpu.memory_space<vmem>> -> memref<1x80xi32, #tpu.memory_space<vmem>>
      %dma_wait3A_631 = tpu.memref_squeeze %dma_wait3A_630 : memref<1x80xi32, #tpu.memory_space<vmem>> -> memref<80xi32, #tpu.memory_space<vmem>>
      %dma_wait3A_632 = arith.constant 0 : i32
      %dma_wait3A_633 = tpu.memref_slice %arg7[%dma_wait3A_632] : memref<10240xf32, #tpu.memory_space<vmem_shared>> -> memref<10240xf32, #tpu.memory_space<vmem_shared>>
      tpu.wait_indirect_dma semaphore(%arg8 : memref<!tpu.dma_semaphore, #tpu.memory_space<semaphore_mem>>) src(%arg5 : memref<80xf32, #tpu.memory_space<vmem>>) dst(%dma_wait3A_633 : memref<10240xf32, #tpu.memory_space<vmem_shared>>)
      %mul3A_634 = arith.constant 25 : i32
      %mul3A_635 = arith.muli %scan3A_203, %mul3A_634 : i32
      %add3A_636 = arith.constant 23 : i32
      %add3A_637 = arith.addi %mul3A_635, %add3A_636 : i32
      %dma_wait3A_638 = arith.constant 0 : i32
      %dma_wait3A_639 = tpu.memref_slice %arg4[%add3A_637, %dma_wait3A_638] : memref<125x80xi32, #tpu.memory_space<vmem>> -> memref<1x80xi32, #tpu.memory_space<vmem>>
      %dma_wait3A_640 = tpu.memref_squeeze %dma_wait3A_639 : memref<1x80xi32, #tpu.memory_space<vmem>> -> memref<80xi32, #tpu.memory_space<vmem>>
      %dma_wait3A_641 = arith.constant 0 : i32
      %dma_wait3A_642 = tpu.memref_slice %arg7[%dma_wait3A_641] : memref<10240xf32, #tpu.memory_space<vmem_shared>> -> memref<10240xf32, #tpu.memory_space<vmem_shared>>
      tpu.wait_indirect_dma semaphore(%arg8 : memref<!tpu.dma_semaphore, #tpu.memory_space<semaphore_mem>>) src(%arg5 : memref<80xf32, #tpu.memory_space<vmem>>) dst(%dma_wait3A_642 : memref<10240xf32, #tpu.memory_space<vmem_shared>>)
      %mul3A_643 = arith.constant 25 : i32
      %mul3A_644 = arith.muli %scan3A_203, %mul3A_643 : i32
      %add3A_645 = arith.constant 24 : i32
      %add3A_646 = arith.addi %mul3A_644, %add3A_645 : i32
      %dma_wait3A_647 = arith.constant 0 : i32
      %dma_wait3A_648 = tpu.memref_slice %arg4[%add3A_646, %dma_wait3A_647] : memref<125x80xi32, #tpu.memory_space<vmem>> -> memref<1x80xi32, #tpu.memory_space<vmem>>
      %dma_wait3A_649 = tpu.memref_squeeze %dma_wait3A_648 : memref<1x80xi32, #tpu.memory_space<vmem>> -> memref<80xi32, #tpu.memory_space<vmem>>
      %dma_wait3A_650 = arith.constant 0 : i32
      %dma_wait3A_651 = tpu.memref_slice %arg7[%dma_wait3A_650] : memref<10240xf32, #tpu.memory_space<vmem_shared>> -> memref<10240xf32, #tpu.memory_space<vmem_shared>>
      tpu.wait_indirect_dma semaphore(%arg8 : memref<!tpu.dma_semaphore, #tpu.memory_space<semaphore_mem>>) src(%arg5 : memref<80xf32, #tpu.memory_space<vmem>>) dst(%dma_wait3A_651 : memref<10240xf32, #tpu.memory_space<vmem_shared>>)
    }
    %scan3A_197 = arith.constant 5 : i32
    %barrier3A_198 = arith.constant 0 : index
    tpu.barrier barrier_id(%barrier3A_198)
    %mul3A_199 = arith.constant 640 : i32
    %mul3A_200 = arith.muli %arg1, %mul3A_199 : i32
    %mul3A_201 = arith.constant 640 : i32
    %mul3A_202 = arith.muli %arg1, %mul3A_201 : i32
    %run_scoped3A = arith.constant 0 : i32
    "tpu.region"() ({
      %run_scoped3A_203 = tpu.sem_alloc : memref<!tpu.dma_semaphore, #tpu.memory_space<semaphore_mem>>
      %dma_start3A = tpu.memref_slice %arg3[%arg0, %run_scoped3A, %mul3A_202] : memref<2x1x10240xf32, #tpu.memory_space<hbm>> -> memref<1x1x640xf32, #tpu.memory_space<hbm>>
      %dma_start3A_204 = tpu.memref_squeeze %dma_start3A : memref<1x1x640xf32, #tpu.memory_space<hbm>> -> memref<640xf32, #tpu.memory_space<hbm>>
      %dma_start3A_205 = tpu.memref_slice %arg7[%mul3A_200] : memref<10240xf32, #tpu.memory_space<vmem_shared>> -> memref<640xf32, #tpu.memory_space<vmem_shared>>
      tpu.enqueue_dma source(%dma_start3A_205 : memref<640xf32, #tpu.memory_space<vmem_shared>>) target(%dma_start3A_204 : memref<640xf32, #tpu.memory_space<hbm>>) target_semaphore(%run_scoped3A_203 : memref<!tpu.dma_semaphore, #tpu.memory_space<semaphore_mem>>)
      %dma_wait3A = tpu.memref_slice %arg3[%arg0, %run_scoped3A, %mul3A_202] : memref<2x1x10240xf32, #tpu.memory_space<hbm>> -> memref<1x1x640xf32, #tpu.memory_space<hbm>>
      %dma_wait3A_206 = tpu.memref_squeeze %dma_wait3A : memref<1x1x640xf32, #tpu.memory_space<hbm>> -> memref<640xf32, #tpu.memory_space<hbm>>
      %dma_wait3A_207 = tpu.memref_slice %arg7[%mul3A_200] : memref<10240xf32, #tpu.memory_space<vmem_shared>> -> memref<640xf32, #tpu.memory_space<vmem_shared>>
      tpu.wait_dma2 semaphore(%run_scoped3A_203 : memref<!tpu.dma_semaphore, #tpu.memory_space<semaphore_mem>>) src(%dma_wait3A_207 : memref<640xf32, #tpu.memory_space<vmem_shared>>) dst(%dma_wait3A_206 : memref<640xf32, #tpu.memory_space<hbm>>)
      tpu.yield
    }) : () -> ()
    return
  }
}

module attributes {stable_mosaic.version = 14 : i64} {
  func.func @_prep_body(%arg0: i32, %arg1: memref<1000x128xf32, #tpu.memory_space<vmem>>, %arg2: memref<1000x1xf32, #tpu.memory_space<vmem>>, %arg3: memref<1000x128xf32, #tpu.memory_space<vmem>>) attributes {dimension_semantics = [#tpu.dimension_semantics<arbitrary>], iteration_bounds = array<i64: 10>, scalar_prefetch = 0 : i64, scratch_operands = 0 : i64, tpu.core_type = #tpu.core_type<tc>, window_params = [{transform_indices = @transform_0, window_bounds = array<i64: 1000, 128>}, {transform_indices = @transform_1, window_bounds = array<i64: 1000, 1>}, {transform_indices = @transform_2, window_bounds = array<i64: 1000, 128>}]} {
    %get3A = arith.constant 0 : index
    %get3A_0 = arith.constant 0 : index
    %get3A_1 = vector.load %arg1[%get3A, %get3A_0] : memref<1000x128xf32, #tpu.memory_space<vmem>>, vector<1000x128xf32>
    %get3A_2 = arith.constant 0 : index
    %get3A_3 = arith.constant 0 : index
    %get3A_4 = vector.load %arg2[%get3A_2, %get3A_3] : memref<1000x1xf32, #tpu.memory_space<vmem>>, vector<1000x1xf32>
    %max3A = arith.constant 1.000000e+00 : f32
    %max3A_5 = vector.broadcast %max3A : f32 to vector<1000x1xf32>
    %max3A_6 = arith.maximumf %get3A_4, %max3A_5 : vector<1000x1xf32>
    %rsqrt3A = math.rsqrt %max3A_6 : vector<1000x1xf32>
    %mul3A = vector.broadcast %rsqrt3A : vector<1000x1xf32> to vector<1000x128xf32>
    %mul3A_7 = arith.mulf %get3A_1, %mul3A : vector<1000x128xf32>
    %swap3A = arith.constant 0 : index
    %swap3A_8 = arith.constant 0 : index
    %swap3A_9 = vector.load %arg3[%swap3A, %swap3A_8] : memref<1000x128xf32, #tpu.memory_space<vmem>>, vector<1000x128xf32>
    tpu.vector_store %arg3[%swap3A, %swap3A_8], %mul3A_7 {strides = array<i32>} : memref<1000x128xf32, #tpu.memory_space<vmem>>, vector<1000x128xf32>,
    return
  }
  func.func @transform_0(%arg0: i32) -> (i32, i32) {
    %c0_i32 = arith.constant 0 : i32
    %c0_i32_0 = arith.constant 0 : i32
    return %arg0, %c0_i32 : i32, i32
  }
  func.func @transform_1(%arg0: i32) -> (i32, i32) {
    %c0_i32 = arith.constant 0 : i32
    %c0_i32_0 = arith.constant 0 : i32
    return %arg0, %c0_i32 : i32, i32
  }
  func.func @transform_2(%arg0: i32) -> (i32, i32) {
    %c0_i32 = arith.constant 0 : i32
    %c0_i32_0 = arith.constant 0 : i32
    return %arg0, %c0_i32 : i32, i32
  }
}

module attributes {stable_mosaic.version = 14 : i64} {
  func.func @_final_body(%arg0: i32, %arg1: memref<1x1000x128xf32, #tpu.memory_space<vmem>>, %arg2: memref<1x1000x128xf32, #tpu.memory_space<vmem>>, %arg3: memref<1000x128xf32, #tpu.memory_space<vmem>>, %arg4: memref<1000x1xf32, #tpu.memory_space<vmem>>, %arg5: memref<128x128xf32, #tpu.memory_space<vmem>>, %arg6: memref<128x128xf32, #tpu.memory_space<vmem>>, %arg7: memref<1000x128xf32, #tpu.memory_space<vmem>>) attributes {dimension_semantics = [#tpu.dimension_semantics<arbitrary>], iteration_bounds = array<i64: 10>, scalar_prefetch = 0 : i64, scratch_operands = 0 : i64, tpu.core_type = #tpu.core_type<tc>, window_params = [{transform_indices = @transform_0, window_bounds = array<i64: 1, 1000, 128>}, {transform_indices = @transform_1, window_bounds = array<i64: 1, 1000, 128>}, {transform_indices = @transform_2, window_bounds = array<i64: 1000, 128>}, {transform_indices = @transform_3, window_bounds = array<i64: 1000, 1>}, {pipeline_mode = #tpu.pipeline_mode<synchronous>, transform_indices = @transform_4, window_bounds = array<i64: 128, 128>}, {pipeline_mode = #tpu.pipeline_mode<synchronous>, transform_indices = @transform_5, window_bounds = array<i64: 128, 128>}, {transform_indices = @transform_6, window_bounds = array<i64: 1000, 128>}]} {
    %get3A = arith.constant 0 : index
    %get3A_0 = arith.constant 0 : index
    %get3A_1 = arith.constant 0 : index
    %get3A_2 = vector.load %arg1[%get3A, %get3A_0, %get3A_1] : memref<1x1000x128xf32, #tpu.memory_space<vmem>>, vector<1x1000x128xf32>
    %get3A_3 = vector.shape_cast %get3A_2 : vector<1x1000x128xf32> to vector<1000x128xf32>
    %get3A_4 = arith.constant 0 : index
    %get3A_5 = arith.constant 0 : index
    %get3A_6 = arith.constant 0 : index
    %get3A_7 = vector.load %arg2[%get3A_4, %get3A_5, %get3A_6] : memref<1x1000x128xf32, #tpu.memory_space<vmem>>, vector<1x1000x128xf32>
    %get3A_8 = vector.shape_cast %get3A_7 : vector<1x1000x128xf32> to vector<1000x128xf32>
    %add3A = arith.addf %get3A_3, %get3A_8 : vector<1000x128xf32>
    %get3A_9 = arith.constant 0 : index
    %get3A_10 = arith.constant 0 : index
    %get3A_11 = vector.load %arg4[%get3A_9, %get3A_10] : memref<1000x1xf32, #tpu.memory_space<vmem>>, vector<1000x1xf32>
    %max3A = arith.constant 1.000000e+00 : f32
    %max3A_12 = vector.broadcast %max3A : f32 to vector<1000x1xf32>
    %max3A_13 = arith.maximumf %get3A_11, %max3A_12 : vector<1000x1xf32>
    %rsqrt3A = math.rsqrt %max3A_13 : vector<1000x1xf32>
    %get3A_14 = arith.constant 0 : index
    %get3A_15 = arith.constant 0 : index
    %get3A_16 = vector.load %arg5[%get3A_14, %get3A_15] : memref<128x128xf32, #tpu.memory_space<vmem>>, vector<128x128xf32>
    %dot_general3A = arith.constant dense<0.000000e+00> : vector<1000x128xf32>
    %dot_general3A_17 = tpu.matmul %add3A, %get3A_16, %dot_general3A {dimension_numbers = #tpu.dot_dimension_numbers<[1], [0], [0], [1], [0, 0, 1, 1], [], []>, transpose_lhs_hint = false} : vector<1000x128xf32>, vector<128x128xf32>, vector<1000x128xf32> -> vector<1000x128xf32>
    %get3A_18 = arith.constant 0 : index
    %get3A_19 = arith.constant 0 : index
    %get3A_20 = vector.load %arg3[%get3A_18, %get3A_19] : memref<1000x128xf32, #tpu.memory_space<vmem>>, vector<1000x128xf32>
    %mul3A = arith.mulf %get3A_20, %add3A : vector<1000x128xf32>
    %get3A_21 = arith.constant 0 : index
    %get3A_22 = arith.constant 0 : index
    %get3A_23 = vector.load %arg6[%get3A_21, %get3A_22] : memref<128x128xf32, #tpu.memory_space<vmem>>, vector<128x128xf32>
    %dot_general3A_24 = arith.constant dense<0.000000e+00> : vector<1000x128xf32>
    %dot_general3A_25 = tpu.matmul %mul3A, %get3A_23, %dot_general3A_24 {dimension_numbers = #tpu.dot_dimension_numbers<[1], [0], [0], [1], [0, 0, 1, 1], [], []>, transpose_lhs_hint = false} : vector<1000x128xf32>, vector<128x128xf32>, vector<1000x128xf32> -> vector<1000x128xf32>
    %add3A_26 = arith.addf %dot_general3A_17, %dot_general3A_25 : vector<1000x128xf32>
    %mul3A_27 = vector.broadcast %rsqrt3A : vector<1000x1xf32> to vector<1000x128xf32>
    %mul3A_28 = arith.mulf %add3A_26, %mul3A_27 : vector<1000x128xf32>
    %swap3A = arith.constant 0 : index
    %swap3A_29 = arith.constant 0 : index
    %swap3A_30 = vector.load %arg7[%swap3A, %swap3A_29] : memref<1000x128xf32, #tpu.memory_space<vmem>>, vector<1000x128xf32>
    tpu.vector_store %arg7[%swap3A, %swap3A_29], %mul3A_28 {strides = array<i32>} : memref<1000x128xf32, #tpu.memory_space<vmem>>, vector<1000x128xf32>,
    return
  }
  func.func @transform_0(%arg0: i32) -> (i32, i32, i32) {
    %c0_i32 = arith.constant 0 : i32
    %c0_i32_0 = arith.constant 0 : i32
    %c0_i32_1 = arith.constant 0 : i32
    return %c0_i32, %arg0, %c0_i32_0 : i32, i32, i32
  }
  func.func @transform_1(%arg0: i32) -> (i32, i32, i32) {
    %c1_i32 = arith.constant 1 : i32
    %c0_i32 = arith.constant 0 : i32
    %c0_i32_0 = arith.constant 0 : i32
    return %c1_i32, %arg0, %c0_i32 : i32, i32, i32
  }
  func.func @transform_2(%arg0: i32) -> (i32, i32) {
    %c0_i32 = arith.constant 0 : i32
    %c0_i32_0 = arith.constant 0 : i32
    return %arg0, %c0_i32 : i32, i32
  }
  func.func @transform_3(%arg0: i32) -> (i32, i32) {
    %c0_i32 = arith.constant 0 : i32
    %c0_i32_0 = arith.constant 0 : i32
    return %arg0, %c0_i32 : i32, i32
  }
  func.func @transform_4(%arg0: i32) -> (i32, i32) {
    %c0_i32 = arith.constant 0 : i32
    %c0_i32_0 = arith.constant 0 : i32
    %c0_i32_1 = arith.constant 0 : i32
    return %c0_i32, %c0_i32_0 : i32, i32
  }
  func.func @transform_5(%arg0: i32) -> (i32, i32) {
    %c0_i32 = arith.constant 0 : i32
    %c0_i32_0 = arith.constant 0 : i32
    %c0_i32_1 = arith.constant 0 : i32
    return %c0_i32, %c0_i32_0 : i32, i32
  }
  func.func @transform_6(%arg0: i32) -> (i32, i32) {
    %c0_i32 = arith.constant 0 : i32
    %c0_i32_0 = arith.constant 0 : i32
    return %arg0, %c0_i32 : i32, i32
  }
}

</mosaic_0001>

<sc_bundles>
// kernel: kernel.6.cloned.1.call-start
scs
__scs_entry_jumppad:
0x0: {  	(pc) =	sbr.rel $0x88, $3  }
0x1: {  	(tag) =	ssettag $0x0;
	lr =	simm.s32 $0x1  }
0x2: {  	[smem:$0x3F9D] =	sst lr;
	_ =	strace $0xD0000000  }
0x3: {  	_ = 	snop  }
0x4: {  	_ = 	snop  }
0x5: {  	_ = 	snop  }
0x6: {  	_ = 	snop  }
0x7: {  	_ = 	snop  }
__scs_overlays_trampoline_lowered:
0x8: {  	[smem:$0x3FAC] =	sst s0  }
0x9: {  	[smem:$0x3FAD] =	sst s1  }
0xa: {  	[smem:$0x3FAE] =	sst s2  }
0xb: {  	[smem:$0x3FAF] =	sst s3  }
0xc: {  	[smem:$0x3FB0] =	sst s4  }
0xd: {  	[smem:$0x3FB1] =	sst s5  }
0xe: {  	[smem:$0x3FB2] =	sst s6  }
0xf: {  	[smem:$0x3FB3] =	sst s7  }
0x10: {  	[smem:$0x3FB4] =	sst s8  }
0x11: {  	[smem:$0x3FB5] =	sst s9;
	s0 =	simm.s32 @!p0 $0x0  }
0x12: {  	s1 =	sld [smem:$0x3F9B];
	s0 =	simm.s32 @p0 $0x1  }
0x13: {  	[smem:$0x3FB6] =	sst s0;
	s0 =	simm.s32 @!p1 $0x0  }
0x14: {  	s2 =	sld [smem:$0x3F9A];
	s0 =	simm.s32 @p1 $0x1  }
0x15: {  	[smem:$0x3FB7] =	sst s0;
	s0 =	simm.s32 @!p2 $0x0  }
0x16: {  	s3 =	sld [smem:$0x3FDB];
	s0 =	simm.s32 @p2 $0x1  }
0x17: {  	s4 =	simm.s32 $0x1BF5;
	[smem:$0x3FB9] =	sst s0  }
0x18: {  	s0 =	sld [smem:$0x3F9C];
	_ =	swait.ge [sflag:s4], $0x0  }
0x19: {  	s7 =	sld [smem:$0x3F9D]  }
0x1a: {  	s8 =	sadd.s32 $0xFFFFE003, lr  }
0x1b: {  	s9 =	sadd.s32 $0xFFFFFEF7, lr;
	s5 =	simm.s32 $0xFFFFFFFF;
	p2 =	slt.u32 s8, $0xFFFFF086  }
0x1c: {  	p1 =	slt.u32 s9, $0xF7A;
	s5 =	simm.s32 @!p2 $0x0  }
0x1d: {  	s5 =	simm.s32 @p1 $0x1;
	p0 =	seq.s32 s7, s2  }
0x1e: {  	s7 =	smul.u32 @!p0 $0xF7A, s2;
	p2 =	seq.s32 @!p0 s5, $0x0  }
0x1f: {  	s9 =	smul.u32 $0xF7A, s1;
	s8 =	simm.s32 @!p0 $0x1BF5;
	p2 =	por !p2, p0  }
0x20: {  	[sflag:s8] =	ssyncset.s32 @!p0 $0xFFFFF086;
	s6 =	sadd.s32 @!p0 s3, s7;
	s7 =	simm.s32 @!p0 $0x108  }
0x21: {  	s3 =	sadd.s32 s3, s9;
	s6 =	sadd.s32 @!p0 $0x88, s6;
	s7 =	simm.s32 @p2 $0x1082  }
0x22: {  	[simem:s7], [sflag:s8] =	dma.local @!p0 [hbm:s6], $0xF7A  }
0x23: {  	s9 =	sor.u32 $0xD0000000, s2;
	s6 =	simm.s32 $0x108;
	_ =	swait.ge @!p0 [sflag:s8], $0x0  }
0x24: {  	s3 =	sadd.s32 $0x88, s3;
	s6 =	simm.s32 @!p1 $0x1082;
	[sflag:s4] =	ssyncset.s32 $0xFFFFF086  }
0x25: {  	[simem:s6], [sflag:s4] =	dma.local [hbm:s3], $0xF7A  }
0x26: {  	[smem:$0x3F9D] =	sst s1;
	(tag) =	ssettag s2;
	_ =	strace s9  }
0x27: {  	s1 =	sld [smem:$0x3FAD]  }
0x28: {  	s2 =	sld [smem:$0x3FAE]  }
0x29: {  	s4 =	sld [smem:$0x3FB0]  }
0x2a: {  	p0 =	seq.s32 s5, $0x0;
	s5 =	sld [smem:$0x3FB1]  }
0x2b: {  	s6 =	sld [smem:$0x3FB2]  }
0x2c: {  	s7 =	sld [smem:$0x3FB3]  }
0x2d: {  	s3 =	simm.s32 $0x108;
	s8 =	sld [smem:$0x3FB4]  }
0x2e: {  	s3 =	simm.s32 @!p0 $0x1082;
	s9 =	sld [smem:$0x3FB5]  }
0x2f: {  	lr =	sadd.s32 s0, s3;
	s0 =	sld [smem:$0x3FAC]  }
0x30: {  	s3 =	sld [smem:$0x3FAF]  }
0x31: {  	[smem:$0x3FB8] =	sst s10  }
0x32: {  	s10 =	sld [smem:$0x3FB6];
	_ =	sdelay $0x3  }
0x33: {  	p0 =	seq.s32 s10, $0x1;
	s10 =	sld [smem:$0x3FB8];
	_ =	sdelay $0x3  }
0x34: {  	[smem:$0x3FB8] =	sst s10  }
0x35: {  	s10 =	sld [smem:$0x3FB7];
	_ =	sdelay $0x3  }
0x36: {  	p1 =	seq.s32 s10, $0x1;
	s10 =	sld [smem:$0x3FB8];
	_ =	sdelay $0x3  }
0x37: {  	[smem:$0x3FB8] =	sst s10  }
0x38: {  	s10 =	sld [smem:$0x3FB9]  }
0x39: {  	_ = 	snop;
	(pc) =	sbr.ind lr, $3  }
0x3a: {  	_ = 	snop  }
0x3b: {  	_ = 	snop  }
0x3c: {  	p2 =	seq.s32 s10, $0x1;
	s10 =	sld [smem:$0x3FB8]  }
0x3d: {  	_ =	shalt  }
0x3e: {  	_ =	shalt  }
0x3f: {  	_ =	shalt  }
0x40: {  	_ =	shalt  }
0x41: {  	_ =	shalt  }
0x42: {  	_ =	shalt  }
0x43: {  	_ =	shalt  }
0x44: {  	_ =	shalt  }
0x45: {  	_ =	shalt  }
0x46: {  	_ =	shalt  }
0x47: {  	_ =	shalt  }
0x48: {  	_ =	shalt  }
0x49: {  	_ =	shalt  }
0x4a: {  	_ =	shalt  }
0x4b: {  	_ =	shalt  }
0x4c: {  	_ =	shalt  }
0x4d: {  	_ =	shalt  }
0x4e: {  	_ =	shalt  }
0x4f: {  	_ =	shalt  }
0x50: {  	_ =	shalt  }
0x51: {  	_ =	shalt  }
0x52: {  	_ =	shalt  }
0x53: {  	_ =	shalt  }
0x54: {  	_ =	shalt  }
0x55: {  	_ =	shalt  }
0x56: {  	_ =	shalt  }
0x57: {  	_ =	shalt  }
0x58: {  	_ =	shalt  }
0x59: {  	_ =	shalt  }
0x5a: {  	_ =	shalt  }
0x5b: {  	_ =	shalt  }
0x5c: {  	_ =	shalt  }
0x5d: {  	_ =	shalt  }
0x5e: {  	_ =	shalt  }
0x5f: {  	_ =	shalt  }
0x60: {  	_ =	shalt  }
0x61: {  	_ =	shalt  }
0x62: {  	_ =	shalt  }
0x63: {  	_ =	shalt  }
0x64: {  	_ =	shalt  }
0x65: {  	_ =	shalt  }
0x66: {  	_ =	shalt  }
0x67: {  	_ =	shalt  }
0x68: {  	_ =	shalt  }
0x69: {  	_ =	shalt  }
0x6a: {  	_ =	shalt  }
0x6b: {  	_ =	shalt  }
0x6c: {  	_ =	shalt  }
0x6d: {  	_ =	shalt  }
0x6e: {  	_ =	shalt  }
0x6f: {  	_ =	shalt  }
0x70: {  	_ =	shalt  }
0x71: {  	_ =	shalt  }
0x72: {  	_ =	shalt  }
0x73: {  	_ =	shalt  }
0x74: {  	_ =	shalt  }
0x75: {  	_ =	shalt  }
0x76: {  	_ =	shalt  }
0x77: {  	_ =	shalt  }
0x78: {  	_ =	shalt  }
0x79: {  	_ =	shalt  }
0x7a: {  	_ =	shalt  }
0x7b: {  	_ =	shalt  }
0x7c: {  	_ =	shalt  }
0x7d: {  	_ =	shalt  }
0x7e: {  	_ =	shalt  }
0x7f: {  	_ =	shalt  }
0x80: {  	_ =	shalt  }
0x81: {  	_ =	shalt  }
0x82: {  	_ =	shalt  }
0x83: {  	_ =	shalt  }
0x84: {  	_ =	shalt  }
0x85: {  	_ =	shalt  }
0x86: {  	_ =	shalt  }
0x87: {  	_ =	shalt  }
.Lfunc_end0:
.L_simem_size_0:
called_computation_lowered:
.L_overlay_start_0:
0x88: {  	s2 =	sld [smem:$0x3FD9]  }
0x89: {  	s3 =	sld [smem:$0x3FFE];
	_ =	sdelay $0x1  }
0x8a: {  	s1 =	srdreg.scid  }
0x8b: {  	s0 =	sand.u32 $0x1, s1  }
0x8c: {  	s17 =	sshll.u32 s0, $0xA;
	s2 =	sadd.s32 s3, s2  }
0x8d: {  	s2 =	sadd.s32 s2, s17  }
0x8e: {  	[smem:$0x3FC4] =	sst s2  }
0x8f: {  	_ = 	snop  }
0x90: {  	s2 =	sld [smem:$0x3FD0];
	(tm) =	ssettm $0x1  }
0x91: {  	s18 =	sld [smem:$0x3FFB];
	_ =	sdelay $0x3  }
0x92: {  	_ =	strace s18  }
0x93: {  	s3 =	sld [smem:$0x3FFC];
	_ =	sdelay $0x3  }
0x94: {  	_ =	strace s3  }
0x95: {  	s3 =	sld [smem:$0x3FFD];
	_ =	sdelay $0x3  }
0x96: {  	_ =	strace s3  }
0x97: {  	_ =	strace $0x8FFFFFFF  }
0x98: {  	s19 =	sld [smem:$0x3FDB];
	_ =	sdelay $0x1  }
0x99: {  	s4 =	simm.s32 $_scs_section_size  }
0x9a: {  	s5 =	simm.s32 $_size__tile_overlayer_lowered;
	s6 =	simm.s32 $_tile_overlayer_lowered  }
0x9b: {  	s22 =	simm.s32 $0x1BFF;
	s21 =	sshll.u32 s6, $0x1;
	s3 =	sadd.s32 s4, s19  }
0x9c: {  	s7 =	simm.s32 $0x0;
	s20 =	sshll.u32 s5, $0x1;
	s5 =	sadd.s32 s21, s3  }
0x9d: {  	[timem:s7], [sflag:s22] =	dma.local [hbm:s5], s20  }
0x9e: {  	_ =	swait.ge [sflag:s22], s20  }
0x9f: {  	s4 =	ssub.s32 $0x0, s20;
	[sflag:s22] =	ssyncset.done $0x0  }
0xa0: {  	[sflag:s22] =	ssyncadd.s32 s4;
	_ =	sdelay $0x1  }
0xa1: {  	s23 =	simm.s32 $0x1B8B  }
0xa2: {  	_ =	swait.ge [sflag:s23], $0x1  }
0xa3: {  	[sflag:s23] =	ssyncset.done $0x0  }
0xa4: {  	s25 =	simm.s32 $0x1B8E;
	s24 =	sld [smem:$0x3FFE];
	[sflag:s23] =	ssyncadd.s32 $0xFFFFFFFF  }
0xa5: {  	s26 =	simm.s32 $execute0_lowered;
	[smem:$0x3FD2] =	sst s25  }
0xa6: {  	s5 =	sshll.u32 s26, $0x1;
	_ =	strace $0x80000046;
	[dreg:$0x1] =	wrdreg $0xFFFFFFFF  }
0xa7: {  	s28 =	simm.s32 $_size_execute0_lowered;
	s3 =	sadd.s32 s3, s5;
	[dreg:$0x0] =	wrdreg $0x0  }
0xa8: {  	s5 =	sshll.u32 s28, $0x1;
	[dreg:$0x2] =	wrdreg s3  }
0xa9: {  	[dreg:$0x3] =	wrdreg s5  }
0xaa: {  	[dreg:$0x4] =	wrdreg $0xC0  }
0xab: {  	_ =	task [dreg:s7], $0x5FFFF  }
0xac: {  	[dreg:$0x1] =	wrdreg $0xFFFFFFFF  }
0xad: {  	[dreg:$0x0] =	wrdreg $0x60  }
0xae: {  	[dreg:$0x2] =	wrdreg s24  }
0xaf: {  	[dreg:$0x3] =	wrdreg s2  }
0xb0: {  	[dreg:$0x4] =	wrdreg $0x43000  }
0xb1: {  	[dreg:$0x5] =	wrdreg $0x9  }
0xb2: {  	_ =	task.clear_ibuf [dreg:s7], $0x6FFFF;
	_ =	strace $0x90000046  }
0xb3: {  	s29 =	simm.s32 $0x9;
	_ =	strace $0x80000048  }
0xb4: {  	_ =	swait.ge [sflag:s29], $0x1  }
0xb5: {  	[sflag:s29] =	ssyncadd.s32 $0xFFFFFFFF  }
0xb6: {  	_ =	strace $0x90000048  }
0xb7: {  	_ =	sfence  }
0xb8: {  	s30 =	sld [smem:$0x0];
	_ =	sdelay $0x2  }
0xb9: {  	s31 =	sshll.u32 s1, $0xD;
	s1 =	sshrl.u32 s1, $0x2  }
0xba: {  	s3 =	sand.u32 $0x4000, s31;
	s1 =	sadd.s32 s1, s30  }
0xbb: {  	s0 =	sor.u32 s3, s0;
	s1 =	sshll.u32 s1, $0x11  }
0xbc: {  	s0 =	sor.u32 s1, s0  }
0xbd: {  	s0 =	sadd.s32 $0x8F2B, s0  }
0xbe: {  	[sflag:s0] =	ssyncadd.remote.s32 $0x1  }
0xbf: {  	_ =	sfence.sel $0xFFFF  }
0xc0: {  	[dreg:$0x0] =	wrdreg $0xFFFFFFFF;
	(pc) =	sbr.abs _section_cstart, $3  }
0xc1: {  	[dreg:$0x1] =	wrdreg $0xFFFFFFFF  }
0xc2: {  	_ =	task.clear_ibuf [dreg:s7], $0x2FFFF;
	_ =	strace $0x9FFFFFFF  }
0xc3: {  	(tm) =	ssettm $0x7FFFFFFF  }
tec
execute0_lowered:
.L_overlay_start_1:
0x0: {  	(tag) =	ssettag $0x1  }
0x1: {  	s4 =	rddreg [dreg:$0x0]  }
0x2: {  	s6 =	rddreg [dreg:$0x1]  }
0x3: {  	s2 =	rddreg [dreg:$0x2]  }
0x4: {  	s0 =	rddreg [dreg:$0x3];
	s1 =	stileid.u32  }
0x5: {  	s3 =	simm.s32 $0x0;
	s5 =	srdreg.scid;
	s8 =	smul.u32 $0x280, s1  }
0x6: {  	[smem:$0x7FF] =	sst s3;
	s5 =	sand.u32 $0x1, s5;
	s9 =	smul.u32 $0x4E20, s1  }
0x7: {  	s4 =	sadd.s32 $0x1E00, s4;
	s7 =	ssub.s32 $0x2, s5;
	s10 =	smul.u32 $0x2710, s5  }
0x8: {  	_ =	strace $0x80000047;
	s12 =	smul.u32 $0x2800, s5;
	s11 =	sshrl.u32 s7, $0x1  }
0x9: {  	s5 =	sadd.s32 s8, s2;
	s7 =	ssub.s32 s7, s11;
	s9 =	sadd.s32 s10, s9  }
0xa: {  	s8 =	sadd.s32 s8, s12;
	s10 =	sshrl.u32 s9, $0x3;
	s24 =	sadd.s32 $0x780, s9  }
0xb: {  	s26 =	sadd.s32 $0x730, s9;
	s29 =	sadd.s32 $0x6E0, s9;
	s31 =	sadd.s32 $0x690, s9  }
0xc: {  	s12 =	sadd.s32 $0x640, s9;
	s14 =	sadd.s32 $0x5F0, s9;
	s16 =	sadd.s32 $0x5A0, s9  }
0xd: {  	s18 =	sadd.s32 $0x550, s9;
	[dreg:$0x4] =	wrdreg s10;
	s25 =	sshrl.u32 s24, $0x3  }
0xe: {  	s20 =	sadd.s32 $0x500, s9;
	s28 =	sshrl.u32 s26, $0x3;
	[dreg:$0x5] =	wrdreg s25  }
0xf: {  	s22 =	sadd.s32 $0x4B0, s9;
	s30 =	sshrl.u32 s29, $0x3;
	[dreg:$0x6] =	wrdreg s28  }
0x10: {  	s8 =	sshrl.u32 s8, $0x3;
	s11 =	sshrl.u32 s31, $0x3;
	[dreg:$0x7] =	wrdreg s30  }
0x11: {  	s7 =	smax.u32 s7, $0x1;
	s13 =	sshrl.u32 s12, $0x3;
	[dreg:$0x8] =	wrdreg s11  }
0x12: {  	s15 =	sshrl.u32 s14, $0x3;
	s17 =	sshrl.u32 s16, $0x3;
	[dreg:$0x9] =	wrdreg s13  }
0x13: {  	s19 =	sshrl.u32 s18, $0x3;
	s21 =	sshrl.u32 s20, $0x3;
	[dreg:$0xa] =	wrdreg s15  }
0x14: {  	s23 =	sshrl.u32 s22, $0x3;
	s24 =	sadd.s32 $0x460, s9;
	[dreg:$0xb] =	wrdreg s17  }
0x15: {  	s26 =	sadd.s32 $0x410, s9;
	s29 =	sadd.s32 $0x3C0, s9;
	[dreg:$0xc] =	wrdreg s19  }
0x16: {  	s31 =	sadd.s32 $0x370, s9;
	s6 =	sadd.s32 s6, s8;
	[dreg:$0xd] =	wrdreg s21  }
0x17: {  	s8 =	simm.s32 $0x4080;
	[dreg:$0xe] =	wrdreg s23;
	s25 =	sshrl.u32 s24, $0x3  }
0x18: {  	s10 =	simm.s32 $0x1;
	s28 =	sshrl.u32 s26, $0x3;
	[dreg:$0xf] =	wrdreg s25  }
0x19: {  	s30 =	sshrl.u32 s29, $0x3;
	s12 =	sshrl.u32 s31, $0x3;
	[dreg:$0x10] =	wrdreg s28  }
0x1a: {  	s13 =	sadd.s32 $0x320, s9;
	s15 =	sadd.s32 $0x2D0, s9;
	[dreg:$0x11] =	wrdreg s30  }
0x1b: {  	s17 =	sadd.s32 $0x280, s9;
	[dreg:$0x12] =	wrdreg s12;
	s14 =	sshrl.u32 s13, $0x3  }
0x1c: {  	s19 =	sadd.s32 $0x230, s9;
	s16 =	sshrl.u32 s15, $0x3;
	[dreg:$0x13] =	wrdreg s14  }
0x1d: {  	s21 =	sadd.s32 $0x1E0, s9;
	s18 =	sshrl.u32 s17, $0x3;
	[dreg:$0x14] =	wrdreg s16  }
0x1e: {  	s23 =	sadd.s32 $0x190, s9;
	s20 =	sshrl.u32 s19, $0x3;
	[dreg:$0x15] =	wrdreg s18  }
0x1f: {  	s11 =	simm.s32 $0x50;
	s22 =	sshrl.u32 s21, $0x3;
	[dreg:$0x16] =	wrdreg s20  }
0x20: {  	s24 =	sshrl.u32 s23, $0x3;
	s25 =	sadd.s32 $0x140, s9;
	[dreg:$0x17] =	wrdreg s22  }
0x21: {  	s28 =	sadd.s32 $0xF0, s9;
	[dreg:$0x18] =	wrdreg s24;
	s26 =	sshrl.u32 s25, $0x3  }
0x22: {  	s30 =	sadd.s32 $0xA0, s9;
	s29 =	sshrl.u32 s28, $0x3;
	[dreg:$0x19] =	wrdreg s26  }
0x23: {  	s9 =	sadd.s32 $0x50, s9;
	s31 =	sshrl.u32 s30, $0x3;
	[dreg:$0x1a] =	wrdreg s29  }
0x24: {  	s12 =	simm.s32 $0x4000;
	s9 =	sshrl.u32 s9, $0x3;
	[dreg:$0x1b] =	wrdreg s31  }
0x25: {  	v0 =	vimm.f32 $1.000000000e+00;
	v1 =	vimm.f32 $0.0e+00;
	s13 =	simm.s32 $0x0;
	[dreg:$0x1c] =	wrdreg s9;
	s9 =	simm.s32 $0x2  }
.LBB2_1:
0x26: {  	[tilespmem:$0x4000] =	vst v0  }
0x27: {  	[tilespmem:$0x4010] =	vst v0  }
0x28: {  	[tilespmem:$0x4020] =	vst v0  }
0x29: {  	[tilespmem:$0x4030] =	vst v0  }
0x2a: {  	[tilespmem:$0x4040] =	vst v0  }
0x2b: {  	[tilespmem:$0x4080] =	vst v1  }
0x2c: {  	[tilespmem:$0x4090] =	vst v1  }
0x2d: {  	[tilespmem:$0x40A0] =	vst v1  }
0x2e: {  	[tilespmem:$0x40B0] =	vst v1  }
0x2f: {  	[tilespmem:$0x40C0] =	vst v1  }
0x30: {  	[tilespmem:$0x40D0] =	vst v1  }
0x31: {  	[tilespmem:$0x40E0] =	vst v1  }
0x32: {  	[tilespmem:$0x40F0] =	vst v1  }
0x33: {  	[tilespmem:$0x4100] =	vst v1  }
0x34: {  	[tilespmem:$0x4110] =	vst v1  }
0x35: {  	[tilespmem:$0x4120] =	vst v1  }
0x36: {  	[tilespmem:$0x4130] =	vst v1  }
0x37: {  	[tilespmem:$0x4140] =	vst v1  }
0x38: {  	[tilespmem:$0x4150] =	vst v1  }
0x39: {  	[tilespmem:$0x4160] =	vst v1  }
0x3a: {  	[tilespmem:$0x4170] =	vst v1  }
0x3b: {  	[tilespmem:$0x4180] =	vst v1  }
0x3c: {  	[tilespmem:$0x4190] =	vst v1  }
0x3d: {  	[tilespmem:$0x41A0] =	vst v1  }
0x3e: {  	[tilespmem:$0x41B0] =	vst v1  }
0x3f: {  	[tilespmem:$0x41C0] =	vst v1  }
0x40: {  	[tilespmem:$0x41D0] =	vst v1  }
0x41: {  	[tilespmem:$0x41E0] =	vst v1  }
0x42: {  	[tilespmem:$0x41F0] =	vst v1  }
0x43: {  	[tilespmem:$0x4200] =	vst v1  }
0x44: {  	[tilespmem:$0x4210] =	vst v1  }
0x45: {  	[tilespmem:$0x4220] =	vst v1  }
0x46: {  	[tilespmem:$0x4230] =	vst v1  }
0x47: {  	[tilespmem:$0x4240] =	vst v1  }
0x48: {  	[tilespmem:$0x4250] =	vst v1  }
0x49: {  	[tilespmem:$0x4260] =	vst v1  }
0x4a: {  	[tilespmem:$0x4270] =	vst v1  }
0x4b: {  	[tilespmem:$0x4280] =	vst v1  }
0x4c: {  	[tilespmem:$0x4290] =	vst v1  }
0x4d: {  	[tilespmem:$0x42A0] =	vst v1  }
0x4e: {  	[tilespmem:$0x42B0] =	vst v1  }
0x4f: {  	[tilespmem:$0x42C0] =	vst v1  }
0x50: {  	[tilespmem:$0x42D0] =	vst v1  }
0x51: {  	[tilespmem:$0x42E0] =	vst v1  }
0x52: {  	[tilespmem:$0x42F0] =	vst v1  }
0x53: {  	[spmem:s5] =	stream.linear.scatter [tilespmem:s8], [sflag:$0x2], $0x280, $0x38;
	[tilespmem:$0x4580] =	vst v63  }
0x54: {  	_ =	swait.ge [sflag:s9], $0x280  }
0x55: {  	s16 =	simm.s32 $0x0;
	s14 =	rddreg [dreg:$0x4];
	[sflag:s9] =	ssyncset.done $0x0  }
0x56: {  	s15 =	rddreg [dreg:$0x1c];
	[sflag:s9] =	ssyncadd.s32 $0xFFFFFD80;
	s14 =	sadd.s32 s4, s14  }
0x57: {  	[tilespmem:s16], [sflag:$0x1] =	stream.linear.gather [hbm4b:s14+s3], $0x50, $0x38;
	[tilespmem:$0x4580] =	vst v63  }
0x58: {  	s20 =	simm.s32 $0x80;
	s17 =	rddreg [dreg:$0x1b];
	s15 =	sadd.s32 s4, s15  }
0x59: {  	[tilespmem:s20], [sflag:$0x1] =	stream.linear.gather [hbm4b:s15+s3], $0x50, $0x38;
	[tilespmem:$0x4580] =	vst v63  }
0x5a: {  	s22 =	simm.s32 $0x100;
	s21 =	rddreg [dreg:$0x1a];
	s23 =	sadd.s32 s4, s17  }
0x5b: {  	[tilespmem:s22], [sflag:$0x1] =	stream.linear.gather [hbm4b:s23+s3], $0x50, $0x38;
	[tilespmem:$0x4580] =	vst v63  }
0x5c: {  	s25 =	simm.s32 $0x180;
	s24 =	rddreg [dreg:$0x19];
	s26 =	sadd.s32 s4, s21  }
0x5d: {  	[tilespmem:s25], [sflag:$0x1] =	stream.linear.gather [hbm4b:s26+s3], $0x50, $0x38;
	[tilespmem:$0x4580] =	vst v63  }
0x5e: {  	s29 =	simm.s32 $0x200;
	s28 =	rddreg [dreg:$0x18];
	s30 =	sadd.s32 s4, s24  }
0x5f: {  	[tilespmem:s29], [sflag:$0x1] =	stream.linear.gather [hbm4b:s30+s3], $0x50, $0x38;
	[tilespmem:$0x4580] =	vst v63  }
0x60: {  	s31 =	rddreg [dreg:$0x17];
	s16 =	sadd.s32 s4, s28;
	s15 =	simm.s32 $0x280  }
0x61: {  	[tilespmem:s15], [sflag:$0x1] =	stream.linear.gather [hbm4b:s16+s3], $0x50, $0x38;
	[tilespmem:$0x4580] =	vst v63  }
0x62: {  	s19 =	simm.s32 $0x300;
	s18 =	rddreg [dreg:$0x16];
	s20 =	sadd.s32 s4, s31  }
0x63: {  	[tilespmem:s19], [sflag:$0x1] =	stream.linear.gather [hbm4b:s20+s3], $0x50, $0x38;
	[tilespmem:$0x4580] =	vst v63  }
0x64: {  	s21 =	rddreg [dreg:$0x15];
	s22 =	simm.s32 $0x380;
	s23 =	sadd.s32 s4, s18  }
0x65: {  	[tilespmem:s22], [sflag:$0x1] =	stream.linear.gather [hbm4b:s23+s3], $0x50, $0x38;
	[tilespmem:$0x4580] =	vst v63  }
0x66: {  	s24 =	rddreg [dreg:$0x14];
	s25 =	simm.s32 $0x400;
	s26 =	sadd.s32 s4, s21  }
0x67: {  	[tilespmem:s25], [sflag:$0x1] =	stream.linear.gather [hbm4b:s26+s3], $0x50, $0x38;
	[tilespmem:$0x4580] =	vst v63  }
0x68: {  	s28 =	rddreg [dreg:$0x13];
	s29 =	simm.s32 $0x480;
	s30 =	sadd.s32 s4, s24  }
0x69: {  	[tilespmem:s29], [sflag:$0x1] =	stream.linear.gather [hbm4b:s30+s3], $0x50, $0x38;
	[tilespmem:$0x4580] =	vst v63  }
0x6a: {  	s17 =	sadd.s32 s4, s28;
	s31 =	rddreg [dreg:$0x12];
	s15 =	simm.s32 $0x500  }
0x6b: {  	[tilespmem:s15], [sflag:$0x1] =	stream.linear.gather [hbm4b:s17+s3], $0x50, $0x38;
	[tilespmem:$0x4580] =	vst v63  }
0x6c: {  	s18 =	rddreg [dreg:$0x11];
	s19 =	simm.s32 $0x580;
	s20 =	sadd.s32 s4, s31  }
0x6d: {  	[tilespmem:s19], [sflag:$0x1] =	stream.linear.gather [hbm4b:s20+s3], $0x50, $0x38;
	[tilespmem:$0x4580] =	vst v63  }
0x6e: {  	s21 =	rddreg [dreg:$0x10];
	s22 =	simm.s32 $0x600;
	s23 =	sadd.s32 s4, s18  }
0x6f: {  	[tilespmem:s22], [sflag:$0x1] =	stream.linear.gather [hbm4b:s23+s3], $0x50, $0x38;
	[tilespmem:$0x4580] =	vst v63  }
0x70: {  	s24 =	rddreg [dreg:$0xf];
	s25 =	simm.s32 $0x680;
	s26 =	sadd.s32 s4, s21  }
0x71: {  	[tilespmem:s25], [sflag:$0x1] =	stream.linear.gather [hbm4b:s26+s3], $0x50, $0x38;
	[tilespmem:$0x4580] =	vst v63  }
0x72: {  	s28 =	rddreg [dreg:$0xe];
	s29 =	simm.s32 $0x700;
	s30 =	sadd.s32 s4, s24  }
0x73: {  	[tilespmem:s29], [sflag:$0x1] =	stream.linear.gather [hbm4b:s30+s3], $0x50, $0x38;
	[tilespmem:$0x4580] =	vst v63  }
0x74: {  	s16 =	sadd.s32 s4, s28;
	s31 =	rddreg [dreg:$0xd];
	s15 =	simm.s32 $0x780  }
0x75: {  	[tilespmem:s15], [sflag:$0x1] =	stream.linear.gather [hbm4b:s16+s3], $0x50, $0x38;
	[tilespmem:$0x4580] =	vst v63  }
0x76: {  	s18 =	rddreg [dreg:$0xc];
	s19 =	simm.s32 $0x800;
	s20 =	sadd.s32 s4, s31  }
0x77: {  	[tilespmem:s19], [sflag:$0x1] =	stream.linear.gather [hbm4b:s20+s3], $0x50, $0x38;
	[tilespmem:$0x4580] =	vst v63  }
0x78: {  	s21 =	rddreg [dreg:$0xb];
	s22 =	simm.s32 $0x880;
	s23 =	sadd.s32 s4, s18  }
0x79: {  	[tilespmem:s22], [sflag:$0x1] =	stream.linear.gather [hbm4b:s23+s3], $0x50, $0x38;
	[tilespmem:$0x4580] =	vst v63  }
0x7a: {  	s24 =	rddreg [dreg:$0xa];
	s25 =	simm.s32 $0x900;
	s26 =	sadd.s32 s4, s21  }
0x7b: {  	[tilespmem:s25], [sflag:$0x1] =	stream.linear.gather [hbm4b:s26+s3], $0x50, $0x38;
	[tilespmem:$0x4580] =	vst v63  }
0x7c: {  	s28 =	rddreg [dreg:$0x9];
	s29 =	simm.s32 $0x980;
	s30 =	sadd.s32 s4, s24  }
0x7d: {  	[tilespmem:s29], [sflag:$0x1] =	stream.linear.gather [hbm4b:s30+s3], $0x50, $0x38;
	[tilespmem:$0x4580] =	vst v63  }
0x7e: {  	s31 =	rddreg [dreg:$0x8];
	s18 =	simm.s32 $0xA00;
	s19 =	sadd.s32 s4, s28  }
0x7f: {  	[tilespmem:s18], [sflag:$0x1] =	stream.linear.gather [hbm4b:s19+s3], $0x50, $0x38;
	[tilespmem:$0x4580] =	vst v63  }
0x80: {  	s21 =	simm.s32 $0xA80;
	s20 =	rddreg [dreg:$0x7];
	s22 =	sadd.s32 s4, s31  }
0x81: {  	[tilespmem:s21], [sflag:$0x1] =	stream.linear.gather [hbm4b:s22+s3], $0x50, $0x38;
	[tilespmem:$0x4580] =	vst v63  }
0x82: {  	s24 =	simm.s32 $0xB00;
	s23 =	rddreg [dreg:$0x6];
	s25 =	sadd.s32 s4, s20  }
0x83: {  	[tilespmem:s24], [sflag:$0x1] =	stream.linear.gather [hbm4b:s25+s3], $0x50, $0x38;
	[tilespmem:$0x4580] =	vst v63  }
0x84: {  	s28 =	simm.s32 $0xB80;
	s26 =	rddreg [dreg:$0x5];
	s29 =	sadd.s32 s4, s23  }
0x85: {  	[tilespmem:s28], [sflag:$0x1] =	stream.linear.gather [hbm4b:s29+s3], $0x50, $0x38;
	[tilespmem:$0x4580] =	vst v63  }
0x86: {  	s31 =	sadd.s32 s4, s26;
	s30 =	simm.s32 $0xC00  }
0x87: {  	[tilespmem:s30], [sflag:$0x1] =	stream.linear.gather [hbm4b:s31+s3], $0x50, $0x38;
	[tilespmem:$0x4580] =	vst v63  }
0x88: {  	_ =	swait.ge [sflag:s10], $0x50  }
0x89: {  	[sflag:s10] =	ssyncset.done $0x0  }
0x8a: {  	[sflag:s10] =	ssyncadd.s32 $0xFFFFFFB0  }
0x8b: {  	_ =	swait.ge [sflag:s10], $0x50  }
0x8c: {  	[sflag:s10] =	ssyncset.done $0x0  }
0x8d: {  	[sflag:s10] =	ssyncadd.s32 $0xFFFFFFB0  }
0x8e: {  	_ =	swait.ge [sflag:s10], $0x50  }
0x8f: {  	[sflag:s10] =	ssyncset.done $0x0  }
0x90: {  	[sflag:s10] =	ssyncadd.s32 $0xFFFFFFB0  }
0x91: {  	_ =	swait.ge [sflag:s10], $0x50  }
0x92: {  	[sflag:s10] =	ssyncset.done $0x0  }
0x93: {  	[sflag:s10] =	ssyncadd.s32 $0xFFFFFFB0  }
0x94: {  	_ =	swait.ge [sflag:s10], $0x50  }
0x95: {  	[sflag:s10] =	ssyncset.done $0x0  }
0x96: {  	[sflag:s10] =	ssyncadd.s32 $0xFFFFFFB0  }
0x97: {  	_ =	swait.ge [sflag:s10], $0x50  }
0x98: {  	[sflag:s10] =	ssyncset.done $0x0  }
0x99: {  	[sflag:s10] =	ssyncadd.s32 $0xFFFFFFB0  }
0x9a: {  	_ =	swait.ge [sflag:s10], $0x50  }
0x9b: {  	[sflag:s10] =	ssyncset.done $0x0  }
0x9c: {  	[sflag:s10] =	ssyncadd.s32 $0xFFFFFFB0  }
0x9d: {  	_ =	swait.ge [sflag:s10], $0x50  }
0x9e: {  	[sflag:s10] =	ssyncset.done $0x0  }
0x9f: {  	[sflag:s10] =	ssyncadd.s32 $0xFFFFFFB0  }
0xa0: {  	_ =	swait.ge [sflag:s10], $0x50  }
0xa1: {  	[sflag:s10] =	ssyncset.done $0x0  }
0xa2: {  	[sflag:s10] =	ssyncadd.s32 $0xFFFFFFB0  }
0xa3: {  	_ =	swait.ge [sflag:s10], $0x50  }
0xa4: {  	[sflag:s10] =	ssyncset.done $0x0  }
0xa5: {  	[sflag:s10] =	ssyncadd.s32 $0xFFFFFFB0  }
0xa6: {  	_ =	swait.ge [sflag:s10], $0x50  }
0xa7: {  	[sflag:s10] =	ssyncset.done $0x0  }
0xa8: {  	[sflag:s10] =	ssyncadd.s32 $0xFFFFFFB0  }
0xa9: {  	_ =	swait.ge [sflag:s10], $0x50  }
0xaa: {  	[sflag:s10] =	ssyncset.done $0x0  }
0xab: {  	[sflag:s10] =	ssyncadd.s32 $0xFFFFFFB0  }
0xac: {  	_ =	swait.ge [sflag:s10], $0x50  }
0xad: {  	[sflag:s10] =	ssyncset.done $0x0  }
0xae: {  	[sflag:s10] =	ssyncadd.s32 $0xFFFFFFB0  }
0xaf: {  	_ =	swait.ge [sflag:s10], $0x50  }
0xb0: {  	[sflag:s10] =	ssyncset.done $0x0  }
0xb1: {  	[sflag:s10] =	ssyncadd.s32 $0xFFFFFFB0  }
0xb2: {  	_ =	swait.ge [sflag:s10], $0x50  }
0xb3: {  	[sflag:s10] =	ssyncset.done $0x0  }
0xb4: {  	[sflag:s10] =	ssyncadd.s32 $0xFFFFFFB0  }
0xb5: {  	_ =	swait.ge [sflag:s10], $0x50  }
0xb6: {  	[sflag:s10] =	ssyncset.done $0x0  }
0xb7: {  	[sflag:s10] =	ssyncadd.s32 $0xFFFFFFB0  }
0xb8: {  	_ =	swait.ge [sflag:s10], $0x50  }
0xb9: {  	[sflag:s10] =	ssyncset.done $0x0  }
0xba: {  	[sflag:s10] =	ssyncadd.s32 $0xFFFFFFB0  }
0xbb: {  	_ =	swait.ge [sflag:s10], $0x50  }
0xbc: {  	[sflag:s10] =	ssyncset.done $0x0  }
0xbd: {  	[sflag:s10] =	ssyncadd.s32 $0xFFFFFFB0  }
0xbe: {  	_ =	swait.ge [sflag:s10], $0x50  }
0xbf: {  	[sflag:s10] =	ssyncset.done $0x0  }
0xc0: {  	[sflag:s10] =	ssyncadd.s32 $0xFFFFFFB0  }
0xc1: {  	_ =	swait.ge [sflag:s10], $0x50  }
0xc2: {  	[sflag:s10] =	ssyncset.done $0x0  }
0xc3: {  	[sflag:s10] =	ssyncadd.s32 $0xFFFFFFB0  }
0xc4: {  	_ =	swait.ge [sflag:s10], $0x50  }
0xc5: {  	[sflag:s10] =	ssyncset.done $0x0  }
0xc6: {  	[sflag:s10] =	ssyncadd.s32 $0xFFFFFFB0  }
0xc7: {  	_ =	swait.ge [sflag:s10], $0x50  }
0xc8: {  	[sflag:s10] =	ssyncset.done $0x0  }
0xc9: {  	[sflag:s10] =	ssyncadd.s32 $0xFFFFFFB0  }
0xca: {  	_ =	swait.ge [sflag:s10], $0x50  }
0xcb: {  	[sflag:s10] =	ssyncset.done $0x0  }
0xcc: {  	[sflag:s10] =	ssyncadd.s32 $0xFFFFFFB0  }
0xcd: {  	_ =	swait.ge [sflag:s10], $0x50  }
0xce: {  	[sflag:s10] =	ssyncset.done $0x0  }
0xcf: {  	[sflag:s10] =	ssyncadd.s32 $0xFFFFFFB0  }
0xd0: {  	s14 =	simm.s32 $0x6400;
	s16 =	simm.s32 $0x3200;
	_ =	swait.ge [sflag:s10], $0x50  }
0xd1: {  	s15 =	smov.u32 s4;
	s19 =	rddreg [dreg:$0x4];
	[sflag:s10] =	ssyncset.done $0x0  }
.LBB2_2:
0xd2: {  	[sflag:s10] =	ssyncadd.s32 $0xFFFFFFB0;
	s15 =	sadd.s32 $0xFA, s15  }
0xd3: {  	s20 =	rddreg [dreg:$0x1c];
	s17 =	sshra.s32 s16, $0x2;
	s30 =	sadd.s32 s15, s19  }
0xd4: {  	[tilespmem:s17], [sflag:$0x1] =	stream.linear.gather [hbm4b:s30+s3], $0x50, $0x38;
	[tilespmem:$0x4580] =	vst v63  }
0xd5: {  	s31 =	rddreg [dreg:$0x1b];
	s22 =	sadd.s32 $0x80, s17;
	s20 =	sadd.s32 s15, s20  }
0xd6: {  	[tilespmem:s22], [sflag:$0x1] =	stream.linear.gather [hbm4b:s20+s3], $0x50, $0x38;
	[tilespmem:$0x4580] =	vst v63  }
0xd7: {  	s21 =	rddreg [dreg:$0x1a];
	s23 =	sadd.s32 $0x100, s17;
	s19 =	sadd.s32 s15, s31  }
0xd8: {  	[tilespmem:s23], [sflag:$0x1] =	stream.linear.gather [hbm4b:s19+s3], $0x50, $0x38;
	[tilespmem:$0x4580] =	vst v63  }
0xd9: {  	s24 =	rddreg [dreg:$0x19];
	s25 =	sadd.s32 $0x180, s17;
	s26 =	sadd.s32 s15, s21  }
0xda: {  	[tilespmem:s25], [sflag:$0x1] =	stream.linear.gather [hbm4b:s26+s3], $0x50, $0x38;
	[tilespmem:$0x4580] =	vst v63  }
0xdb: {  	s28 =	rddreg [dreg:$0x18];
	s29 =	sadd.s32 $0x200, s17;
	s30 =	sadd.s32 s15, s24  }
0xdc: {  	[tilespmem:s29], [sflag:$0x1] =	stream.linear.gather [hbm4b:s30+s3], $0x50, $0x38;
	[tilespmem:$0x4580] =	vst v63  }
0xdd: {  	s31 =	rddreg [dreg:$0x17];
	s22 =	sadd.s32 $0x280, s17;
	s23 =	sadd.s32 s15, s28  }
0xde: {  	[tilespmem:s22], [sflag:$0x1] =	stream.linear.gather [hbm4b:s23+s3], $0x50, $0x38;
	[tilespmem:$0x4580] =	vst v63  }
0xdf: {  	s24 =	rddreg [dreg:$0x16];
	s25 =	sadd.s32 $0x300, s17;
	s26 =	sadd.s32 s15, s31  }
0xe0: {  	[tilespmem:s25], [sflag:$0x1] =	stream.linear.gather [hbm4b:s26+s3], $0x50, $0x38;
	[tilespmem:$0x4580] =	vst v63  }
0xe1: {  	s28 =	rddreg [dreg:$0x15];
	s29 =	sadd.s32 $0x380, s17;
	s30 =	sadd.s32 s15, s24  }
0xe2: {  	[tilespmem:s29], [sflag:$0x1] =	stream.linear.gather [hbm4b:s30+s3], $0x50, $0x38;
	[tilespmem:$0x4580] =	vst v63  }
0xe3: {  	s31 =	rddreg [dreg:$0x14];
	s22 =	sadd.s32 $0x400, s17;
	s23 =	sadd.s32 s15, s28  }
0xe4: {  	[tilespmem:s22], [sflag:$0x1] =	stream.linear.gather [hbm4b:s23+s3], $0x50, $0x38;
	[tilespmem:$0x4580] =	vst v63  }
0xe5: {  	s24 =	rddreg [dreg:$0x13];
	s25 =	sadd.s32 $0x480, s17;
	s26 =	sadd.s32 s15, s31  }
0xe6: {  	[tilespmem:s25], [sflag:$0x1] =	stream.linear.gather [hbm4b:s26+s3], $0x50, $0x38;
	[tilespmem:$0x4580] =	vst v63  }
0xe7: {  	s28 =	rddreg [dreg:$0x12];
	s29 =	sadd.s32 $0x500, s17;
	s30 =	sadd.s32 s15, s24  }
0xe8: {  	[tilespmem:s29], [sflag:$0x1] =	stream.linear.gather [hbm4b:s30+s3], $0x50, $0x38;
	[tilespmem:$0x4580] =	vst v63  }
0xe9: {  	s31 =	rddreg [dreg:$0x11];
	s22 =	sadd.s32 $0x580, s17;
	s23 =	sadd.s32 s15, s28  }
0xea: {  	[tilespmem:s22], [sflag:$0x1] =	stream.linear.gather [hbm4b:s23+s3], $0x50, $0x38;
	[tilespmem:$0x4580] =	vst v63  }
0xeb: {  	s24 =	rddreg [dreg:$0x10];
	s25 =	sadd.s32 $0x600, s17;
	s26 =	sadd.s32 s15, s31  }
0xec: {  	[tilespmem:s25], [sflag:$0x1] =	stream.linear.gather [hbm4b:s26+s3], $0x50, $0x38;
	[tilespmem:$0x4580] =	vst v63  }
0xed: {  	s28 =	rddreg [dreg:$0xf];
	s29 =	sadd.s32 $0x680, s17;
	s30 =	sadd.s32 s15, s24  }
0xee: {  	[tilespmem:s29], [sflag:$0x1] =	stream.linear.gather [hbm4b:s30+s3], $0x50, $0x38;
	[tilespmem:$0x4580] =	vst v63  }
0xef: {  	s31 =	rddreg [dreg:$0xe];
	s22 =	sadd.s32 $0x700, s17;
	s23 =	sadd.s32 s15, s28  }
0xf0: {  	[tilespmem:s22], [sflag:$0x1] =	stream.linear.gather [hbm4b:s23+s3], $0x50, $0x38;
	[tilespmem:$0x4580] =	vst v63  }
0xf1: {  	s24 =	rddreg [dreg:$0xd];
	s25 =	sadd.s32 $0x780, s17;
	s26 =	sadd.s32 s15, s31  }
0xf2: {  	[tilespmem:s25], [sflag:$0x1] =	stream.linear.gather [hbm4b:s26+s3], $0x50, $0x38;
	[tilespmem:$0x4580] =	vst v63  }
0xf3: {  	s28 =	rddreg [dreg:$0xc];
	s29 =	sadd.s32 $0x800, s17;
	s30 =	sadd.s32 s15, s24  }
0xf4: {  	[tilespmem:s29], [sflag:$0x1] =	stream.linear.gather [hbm4b:s30+s3], $0x50, $0x38;
	[tilespmem:$0x4580] =	vst v63  }
0xf5: {  	s31 =	rddreg [dreg:$0xb];
	s22 =	sadd.s32 $0x880, s17;
	s23 =	sadd.s32 s15, s28  }
0xf6: {  	[tilespmem:s22], [sflag:$0x1] =	stream.linear.gather [hbm4b:s23+s3], $0x50, $0x38;
	[tilespmem:$0x4580] =	vst v63  }
0xf7: {  	s24 =	rddreg [dreg:$0xa];
	s25 =	sadd.s32 $0x900, s17;
	s26 =	sadd.s32 s15, s31  }
0xf8: {  	[tilespmem:s25], [sflag:$0x1] =	stream.linear.gather [hbm4b:s26+s3], $0x50, $0x38;
	[tilespmem:$0x4580] =	vst v63  }
0xf9: {  	s28 =	rddreg [dreg:$0x9];
	s29 =	sadd.s32 $0x980, s17;
	s30 =	sadd.s32 s15, s24  }
0xfa: {  	[tilespmem:s29], [sflag:$0x1] =	stream.linear.gather [hbm4b:s30+s3], $0x50, $0x38;
	[tilespmem:$0x4580] =	vst v63  }
0xfb: {  	s19 =	sadd.s32 $0xA00, s17;
	s20 =	sadd.s32 s15, s28;
	s31 =	rddreg [dreg:$0x8]  }
0xfc: {  	[tilespmem:s19], [sflag:$0x1] =	stream.linear.gather [hbm4b:s20+s3], $0x50, $0x38;
	[tilespmem:$0x4580] =	vst v63  }
0xfd: {  	s24 =	sadd.s32 s15, s31;
	s22 =	rddreg [dreg:$0x7];
	s23 =	sadd.s32 $0xA80, s17  }
0xfe: {  	[tilespmem:s23], [sflag:$0x1] =	stream.linear.gather [hbm4b:s24+s3], $0x50, $0x38;
	[tilespmem:$0x4580] =	vst v63  }
0xff: {  	s28 =	sadd.s32 s15, s22;
	s25 =	rddreg [dreg:$0x6];
	s26 =	sadd.s32 $0xB00, s17  }
0x100: {  	[tilespmem:s26], [sflag:$0x1] =	stream.linear.gather [hbm4b:s28+s3], $0x50, $0x38;
	[tilespmem:$0x4580] =	vst v63  }
0x101: {  	s21 =	sadd.s32 s15, s25;
	s29 =	rddreg [dreg:$0x5];
	s30 =	sadd.s32 $0xB80, s17  }
0x102: {  	[tilespmem:s30], [sflag:$0x1] =	stream.linear.gather [hbm4b:s21+s3], $0x50, $0x38;
	[tilespmem:$0x4580] =	vst v63  }
0x103: {  	s17 =	sadd.s32 $0xC00, s17;
	s31 =	sadd.s32 s15, s29  }
0x104: {  	[tilespmem:s17], [sflag:$0x1] =	stream.linear.gather [hbm4b:s31+s3], $0x50, $0x38;
	[tilespmem:$0x4580] =	vst v63  }
0x105: {  	_ =	swait.ge [sflag:s10], $0x50  }
0x106: {  	[sflag:s10] =	ssyncset.done $0x0  }
0x107: {  	[sflag:s10] =	ssyncadd.s32 $0xFFFFFFB0  }
0x108: {  	_ =	swait.ge [sflag:s10], $0x50  }
0x109: {  	[sflag:s10] =	ssyncset.done $0x0  }
0x10a: {  	[sflag:s10] =	ssyncadd.s32 $0xFFFFFFB0  }
0x10b: {  	_ =	swait.ge [sflag:s10], $0x50  }
0x10c: {  	[sflag:s10] =	ssyncset.done $0x0  }
0x10d: {  	[sflag:s10] =	ssyncadd.s32 $0xFFFFFFB0  }
0x10e: {  	_ =	swait.ge [sflag:s10], $0x50  }
0x10f: {  	[sflag:s10] =	ssyncset.done $0x0  }
0x110: {  	[sflag:s10] =	ssyncadd.s32 $0xFFFFFFB0  }
0x111: {  	_ =	swait.ge [sflag:s10], $0x50  }
0x112: {  	[sflag:s10] =	ssyncset.done $0x0  }
0x113: {  	[sflag:s10] =	ssyncadd.s32 $0xFFFFFFB0  }
0x114: {  	_ =	swait.ge [sflag:s10], $0x50  }
0x115: {  	[sflag:s10] =	ssyncset.done $0x0  }
0x116: {  	[sflag:s10] =	ssyncadd.s32 $0xFFFFFFB0  }
0x117: {  	_ =	swait.ge [sflag:s10], $0x50  }
0x118: {  	[sflag:s10] =	ssyncset.done $0x0  }
0x119: {  	[sflag:s10] =	ssyncadd.s32 $0xFFFFFFB0  }
0x11a: {  	_ =	swait.ge [sflag:s10], $0x50  }
0x11b: {  	[sflag:s10] =	ssyncset.done $0x0  }
0x11c: {  	[sflag:s10] =	ssyncadd.s32 $0xFFFFFFB0  }
0x11d: {  	_ =	swait.ge [sflag:s10], $0x50  }
0x11e: {  	[sflag:s10] =	ssyncset.done $0x0  }
0x11f: {  	[sflag:s10] =	ssyncadd.s32 $0xFFFFFFB0  }
0x120: {  	_ =	swait.ge [sflag:s10], $0x50  }
0x121: {  	[sflag:s10] =	ssyncset.done $0x0  }
0x122: {  	[sflag:s10] =	ssyncadd.s32 $0xFFFFFFB0  }
0x123: {  	_ =	swait.ge [sflag:s10], $0x50  }
0x124: {  	[sflag:s10] =	ssyncset.done $0x0  }
0x125: {  	[sflag:s10] =	ssyncadd.s32 $0xFFFFFFB0  }
0x126: {  	_ =	swait.ge [sflag:s10], $0x50  }
0x127: {  	[sflag:s10] =	ssyncset.done $0x0  }
0x128: {  	[sflag:s10] =	ssyncadd.s32 $0xFFFFFFB0  }
0x129: {  	_ =	swait.ge [sflag:s10], $0x50  }
0x12a: {  	[sflag:s10] =	ssyncset.done $0x0  }
0x12b: {  	[sflag:s10] =	ssyncadd.s32 $0xFFFFFFB0  }
0x12c: {  	_ =	swait.ge [sflag:s10], $0x50  }
0x12d: {  	[sflag:s10] =	ssyncset.done $0x0  }
0x12e: {  	[sflag:s10] =	ssyncadd.s32 $0xFFFFFFB0  }
0x12f: {  	_ =	swait.ge [sflag:s10], $0x50  }
0x130: {  	[sflag:s10] =	ssyncset.done $0x0  }
0x131: {  	[sflag:s10] =	ssyncadd.s32 $0xFFFFFFB0  }
0x132: {  	_ =	swait.ge [sflag:s10], $0x50  }
0x133: {  	[sflag:s10] =	ssyncset.done $0x0  }
0x134: {  	[sflag:s10] =	ssyncadd.s32 $0xFFFFFFB0  }
0x135: {  	_ =	swait.ge [sflag:s10], $0x50  }
0x136: {  	[sflag:s10] =	ssyncset.done $0x0  }
0x137: {  	[sflag:s10] =	ssyncadd.s32 $0xFFFFFFB0  }
0x138: {  	_ =	swait.ge [sflag:s10], $0x50  }
0x139: {  	[sflag:s10] =	ssyncset.done $0x0  }
0x13a: {  	[sflag:s10] =	ssyncadd.s32 $0xFFFFFFB0  }
0x13b: {  	_ =	swait.ge [sflag:s10], $0x50  }
0x13c: {  	[sflag:s10] =	ssyncset.done $0x0  }
0x13d: {  	[sflag:s10] =	ssyncadd.s32 $0xFFFFFFB0  }
0x13e: {  	_ =	swait.ge [sflag:s10], $0x50  }
0x13f: {  	[sflag:s10] =	ssyncset.done $0x0  }
0x140: {  	[sflag:s10] =	ssyncadd.s32 $0xFFFFFFB0  }
0x141: {  	_ =	swait.ge [sflag:s10], $0x50  }
0x142: {  	[sflag:s10] =	ssyncset.done $0x0  }
0x143: {  	[sflag:s10] =	ssyncadd.s32 $0xFFFFFFB0  }
0x144: {  	_ =	swait.ge [sflag:s10], $0x50  }
0x145: {  	[sflag:s10] =	ssyncset.done $0x0  }
0x146: {  	[sflag:s10] =	ssyncadd.s32 $0xFFFFFFB0  }
0x147: {  	_ =	swait.ge [sflag:s10], $0x50  }
0x148: {  	[sflag:s10] =	ssyncset.done $0x0  }
0x149: {  	p0 =	sne.s32 s14, $0xC800;
	[sflag:s10] =	ssyncadd.s32 $0xFFFFFFB0  }
.Ltmp0:
0x14a: {  	_ =	swait.ge [sflag:s10], $0x50;
	(pc) =	sbr.rel @p0 .LBB2_2-.Ltmp0, $4  }
0x14b: {  	[sflag:s10] =	ssyncset.done $0x0  }
0x14c: {  	[sflag:s10] =	ssyncadd.s32 $0xFFFFFFB0  }
0x14d: {  	s18 =	smov.u32 s14;
	s14 =	sadd.s32 $0x3200, s14;
	_ =	swait.ge [sflag:s10], $0x50  }
0x14e: {  	s16 =	smov.u32 s18;
	s19 =	rddreg [dreg:$0x4];
	[sflag:s10] =	ssyncset.done $0x0  }
0x14f: {  	[sflag:s10] =	ssyncadd.s32 $0xFFFFFFB0;
	s14 =	sadd.s32 $0xFA, s15  }
0x150: {  	s17 =	rddreg [dreg:$0x1c];
	s15 =	sshra.s32 s16, $0x2;
	s25 =	sadd.s32 s14, s19  }
0x151: {  	[tilespmem:s15], [sflag:$0x1] =	stream.linear.gather [hbm4b:s25+s3], $0x50, $0x38;
	[tilespmem:$0x4580] =	vst v63  }
0x152: {  	s18 =	rddreg [dreg:$0x1b];
	s26 =	sadd.s32 $0x80, s15;
	s17 =	sadd.s32 s14, s17  }
0x153: {  	[tilespmem:s26], [sflag:$0x1] =	stream.linear.gather [hbm4b:s17+s3], $0x50, $0x38;
	[tilespmem:$0x4580] =	vst v63  }
0x154: {  	s28 =	rddreg [dreg:$0x1a];
	s29 =	sadd.s32 $0x100, s15;
	s30 =	sadd.s32 s14, s18  }
0x155: {  	[tilespmem:s29], [sflag:$0x1] =	stream.linear.gather [hbm4b:s30+s3], $0x50, $0x38;
	[tilespmem:$0x4580] =	vst v63  }
0x156: {  	s31 =	rddreg [dreg:$0x19];
	s20 =	sadd.s32 s14, s28;
	s17 =	sadd.s32 $0x180, s15  }
0x157: {  	[tilespmem:s17], [sflag:$0x1] =	stream.linear.gather [hbm4b:s20+s3], $0x50, $0x38;
	[tilespmem:$0x4580] =	vst v63  }
0x158: {  	s21 =	rddreg [dreg:$0x18];
	s22 =	sadd.s32 $0x200, s15;
	s23 =	sadd.s32 s14, s31  }
0x159: {  	[tilespmem:s22], [sflag:$0x1] =	stream.linear.gather [hbm4b:s23+s3], $0x50, $0x38;
	[tilespmem:$0x4580] =	vst v63  }
0x15a: {  	s24 =	rddreg [dreg:$0x17];
	s25 =	sadd.s32 $0x280, s15;
	s26 =	sadd.s32 s14, s21  }
0x15b: {  	[tilespmem:s25], [sflag:$0x1] =	stream.linear.gather [hbm4b:s26+s3], $0x50, $0x38;
	[tilespmem:$0x4580] =	vst v63  }
0x15c: {  	s28 =	rddreg [dreg:$0x16];
	s29 =	sadd.s32 $0x300, s15;
	s30 =	sadd.s32 s14, s24  }
0x15d: {  	[tilespmem:s29], [sflag:$0x1] =	stream.linear.gather [hbm4b:s30+s3], $0x50, $0x38;
	[tilespmem:$0x4580] =	vst v63  }
0x15e: {  	s31 =	rddreg [dreg:$0x15];
	s17 =	sadd.s32 $0x380, s15;
	s20 =	sadd.s32 s14, s28  }
0x15f: {  	[tilespmem:s17], [sflag:$0x1] =	stream.linear.gather [hbm4b:s20+s3], $0x50, $0x38;
	[tilespmem:$0x4580] =	vst v63  }
0x160: {  	s21 =	rddreg [dreg:$0x14];
	s22 =	sadd.s32 $0x400, s15;
	s23 =	sadd.s32 s14, s31  }
0x161: {  	[tilespmem:s22], [sflag:$0x1] =	stream.linear.gather [hbm4b:s23+s3], $0x50, $0x38;
	[tilespmem:$0x4580] =	vst v63  }
0x162: {  	s24 =	rddreg [dreg:$0x13];
	s25 =	sadd.s32 $0x480, s15;
	s26 =	sadd.s32 s14, s21  }
0x163: {  	[tilespmem:s25], [sflag:$0x1] =	stream.linear.gather [hbm4b:s26+s3], $0x50, $0x38;
	[tilespmem:$0x4580] =	vst v63  }
0x164: {  	s28 =	rddreg [dreg:$0x12];
	s29 =	sadd.s32 $0x500, s15;
	s30 =	sadd.s32 s14, s24  }
0x165: {  	[tilespmem:s29], [sflag:$0x1] =	stream.linear.gather [hbm4b:s30+s3], $0x50, $0x38;
	[tilespmem:$0x4580] =	vst v63  }
0x166: {  	s31 =	rddreg [dreg:$0x11];
	s17 =	sadd.s32 $0x580, s15;
	s20 =	sadd.s32 s14, s28  }
0x167: {  	[tilespmem:s17], [sflag:$0x1] =	stream.linear.gather [hbm4b:s20+s3], $0x50, $0x38;
	[tilespmem:$0x4580] =	vst v63  }
0x168: {  	s21 =	rddreg [dreg:$0x10];
	s22 =	sadd.s32 $0x600, s15;
	s23 =	sadd.s32 s14, s31  }
0x169: {  	[tilespmem:s22], [sflag:$0x1] =	stream.linear.gather [hbm4b:s23+s3], $0x50, $0x38;
	[tilespmem:$0x4580] =	vst v63  }
0x16a: {  	s24 =	rddreg [dreg:$0xf];
	s25 =	sadd.s32 $0x680, s15;
	s26 =	sadd.s32 s14, s21  }
0x16b: {  	[tilespmem:s25], [sflag:$0x1] =	stream.linear.gather [hbm4b:s26+s3], $0x50, $0x38;
	[tilespmem:$0x4580] =	vst v63  }
0x16c: {  	s28 =	rddreg [dreg:$0xe];
	s29 =	sadd.s32 $0x700, s15;
	s30 =	sadd.s32 s14, s24  }
0x16d: {  	[tilespmem:s29], [sflag:$0x1] =	stream.linear.gather [hbm4b:s30+s3], $0x50, $0x38;
	[tilespmem:$0x4580] =	vst v63  }
0x16e: {  	s31 =	rddreg [dreg:$0xd];
	s17 =	sadd.s32 $0x780, s15;
	s20 =	sadd.s32 s14, s28  }
0x16f: {  	[tilespmem:s17], [sflag:$0x1] =	stream.linear.gather [hbm4b:s20+s3], $0x50, $0x38;
	[tilespmem:$0x4580] =	vst v63  }
0x170: {  	s21 =	rddreg [dreg:$0xc];
	s22 =	sadd.s32 $0x800, s15;
	s23 =	sadd.s32 s14, s31  }
0x171: {  	[tilespmem:s22], [sflag:$0x1] =	stream.linear.gather [hbm4b:s23+s3], $0x50, $0x38;
	[tilespmem:$0x4580] =	vst v63  }
0x172: {  	s24 =	rddreg [dreg:$0xb];
	s25 =	sadd.s32 $0x880, s15;
	s26 =	sadd.s32 s14, s21  }
0x173: {  	[tilespmem:s25], [sflag:$0x1] =	stream.linear.gather [hbm4b:s26+s3], $0x50, $0x38;
	[tilespmem:$0x4580] =	vst v63  }
0x174: {  	s28 =	rddreg [dreg:$0xa];
	s29 =	sadd.s32 $0x900, s15;
	s30 =	sadd.s32 s14, s24  }
0x175: {  	[tilespmem:s29], [sflag:$0x1] =	stream.linear.gather [hbm4b:s30+s3], $0x50, $0x38;
	[tilespmem:$0x4580] =	vst v63  }
0x176: {  	s31 =	rddreg [dreg:$0x9];
	s17 =	sadd.s32 $0x980, s15;
	s20 =	sadd.s32 s14, s28  }
0x177: {  	[tilespmem:s17], [sflag:$0x1] =	stream.linear.gather [hbm4b:s20+s3], $0x50, $0x38;
	[tilespmem:$0x4580] =	vst v63  }
0x178: {  	s21 =	rddreg [dreg:$0x8];
	s22 =	sadd.s32 $0xA00, s15;
	s23 =	sadd.s32 s14, s31  }
0x179: {  	[tilespmem:s22], [sflag:$0x1] =	stream.linear.gather [hbm4b:s23+s3], $0x50, $0x38;
	[tilespmem:$0x4580] =	vst v63  }
0x17a: {  	s24 =	rddreg [dreg:$0x7];
	s25 =	sadd.s32 $0xA80, s15;
	s26 =	sadd.s32 s14, s21  }
0x17b: {  	[tilespmem:s25], [sflag:$0x1] =	stream.linear.gather [hbm4b:s26+s3], $0x50, $0x38;
	[tilespmem:$0x4580] =	vst v63  }
0x17c: {  	s28 =	rddreg [dreg:$0x6];
	s29 =	sadd.s32 $0xB00, s15;
	s30 =	sadd.s32 s14, s24  }
0x17d: {  	[tilespmem:s29], [sflag:$0x1] =	stream.linear.gather [hbm4b:s30+s3], $0x50, $0x38;
	[tilespmem:$0x4580] =	vst v63  }
0x17e: {  	s31 =	rddreg [dreg:$0x5];
	s21 =	sadd.s32 s14, s28;
	s20 =	sadd.s32 $0xB80, s15  }
0x17f: {  	[tilespmem:s20], [sflag:$0x1] =	stream.linear.gather [hbm4b:s21+s3], $0x50, $0x38;
	[tilespmem:$0x4580] =	vst v63  }
0x180: {  	s14 =	sadd.s32 s14, s31;
	s15 =	sadd.s32 $0xC00, s15  }
0x181: {  	[tilespmem:s15], [sflag:$0x1] =	stream.linear.gather [hbm4b:s14+s3], $0x50, $0x38;
	[tilespmem:$0x4580] =	vst v63  }
0x182: {  	_ =	swait.ge [sflag:s10], $0x50  }
0x183: {  	[sflag:s10] =	ssyncset.done $0x0  }
0x184: {  	[sflag:s10] =	ssyncadd.s32 $0xFFFFFFB0  }
0x185: {  	_ =	swait.ge [sflag:s10], $0x50  }
0x186: {  	[sflag:s10] =	ssyncset.done $0x0  }
0x187: {  	[sflag:s10] =	ssyncadd.s32 $0xFFFFFFB0  }
0x188: {  	_ =	swait.ge [sflag:s10], $0x50  }
0x189: {  	[sflag:s10] =	ssyncset.done $0x0  }
0x18a: {  	[sflag:s10] =	ssyncadd.s32 $0xFFFFFFB0  }
0x18b: {  	_ =	swait.ge [sflag:s10], $0x50  }
0x18c: {  	[sflag:s10] =	ssyncset.done $0x0  }
0x18d: {  	[sflag:s10] =	ssyncadd.s32 $0xFFFFFFB0  }
0x18e: {  	_ =	swait.ge [sflag:s10], $0x50  }
0x18f: {  	[sflag:s10] =	ssyncset.done $0x0  }
0x190: {  	[sflag:s10] =	ssyncadd.s32 $0xFFFFFFB0  }
0x191: {  	_ =	swait.ge [sflag:s10], $0x50  }
0x192: {  	[sflag:s10] =	ssyncset.done $0x0  }
0x193: {  	[sflag:s10] =	ssyncadd.s32 $0xFFFFFFB0  }
0x194: {  	_ =	swait.ge [sflag:s10], $0x50  }
0x195: {  	[sflag:s10] =	ssyncset.done $0x0  }
0x196: {  	[sflag:s10] =	ssyncadd.s32 $0xFFFFFFB0  }
0x197: {  	_ =	swait.ge [sflag:s10], $0x50  }
0x198: {  	[sflag:s10] =	ssyncset.done $0x0  }
0x199: {  	[sflag:s10] =	ssyncadd.s32 $0xFFFFFFB0  }
0x19a: {  	_ =	swait.ge [sflag:s10], $0x50  }
0x19b: {  	[sflag:s10] =	ssyncset.done $0x0  }
0x19c: {  	[sflag:s10] =	ssyncadd.s32 $0xFFFFFFB0  }
0x19d: {  	_ =	swait.ge [sflag:s10], $0x50  }
0x19e: {  	[sflag:s10] =	ssyncset.done $0x0  }
0x19f: {  	[sflag:s10] =	ssyncadd.s32 $0xFFFFFFB0  }
0x1a0: {  	_ =	swait.ge [sflag:s10], $0x50  }
0x1a1: {  	[sflag:s10] =	ssyncset.done $0x0  }
0x1a2: {  	[sflag:s10] =	ssyncadd.s32 $0xFFFFFFB0  }
0x1a3: {  	_ =	swait.ge [sflag:s10], $0x50  }
0x1a4: {  	[sflag:s10] =	ssyncset.done $0x0  }
0x1a5: {  	[sflag:s10] =	ssyncadd.s32 $0xFFFFFFB0  }
0x1a6: {  	_ =	swait.ge [sflag:s10], $0x50  }
0x1a7: {  	[sflag:s10] =	ssyncset.done $0x0  }
0x1a8: {  	[sflag:s10] =	ssyncadd.s32 $0xFFFFFFB0  }
0x1a9: {  	_ =	swait.ge [sflag:s10], $0x50  }
0x1aa: {  	[sflag:s10] =	ssyncset.done $0x0  }
0x1ab: {  	[sflag:s10] =	ssyncadd.s32 $0xFFFFFFB0  }
0x1ac: {  	_ =	swait.ge [sflag:s10], $0x50  }
0x1ad: {  	[sflag:s10] =	ssyncset.done $0x0  }
0x1ae: {  	[sflag:s10] =	ssyncadd.s32 $0xFFFFFFB0  }
0x1af: {  	_ =	swait.ge [sflag:s10], $0x50  }
0x1b0: {  	[sflag:s10] =	ssyncset.done $0x0  }
0x1b1: {  	[sflag:s10] =	ssyncadd.s32 $0xFFFFFFB0  }
0x1b2: {  	_ =	swait.ge [sflag:s10], $0x50  }
0x1b3: {  	[sflag:s10] =	ssyncset.done $0x0  }
0x1b4: {  	[sflag:s10] =	ssyncadd.s32 $0xFFFFFFB0  }
0x1b5: {  	_ =	swait.ge [sflag:s10], $0x50  }
0x1b6: {  	[sflag:s10] =	ssyncset.done $0x0  }
0x1b7: {  	[sflag:s10] =	ssyncadd.s32 $0xFFFFFFB0  }
0x1b8: {  	_ =	swait.ge [sflag:s10], $0x50  }
0x1b9: {  	[sflag:s10] =	ssyncset.done $0x0  }
0x1ba: {  	[sflag:s10] =	ssyncadd.s32 $0xFFFFFFB0  }
0x1bb: {  	_ =	swait.ge [sflag:s10], $0x50  }
0x1bc: {  	[sflag:s10] =	ssyncset.done $0x0  }
0x1bd: {  	[sflag:s10] =	ssyncadd.s32 $0xFFFFFFB0  }
0x1be: {  	_ =	swait.ge [sflag:s10], $0x50  }
0x1bf: {  	[sflag:s10] =	ssyncset.done $0x0  }
0x1c0: {  	[sflag:s10] =	ssyncadd.s32 $0xFFFFFFB0  }
0x1c1: {  	_ =	swait.ge [sflag:s10], $0x50  }
0x1c2: {  	[sflag:s10] =	ssyncset.done $0x0  }
0x1c3: {  	[sflag:s10] =	ssyncadd.s32 $0xFFFFFFB0  }
0x1c4: {  	_ =	swait.ge [sflag:s10], $0x50  }
0x1c5: {  	[sflag:s10] =	ssyncset.done $0x0  }
0x1c6: {  	[sflag:s10] =	ssyncadd.s32 $0xFFFFFFB0  }
0x1c7: {  	_ =	swait.ge [sflag:s10], $0x50  }
0x1c8: {  	[sflag:s10] =	ssyncset.done $0x0  }
0x1c9: {  	[sflag:s10] =	ssyncadd.s32 $0xFFFFFFB0  }
0x1ca: {  	_ =	swait.ge [sflag:s10], $0x50  }
0x1cb: {  	[sflag:s10] =	ssyncset.done $0x0  }
0x1cc: {  	[sflag:s10] =	ssyncadd.s32 $0xFFFFFFB0  }
0x1cd: {  	s22 =	simm.s32 $0x0;
	[bflag:$0x0] =	sbarrier.arrive $0xFFFF  }
0x1ce: {  	[spmem:s2] =	stream.indirect.scatter.add.f32 [tilespmem:s12], [sflag:$0x1], $0x1, s22, s11, $0xb8;
	[tilespmem:$0x4580] =	vst v63  }
0x1cf: {  	s23 =	simm.s32 $0x80  }
0x1d0: {  	[spmem:s2] =	stream.indirect.scatter.add.f32 [tilespmem:s12], [sflag:$0x1], $0x1, s23, s11, $0xb8;
	[tilespmem:$0x4580] =	vst v63  }
0x1d1: {  	s24 =	simm.s32 $0x100  }
0x1d2: {  	[spmem:s2] =	stream.indirect.scatter.add.f32 [tilespmem:s12], [sflag:$0x1], $0x1, s24, s11, $0xb8;
	[tilespmem:$0x4580] =	vst v63  }
0x1d3: {  	s25 =	simm.s32 $0x180  }
0x1d4: {  	[spmem:s2] =	stream.indirect.scatter.add.f32 [tilespmem:s12], [sflag:$0x1], $0x1, s25, s11, $0xb8;
	[tilespmem:$0x4580] =	vst v63  }
0x1d5: {  	s26 =	simm.s32 $0x200  }
0x1d6: {  	[spmem:s2] =	stream.indirect.scatter.add.f32 [tilespmem:s12], [sflag:$0x1], $0x1, s26, s11, $0xb8;
	[tilespmem:$0x4580] =	vst v63  }
0x1d7: {  	s28 =	simm.s32 $0x280  }
0x1d8: {  	[spmem:s2] =	stream.indirect.scatter.add.f32 [tilespmem:s12], [sflag:$0x1], $0x1, s28, s11, $0xb8;
	[tilespmem:$0x4580] =	vst v63  }
0x1d9: {  	s29 =	simm.s32 $0x300  }
0x1da: {  	[spmem:s2] =	stream.indirect.scatter.add.f32 [tilespmem:s12], [sflag:$0x1], $0x1, s29, s11, $0xb8;
	[tilespmem:$0x4580] =	vst v63  }
0x1db: {  	s30 =	simm.s32 $0x380  }
0x1dc: {  	[spmem:s2] =	stream.indirect.scatter.add.f32 [tilespmem:s12], [sflag:$0x1], $0x1, s30, s11, $0xb8;
	[tilespmem:$0x4580] =	vst v63  }
0x1dd: {  	s31 =	simm.s32 $0x400  }
0x1de: {  	[spmem:s2] =	stream.indirect.scatter.add.f32 [tilespmem:s12], [sflag:$0x1], $0x1, s31, s11, $0xb8;
	[tilespmem:$0x4580] =	vst v63  }
0x1df: {  	s15 =	simm.s32 $0x480  }
0x1e0: {  	[spmem:s2] =	stream.indirect.scatter.add.f32 [tilespmem:s12], [sflag:$0x1], $0x1, s15, s11, $0xb8;
	[tilespmem:$0x4580] =	vst v63  }
0x1e1: {  	s16 =	simm.s32 $0x500  }
0x1e2: {  	[spmem:s2] =	stream.indirect.scatter.add.f32 [tilespmem:s12], [sflag:$0x1], $0x1, s16, s11, $0xb8;
	[tilespmem:$0x4580] =	vst v63  }
0x1e3: {  	s17 =	simm.s32 $0x580  }
0x1e4: {  	[spmem:s2] =	stream.indirect.scatter.add.f32 [tilespmem:s12], [sflag:$0x1], $0x1, s17, s11, $0xb8;
	[tilespmem:$0x4580] =	vst v63  }
0x1e5: {  	s18 =	simm.s32 $0x600  }
0x1e6: {  	[spmem:s2] =	stream.indirect.scatter.add.f32 [tilespmem:s12], [sflag:$0x1], $0x1, s18, s11, $0xb8;
	[tilespmem:$0x4580] =	vst v63  }
0x1e7: {  	s19 =	simm.s32 $0x680  }
0x1e8: {  	[spmem:s2] =	stream.indirect.scatter.add.f32 [tilespmem:s12], [sflag:$0x1], $0x1, s19, s11, $0xb8;
	[tilespmem:$0x4580] =	vst v63  }
0x1e9: {  	s20 =	simm.s32 $0x700  }
0x1ea: {  	[spmem:s2] =	stream.indirect.scatter.add.f32 [tilespmem:s12], [sflag:$0x1], $0x1, s20, s11, $0xb8;
	[tilespmem:$0x4580] =	vst v63  }
0x1eb: {  	s21 =	simm.s32 $0x780  }
0x1ec: {  	[spmem:s2] =	stream.indirect.scatter.add.f32 [tilespmem:s12], [sflag:$0x1], $0x1, s21, s11, $0xb8;
	[tilespmem:$0x4580] =	vst v63  }
0x1ed: {  	s22 =	simm.s32 $0x800  }
0x1ee: {  	[spmem:s2] =	stream.indirect.scatter.add.f32 [tilespmem:s12], [sflag:$0x1], $0x1, s22, s11, $0xb8;
	[tilespmem:$0x4580] =	vst v63  }
0x1ef: {  	s23 =	simm.s32 $0x880  }
0x1f0: {  	[spmem:s2] =	stream.indirect.scatter.add.f32 [tilespmem:s12], [sflag:$0x1], $0x1, s23, s11, $0xb8;
	[tilespmem:$0x4580] =	vst v63  }
0x1f1: {  	s24 =	simm.s32 $0x900  }
0x1f2: {  	[spmem:s2] =	stream.indirect.scatter.add.f32 [tilespmem:s12], [sflag:$0x1], $0x1, s24, s11, $0xb8;
	[tilespmem:$0x4580] =	vst v63  }
0x1f3: {  	s25 =	simm.s32 $0x980  }
0x1f4: {  	[spmem:s2] =	stream.indirect.scatter.add.f32 [tilespmem:s12], [sflag:$0x1], $0x1, s25, s11, $0xb8;
	[tilespmem:$0x4580] =	vst v63  }
0x1f5: {  	s26 =	simm.s32 $0xA00  }
0x1f6: {  	[spmem:s2] =	stream.indirect.scatter.add.f32 [tilespmem:s12], [sflag:$0x1], $0x1, s26, s11, $0xb8;
	[tilespmem:$0x4580] =	vst v63  }
0x1f7: {  	s28 =	simm.s32 $0xA80  }
0x1f8: {  	[spmem:s2] =	stream.indirect.scatter.add.f32 [tilespmem:s12], [sflag:$0x1], $0x1, s28, s11, $0xb8;
	[tilespmem:$0x4580] =	vst v63  }
0x1f9: {  	s29 =	simm.s32 $0xB00  }
0x1fa: {  	[spmem:s2] =	stream.indirect.scatter.add.f32 [tilespmem:s12], [sflag:$0x1], $0x1, s29, s11, $0xb8;
	[tilespmem:$0x4580] =	vst v63  }
0x1fb: {  	s30 =	simm.s32 $0xB80  }
0x1fc: {  	[spmem:s2] =	stream.indirect.scatter.add.f32 [tilespmem:s12], [sflag:$0x1], $0x1, s30, s11, $0xb8;
	[tilespmem:$0x4580] =	vst v63  }
0x1fd: {  	s31 =	simm.s32 $0xC00  }
0x1fe: {  	[spmem:s2] =	stream.indirect.scatter.add.f32 [tilespmem:s12], [sflag:$0x1], $0x1, s31, s11, $0xb8;
	[tilespmem:$0x4580] =	vst v63  }
0x1ff: {  	_ =	swait.ge [sflag:s10], $0x50  }
0x200: {  	[sflag:s10] =	ssyncset.done $0x0  }
0x201: {  	[sflag:s10] =	ssyncadd.s32 $0xFFFFFFB0  }
0x202: {  	_ =	swait.ge [sflag:s10], $0x50  }
0x203: {  	[sflag:s10] =	ssyncset.done $0x0  }
0x204: {  	[sflag:s10] =	ssyncadd.s32 $0xFFFFFFB0  }
0x205: {  	_ =	swait.ge [sflag:s10], $0x50  }
0x206: {  	[sflag:s10] =	ssyncset.done $0x0  }
0x207: {  	[sflag:s10] =	ssyncadd.s32 $0xFFFFFFB0  }
0x208: {  	_ =	swait.ge [sflag:s10], $0x50  }
0x209: {  	[sflag:s10] =	ssyncset.done $0x0  }
0x20a: {  	[sflag:s10] =	ssyncadd.s32 $0xFFFFFFB0  }
0x20b: {  	_ =	swait.ge [sflag:s10], $0x50  }
0x20c: {  	[sflag:s10] =	ssyncset.done $0x0  }
0x20d: {  	[sflag:s10] =	ssyncadd.s32 $0xFFFFFFB0  }
0x20e: {  	_ =	swait.ge [sflag:s10], $0x50  }
0x20f: {  	[sflag:s10] =	ssyncset.done $0x0  }
0x210: {  	[sflag:s10] =	ssyncadd.s32 $0xFFFFFFB0  }
0x211: {  	_ =	swait.ge [sflag:s10], $0x50  }
0x212: {  	[sflag:s10] =	ssyncset.done $0x0  }
0x213: {  	[sflag:s10] =	ssyncadd.s32 $0xFFFFFFB0  }
0x214: {  	_ =	swait.ge [sflag:s10], $0x50  }
0x215: {  	[sflag:s10] =	ssyncset.done $0x0  }
0x216: {  	[sflag:s10] =	ssyncadd.s32 $0xFFFFFFB0  }
0x217: {  	_ =	swait.ge [sflag:s10], $0x50  }
0x218: {  	[sflag:s10] =	ssyncset.done $0x0  }
0x219: {  	[sflag:s10] =	ssyncadd.s32 $0xFFFFFFB0  }
0x21a: {  	_ =	swait.ge [sflag:s10], $0x50  }
0x21b: {  	[sflag:s10] =	ssyncset.done $0x0  }
0x21c: {  	[sflag:s10] =	ssyncadd.s32 $0xFFFFFFB0  }
0x21d: {  	_ =	swait.ge [sflag:s10], $0x50  }
0x21e: {  	[sflag:s10] =	ssyncset.done $0x0  }
0x21f: {  	[sflag:s10] =	ssyncadd.s32 $0xFFFFFFB0  }
0x220: {  	_ =	swait.ge [sflag:s10], $0x50  }
0x221: {  	[sflag:s10] =	ssyncset.done $0x0  }
0x222: {  	[sflag:s10] =	ssyncadd.s32 $0xFFFFFFB0  }
0x223: {  	_ =	swait.ge [sflag:s10], $0x50  }
0x224: {  	[sflag:s10] =	ssyncset.done $0x0  }
0x225: {  	[sflag:s10] =	ssyncadd.s32 $0xFFFFFFB0  }
0x226: {  	_ =	swait.ge [sflag:s10], $0x50  }
0x227: {  	[sflag:s10] =	ssyncset.done $0x0  }
0x228: {  	[sflag:s10] =	ssyncadd.s32 $0xFFFFFFB0  }
0x229: {  	_ =	swait.ge [sflag:s10], $0x50  }
0x22a: {  	[sflag:s10] =	ssyncset.done $0x0  }
0x22b: {  	[sflag:s10] =	ssyncadd.s32 $0xFFFFFFB0  }
0x22c: {  	_ =	swait.ge [sflag:s10], $0x50  }
0x22d: {  	[sflag:s10] =	ssyncset.done $0x0  }
0x22e: {  	[sflag:s10] =	ssyncadd.s32 $0xFFFFFFB0  }
0x22f: {  	_ =	swait.ge [sflag:s10], $0x50  }
0x230: {  	[sflag:s10] =	ssyncset.done $0x0  }
0x231: {  	[sflag:s10] =	ssyncadd.s32 $0xFFFFFFB0  }
0x232: {  	_ =	swait.ge [sflag:s10], $0x50  }
0x233: {  	[sflag:s10] =	ssyncset.done $0x0  }
0x234: {  	[sflag:s10] =	ssyncadd.s32 $0xFFFFFFB0  }
0x235: {  	_ =	swait.ge [sflag:s10], $0x50  }
0x236: {  	[sflag:s10] =	ssyncset.done $0x0  }
0x237: {  	[sflag:s10] =	ssyncadd.s32 $0xFFFFFFB0  }
0x238: {  	_ =	swait.ge [sflag:s10], $0x50  }
0x239: {  	[sflag:s10] =	ssyncset.done $0x0  }
0x23a: {  	[sflag:s10] =	ssyncadd.s32 $0xFFFFFFB0  }
0x23b: {  	_ =	swait.ge [sflag:s10], $0x50  }
0x23c: {  	[sflag:s10] =	ssyncset.done $0x0  }
0x23d: {  	[sflag:s10] =	ssyncadd.s32 $0xFFFFFFB0  }
0x23e: {  	_ =	swait.ge [sflag:s10], $0x50  }
0x23f: {  	[sflag:s10] =	ssyncset.done $0x0  }
0x240: {  	[sflag:s10] =	ssyncadd.s32 $0xFFFFFFB0  }
0x241: {  	_ =	swait.ge [sflag:s10], $0x50  }
0x242: {  	[sflag:s10] =	ssyncset.done $0x0  }
0x243: {  	[sflag:s10] =	ssyncadd.s32 $0xFFFFFFB0  }
0x244: {  	_ =	swait.ge [sflag:s10], $0x50  }
0x245: {  	[sflag:s10] =	ssyncset.done $0x0  }
0x246: {  	[sflag:s10] =	ssyncadd.s32 $0xFFFFFFB0  }
0x247: {  	_ =	swait.ge [sflag:s10], $0x50  }
0x248: {  	s14 =	simm.s32 $0x3200;
	s17 =	simm.s32 $0x6400;
	[sflag:s10] =	ssyncset.done $0x0  }
.LBB2_4:
0x249: {  	s16 =	sshra.s32 s14, $0x2  }
0x24a: {  	[sflag:s10] =	ssyncadd.s32 $0xFFFFFFB0;
	s14 =	smov.u32 s17;
	s15 =	sadd.s32 $0x3200, s17  }
0x24b: {  	[spmem:s2] =	stream.indirect.scatter.add.f32 [tilespmem:s12], [sflag:$0x1], $0x1, s16, s11, $0xb8;
	[tilespmem:$0x4580] =	vst v63  }
0x24c: {  	p0 =	sne.s32 s17, $0xC800;
	s17 =	sadd.s32 $0x80, s16  }
0x24d: {  	[spmem:s2] =	stream.indirect.scatter.add.f32 [tilespmem:s12], [sflag:$0x1], $0x1, s17, s11, $0xb8;
	[tilespmem:$0x4580] =	vst v63  }
0x24e: {  	s17 =	sadd.s32 $0x100, s16  }
0x24f: {  	[spmem:s2] =	stream.indirect.scatter.add.f32 [tilespmem:s12], [sflag:$0x1], $0x1, s17, s11, $0xb8;
	[tilespmem:$0x4580] =	vst v63  }
0x250: {  	s17 =	sadd.s32 $0x180, s16  }
0x251: {  	[spmem:s2] =	stream.indirect.scatter.add.f32 [tilespmem:s12], [sflag:$0x1], $0x1, s17, s11, $0xb8;
	[tilespmem:$0x4580] =	vst v63  }
0x252: {  	s17 =	sadd.s32 $0x200, s16  }
0x253: {  	[spmem:s2] =	stream.indirect.scatter.add.f32 [tilespmem:s12], [sflag:$0x1], $0x1, s17, s11, $0xb8;
	[tilespmem:$0x4580] =	vst v63  }
0x254: {  	s17 =	sadd.s32 $0x280, s16  }
0x255: {  	[spmem:s2] =	stream.indirect.scatter.add.f32 [tilespmem:s12], [sflag:$0x1], $0x1, s17, s11, $0xb8;
	[tilespmem:$0x4580] =	vst v63  }
0x256: {  	s17 =	sadd.s32 $0x300, s16  }
0x257: {  	[spmem:s2] =	stream.indirect.scatter.add.f32 [tilespmem:s12], [sflag:$0x1], $0x1, s17, s11, $0xb8;
	[tilespmem:$0x4580] =	vst v63  }
0x258: {  	s17 =	sadd.s32 $0x380, s16  }
0x259: {  	[spmem:s2] =	stream.indirect.scatter.add.f32 [tilespmem:s12], [sflag:$0x1], $0x1, s17, s11, $0xb8;
	[tilespmem:$0x4580] =	vst v63  }
0x25a: {  	s17 =	sadd.s32 $0x400, s16  }
0x25b: {  	[spmem:s2] =	stream.indirect.scatter.add.f32 [tilespmem:s12], [sflag:$0x1], $0x1, s17, s11, $0xb8;
	[tilespmem:$0x4580] =	vst v63  }
0x25c: {  	s17 =	sadd.s32 $0x480, s16  }
0x25d: {  	[spmem:s2] =	stream.indirect.scatter.add.f32 [tilespmem:s12], [sflag:$0x1], $0x1, s17, s11, $0xb8;
	[tilespmem:$0x4580] =	vst v63  }
0x25e: {  	s17 =	sadd.s32 $0x500, s16  }
0x25f: {  	[spmem:s2] =	stream.indirect.scatter.add.f32 [tilespmem:s12], [sflag:$0x1], $0x1, s17, s11, $0xb8;
	[tilespmem:$0x4580] =	vst v63  }
0x260: {  	s17 =	sadd.s32 $0x580, s16  }
0x261: {  	[spmem:s2] =	stream.indirect.scatter.add.f32 [tilespmem:s12], [sflag:$0x1], $0x1, s17, s11, $0xb8;
	[tilespmem:$0x4580] =	vst v63  }
0x262: {  	s17 =	sadd.s32 $0x600, s16  }
0x263: {  	[spmem:s2] =	stream.indirect.scatter.add.f32 [tilespmem:s12], [sflag:$0x1], $0x1, s17, s11, $0xb8;
	[tilespmem:$0x4580] =	vst v63  }
0x264: {  	s17 =	sadd.s32 $0x680, s16  }
0x265: {  	[spmem:s2] =	stream.indirect.scatter.add.f32 [tilespmem:s12], [sflag:$0x1], $0x1, s17, s11, $0xb8;
	[tilespmem:$0x4580] =	vst v63  }
0x266: {  	s17 =	sadd.s32 $0x700, s16  }
0x267: {  	[spmem:s2] =	stream.indirect.scatter.add.f32 [tilespmem:s12], [sflag:$0x1], $0x1, s17, s11, $0xb8;
	[tilespmem:$0x4580] =	vst v63  }
0x268: {  	s17 =	sadd.s32 $0x780, s16  }
0x269: {  	[spmem:s2] =	stream.indirect.scatter.add.f32 [tilespmem:s12], [sflag:$0x1], $0x1, s17, s11, $0xb8;
	[tilespmem:$0x4580] =	vst v63  }
0x26a: {  	s17 =	sadd.s32 $0x800, s16  }
0x26b: {  	[spmem:s2] =	stream.indirect.scatter.add.f32 [tilespmem:s12], [sflag:$0x1], $0x1, s17, s11, $0xb8;
	[tilespmem:$0x4580] =	vst v63  }
0x26c: {  	s17 =	sadd.s32 $0x880, s16  }
0x26d: {  	[spmem:s2] =	stream.indirect.scatter.add.f32 [tilespmem:s12], [sflag:$0x1], $0x1, s17, s11, $0xb8;
	[tilespmem:$0x4580] =	vst v63  }
0x26e: {  	s17 =	sadd.s32 $0x900, s16  }
0x26f: {  	[spmem:s2] =	stream.indirect.scatter.add.f32 [tilespmem:s12], [sflag:$0x1], $0x1, s17, s11, $0xb8;
	[tilespmem:$0x4580] =	vst v63  }
0x270: {  	s17 =	sadd.s32 $0x980, s16  }
0x271: {  	[spmem:s2] =	stream.indirect.scatter.add.f32 [tilespmem:s12], [sflag:$0x1], $0x1, s17, s11, $0xb8;
	[tilespmem:$0x4580] =	vst v63  }
0x272: {  	s17 =	sadd.s32 $0xA00, s16  }
0x273: {  	[spmem:s2] =	stream.indirect.scatter.add.f32 [tilespmem:s12], [sflag:$0x1], $0x1, s17, s11, $0xb8;
	[tilespmem:$0x4580] =	vst v63  }
0x274: {  	s17 =	sadd.s32 $0xA80, s16  }
0x275: {  	[spmem:s2] =	stream.indirect.scatter.add.f32 [tilespmem:s12], [sflag:$0x1], $0x1, s17, s11, $0xb8;
	[tilespmem:$0x4580] =	vst v63  }
0x276: {  	s17 =	sadd.s32 $0xB00, s16  }
0x277: {  	[spmem:s2] =	stream.indirect.scatter.add.f32 [tilespmem:s12], [sflag:$0x1], $0x1, s17, s11, $0xb8;
	[tilespmem:$0x4580] =	vst v63  }
0x278: {  	s17 =	sadd.s32 $0xB80, s16  }
0x279: {  	[spmem:s2] =	stream.indirect.scatter.add.f32 [tilespmem:s12], [sflag:$0x1], $0x1, s17, s11, $0xb8;
	[tilespmem:$0x4580] =	vst v63  }
0x27a: {  	s16 =	sadd.s32 $0xC00, s16  }
0x27b: {  	[spmem:s2] =	stream.indirect.scatter.add.f32 [tilespmem:s12], [sflag:$0x1], $0x1, s16, s11, $0xb8;
	[tilespmem:$0x4580] =	vst v63  }
0x27c: {  	_ =	swait.ge [sflag:s10], $0x50  }
0x27d: {  	[sflag:s10] =	ssyncset.done $0x0  }
0x27e: {  	[sflag:s10] =	ssyncadd.s32 $0xFFFFFFB0  }
0x27f: {  	_ =	swait.ge [sflag:s10], $0x50  }
0x280: {  	[sflag:s10] =	ssyncset.done $0x0  }
0x281: {  	[sflag:s10] =	ssyncadd.s32 $0xFFFFFFB0  }
0x282: {  	_ =	swait.ge [sflag:s10], $0x50  }
0x283: {  	[sflag:s10] =	ssyncset.done $0x0  }
0x284: {  	[sflag:s10] =	ssyncadd.s32 $0xFFFFFFB0  }
0x285: {  	_ =	swait.ge [sflag:s10], $0x50  }
0x286: {  	[sflag:s10] =	ssyncset.done $0x0  }
0x287: {  	[sflag:s10] =	ssyncadd.s32 $0xFFFFFFB0  }
0x288: {  	_ =	swait.ge [sflag:s10], $0x50  }
0x289: {  	[sflag:s10] =	ssyncset.done $0x0  }
0x28a: {  	[sflag:s10] =	ssyncadd.s32 $0xFFFFFFB0  }
0x28b: {  	_ =	swait.ge [sflag:s10], $0x50  }
0x28c: {  	[sflag:s10] =	ssyncset.done $0x0  }
0x28d: {  	[sflag:s10] =	ssyncadd.s32 $0xFFFFFFB0  }
0x28e: {  	_ =	swait.ge [sflag:s10], $0x50  }
0x28f: {  	[sflag:s10] =	ssyncset.done $0x0  }
0x290: {  	[sflag:s10] =	ssyncadd.s32 $0xFFFFFFB0  }
0x291: {  	_ =	swait.ge [sflag:s10], $0x50  }
0x292: {  	[sflag:s10] =	ssyncset.done $0x0  }
0x293: {  	[sflag:s10] =	ssyncadd.s32 $0xFFFFFFB0  }
0x294: {  	_ =	swait.ge [sflag:s10], $0x50  }
0x295: {  	[sflag:s10] =	ssyncset.done $0x0  }
0x296: {  	[sflag:s10] =	ssyncadd.s32 $0xFFFFFFB0  }
0x297: {  	_ =	swait.ge [sflag:s10], $0x50  }
0x298: {  	[sflag:s10] =	ssyncset.done $0x0  }
0x299: {  	[sflag:s10] =	ssyncadd.s32 $0xFFFFFFB0  }
0x29a: {  	_ =	swait.ge [sflag:s10], $0x50  }
0x29b: {  	[sflag:s10] =	ssyncset.done $0x0  }
0x29c: {  	[sflag:s10] =	ssyncadd.s32 $0xFFFFFFB0  }
0x29d: {  	_ =	swait.ge [sflag:s10], $0x50  }
0x29e: {  	[sflag:s10] =	ssyncset.done $0x0  }
0x29f: {  	[sflag:s10] =	ssyncadd.s32 $0xFFFFFFB0  }
0x2a0: {  	_ =	swait.ge [sflag:s10], $0x50  }
0x2a1: {  	[sflag:s10] =	ssyncset.done $0x0  }
0x2a2: {  	[sflag:s10] =	ssyncadd.s32 $0xFFFFFFB0  }
0x2a3: {  	_ =	swait.ge [sflag:s10], $0x50  }
0x2a4: {  	[sflag:s10] =	ssyncset.done $0x0  }
0x2a5: {  	[sflag:s10] =	ssyncadd.s32 $0xFFFFFFB0  }
0x2a6: {  	_ =	swait.ge [sflag:s10], $0x50  }
0x2a7: {  	[sflag:s10] =	ssyncset.done $0x0  }
0x2a8: {  	[sflag:s10] =	ssyncadd.s32 $0xFFFFFFB0  }
0x2a9: {  	_ =	swait.ge [sflag:s10], $0x50  }
0x2aa: {  	[sflag:s10] =	ssyncset.done $0x0  }
0x2ab: {  	[sflag:s10] =	ssyncadd.s32 $0xFFFFFFB0  }
0x2ac: {  	_ =	swait.ge [sflag:s10], $0x50  }
0x2ad: {  	[sflag:s10] =	ssyncset.done $0x0  }
0x2ae: {  	[sflag:s10] =	ssyncadd.s32 $0xFFFFFFB0  }
0x2af: {  	_ =	swait.ge [sflag:s10], $0x50  }
0x2b0: {  	[sflag:s10] =	ssyncset.done $0x0  }
0x2b1: {  	[sflag:s10] =	ssyncadd.s32 $0xFFFFFFB0  }
0x2b2: {  	_ =	swait.ge [sflag:s10], $0x50  }
0x2b3: {  	[sflag:s10] =	ssyncset.done $0x0  }
0x2b4: {  	[sflag:s10] =	ssyncadd.s32 $0xFFFFFFB0  }
0x2b5: {  	_ =	swait.ge [sflag:s10], $0x50  }
0x2b6: {  	[sflag:s10] =	ssyncset.done $0x0  }
0x2b7: {  	[sflag:s10] =	ssyncadd.s32 $0xFFFFFFB0  }
0x2b8: {  	_ =	swait.ge [sflag:s10], $0x50  }
0x2b9: {  	[sflag:s10] =	ssyncset.done $0x0  }
0x2ba: {  	[sflag:s10] =	ssyncadd.s32 $0xFFFFFFB0  }
0x2bb: {  	_ =	swait.ge [sflag:s10], $0x50  }
0x2bc: {  	[sflag:s10] =	ssyncset.done $0x0  }
0x2bd: {  	[sflag:s10] =	ssyncadd.s32 $0xFFFFFFB0  }
0x2be: {  	_ =	swait.ge [sflag:s10], $0x50  }
0x2bf: {  	[sflag:s10] =	ssyncset.done $0x0  }
0x2c0: {  	[sflag:s10] =	ssyncadd.s32 $0xFFFFFFB0  }
.Ltmp1:
0x2c1: {  	_ =	swait.ge [sflag:s10], $0x50;
	(pc) =	sbr.rel @p0 .LBB2_4-.Ltmp1, $4  }
0x2c2: {  	[sflag:s10] =	ssyncset.done $0x0  }
0x2c3: {  	[sflag:s10] =	ssyncadd.s32 $0xFFFFFFB0  }
0x2c4: {  	_ =	swait.ge [sflag:s10], $0x50  }
0x2c5: {  	s17 =	smov.u32 s15;
	[sflag:s10] =	ssyncset.done $0x0  }
0x2c6: {  	s14 =	sshra.s32 s14, $0x2;
	[sflag:s10] =	ssyncadd.s32 $0xFFFFFFB0  }
0x2c7: {  	[spmem:s2] =	stream.indirect.scatter.add.f32 [tilespmem:s12], [sflag:$0x1], $0x1, s14, s11, $0xb8;
	[tilespmem:$0x4580] =	vst v63  }
0x2c8: {  	s15 =	sadd.s32 $0x80, s14  }
0x2c9: {  	[spmem:s2] =	stream.indirect.scatter.add.f32 [tilespmem:s12], [sflag:$0x1], $0x1, s15, s11, $0xb8;
	[tilespmem:$0x4580] =	vst v63  }
0x2ca: {  	s22 =	sadd.s32 $0x100, s14  }
0x2cb: {  	[spmem:s2] =	stream.indirect.scatter.add.f32 [tilespmem:s12], [sflag:$0x1], $0x1, s22, s11, $0xb8;
	[tilespmem:$0x4580] =	vst v63  }
0x2cc: {  	s23 =	sadd.s32 $0x180, s14  }
0x2cd: {  	[spmem:s2] =	stream.indirect.scatter.add.f32 [tilespmem:s12], [sflag:$0x1], $0x1, s23, s11, $0xb8;
	[tilespmem:$0x4580] =	vst v63  }
0x2ce: {  	s24 =	sadd.s32 $0x200, s14  }
0x2cf: {  	[spmem:s2] =	stream.indirect.scatter.add.f32 [tilespmem:s12], [sflag:$0x1], $0x1, s24, s11, $0xb8;
	[tilespmem:$0x4580] =	vst v63  }
0x2d0: {  	s25 =	sadd.s32 $0x280, s14  }
0x2d1: {  	[spmem:s2] =	stream.indirect.scatter.add.f32 [tilespmem:s12], [sflag:$0x1], $0x1, s25, s11, $0xb8;
	[tilespmem:$0x4580] =	vst v63  }
0x2d2: {  	s26 =	sadd.s32 $0x300, s14  }
0x2d3: {  	[spmem:s2] =	stream.indirect.scatter.add.f32 [tilespmem:s12], [sflag:$0x1], $0x1, s26, s11, $0xb8;
	[tilespmem:$0x4580] =	vst v63  }
0x2d4: {  	s28 =	sadd.s32 $0x380, s14  }
0x2d5: {  	[spmem:s2] =	stream.indirect.scatter.add.f32 [tilespmem:s12], [sflag:$0x1], $0x1, s28, s11, $0xb8;
	[tilespmem:$0x4580] =	vst v63  }
0x2d6: {  	s29 =	sadd.s32 $0x400, s14  }
0x2d7: {  	[spmem:s2] =	stream.indirect.scatter.add.f32 [tilespmem:s12], [sflag:$0x1], $0x1, s29, s11, $0xb8;
	[tilespmem:$0x4580] =	vst v63  }
0x2d8: {  	s30 =	sadd.s32 $0x480, s14  }
0x2d9: {  	[spmem:s2] =	stream.indirect.scatter.add.f32 [tilespmem:s12], [sflag:$0x1], $0x1, s30, s11, $0xb8;
	[tilespmem:$0x4580] =	vst v63  }
0x2da: {  	s31 =	sadd.s32 $0x500, s14  }
0x2db: {  	[spmem:s2] =	stream.indirect.scatter.add.f32 [tilespmem:s12], [sflag:$0x1], $0x1, s31, s11, $0xb8;
	[tilespmem:$0x4580] =	vst v63  }
0x2dc: {  	s16 =	sadd.s32 $0x580, s14  }
0x2dd: {  	[spmem:s2] =	stream.indirect.scatter.add.f32 [tilespmem:s12], [sflag:$0x1], $0x1, s16, s11, $0xb8;
	[tilespmem:$0x4580] =	vst v63  }
0x2de: {  	s17 =	sadd.s32 $0x600, s14  }
0x2df: {  	[spmem:s2] =	stream.indirect.scatter.add.f32 [tilespmem:s12], [sflag:$0x1], $0x1, s17, s11, $0xb8;
	[tilespmem:$0x4580] =	vst v63  }
0x2e0: {  	s18 =	sadd.s32 $0x680, s14  }
0x2e1: {  	[spmem:s2] =	stream.indirect.scatter.add.f32 [tilespmem:s12], [sflag:$0x1], $0x1, s18, s11, $0xb8;
	[tilespmem:$0x4580] =	vst v63  }
0x2e2: {  	s19 =	sadd.s32 $0x700, s14  }
0x2e3: {  	[spmem:s2] =	stream.indirect.scatter.add.f32 [tilespmem:s12], [sflag:$0x1], $0x1, s19, s11, $0xb8;
	[tilespmem:$0x4580] =	vst v63  }
0x2e4: {  	s20 =	sadd.s32 $0x780, s14  }
0x2e5: {  	[spmem:s2] =	stream.indirect.scatter.add.f32 [tilespmem:s12], [sflag:$0x1], $0x1, s20, s11, $0xb8;
	[tilespmem:$0x4580] =	vst v63  }
0x2e6: {  	s21 =	sadd.s32 $0x800, s14  }
0x2e7: {  	[spmem:s2] =	stream.indirect.scatter.add.f32 [tilespmem:s12], [sflag:$0x1], $0x1, s21, s11, $0xb8;
	[tilespmem:$0x4580] =	vst v63  }
0x2e8: {  	s22 =	sadd.s32 $0x880, s14  }
0x2e9: {  	[spmem:s2] =	stream.indirect.scatter.add.f32 [tilespmem:s12], [sflag:$0x1], $0x1, s22, s11, $0xb8;
	[tilespmem:$0x4580] =	vst v63  }
0x2ea: {  	s23 =	sadd.s32 $0x900, s14  }
0x2eb: {  	[spmem:s2] =	stream.indirect.scatter.add.f32 [tilespmem:s12], [sflag:$0x1], $0x1, s23, s11, $0xb8;
	[tilespmem:$0x4580] =	vst v63  }
0x2ec: {  	s24 =	sadd.s32 $0x980, s14  }
0x2ed: {  	[spmem:s2] =	stream.indirect.scatter.add.f32 [tilespmem:s12], [sflag:$0x1], $0x1, s24, s11, $0xb8;
	[tilespmem:$0x4580] =	vst v63  }
0x2ee: {  	s25 =	sadd.s32 $0xA00, s14  }
0x2ef: {  	[spmem:s2] =	stream.indirect.scatter.add.f32 [tilespmem:s12], [sflag:$0x1], $0x1, s25, s11, $0xb8;
	[tilespmem:$0x4580] =	vst v63  }
0x2f0: {  	s26 =	sadd.s32 $0xA80, s14  }
0x2f1: {  	[spmem:s2] =	stream.indirect.scatter.add.f32 [tilespmem:s12], [sflag:$0x1], $0x1, s26, s11, $0xb8;
	[tilespmem:$0x4580] =	vst v63  }
0x2f2: {  	s28 =	sadd.s32 $0xB00, s14  }
0x2f3: {  	[spmem:s2] =	stream.indirect.scatter.add.f32 [tilespmem:s12], [sflag:$0x1], $0x1, s28, s11, $0xb8;
	[tilespmem:$0x4580] =	vst v63  }
0x2f4: {  	s29 =	sadd.s32 $0xB80, s14  }
0x2f5: {  	[spmem:s2] =	stream.indirect.scatter.add.f32 [tilespmem:s12], [sflag:$0x1], $0x1, s29, s11, $0xb8;
	[tilespmem:$0x4580] =	vst v63  }
0x2f6: {  	s14 =	sadd.s32 $0xC00, s14  }
0x2f7: {  	[spmem:s2] =	stream.indirect.scatter.add.f32 [tilespmem:s12], [sflag:$0x1], $0x1, s14, s11, $0xb8;
	[tilespmem:$0x4580] =	vst v63  }
0x2f8: {  	_ =	swait.ge [sflag:s10], $0x50  }
0x2f9: {  	[sflag:s10] =	ssyncset.done $0x0  }
0x2fa: {  	[sflag:s10] =	ssyncadd.s32 $0xFFFFFFB0  }
0x2fb: {  	_ =	swait.ge [sflag:s10], $0x50  }
0x2fc: {  	[sflag:s10] =	ssyncset.done $0x0  }
0x2fd: {  	[sflag:s10] =	ssyncadd.s32 $0xFFFFFFB0  }
0x2fe: {  	_ =	swait.ge [sflag:s10], $0x50  }
0x2ff: {  	[sflag:s10] =	ssyncset.done $0x0  }
0x300: {  	[sflag:s10] =	ssyncadd.s32 $0xFFFFFFB0  }
0x301: {  	_ =	swait.ge [sflag:s10], $0x50  }
0x302: {  	[sflag:s10] =	ssyncset.done $0x0  }
0x303: {  	[sflag:s10] =	ssyncadd.s32 $0xFFFFFFB0  }
0x304: {  	_ =	swait.ge [sflag:s10], $0x50  }
0x305: {  	[sflag:s10] =	ssyncset.done $0x0  }
0x306: {  	[sflag:s10] =	ssyncadd.s32 $0xFFFFFFB0  }
0x307: {  	_ =	swait.ge [sflag:s10], $0x50  }
0x308: {  	[sflag:s10] =	ssyncset.done $0x0  }
0x309: {  	[sflag:s10] =	ssyncadd.s32 $0xFFFFFFB0  }
0x30a: {  	_ =	swait.ge [sflag:s10], $0x50  }
0x30b: {  	[sflag:s10] =	ssyncset.done $0x0  }
0x30c: {  	[sflag:s10] =	ssyncadd.s32 $0xFFFFFFB0  }
0x30d: {  	_ =	swait.ge [sflag:s10], $0x50  }
0x30e: {  	[sflag:s10] =	ssyncset.done $0x0  }
0x30f: {  	[sflag:s10] =	ssyncadd.s32 $0xFFFFFFB0  }
0x310: {  	_ =	swait.ge [sflag:s10], $0x50  }
0x311: {  	[sflag:s10] =	ssyncset.done $0x0  }
0x312: {  	[sflag:s10] =	ssyncadd.s32 $0xFFFFFFB0  }
0x313: {  	_ =	swait.ge [sflag:s10], $0x50  }
0x314: {  	[sflag:s10] =	ssyncset.done $0x0  }
0x315: {  	[sflag:s10] =	ssyncadd.s32 $0xFFFFFFB0  }
0x316: {  	_ =	swait.ge [sflag:s10], $0x50  }
0x317: {  	[sflag:s10] =	ssyncset.done $0x0  }
0x318: {  	[sflag:s10] =	ssyncadd.s32 $0xFFFFFFB0  }
0x319: {  	_ =	swait.ge [sflag:s10], $0x50  }
0x31a: {  	[sflag:s10] =	ssyncset.done $0x0  }
0x31b: {  	[sflag:s10] =	ssyncadd.s32 $0xFFFFFFB0  }
0x31c: {  	_ =	swait.ge [sflag:s10], $0x50  }
0x31d: {  	[sflag:s10] =	ssyncset.done $0x0  }
0x31e: {  	[sflag:s10] =	ssyncadd.s32 $0xFFFFFFB0  }
0x31f: {  	_ =	swait.ge [sflag:s10], $0x50  }
0x320: {  	[sflag:s10] =	ssyncset.done $0x0  }
0x321: {  	[sflag:s10] =	ssyncadd.s32 $0xFFFFFFB0  }
0x322: {  	_ =	swait.ge [sflag:s10], $0x50  }
0x323: {  	[sflag:s10] =	ssyncset.done $0x0  }
0x324: {  	[sflag:s10] =	ssyncadd.s32 $0xFFFFFFB0  }
0x325: {  	_ =	swait.ge [sflag:s10], $0x50  }
0x326: {  	[sflag:s10] =	ssyncset.done $0x0  }
0x327: {  	[sflag:s10] =	ssyncadd.s32 $0xFFFFFFB0  }
0x328: {  	_ =	swait.ge [sflag:s10], $0x50  }
0x329: {  	[sflag:s10] =	ssyncset.done $0x0  }
0x32a: {  	[sflag:s10] =	ssyncadd.s32 $0xFFFFFFB0  }
0x32b: {  	_ =	swait.ge [sflag:s10], $0x50  }
0x32c: {  	[sflag:s10] =	ssyncset.done $0x0  }
0x32d: {  	[sflag:s10] =	ssyncadd.s32 $0xFFFFFFB0  }
0x32e: {  	_ =	swait.ge [sflag:s10], $0x50  }
0x32f: {  	[sflag:s10] =	ssyncset.done $0x0  }
0x330: {  	[sflag:s10] =	ssyncadd.s32 $0xFFFFFFB0  }
0x331: {  	_ =	swait.ge [sflag:s10], $0x50  }
0x332: {  	[sflag:s10] =	ssyncset.done $0x0  }
0x333: {  	[sflag:s10] =	ssyncadd.s32 $0xFFFFFFB0  }
0x334: {  	_ =	swait.ge [sflag:s10], $0x50  }
0x335: {  	[sflag:s10] =	ssyncset.done $0x0  }
0x336: {  	[sflag:s10] =	ssyncadd.s32 $0xFFFFFFB0  }
0x337: {  	_ =	swait.ge [sflag:s10], $0x50  }
0x338: {  	[sflag:s10] =	ssyncset.done $0x0  }
0x339: {  	[sflag:s10] =	ssyncadd.s32 $0xFFFFFFB0  }
0x33a: {  	_ =	swait.ge [sflag:s10], $0x50  }
0x33b: {  	[sflag:s10] =	ssyncset.done $0x0  }
0x33c: {  	[sflag:s10] =	ssyncadd.s32 $0xFFFFFFB0  }
0x33d: {  	_ =	swait.ge [sflag:s10], $0x50  }
0x33e: {  	[sflag:s10] =	ssyncset.done $0x0  }
0x33f: {  	[sflag:s10] =	ssyncadd.s32 $0xFFFFFFB0  }
0x340: {  	s13 =	sadd.s32 $0x1, s13;
	_ =	swait.ge [sflag:s10], $0x50  }
0x341: {  	p0 =	sne.s32 s13, s7;
	[sflag:s10] =	ssyncset.done $0x0  }
0x342: {  	s30 =	sshll.u32 s1, $0x6;
	s31 =	sshrl.u32 s5, $0x3;
	[sflag:s10] =	ssyncadd.s32 $0xFFFFFFB0  }
.Ltmp2:
0x343: {  	s14 =	sor.u32 $0x1C02, s30;
	[bflag:$0x0] =	sbarrier.arrive $0xFFFF;
	(pc) =	sbr.rel @p0 .LBB2_1-.Ltmp2, $4  }
0x344: {  	[hbm:s6], [sflag:s14] =	dma.local [spmem:s31], $0x50  }
0x345: {  	_ =	swait.ge [sflag:s9], $0x50  }
0x346: {  	[sflag:s9] =	ssyncset.done $0x0  }
0x347: {  	[sflag:s9] =	ssyncadd.s32 $0xFFFFFFB0  }
0x348: {  	_ =	sfence.sel $0x180000  }
0x349: {  	[bflag:$0x0] =	sbarrier.arrive $0xFFFF  }
0x34a: {  	p0 =	sne.s32 s1, $0x0;
	_ =	strace $0x90000047  }
0x34b: {  	s0 =	sadd.s32 @!p0 $0x100000, s0;
	[bflag:$0x2] =	sbarrier.arrive $0xFFFF  }
0x34c: {  	[sflag:s0] =	ssyncadd.tile.s32 @!p0 $0x1;
	_ =	shalt  }
.Lfunc_end2:
_tile_overlayer_lowered:
.L_overlay_start_2:
0x34d: {  	(tag) =	ssettag $0x2  }
0x34e: {  	s0 =	rddreg [dreg:$0x0];
	s2 =	stileid.u32  }
0x34f: {  	s1 =	rddreg [dreg:$0x1];
	p0 =	sne.s32 s2, $0x0  }
0x350: {  	s3 =	rddreg [dreg:$0x2];
	[bflag:$0x3] =	sbarrier.arrive $0xFFFF;
	s2 =	simm.s32 @!p0 $0x1C02  }
0x351: {  	[timem:s3], [sflag:s2] =	dma.local @!p0 [hbm:s0], s1  }
0x352: {  	s0 =	simm.s32 @!p0 $0x2  }
0x353: {  	_ =	swait.ge @!p0 [sflag:s0], s1  }
0x354: {  	s1 =	ssub.s32 @!p0 $0x0, s1;
	[sflag:s0] =	ssyncset.done @!p0 $0x0  }
0x355: {  	[sflag:s0] =	ssyncadd.s32 @!p0 s1  }
0x356: {  	[bflag:$0x3] =	sbarrier.arrive $0xFFFF  }
0x357: {  	_ =	shalt  }

// kernel: kernel.9.cloned.1.call-start
scs
__scs_entry_jumppad:
0x0: {  	(pc) =	sbr.rel $0x88, $3  }
0x1: {  	(tag) =	ssettag $0x0;
	lr =	simm.s32 $0x1  }
0x2: {  	[smem:$0x3F9D] =	sst lr;
	_ =	strace $0xD0000000  }
0x3: {  	_ = 	snop  }
0x4: {  	_ = 	snop  }
0x5: {  	_ = 	snop  }
0x6: {  	_ = 	snop  }
0x7: {  	_ = 	snop  }
__scs_overlays_trampoline_lowered:
0x8: {  	[smem:$0x3FAC] =	sst s0  }
0x9: {  	[smem:$0x3FAD] =	sst s1  }
0xa: {  	[smem:$0x3FAE] =	sst s2  }
0xb: {  	[smem:$0x3FAF] =	sst s3  }
0xc: {  	[smem:$0x3FB0] =	sst s4  }
0xd: {  	[smem:$0x3FB1] =	sst s5  }
0xe: {  	[smem:$0x3FB2] =	sst s6  }
0xf: {  	[smem:$0x3FB3] =	sst s7  }
0x10: {  	[smem:$0x3FB4] =	sst s8  }
0x11: {  	[smem:$0x3FB5] =	sst s9;
	s0 =	simm.s32 @!p0 $0x0  }
0x12: {  	s1 =	sld [smem:$0x3F9B];
	s0 =	simm.s32 @p0 $0x1  }
0x13: {  	[smem:$0x3FB6] =	sst s0;
	s0 =	simm.s32 @!p1 $0x0  }
0x14: {  	s2 =	sld [smem:$0x3F9A];
	s0 =	simm.s32 @p1 $0x1  }
0x15: {  	[smem:$0x3FB7] =	sst s0;
	s0 =	simm.s32 @!p2 $0x0  }
0x16: {  	s3 =	sld [smem:$0x3FDB];
	s0 =	simm.s32 @p2 $0x1  }
0x17: {  	s4 =	simm.s32 $0x1BF5;
	[smem:$0x3FB9] =	sst s0  }
0x18: {  	s0 =	sld [smem:$0x3F9C];
	_ =	swait.ge [sflag:s4], $0x0  }
0x19: {  	s7 =	sld [smem:$0x3F9D]  }
0x1a: {  	s8 =	sadd.s32 $0xFFFFE003, lr  }
0x1b: {  	s9 =	sadd.s32 $0xFFFFFEF7, lr;
	s5 =	simm.s32 $0xFFFFFFFF;
	p2 =	slt.u32 s8, $0xFFFFF086  }
0x1c: {  	p1 =	slt.u32 s9, $0xF7A;
	s5 =	simm.s32 @!p2 $0x0  }
0x1d: {  	s5 =	simm.s32 @p1 $0x1;
	p0 =	seq.s32 s7, s2  }
0x1e: {  	s7 =	smul.u32 @!p0 $0xF7A, s2;
	p2 =	seq.s32 @!p0 s5, $0x0  }
0x1f: {  	s9 =	smul.u32 $0xF7A, s1;
	s8 =	simm.s32 @!p0 $0x1BF5;
	p2 =	por !p2, p0  }
0x20: {  	[sflag:s8] =	ssyncset.s32 @!p0 $0xFFFFF086;
	s6 =	sadd.s32 @!p0 s3, s7;
	s7 =	simm.s32 @!p0 $0x108  }
0x21: {  	s3 =	sadd.s32 s3, s9;
	s6 =	sadd.s32 @!p0 $0x88, s6;
	s7 =	simm.s32 @p2 $0x1082  }
0x22: {  	[simem:s7], [sflag:s8] =	dma.local @!p0 [hbm:s6], $0xF7A  }
0x23: {  	s9 =	sor.u32 $0xD0000000, s2;
	s6 =	simm.s32 $0x108;
	_ =	swait.ge @!p0 [sflag:s8], $0x0  }
0x24: {  	s3 =	sadd.s32 $0x88, s3;
	s6 =	simm.s32 @!p1 $0x1082;
	[sflag:s4] =	ssyncset.s32 $0xFFFFF086  }
0x25: {  	[simem:s6], [sflag:s4] =	dma.local [hbm:s3], $0xF7A  }
0x26: {  	[smem:$0x3F9D] =	sst s1;
	(tag) =	ssettag s2;
	_ =	strace s9  }
0x27: {  	s1 =	sld [smem:$0x3FAD]  }
0x28: {  	s2 =	sld [smem:$0x3FAE]  }
0x29: {  	s4 =	sld [smem:$0x3FB0]  }
0x2a: {  	p0 =	seq.s32 s5, $0x0;
	s5 =	sld [smem:$0x3FB1]  }
0x2b: {  	s6 =	sld [smem:$0x3FB2]  }
0x2c: {  	s7 =	sld [smem:$0x3FB3]  }
0x2d: {  	s3 =	simm.s32 $0x108;
	s8 =	sld [smem:$0x3FB4]  }
0x2e: {  	s3 =	simm.s32 @!p0 $0x1082;
	s9 =	sld [smem:$0x3FB5]  }
0x2f: {  	lr =	sadd.s32 s0, s3;
	s0 =	sld [smem:$0x3FAC]  }
0x30: {  	s3 =	sld [smem:$0x3FAF]  }
0x31: {  	[smem:$0x3FB8] =	sst s10  }
0x32: {  	s10 =	sld [smem:$0x3FB6];
	_ =	sdelay $0x3  }
0x33: {  	p0 =	seq.s32 s10, $0x1;
	s10 =	sld [smem:$0x3FB8];
	_ =	sdelay $0x3  }
0x34: {  	[smem:$0x3FB8] =	sst s10  }
0x35: {  	s10 =	sld [smem:$0x3FB7];
	_ =	sdelay $0x3  }
0x36: {  	p1 =	seq.s32 s10, $0x1;
	s10 =	sld [smem:$0x3FB8];
	_ =	sdelay $0x3  }
0x37: {  	[smem:$0x3FB8] =	sst s10  }
0x38: {  	s10 =	sld [smem:$0x3FB9]  }
0x39: {  	_ = 	snop;
	(pc) =	sbr.ind lr, $3  }
0x3a: {  	_ = 	snop  }
0x3b: {  	_ = 	snop  }
0x3c: {  	p2 =	seq.s32 s10, $0x1;
	s10 =	sld [smem:$0x3FB8]  }
0x3d: {  	_ =	shalt  }
0x3e: {  	_ =	shalt  }
0x3f: {  	_ =	shalt  }
0x40: {  	_ =	shalt  }
0x41: {  	_ =	shalt  }
0x42: {  	_ =	shalt  }
0x43: {  	_ =	shalt  }
0x44: {  	_ =	shalt  }
0x45: {  	_ =	shalt  }
0x46: {  	_ =	shalt  }
0x47: {  	_ =	shalt  }
0x48: {  	_ =	shalt  }
0x49: {  	_ =	shalt  }
0x4a: {  	_ =	shalt  }
0x4b: {  	_ =	shalt  }
0x4c: {  	_ =	shalt  }
0x4d: {  	_ =	shalt  }
0x4e: {  	_ =	shalt  }
0x4f: {  	_ =	shalt  }
0x50: {  	_ =	shalt  }
0x51: {  	_ =	shalt  }
0x52: {  	_ =	shalt  }
0x53: {  	_ =	shalt  }
0x54: {  	_ =	shalt  }
0x55: {  	_ =	shalt  }
0x56: {  	_ =	shalt  }
0x57: {  	_ =	shalt  }
0x58: {  	_ =	shalt  }
0x59: {  	_ =	shalt  }
0x5a: {  	_ =	shalt  }
0x5b: {  	_ =	shalt  }
0x5c: {  	_ =	shalt  }
0x5d: {  	_ =	shalt  }
0x5e: {  	_ =	shalt  }
0x5f: {  	_ =	shalt  }
0x60: {  	_ =	shalt  }
0x61: {  	_ =	shalt  }
0x62: {  	_ =	shalt  }
0x63: {  	_ =	shalt  }
0x64: {  	_ =	shalt  }
0x65: {  	_ =	shalt  }
0x66: {  	_ =	shalt  }
0x67: {  	_ =	shalt  }
0x68: {  	_ =	shalt  }
0x69: {  	_ =	shalt  }
0x6a: {  	_ =	shalt  }
0x6b: {  	_ =	shalt  }
0x6c: {  	_ =	shalt  }
0x6d: {  	_ =	shalt  }
0x6e: {  	_ =	shalt  }
0x6f: {  	_ =	shalt  }
0x70: {  	_ =	shalt  }
0x71: {  	_ =	shalt  }
0x72: {  	_ =	shalt  }
0x73: {  	_ =	shalt  }
0x74: {  	_ =	shalt  }
0x75: {  	_ =	shalt  }
0x76: {  	_ =	shalt  }
0x77: {  	_ =	shalt  }
0x78: {  	_ =	shalt  }
0x79: {  	_ =	shalt  }
0x7a: {  	_ =	shalt  }
0x7b: {  	_ =	shalt  }
0x7c: {  	_ =	shalt  }
0x7d: {  	_ =	shalt  }
0x7e: {  	_ =	shalt  }
0x7f: {  	_ =	shalt  }
0x80: {  	_ =	shalt  }
0x81: {  	_ =	shalt  }
0x82: {  	_ =	shalt  }
0x83: {  	_ =	shalt  }
0x84: {  	_ =	shalt  }
0x85: {  	_ =	shalt  }
0x86: {  	_ =	shalt  }
0x87: {  	_ =	shalt  }
.Lfunc_end0:
.L_simem_size_0:
called_computation.1_lowered:
.L_overlay_start_0:
0x88: {  	s2 =	sld [smem:$0x3FD9]  }
0x89: {  	s3 =	sld [smem:$0x3FFE];
	_ =	sdelay $0x1  }
0x8a: {  	s1 =	srdreg.scid  }
0x8b: {  	s0 =	sand.u32 $0x1, s1  }
0x8c: {  	s17 =	sshll.u32 s0, $0xA;
	s2 =	sadd.s32 s3, s2  }
0x8d: {  	s2 =	sadd.s32 s2, s17  }
0x8e: {  	[smem:$0x3FC4] =	sst s2  }
0x8f: {  	_ = 	snop  }
0x90: {  	s2 =	sld [smem:$0x3FD0];
	(tm) =	ssettm $0x1  }
0x91: {  	s18 =	sld [smem:$0x3FFB];
	_ =	sdelay $0x3  }
0x92: {  	_ =	strace s18  }
0x93: {  	s3 =	sld [smem:$0x3FFC];
	_ =	sdelay $0x3  }
0x94: {  	_ =	strace s3  }
0x95: {  	s3 =	sld [smem:$0x3FFD];
	_ =	sdelay $0x3  }
0x96: {  	_ =	strace s3  }
0x97: {  	_ =	strace $0x8FFFFFFF  }
0x98: {  	s19 =	sld [smem:$0x3FDB];
	_ =	sdelay $0x1  }
0x99: {  	s4 =	simm.s32 $_scs_section_size  }
0x9a: {  	s5 =	simm.s32 $_size__tile_overlayer_lowered;
	s6 =	simm.s32 $_tile_overlayer_lowered  }
0x9b: {  	s22 =	simm.s32 $0x1BFF;
	s21 =	sshll.u32 s6, $0x1;
	s3 =	sadd.s32 s4, s19  }
0x9c: {  	s7 =	simm.s32 $0x0;
	s20 =	sshll.u32 s5, $0x1;
	s5 =	sadd.s32 s21, s3  }
0x9d: {  	[timem:s7], [sflag:s22] =	dma.local [hbm:s5], s20  }
0x9e: {  	_ =	swait.ge [sflag:s22], s20  }
0x9f: {  	s4 =	ssub.s32 $0x0, s20;
	[sflag:s22] =	ssyncset.done $0x0  }
0xa0: {  	[sflag:s22] =	ssyncadd.s32 s4;
	_ =	sdelay $0x1  }
0xa1: {  	s23 =	simm.s32 $0x1B8B  }
0xa2: {  	_ =	swait.ge [sflag:s23], $0x1  }
0xa3: {  	[sflag:s23] =	ssyncset.done $0x0  }
0xa4: {  	s25 =	simm.s32 $0x1B8E;
	s24 =	sld [smem:$0x3FFE];
	[sflag:s23] =	ssyncadd.s32 $0xFFFFFFFF  }
0xa5: {  	s26 =	simm.s32 $execute0_lowered;
	[smem:$0x3FD2] =	sst s25  }
0xa6: {  	s5 =	sshll.u32 s26, $0x1;
	_ =	strace $0x80000049;
	[dreg:$0x1] =	wrdreg $0xFFFFFFFF  }
0xa7: {  	s28 =	simm.s32 $_size_execute0_lowered;
	s3 =	sadd.s32 s3, s5;
	[dreg:$0x0] =	wrdreg $0x0  }
0xa8: {  	s5 =	sshll.u32 s28, $0x1;
	[dreg:$0x2] =	wrdreg s3  }
0xa9: {  	[dreg:$0x3] =	wrdreg s5  }
0xaa: {  	[dreg:$0x4] =	wrdreg $0xC0  }
0xab: {  	_ =	task [dreg:s7], $0x5FFFF  }
0xac: {  	[dreg:$0x1] =	wrdreg $0xFFFFFFFF  }
0xad: {  	[dreg:$0x0] =	wrdreg $0x60  }
0xae: {  	[dreg:$0x2] =	wrdreg s2  }
0xaf: {  	[dreg:$0x3] =	wrdreg s24  }
0xb0: {  	[dreg:$0x4] =	wrdreg $0xBA800  }
0xb1: {  	[dreg:$0x5] =	wrdreg $0x1F3000  }
0xb2: {  	[dreg:$0x6] =	wrdreg $0x9  }
0xb3: {  	_ =	task.clear_ibuf [dreg:s7], $0x7FFFF;
	_ =	strace $0x90000049  }
0xb4: {  	s29 =	simm.s32 $0x9;
	_ =	strace $0x8000004B  }
0xb5: {  	_ =	swait.ge [sflag:s29], $0x1  }
0xb6: {  	[sflag:s29] =	ssyncadd.s32 $0xFFFFFFFF  }
0xb7: {  	_ =	strace $0x9000004B  }
0xb8: {  	_ =	sfence  }
0xb9: {  	s30 =	sld [smem:$0x0];
	_ =	sdelay $0x2  }
0xba: {  	s31 =	sshll.u32 s1, $0xD;
	s1 =	sshrl.u32 s1, $0x2  }
0xbb: {  	s3 =	sand.u32 $0x4000, s31;
	s1 =	sadd.s32 s1, s30  }
0xbc: {  	s0 =	sor.u32 s3, s0;
	s1 =	sshll.u32 s1, $0x11  }
0xbd: {  	s0 =	sor.u32 s1, s0  }
0xbe: {  	s0 =	sadd.s32 $0x8F2B, s0  }
0xbf: {  	[sflag:s0] =	ssyncadd.remote.s32 $0x1  }
0xc0: {  	_ =	sfence.sel $0xFFFF  }
0xc1: {  	[dreg:$0x0] =	wrdreg $0xFFFFFFFF;
	(pc) =	sbr.abs _section_cstart, $3  }
0xc2: {  	[dreg:$0x1] =	wrdreg $0xFFFFFFFF  }
0xc3: {  	_ =	task.clear_ibuf [dreg:s7], $0x2FFFF;
	_ =	strace $0x9FFFFFFF  }
0xc4: {  	(tm) =	ssettm $0x7FFFFFFF  }
0xc5: {  	_ =	shalt  }
tec
execute0_lowered:
.L_overlay_start_1:
0x0: {  	(tag) =	ssettag $0x1  }
0x1: {  	s1 =	rddreg [dreg:$0x0]  }
0x2: {  	s0 =	rddreg [dreg:$0x1]  }
0x3: {  	s3 =	rddreg [dreg:$0x2]  }
0x4: {  	s4 =	rddreg [dreg:$0x3]  }
0x5: {  	s2 =	srdreg.scid;
	s16 =	stileid.u32;
	s5 =	simm.s32 $0x0  }
0x6: {  	s29 =	simm.s32 $0x6500;
	s30 =	simm.s32 $0x6580;
	s6 =	smul.u32 $0x280, s16  }
0x7: {  	s31 =	simm.s32 $0x0;
	s2 =	sand.u32 $0x1, s2;
	s13 =	smul.u32 $0x14000, s16  }
0x8: {  	[smem:$0x7FF] =	sst s5;
	s17 =	sadd.s32 $0x1E00, s0;
	s18 =	smul.u32 $0x4E20, s16  }
0x9: {  	s10 =	sadd.s32 $0x16200, s0;
	p0 =	seq.s32 s16, $0xF;
	s7 =	smul.u32 $0x2800, s2  }
0xa: {  	s8 =	sshll.u32 s16, $0x1;
	_ =	strace $0x8000004A;
	s14 =	smul.u32 $0x138800, s2  }
0xb: {  	s8 =	sor.u32 s2, s8;
	s9 =	ssub.s32 $0x2, s2;
	s2 =	smul.u32 $0x2710, s2  }
0xc: {  	s11 =	smul.u32 $0x2710, s8;
	s15 =	sshrl.u32 s9, $0x1;
	s8 =	simm.s32 $0x5  }
0xd: {  	s7 =	sadd.s32 s6, s7;
	s8 =	simm.s32 @!p0 $0x8;
	s13 =	sadd.s32 s13, s14  }
0xe: {  	s2 =	sadd.s32 s2, s18;
	s22 =	sshrl.u32 s14, $0x3;
	s7 =	sshrl.u32 s7, $0x3  }
0xf: {  	s11 =	sshrl.u32 s11, $0x3;
	s20 =	sshrl.u32 s13, $0x3;
	s23 =	sadd.s32 $0x4E200, s2  }
0x10: {  	s25 =	sadd.s32 $0x4E980, s2;
	s28 =	sadd.s32 $0x4E930, s2;
	s14 =	sadd.s32 $0x4E8E0, s2  }
0x11: {  	s12 =	sadd.s32 s7, s0;
	s0 =	ssub.s32 s9, s15;
	s7 =	simm.s32 $0x5  }
0x12: {  	s15 =	smul.u32 $0x50000, s16;
	s9 =	sadd.s32 s6, s4;
	s11 =	sadd.s32 s17, s11  }
0x13: {  	s6 =	sadd.s32 s10, s22;
	s24 =	sshrl.u32 s23, $0x3;
	s26 =	sshrl.u32 s25, $0x3  }
0x14: {  	s16 =	sadd.s32 $0x4E890, s2;
	s23 =	sadd.s32 $0x4E7A0, s2;
	[dreg:$0x1e] =	wrdreg s11  }
0x15: {  	s25 =	sadd.s32 $0x4E750, s2;
	s19 =	sadd.s32 $0x15800, s12;
	[dreg:$0x5] =	wrdreg s24  }
0x16: {  	s11 =	sadd.s32 s10, s20;
	[dreg:$0x6] =	wrdreg s26;
	s12 =	sshrl.u32 s28, $0x3  }
0x17: {  	s18 =	sshrl.u32 s16, $0x3;
	s24 =	sshrl.u32 s23, $0x3;
	[dreg:$0x1f] =	wrdreg s19  }
0x18: {  	s26 =	sshrl.u32 s25, $0x3;
	s28 =	sadd.s32 $0x4E700, s2;
	[smem:$0x7FC] =	sst s11  }
0x19: {  	s16 =	sadd.s32 $0x4E660, s2;
	s23 =	sadd.s32 $0x4E570, s2;
	[dreg:$0x7] =	wrdreg s12  }
0x1a: {  	s25 =	sadd.s32 $0x4E520, s2;
	s6 =	sadd.s32 $0x25800, s6;
	[dreg:$0x9] =	wrdreg s18  }
0x1b: {  	s21 =	sshrl.u32 s15, $0x2;
	s15 =	sshrl.u32 s14, $0x3;
	[dreg:$0xc] =	wrdreg s24  }
0x1c: {  	s19 =	sadd.s32 $0x4E840, s2;
	[dreg:$0xd] =	wrdreg s26;
	s12 =	sshrl.u32 s28, $0x3  }
0x1d: {  	s14 =	sadd.s32 $0x4E6B0, s2;
	s18 =	sshrl.u32 s16, $0x3;
	[smem:$0x7FD] =	sst s6  }
0x1e: {  	s24 =	sshrl.u32 s23, $0x3;
	s26 =	sshrl.u32 s25, $0x3;
	[dreg:$0x8] =	wrdreg s15  }
0x1f: {  	s28 =	sadd.s32 $0x4E4D0, s2;
	s6 =	sadd.s32 $0x12C000, s3;
	[dreg:$0xe] =	wrdreg s12  }
0x20: {  	s13 =	sadd.s32 s21, s3;
	s20 =	sshrl.u32 s19, $0x3;
	[dreg:$0x10] =	wrdreg s18  }
0x21: {  	s21 =	sadd.s32 $0x4E7F0, s2;
	s15 =	sshrl.u32 s14, $0x3;
	[dreg:$0x13] =	wrdreg s24  }
0x22: {  	s19 =	sadd.s32 $0x4E610, s2;
	[dreg:$0x14] =	wrdreg s26;
	s11 =	sshrl.u32 s28, $0x3  }
0x23: {  	s12 =	sadd.s32 $0x4E480, s2;
	s18 =	sadd.s32 $0x4E3E0, s2;
	[dreg:$0xa] =	wrdreg s20  }
0x24: {  	s24 =	sadd.s32 $0x4E2F0, s2;
	s26 =	sadd.s32 $0x4E2A0, s2;
	[dreg:$0xf] =	wrdreg s15  }
0x25: {  	s22 =	sshrl.u32 s21, $0x3;
	s20 =	sshrl.u32 s19, $0x3;
	[dreg:$0x15] =	wrdreg s11  }
0x26: {  	s21 =	sadd.s32 $0x4E5C0, s2;
	s14 =	sshrl.u32 s12, $0x3;
	[dreg:$0xb] =	wrdreg s22  }
0x27: {  	s15 =	sadd.s32 $0x4E430, s2;
	s19 =	sshrl.u32 s18, $0x3;
	[dreg:$0x11] =	wrdreg s20  }
0x28: {  	s25 =	sshrl.u32 s24, $0x3;
	s28 =	sshrl.u32 s26, $0x3;
	[dreg:$0x16] =	wrdreg s14  }
0x29: {  	s18 =	simm.s32 $0x6;
	s24 =	simm.s32 $0x3;
	[dreg:$0x18] =	wrdreg s19  }
0x2a: {  	s26 =	simm.s32 $0x4;
	s22 =	sshrl.u32 s21, $0x3;
	[dreg:$0x1b] =	wrdreg s25  }
0x2b: {  	s16 =	sshrl.u32 s15, $0x3;
	s20 =	sadd.s32 $0x4E390, s2;
	[dreg:$0x1c] =	wrdreg s28  }
0x2c: {  	s15 =	smax.u32 s0, $0x1;
	s19 =	simm.s32 $0x1;
	[dreg:$0x12] =	wrdreg s22  }
0x2d: {  	s25 =	sshrl.u32 @p0 s6, $0x3;
	[dreg:$0x17] =	wrdreg s16;
	s21 =	sshrl.u32 s20, $0x3  }
0x2e: {  	s22 =	sadd.s32 $0x4E340, s2;
	s2 =	sadd.s32 $0x4E250, s2;
	s16 =	simm.s32 $0x6780  }
0x2f: {  	s20 =	simm.s32 $0x2;
	[dreg:$0x19] =	wrdreg s21;
	s23 =	sshrl.u32 s22, $0x3  }
0x30: {  	s2 =	sshrl.u32 s2, $0x3;
	s21 =	simm.s32 $0x50;
	[dreg:$0x1a] =	wrdreg s23  }
0x31: {  	v0 =	vimm.f32 $0.0e+00;
	v1 =	vimm.f32 $1.000000000e+00;
	s22 =	simm.s32 $0x8F80;
	[dreg:$0x1d] =	wrdreg s2;
	s23 =	simm.s32 $0xB780  }
.LBB2_1:
0x32: {  	s0 =	simm.s32 $0x0;
	s2 =	simm.s32 $0x200  }
.LBB2_2:
0x33: {  	p1 =	sne.s32 s2, $0x9E00;
	[tilespmem:s0+$0x67F0] =	vst v0  }
0x34: {  	[tilespmem:s0+$0x6780] =	vst v0  }
0x35: {  	[tilespmem:s0+$0x6790] =	vst v0  }
.Ltmp0:
0x36: {  	[tilespmem:s0+$0x67A0] =	vst v0;
	(pc) =	sbr.rel @p1 .LBB2_2-.Ltmp0, $4  }
0x37: {  	[tilespmem:s0+$0x67B0] =	vst v0  }
0x38: {  	[tilespmem:s0+$0x67C0] =	vst v0  }
0x39: {  	[tilespmem:s0+$0x67D0] =	vst v0  }
0x3a: {  	[tilespmem:s0+$0x67E0] =	vst v0;
	s0 =	sshra.s32 s2, $0x2;
	s2 =	sadd.s32 $0x200, s2  }
0x3b: {  	[tilespmem:s0+$0x67F0] =	vst v0  }
0x3c: {  	[tilespmem:s0+$0x6780] =	vst v0  }
0x3d: {  	[tilespmem:s0+$0x6790] =	vst v0  }
0x3e: {  	[tilespmem:s0+$0x67A0] =	vst v0  }
0x3f: {  	[tilespmem:s0+$0x67B0] =	vst v0  }
0x40: {  	[tilespmem:s0+$0x67C0] =	vst v0  }
0x41: {  	[tilespmem:s0+$0x67D0] =	vst v0  }
0x42: {  	[tilespmem:s0+$0x67E0] =	vst v0  }
0x43: {  	[tilespmem:$0xB780] =	vst v1  }
0x44: {  	[tilespmem:$0xB790] =	vst v1  }
0x45: {  	[tilespmem:$0xB7A0] =	vst v1  }
0x46: {  	[tilespmem:$0xB7B0] =	vst v1  }
0x47: {  	[tilespmem:$0xB7C0] =	vst v1  }
0x48: {  	[tilespmem:$0xB800] =	vst v0  }
0x49: {  	[tilespmem:$0xB810] =	vst v0  }
0x4a: {  	[tilespmem:$0xB820] =	vst v0  }
0x4b: {  	[tilespmem:$0xB830] =	vst v0  }
0x4c: {  	[tilespmem:$0xB840] =	vst v0  }
0x4d: {  	[tilespmem:$0xB850] =	vst v0  }
0x4e: {  	[tilespmem:$0xB860] =	vst v0  }
0x4f: {  	[tilespmem:$0xB870] =	vst v0  }
0x50: {  	[tilespmem:$0xB880] =	vst v0  }
0x51: {  	[tilespmem:$0xB890] =	vst v0  }
0x52: {  	[tilespmem:$0xB8A0] =	vst v0  }
0x53: {  	[tilespmem:$0xB8B0] =	vst v0  }
0x54: {  	[tilespmem:$0xB8C0] =	vst v0  }
0x55: {  	[tilespmem:$0xB8D0] =	vst v0  }
0x56: {  	[tilespmem:$0xB8E0] =	vst v0  }
0x57: {  	[tilespmem:$0xB8F0] =	vst v0  }
0x58: {  	[tilespmem:$0xB900] =	vst v0  }
0x59: {  	[tilespmem:$0xB910] =	vst v0  }
0x5a: {  	[tilespmem:$0xB920] =	vst v0  }
0x5b: {  	[tilespmem:$0xB930] =	vst v0  }
0x5c: {  	[tilespmem:$0xB940] =	vst v0  }
0x5d: {  	[tilespmem:$0xB950] =	vst v0  }
0x5e: {  	[tilespmem:$0xB960] =	vst v0  }
0x5f: {  	[tilespmem:$0xB970] =	vst v0  }
0x60: {  	[tilespmem:$0xB980] =	vst v0  }
0x61: {  	[tilespmem:$0xB990] =	vst v0  }
0x62: {  	[tilespmem:$0xB9A0] =	vst v0  }
0x63: {  	[tilespmem:$0xB9B0] =	vst v0  }
0x64: {  	[tilespmem:$0xB9C0] =	vst v0  }
0x65: {  	[tilespmem:$0xB9D0] =	vst v0  }
0x66: {  	[tilespmem:$0xB9E0] =	vst v0  }
0x67: {  	[tilespmem:$0xB9F0] =	vst v0  }
0x68: {  	[tilespmem:$0xBA00] =	vst v0  }
0x69: {  	[tilespmem:$0xBA10] =	vst v0  }
0x6a: {  	[tilespmem:$0xBA20] =	vst v0  }
0x6b: {  	p1 =	sne.s32 s8, $0x1;
	[tilespmem:$0xBA30] =	vst v0  }
.Ltmp1:
0x6c: {  	[tilespmem:$0xBA40] =	vst v0;
	(pc) =	sbr.rel @!p1 .LBB2_5-.Ltmp1, $4  }
0x6d: {  	[tilespmem:$0xBA50] =	vst v0  }
0x6e: {  	[tilespmem:$0xBA60] =	vst v0  }
0x6f: {  	s0 =	sadd.s32 $0xFFFFFFFF, s8;
	s2 =	smov.u32 s13;
	[tilespmem:$0xBA70] =	vst v0  }
0x70: {  	[spmem:s13] =	stream.linear.scatter [tilespmem:s16], [sflag:$0x2], $0x2800, $0x38;
	[tilespmem:$0x1F580] =	vst v63  }
.LBB2_4:
0x71: {  	p2 =	sne.s32 s0, $0x1  }
.Ltmp2:
0x72: {  	_ = 	snop;
	(pc) =	sbr.rel @p2 .LBB2_4-.Ltmp2, $3  }
0x73: {  	_ = 	snop  }
0x74: {  	s0 =	sadd.s32 $0xFFFFFFFF, s0;
	s2 =	sadd.s32 $0x2800, s2;
	_ =	sdelay $0x1  }
0x75: {  	[spmem:s2] =	stream.linear.scatter [tilespmem:s16], [sflag:$0x2], $0x2800, $0x38;
	[tilespmem:$0x1F580] =	vst v63  }
.LBB2_5:
0x76: {  	s0 =	simm.s32 $0xB800  }
0x77: {  	[spmem:s9] =	stream.linear.scatter [tilespmem:s0], [sflag:$0x2], $0x280, $0x38;
	[tilespmem:$0x1F580] =	vst v63  }
0x78: {  	s12 =	simm.s32 $0x0;
	s2 =	rddreg [dreg:$0x1e]  }
0x79: {  	[tilespmem:s12], [sflag:$0x6] =	stream.linear.gather [hbm4b:s2+s12], $0x2710, $0x38;
	[tilespmem:$0x1F580] =	vst v63  }
0x7a: {  	_ =	swait.ge [sflag:s18], $0x2710  }
0x7b: {  	s6 =	simm.s32 $0x2780;
	s14 =	rddreg [dreg:$0x5];
	[sflag:s18] =	ssyncset.done $0x0  }
0x7c: {  	s28 =	rddreg [dreg:$0x1d];
	[sflag:s18] =	ssyncadd.s32 $0xFFFFD8F0;
	s0 =	sadd.s32 s17, s14  }
0x7d: {  	[tilespmem:s6], [sflag:$0x1] =	stream.linear.gather [hbm4b:s0+s5], $0x50, $0x38;
	[tilespmem:$0x1F580] =	vst v63  }
0x7e: {  	s10 =	rddreg [dreg:$0x1c];
	s2 =	sadd.s32 s17, s28;
	s6 =	simm.s32 $0x2800  }
0x7f: {  	[tilespmem:s6], [sflag:$0x1] =	stream.linear.gather [hbm4b:s2+s5], $0x50, $0x38;
	[tilespmem:$0x1F580] =	vst v63  }
0x80: {  	s12 =	simm.s32 $0x2880;
	s11 =	rddreg [dreg:$0x1b];
	s14 =	sadd.s32 s17, s10  }
0x81: {  	[tilespmem:s12], [sflag:$0x1] =	stream.linear.gather [hbm4b:s14+s5], $0x50, $0x38;
	[tilespmem:$0x1F580] =	vst v63  }
0x82: {  	s28 =	rddreg [dreg:$0x1a];
	s2 =	simm.s32 $0x2900;
	s6 =	sadd.s32 s17, s11  }
0x83: {  	[tilespmem:s2], [sflag:$0x1] =	stream.linear.gather [hbm4b:s6+s5], $0x50, $0x38;
	[tilespmem:$0x1F580] =	vst v63  }
0x84: {  	s11 =	rddreg [dreg:$0x19];
	s12 =	simm.s32 $0x2980;
	s14 =	sadd.s32 s17, s28  }
0x85: {  	[tilespmem:s12], [sflag:$0x1] =	stream.linear.gather [hbm4b:s14+s5], $0x50, $0x38;
	[tilespmem:$0x1F580] =	vst v63  }
0x86: {  	s28 =	rddreg [dreg:$0x18];
	s2 =	simm.s32 $0x2A00;
	s6 =	sadd.s32 s17, s11  }
0x87: {  	[tilespmem:s2], [sflag:$0x1] =	stream.linear.gather [hbm4b:s6+s5], $0x50, $0x38;
	[tilespmem:$0x1F580] =	vst v63  }
0x88: {  	s11 =	rddreg [dreg:$0x17];
	s12 =	simm.s32 $0x2A80;
	s14 =	sadd.s32 s17, s28  }
0x89: {  	[tilespmem:s12], [sflag:$0x1] =	stream.linear.gather [hbm4b:s14+s5], $0x50, $0x38;
	[tilespmem:$0x1F580] =	vst v63  }
0x8a: {  	s28 =	rddreg [dreg:$0x16];
	s2 =	simm.s32 $0x2B00;
	s6 =	sadd.s32 s17, s11  }
0x8b: {  	[tilespmem:s2], [sflag:$0x1] =	stream.linear.gather [hbm4b:s6+s5], $0x50, $0x38;
	[tilespmem:$0x1F580] =	vst v63  }
0x8c: {  	s11 =	rddreg [dreg:$0x15];
	s12 =	simm.s32 $0x2B80;
	s14 =	sadd.s32 s17, s28  }
0x8d: {  	[tilespmem:s12], [sflag:$0x1] =	stream.linear.gather [hbm4b:s14+s5], $0x50, $0x38;
	[tilespmem:$0x1F580] =	vst v63  }
0x8e: {  	s28 =	rddreg [dreg:$0x14];
	s2 =	simm.s32 $0x2C00;
	s6 =	sadd.s32 s17, s11  }
0x8f: {  	[tilespmem:s2], [sflag:$0x1] =	stream.linear.gather [hbm4b:s6+s5], $0x50, $0x38;
	[tilespmem:$0x1F580] =	vst v63  }
0x90: {  	s11 =	rddreg [dreg:$0x13];
	s12 =	simm.s32 $0x2C80;
	s14 =	sadd.s32 s17, s28  }
0x91: {  	[tilespmem:s12], [sflag:$0x1] =	stream.linear.gather [hbm4b:s14+s5], $0x50, $0x38;
	[tilespmem:$0x1F580] =	vst v63  }
0x92: {  	s28 =	rddreg [dreg:$0x12];
	s2 =	simm.s32 $0x2D00;
	s6 =	sadd.s32 s17, s11  }
0x93: {  	[tilespmem:s2], [sflag:$0x1] =	stream.linear.gather [hbm4b:s6+s5], $0x50, $0x38;
	[tilespmem:$0x1F580] =	vst v63  }
0x94: {  	s11 =	rddreg [dreg:$0x11];
	s12 =	simm.s32 $0x2D80;
	s14 =	sadd.s32 s17, s28  }
0x95: {  	[tilespmem:s12], [sflag:$0x1] =	stream.linear.gather [hbm4b:s14+s5], $0x50, $0x38;
	[tilespmem:$0x1F580] =	vst v63  }
0x96: {  	s28 =	rddreg [dreg:$0x10];
	s2 =	simm.s32 $0x2E00;
	s6 =	sadd.s32 s17, s11  }
0x97: {  	[tilespmem:s2], [sflag:$0x1] =	stream.linear.gather [hbm4b:s6+s5], $0x50, $0x38;
	[tilespmem:$0x1F580] =	vst v63  }
0x98: {  	s11 =	rddreg [dreg:$0xf];
	s12 =	simm.s32 $0x2E80;
	s14 =	sadd.s32 s17, s28  }
0x99: {  	[tilespmem:s12], [sflag:$0x1] =	stream.linear.gather [hbm4b:s14+s5], $0x50, $0x38;
	[tilespmem:$0x1F580] =	vst v63  }
0x9a: {  	s28 =	rddreg [dreg:$0xe];
	s2 =	simm.s32 $0x2F00;
	s6 =	sadd.s32 s17, s11  }
0x9b: {  	[tilespmem:s2], [sflag:$0x1] =	stream.linear.gather [hbm4b:s6+s5], $0x50, $0x38;
	[tilespmem:$0x1F580] =	vst v63  }
0x9c: {  	s11 =	rddreg [dreg:$0xd];
	s12 =	simm.s32 $0x2F80;
	s14 =	sadd.s32 s17, s28  }
0x9d: {  	[tilespmem:s12], [sflag:$0x1] =	stream.linear.gather [hbm4b:s14+s5], $0x50, $0x38;
	[tilespmem:$0x1F580] =	vst v63  }
0x9e: {  	s28 =	rddreg [dreg:$0xc];
	s2 =	simm.s32 $0x3000;
	s6 =	sadd.s32 s17, s11  }
0x9f: {  	[tilespmem:s2], [sflag:$0x1] =	stream.linear.gather [hbm4b:s6+s5], $0x50, $0x38;
	[tilespmem:$0x1F580] =	vst v63  }
0xa0: {  	s11 =	rddreg [dreg:$0xb];
	s12 =	simm.s32 $0x3080;
	s14 =	sadd.s32 s17, s28  }
0xa1: {  	[tilespmem:s12], [sflag:$0x1] =	stream.linear.gather [hbm4b:s14+s5], $0x50, $0x38;
	[tilespmem:$0x1F580] =	vst v63  }
0xa2: {  	s28 =	rddreg [dreg:$0xa];
	s2 =	simm.s32 $0x3100;
	s6 =	sadd.s32 s17, s11  }
0xa3: {  	[tilespmem:s2], [sflag:$0x1] =	stream.linear.gather [hbm4b:s6+s5], $0x50, $0x38;
	[tilespmem:$0x1F580] =	vst v63  }
0xa4: {  	s11 =	rddreg [dreg:$0x9];
	s12 =	simm.s32 $0x3180;
	s14 =	sadd.s32 s17, s28  }
0xa5: {  	[tilespmem:s12], [sflag:$0x1] =	stream.linear.gather [hbm4b:s14+s5], $0x50, $0x38;
	[tilespmem:$0x1F580] =	vst v63  }
0xa6: {  	s11 =	sadd.s32 s17, s11;
	s28 =	rddreg [dreg:$0x8];
	s2 =	simm.s32 $0x3200  }
0xa7: {  	[tilespmem:s2], [sflag:$0x1] =	stream.linear.gather [hbm4b:s11+s5], $0x50, $0x38;
	[tilespmem:$0x1F580] =	vst v63  }
0xa8: {  	s6 =	rddreg [dreg:$0x7];
	s12 =	simm.s32 $0x3280;
	s14 =	sadd.s32 s17, s28  }
0xa9: {  	[tilespmem:s12], [sflag:$0x1] =	stream.linear.gather [hbm4b:s14+s5], $0x50, $0x38;
	[tilespmem:$0x1F580] =	vst v63  }
0xaa: {  	s28 =	rddreg [dreg:$0x6];
	s11 =	simm.s32 $0x3300;
	s12 =	sadd.s32 s17, s6  }
0xab: {  	[tilespmem:s11], [sflag:$0x1] =	stream.linear.gather [hbm4b:s12+s5], $0x50, $0x38;
	[tilespmem:$0x1F580] =	vst v63  }
0xac: {  	s28 =	sadd.s32 s17, s28;
	s14 =	simm.s32 $0x3380  }
0xad: {  	[tilespmem:s14], [sflag:$0x1] =	stream.linear.gather [hbm4b:s28+s5], $0x50, $0x38;
	[tilespmem:$0x1F580] =	vst v63  }
0xae: {  	_ =	swait.ge [sflag:s19], $0x50  }
0xaf: {  	[sflag:s19] =	ssyncset.done $0x0  }
0xb0: {  	[sflag:s19] =	ssyncadd.s32 $0xFFFFFFB0  }
0xb1: {  	_ =	swait.ge [sflag:s19], $0x50  }
0xb2: {  	[sflag:s19] =	ssyncset.done $0x0  }
0xb3: {  	[sflag:s19] =	ssyncadd.s32 $0xFFFFFFB0  }
0xb4: {  	_ =	swait.ge [sflag:s19], $0x50  }
0xb5: {  	[sflag:s19] =	ssyncset.done $0x0  }
0xb6: {  	[sflag:s19] =	ssyncadd.s32 $0xFFFFFFB0  }
0xb7: {  	_ =	swait.ge [sflag:s19], $0x50  }
0xb8: {  	[sflag:s19] =	ssyncset.done $0x0  }
0xb9: {  	[sflag:s19] =	ssyncadd.s32 $0xFFFFFFB0  }
0xba: {  	_ =	swait.ge [sflag:s19], $0x50  }
0xbb: {  	[sflag:s19] =	ssyncset.done $0x0  }
0xbc: {  	[sflag:s19] =	ssyncadd.s32 $0xFFFFFFB0  }
0xbd: {  	_ =	swait.ge [sflag:s19], $0x50  }
0xbe: {  	[sflag:s19] =	ssyncset.done $0x0  }
0xbf: {  	[sflag:s19] =	ssyncadd.s32 $0xFFFFFFB0  }
0xc0: {  	_ =	swait.ge [sflag:s19], $0x50  }
0xc1: {  	[sflag:s19] =	ssyncset.done $0x0  }
0xc2: {  	[sflag:s19] =	ssyncadd.s32 $0xFFFFFFB0  }
0xc3: {  	_ =	swait.ge [sflag:s19], $0x50  }
0xc4: {  	[sflag:s19] =	ssyncset.done $0x0  }
0xc5: {  	[sflag:s19] =	ssyncadd.s32 $0xFFFFFFB0  }
0xc6: {  	_ =	swait.ge [sflag:s19], $0x50  }
0xc7: {  	[sflag:s19] =	ssyncset.done $0x0  }
0xc8: {  	[sflag:s19] =	ssyncadd.s32 $0xFFFFFFB0  }
0xc9: {  	_ =	swait.ge [sflag:s19], $0x50  }
0xca: {  	[sflag:s19] =	ssyncset.done $0x0  }
0xcb: {  	[sflag:s19] =	ssyncadd.s32 $0xFFFFFFB0  }
0xcc: {  	_ =	swait.ge [sflag:s19], $0x50  }
0xcd: {  	[sflag:s19] =	ssyncset.done $0x0  }
0xce: {  	[sflag:s19] =	ssyncadd.s32 $0xFFFFFFB0  }
0xcf: {  	_ =	swait.ge [sflag:s19], $0x50  }
0xd0: {  	[sflag:s19] =	ssyncset.done $0x0  }
0xd1: {  	[sflag:s19] =	ssyncadd.s32 $0xFFFFFFB0  }
0xd2: {  	_ =	swait.ge [sflag:s19], $0x50  }
0xd3: {  	[sflag:s19] =	ssyncset.done $0x0  }
0xd4: {  	[sflag:s19] =	ssyncadd.s32 $0xFFFFFFB0  }
0xd5: {  	_ =	swait.ge [sflag:s19], $0x50  }
0xd6: {  	[sflag:s19] =	ssyncset.done $0x0  }
0xd7: {  	[sflag:s19] =	ssyncadd.s32 $0xFFFFFFB0  }
0xd8: {  	_ =	swait.ge [sflag:s19], $0x50  }
0xd9: {  	[sflag:s19] =	ssyncset.done $0x0  }
0xda: {  	[sflag:s19] =	ssyncadd.s32 $0xFFFFFFB0  }
0xdb: {  	_ =	swait.ge [sflag:s19], $0x50  }
0xdc: {  	[sflag:s19] =	ssyncset.done $0x0  }
0xdd: {  	[sflag:s19] =	ssyncadd.s32 $0xFFFFFFB0  }
0xde: {  	_ =	swait.ge [sflag:s19], $0x50  }
0xdf: {  	[sflag:s19] =	ssyncset.done $0x0  }
0xe0: {  	[sflag:s19] =	ssyncadd.s32 $0xFFFFFFB0  }
0xe1: {  	_ =	swait.ge [sflag:s19], $0x50  }
0xe2: {  	[sflag:s19] =	ssyncset.done $0x0  }
0xe3: {  	[sflag:s19] =	ssyncadd.s32 $0xFFFFFFB0  }
0xe4: {  	_ =	swait.ge [sflag:s19], $0x50  }
0xe5: {  	[sflag:s19] =	ssyncset.done $0x0  }
0xe6: {  	[sflag:s19] =	ssyncadd.s32 $0xFFFFFFB0  }
0xe7: {  	_ =	swait.ge [sflag:s19], $0x50  }
0xe8: {  	[sflag:s19] =	ssyncset.done $0x0  }
0xe9: {  	[sflag:s19] =	ssyncadd.s32 $0xFFFFFFB0  }
0xea: {  	_ =	swait.ge [sflag:s19], $0x50  }
0xeb: {  	[sflag:s19] =	ssyncset.done $0x0  }
0xec: {  	[sflag:s19] =	ssyncadd.s32 $0xFFFFFFB0  }
0xed: {  	_ =	swait.ge [sflag:s19], $0x50  }
0xee: {  	[sflag:s19] =	ssyncset.done $0x0  }
0xef: {  	[sflag:s19] =	ssyncadd.s32 $0xFFFFFFB0  }
0xf0: {  	_ =	swait.ge [sflag:s19], $0x50  }
0xf1: {  	[sflag:s19] =	ssyncset.done $0x0  }
0xf2: {  	[sflag:s19] =	ssyncadd.s32 $0xFFFFFFB0  }
0xf3: {  	_ =	swait.ge [sflag:s19], $0x50  }
0xf4: {  	[sflag:s19] =	ssyncset.done $0x0  }
0xf5: {  	[sflag:s19] =	ssyncadd.s32 $0xFFFFFFB0  }
0xf6: {  	s0 =	simm.s32 $0x6400;
	s2 =	simm.s32 $0x3200;
	_ =	swait.ge [sflag:s19], $0x50  }
0xf7: {  	s6 =	smov.u32 s17;
	s12 =	rddreg [dreg:$0x5];
	[sflag:s19] =	ssyncset.done $0x0  }
.LBB2_6:
0xf8: {  	[sflag:s19] =	ssyncadd.s32 $0xFFFFFFB0;
	s6 =	sadd.s32 $0xFA, s6;
	s10 =	sshra.s32 s2, $0x2  }
0xf9: {  	s2 =	rddreg [dreg:$0x1d];
	s14 =	sadd.s32 $0x2780, s10;
	s12 =	sadd.s32 s6, s12  }
0xfa: {  	[tilespmem:s14], [sflag:$0x1] =	stream.linear.gather [hbm4b:s12+s5], $0x50, $0x38;
	[tilespmem:$0x1F580] =	vst v63  }
0xfb: {  	s28 =	rddreg [dreg:$0x1c];
	s2 =	sadd.s32 s6, s2;
	s12 =	sadd.s32 $0x2800, s10  }
0xfc: {  	[tilespmem:s12], [sflag:$0x1] =	stream.linear.gather [hbm4b:s2+s5], $0x50, $0x38;
	[tilespmem:$0x1F580] =	vst v63  }
0xfd: {  	s14 =	rddreg [dreg:$0x1b];
	s2 =	sadd.s32 $0x2880, s10;
	s12 =	sadd.s32 s6, s28  }
0xfe: {  	[tilespmem:s2], [sflag:$0x1] =	stream.linear.gather [hbm4b:s12+s5], $0x50, $0x38;
	[tilespmem:$0x1F580] =	vst v63  }
0xff: {  	s28 =	rddreg [dreg:$0x1a];
	s2 =	sadd.s32 $0x2900, s10;
	s12 =	sadd.s32 s6, s14  }
0x100: {  	[tilespmem:s2], [sflag:$0x1] =	stream.linear.gather [hbm4b:s12+s5], $0x50, $0x38;
	[tilespmem:$0x1F580] =	vst v63  }
0x101: {  	s14 =	rddreg [dreg:$0x19];
	s2 =	sadd.s32 $0x2980, s10;
	s12 =	sadd.s32 s6, s28  }
0x102: {  	[tilespmem:s2], [sflag:$0x1] =	stream.linear.gather [hbm4b:s12+s5], $0x50, $0x38;
	[tilespmem:$0x1F580] =	vst v63  }
0x103: {  	s28 =	rddreg [dreg:$0x18];
	s2 =	sadd.s32 $0x2A00, s10;
	s12 =	sadd.s32 s6, s14  }
0x104: {  	[tilespmem:s2], [sflag:$0x1] =	stream.linear.gather [hbm4b:s12+s5], $0x50, $0x38;
	[tilespmem:$0x1F580] =	vst v63  }
0x105: {  	s14 =	rddreg [dreg:$0x17];
	s2 =	sadd.s32 $0x2A80, s10;
	s12 =	sadd.s32 s6, s28  }
0x106: {  	[tilespmem:s2], [sflag:$0x1] =	stream.linear.gather [hbm4b:s12+s5], $0x50, $0x38;
	[tilespmem:$0x1F580] =	vst v63  }
0x107: {  	s28 =	rddreg [dreg:$0x16];
	s2 =	sadd.s32 $0x2B00, s10;
	s12 =	sadd.s32 s6, s14  }
0x108: {  	[tilespmem:s2], [sflag:$0x1] =	stream.linear.gather [hbm4b:s12+s5], $0x50, $0x38;
	[tilespmem:$0x1F580] =	vst v63  }
0x109: {  	s14 =	rddreg [dreg:$0x15];
	s2 =	sadd.s32 $0x2B80, s10;
	s12 =	sadd.s32 s6, s28  }
0x10a: {  	[tilespmem:s2], [sflag:$0x1] =	stream.linear.gather [hbm4b:s12+s5], $0x50, $0x38;
	[tilespmem:$0x1F580] =	vst v63  }
0x10b: {  	s28 =	rddreg [dreg:$0x14];
	s2 =	sadd.s32 $0x2C00, s10;
	s12 =	sadd.s32 s6, s14  }
0x10c: {  	[tilespmem:s2], [sflag:$0x1] =	stream.linear.gather [hbm4b:s12+s5], $0x50, $0x38;
	[tilespmem:$0x1F580] =	vst v63  }
0x10d: {  	s14 =	rddreg [dreg:$0x13];
	s2 =	sadd.s32 $0x2C80, s10;
	s12 =	sadd.s32 s6, s28  }
0x10e: {  	[tilespmem:s2], [sflag:$0x1] =	stream.linear.gather [hbm4b:s12+s5], $0x50, $0x38;
	[tilespmem:$0x1F580] =	vst v63  }
0x10f: {  	s28 =	rddreg [dreg:$0x12];
	s2 =	sadd.s32 $0x2D00, s10;
	s12 =	sadd.s32 s6, s14  }
0x110: {  	[tilespmem:s2], [sflag:$0x1] =	stream.linear.gather [hbm4b:s12+s5], $0x50, $0x38;
	[tilespmem:$0x1F580] =	vst v63  }
0x111: {  	s14 =	rddreg [dreg:$0x11];
	s2 =	sadd.s32 $0x2D80, s10;
	s12 =	sadd.s32 s6, s28  }
0x112: {  	[tilespmem:s2], [sflag:$0x1] =	stream.linear.gather [hbm4b:s12+s5], $0x50, $0x38;
	[tilespmem:$0x1F580] =	vst v63  }
0x113: {  	s28 =	rddreg [dreg:$0x10];
	s2 =	sadd.s32 $0x2E00, s10;
	s12 =	sadd.s32 s6, s14  }
0x114: {  	[tilespmem:s2], [sflag:$0x1] =	stream.linear.gather [hbm4b:s12+s5], $0x50, $0x38;
	[tilespmem:$0x1F580] =	vst v63  }
0x115: {  	s14 =	rddreg [dreg:$0xf];
	s2 =	sadd.s32 $0x2E80, s10;
	s12 =	sadd.s32 s6, s28  }
0x116: {  	[tilespmem:s2], [sflag:$0x1] =	stream.linear.gather [hbm4b:s12+s5], $0x50, $0x38;
	[tilespmem:$0x1F580] =	vst v63  }
0x117: {  	s28 =	rddreg [dreg:$0xe];
	s2 =	sadd.s32 $0x2F00, s10;
	s12 =	sadd.s32 s6, s14  }
0x118: {  	[tilespmem:s2], [sflag:$0x1] =	stream.linear.gather [hbm4b:s12+s5], $0x50, $0x38;
	[tilespmem:$0x1F580] =	vst v63  }
0x119: {  	s14 =	rddreg [dreg:$0xd];
	s2 =	sadd.s32 $0x2F80, s10;
	s12 =	sadd.s32 s6, s28  }
0x11a: {  	[tilespmem:s2], [sflag:$0x1] =	stream.linear.gather [hbm4b:s12+s5], $0x50, $0x38;
	[tilespmem:$0x1F580] =	vst v63  }
0x11b: {  	s28 =	rddreg [dreg:$0xc];
	s2 =	sadd.s32 $0x3000, s10;
	s12 =	sadd.s32 s6, s14  }
0x11c: {  	[tilespmem:s2], [sflag:$0x1] =	stream.linear.gather [hbm4b:s12+s5], $0x50, $0x38;
	[tilespmem:$0x1F580] =	vst v63  }
0x11d: {  	s14 =	rddreg [dreg:$0xb];
	s2 =	sadd.s32 $0x3080, s10;
	s12 =	sadd.s32 s6, s28  }
0x11e: {  	[tilespmem:s2], [sflag:$0x1] =	stream.linear.gather [hbm4b:s12+s5], $0x50, $0x38;
	[tilespmem:$0x1F580] =	vst v63  }
0x11f: {  	s28 =	rddreg [dreg:$0xa];
	s2 =	sadd.s32 $0x3100, s10;
	s12 =	sadd.s32 s6, s14  }
0x120: {  	[tilespmem:s2], [sflag:$0x1] =	stream.linear.gather [hbm4b:s12+s5], $0x50, $0x38;
	[tilespmem:$0x1F580] =	vst v63  }
0x121: {  	s14 =	rddreg [dreg:$0x9];
	s2 =	sadd.s32 $0x3180, s10;
	s12 =	sadd.s32 s6, s28  }
0x122: {  	[tilespmem:s2], [sflag:$0x1] =	stream.linear.gather [hbm4b:s12+s5], $0x50, $0x38;
	[tilespmem:$0x1F580] =	vst v63  }
0x123: {  	s28 =	rddreg [dreg:$0x8];
	s2 =	sadd.s32 $0x3200, s10;
	s12 =	sadd.s32 s6, s14  }
0x124: {  	[tilespmem:s2], [sflag:$0x1] =	stream.linear.gather [hbm4b:s12+s5], $0x50, $0x38;
	[tilespmem:$0x1F580] =	vst v63  }
0x125: {  	s14 =	rddreg [dreg:$0x7];
	s2 =	sadd.s32 $0x3280, s10;
	s12 =	sadd.s32 s6, s28  }
0x126: {  	[tilespmem:s2], [sflag:$0x1] =	stream.linear.gather [hbm4b:s12+s5], $0x50, $0x38;
	[tilespmem:$0x1F580] =	vst v63  }
0x127: {  	s14 =	sadd.s32 s6, s14;
	s28 =	rddreg [dreg:$0x6];
	s12 =	sadd.s32 $0x3300, s10  }
0x128: {  	[tilespmem:s12], [sflag:$0x1] =	stream.linear.gather [hbm4b:s14+s5], $0x50, $0x38;
	[tilespmem:$0x1F580] =	vst v63  }
0x129: {  	s28 =	sadd.s32 s6, s28;
	s10 =	sadd.s32 $0x3380, s10  }
0x12a: {  	[tilespmem:s10], [sflag:$0x1] =	stream.linear.gather [hbm4b:s28+s5], $0x50, $0x38;
	[tilespmem:$0x1F580] =	vst v63  }
0x12b: {  	_ =	swait.ge [sflag:s19], $0x50  }
0x12c: {  	[sflag:s19] =	ssyncset.done $0x0  }
0x12d: {  	[sflag:s19] =	ssyncadd.s32 $0xFFFFFFB0  }
0x12e: {  	_ =	swait.ge [sflag:s19], $0x50  }
0x12f: {  	[sflag:s19] =	ssyncset.done $0x0  }
0x130: {  	[sflag:s19] =	ssyncadd.s32 $0xFFFFFFB0  }
0x131: {  	_ =	swait.ge [sflag:s19], $0x50  }
0x132: {  	[sflag:s19] =	ssyncset.done $0x0  }
0x133: {  	[sflag:s19] =	ssyncadd.s32 $0xFFFFFFB0  }
0x134: {  	_ =	swait.ge [sflag:s19], $0x50  }
0x135: {  	[sflag:s19] =	ssyncset.done $0x0  }
0x136: {  	[sflag:s19] =	ssyncadd.s32 $0xFFFFFFB0  }
0x137: {  	_ =	swait.ge [sflag:s19], $0x50  }
0x138: {  	[sflag:s19] =	ssyncset.done $0x0  }
0x139: {  	[sflag:s19] =	ssyncadd.s32 $0xFFFFFFB0  }
0x13a: {  	_ =	swait.ge [sflag:s19], $0x50  }
0x13b: {  	[sflag:s19] =	ssyncset.done $0x0  }
0x13c: {  	[sflag:s19] =	ssyncadd.s32 $0xFFFFFFB0  }
0x13d: {  	_ =	swait.ge [sflag:s19], $0x50  }
0x13e: {  	[sflag:s19] =	ssyncset.done $0x0  }
0x13f: {  	[sflag:s19] =	ssyncadd.s32 $0xFFFFFFB0  }
0x140: {  	_ =	swait.ge [sflag:s19], $0x50  }
0x141: {  	[sflag:s19] =	ssyncset.done $0x0  }
0x142: {  	[sflag:s19] =	ssyncadd.s32 $0xFFFFFFB0  }
0x143: {  	_ =	swait.ge [sflag:s19], $0x50  }
0x144: {  	[sflag:s19] =	ssyncset.done $0x0  }
0x145: {  	[sflag:s19] =	ssyncadd.s32 $0xFFFFFFB0  }
0x146: {  	_ =	swait.ge [sflag:s19], $0x50  }
0x147: {  	[sflag:s19] =	ssyncset.done $0x0  }
0x148: {  	[sflag:s19] =	ssyncadd.s32 $0xFFFFFFB0  }
0x149: {  	_ =	swait.ge [sflag:s19], $0x50  }
0x14a: {  	[sflag:s19] =	ssyncset.done $0x0  }
0x14b: {  	[sflag:s19] =	ssyncadd.s32 $0xFFFFFFB0  }
0x14c: {  	_ =	swait.ge [sflag:s19], $0x50  }
0x14d: {  	[sflag:s19] =	ssyncset.done $0x0  }
0x14e: {  	[sflag:s19] =	ssyncadd.s32 $0xFFFFFFB0  }
0x14f: {  	_ =	swait.ge [sflag:s19], $0x50  }
0x150: {  	[sflag:s19] =	ssyncset.done $0x0  }
0x151: {  	[sflag:s19] =	ssyncadd.s32 $0xFFFFFFB0  }
0x152: {  	_ =	swait.ge [sflag:s19], $0x50  }
0x153: {  	[sflag:s19] =	ssyncset.done $0x0  }
0x154: {  	[sflag:s19] =	ssyncadd.s32 $0xFFFFFFB0  }
0x155: {  	_ =	swait.ge [sflag:s19], $0x50  }
0x156: {  	[sflag:s19] =	ssyncset.done $0x0  }
0x157: {  	[sflag:s19] =	ssyncadd.s32 $0xFFFFFFB0  }
0x158: {  	_ =	swait.ge [sflag:s19], $0x50  }
0x159: {  	[sflag:s19] =	ssyncset.done $0x0  }
0x15a: {  	[sflag:s19] =	ssyncadd.s32 $0xFFFFFFB0  }
0x15b: {  	_ =	swait.ge [sflag:s19], $0x50  }
0x15c: {  	[sflag:s19] =	ssyncset.done $0x0  }
0x15d: {  	[sflag:s19] =	ssyncadd.s32 $0xFFFFFFB0  }
0x15e: {  	_ =	swait.ge [sflag:s19], $0x50  }
0x15f: {  	[sflag:s19] =	ssyncset.done $0x0  }
0x160: {  	[sflag:s19] =	ssyncadd.s32 $0xFFFFFFB0  }
0x161: {  	_ =	swait.ge [sflag:s19], $0x50  }
0x162: {  	[sflag:s19] =	ssyncset.done $0x0  }
0x163: {  	[sflag:s19] =	ssyncadd.s32 $0xFFFFFFB0  }
0x164: {  	_ =	swait.ge [sflag:s19], $0x50  }
0x165: {  	[sflag:s19] =	ssyncset.done $0x0  }
0x166: {  	[sflag:s19] =	ssyncadd.s32 $0xFFFFFFB0  }
0x167: {  	_ =	swait.ge [sflag:s19], $0x50  }
0x168: {  	[sflag:s19] =	ssyncset.done $0x0  }
0x169: {  	[sflag:s19] =	ssyncadd.s32 $0xFFFFFFB0  }
0x16a: {  	_ =	swait.ge [sflag:s19], $0x50  }
0x16b: {  	[sflag:s19] =	ssyncset.done $0x0  }
0x16c: {  	[sflag:s19] =	ssyncadd.s32 $0xFFFFFFB0  }
0x16d: {  	_ =	swait.ge [sflag:s19], $0x50  }
0x16e: {  	[sflag:s19] =	ssyncset.done $0x0  }
0x16f: {  	p2 =	sne.s32 s0, $0xC800;
	[sflag:s19] =	ssyncadd.s32 $0xFFFFFFB0  }
.Ltmp3:
0x170: {  	_ =	swait.ge [sflag:s19], $0x50;
	(pc) =	sbr.rel @p2 .LBB2_6-.Ltmp3, $4  }
0x171: {  	[sflag:s19] =	ssyncset.done $0x0  }
0x172: {  	[sflag:s19] =	ssyncadd.s32 $0xFFFFFFB0  }
0x173: {  	s11 =	smov.u32 s0;
	s0 =	sadd.s32 $0x3200, s0;
	_ =	swait.ge [sflag:s19], $0x50  }
0x174: {  	s2 =	smov.u32 s11;
	s12 =	rddreg [dreg:$0x5];
	[sflag:s19] =	ssyncset.done $0x0  }
0x175: {  	[sflag:s19] =	ssyncadd.s32 $0xFFFFFFB0;
	s0 =	sadd.s32 $0xFA, s6;
	s2 =	sshra.s32 s2, $0x2  }
0x176: {  	s14 =	rddreg [dreg:$0x1d];
	s10 =	sadd.s32 $0x2780, s2;
	s11 =	sadd.s32 s0, s12  }
0x177: {  	[tilespmem:s10], [sflag:$0x1] =	stream.linear.gather [hbm4b:s11+s5], $0x50, $0x38;
	[tilespmem:$0x1F580] =	vst v63  }
0x178: {  	s12 =	rddreg [dreg:$0x1c];
	s28 =	sadd.s32 $0x2800, s2;
	s6 =	sadd.s32 s0, s14  }
0x179: {  	[tilespmem:s28], [sflag:$0x1] =	stream.linear.gather [hbm4b:s6+s5], $0x50, $0x38;
	[tilespmem:$0x1F580] =	vst v63  }
0x17a: {  	s14 =	sadd.s32 $0x2880, s2;
	s11 =	rddreg [dreg:$0x1b];
	s28 =	sadd.s32 s0, s12  }
0x17b: {  	[tilespmem:s14], [sflag:$0x1] =	stream.linear.gather [hbm4b:s28+s5], $0x50, $0x38;
	[tilespmem:$0x1F580] =	vst v63  }
0x17c: {  	s12 =	rddreg [dreg:$0x1a];
	s14 =	sadd.s32 $0x2900, s2;
	s28 =	sadd.s32 s0, s11  }
0x17d: {  	[tilespmem:s14], [sflag:$0x1] =	stream.linear.gather [hbm4b:s28+s5], $0x50, $0x38;
	[tilespmem:$0x1F580] =	vst v63  }
0x17e: {  	s11 =	rddreg [dreg:$0x19];
	s14 =	sadd.s32 $0x2980, s2;
	s28 =	sadd.s32 s0, s12  }
0x17f: {  	[tilespmem:s14], [sflag:$0x1] =	stream.linear.gather [hbm4b:s28+s5], $0x50, $0x38;
	[tilespmem:$0x1F580] =	vst v63  }
0x180: {  	s12 =	rddreg [dreg:$0x18];
	s14 =	sadd.s32 $0x2A00, s2;
	s28 =	sadd.s32 s0, s11  }
0x181: {  	[tilespmem:s14], [sflag:$0x1] =	stream.linear.gather [hbm4b:s28+s5], $0x50, $0x38;
	[tilespmem:$0x1F580] =	vst v63  }
0x182: {  	s11 =	rddreg [dreg:$0x17];
	s14 =	sadd.s32 $0x2A80, s2;
	s28 =	sadd.s32 s0, s12  }
0x183: {  	[tilespmem:s14], [sflag:$0x1] =	stream.linear.gather [hbm4b:s28+s5], $0x50, $0x38;
	[tilespmem:$0x1F580] =	vst v63  }
0x184: {  	s12 =	rddreg [dreg:$0x16];
	s14 =	sadd.s32 $0x2B00, s2;
	s28 =	sadd.s32 s0, s11  }
0x185: {  	[tilespmem:s14], [sflag:$0x1] =	stream.linear.gather [hbm4b:s28+s5], $0x50, $0x38;
	[tilespmem:$0x1F580] =	vst v63  }
0x186: {  	s11 =	rddreg [dreg:$0x15];
	s14 =	sadd.s32 $0x2B80, s2;
	s28 =	sadd.s32 s0, s12  }
0x187: {  	[tilespmem:s14], [sflag:$0x1] =	stream.linear.gather [hbm4b:s28+s5], $0x50, $0x38;
	[tilespmem:$0x1F580] =	vst v63  }
0x188: {  	s12 =	rddreg [dreg:$0x14];
	s14 =	sadd.s32 $0x2C00, s2;
	s28 =	sadd.s32 s0, s11  }
0x189: {  	[tilespmem:s14], [sflag:$0x1] =	stream.linear.gather [hbm4b:s28+s5], $0x50, $0x38;
	[tilespmem:$0x1F580] =	vst v63  }
0x18a: {  	s11 =	rddreg [dreg:$0x13];
	s14 =	sadd.s32 $0x2C80, s2;
	s28 =	sadd.s32 s0, s12  }
0x18b: {  	[tilespmem:s14], [sflag:$0x1] =	stream.linear.gather [hbm4b:s28+s5], $0x50, $0x38;
	[tilespmem:$0x1F580] =	vst v63  }
0x18c: {  	s12 =	rddreg [dreg:$0x12];
	s14 =	sadd.s32 $0x2D00, s2;
	s28 =	sadd.s32 s0, s11  }
0x18d: {  	[tilespmem:s14], [sflag:$0x1] =	stream.linear.gather [hbm4b:s28+s5], $0x50, $0x38;
	[tilespmem:$0x1F580] =	vst v63  }
0x18e: {  	s11 =	rddreg [dreg:$0x11];
	s14 =	sadd.s32 $0x2D80, s2;
	s28 =	sadd.s32 s0, s12  }
0x18f: {  	[tilespmem:s14], [sflag:$0x1] =	stream.linear.gather [hbm4b:s28+s5], $0x50, $0x38;
	[tilespmem:$0x1F580] =	vst v63  }
0x190: {  	s12 =	rddreg [dreg:$0x10];
	s14 =	sadd.s32 $0x2E00, s2;
	s28 =	sadd.s32 s0, s11  }
0x191: {  	[tilespmem:s14], [sflag:$0x1] =	stream.linear.gather [hbm4b:s28+s5], $0x50, $0x38;
	[tilespmem:$0x1F580] =	vst v63  }
0x192: {  	s11 =	rddreg [dreg:$0xf];
	s14 =	sadd.s32 $0x2E80, s2;
	s28 =	sadd.s32 s0, s12  }
0x193: {  	[tilespmem:s14], [sflag:$0x1] =	stream.linear.gather [hbm4b:s28+s5], $0x50, $0x38;
	[tilespmem:$0x1F580] =	vst v63  }
0x194: {  	s12 =	rddreg [dreg:$0xe];
	s14 =	sadd.s32 $0x2F00, s2;
	s28 =	sadd.s32 s0, s11  }
0x195: {  	[tilespmem:s14], [sflag:$0x1] =	stream.linear.gather [hbm4b:s28+s5], $0x50, $0x38;
	[tilespmem:$0x1F580] =	vst v63  }
0x196: {  	s11 =	rddreg [dreg:$0xd];
	s14 =	sadd.s32 $0x2F80, s2;
	s28 =	sadd.s32 s0, s12  }
0x197: {  	[tilespmem:s14], [sflag:$0x1] =	stream.linear.gather [hbm4b:s28+s5], $0x50, $0x38;
	[tilespmem:$0x1F580] =	vst v63  }
0x198: {  	s12 =	rddreg [dreg:$0xc];
	s14 =	sadd.s32 $0x3000, s2;
	s28 =	sadd.s32 s0, s11  }
0x199: {  	[tilespmem:s14], [sflag:$0x1] =	stream.linear.gather [hbm4b:s28+s5], $0x50, $0x38;
	[tilespmem:$0x1F580] =	vst v63  }
0x19a: {  	s11 =	rddreg [dreg:$0xb];
	s14 =	sadd.s32 $0x3080, s2;
	s28 =	sadd.s32 s0, s12  }
0x19b: {  	[tilespmem:s14], [sflag:$0x1] =	stream.linear.gather [hbm4b:s28+s5], $0x50, $0x38;
	[tilespmem:$0x1F580] =	vst v63  }
0x19c: {  	s12 =	rddreg [dreg:$0xa];
	s14 =	sadd.s32 $0x3100, s2;
	s28 =	sadd.s32 s0, s11  }
0x19d: {  	[tilespmem:s14], [sflag:$0x1] =	stream.linear.gather [hbm4b:s28+s5], $0x50, $0x38;
	[tilespmem:$0x1F580] =	vst v63  }
0x19e: {  	s11 =	rddreg [dreg:$0x9];
	s14 =	sadd.s32 $0x3180, s2;
	s28 =	sadd.s32 s0, s12  }
0x19f: {  	[tilespmem:s14], [sflag:$0x1] =	stream.linear.gather [hbm4b:s28+s5], $0x50, $0x38;
	[tilespmem:$0x1F580] =	vst v63  }
0x1a0: {  	s12 =	rddreg [dreg:$0x8];
	s14 =	sadd.s32 $0x3200, s2;
	s28 =	sadd.s32 s0, s11  }
0x1a1: {  	[tilespmem:s14], [sflag:$0x1] =	stream.linear.gather [hbm4b:s28+s5], $0x50, $0x38;
	[tilespmem:$0x1F580] =	vst v63  }
0x1a2: {  	s11 =	rddreg [dreg:$0x7];
	s14 =	sadd.s32 $0x3280, s2;
	s28 =	sadd.s32 s0, s12  }
0x1a3: {  	[tilespmem:s14], [sflag:$0x1] =	stream.linear.gather [hbm4b:s28+s5], $0x50, $0x38;
	[tilespmem:$0x1F580] =	vst v63  }
0x1a4: {  	s12 =	rddreg [dreg:$0x6];
	s14 =	sadd.s32 $0x3300, s2;
	s28 =	sadd.s32 s0, s11  }
0x1a5: {  	[tilespmem:s14], [sflag:$0x1] =	stream.linear.gather [hbm4b:s28+s5], $0x50, $0x38;
	[tilespmem:$0x1F580] =	vst v63  }
0x1a6: {  	s2 =	sadd.s32 $0x3380, s2;
	s0 =	sadd.s32 s0, s12  }
0x1a7: {  	[tilespmem:s2], [sflag:$0x1] =	stream.linear.gather [hbm4b:s0+s5], $0x50, $0x38;
	[tilespmem:$0x1F580] =	vst v63  }
0x1a8: {  	_ =	swait.ge [sflag:s19], $0x50  }
0x1a9: {  	[sflag:s19] =	ssyncset.done $0x0  }
0x1aa: {  	[sflag:s19] =	ssyncadd.s32 $0xFFFFFFB0  }
0x1ab: {  	_ =	swait.ge [sflag:s19], $0x50  }
0x1ac: {  	[sflag:s19] =	ssyncset.done $0x0  }
0x1ad: {  	[sflag:s19] =	ssyncadd.s32 $0xFFFFFFB0  }
0x1ae: {  	_ =	swait.ge [sflag:s19], $0x50  }
0x1af: {  	[sflag:s19] =	ssyncset.done $0x0  }
0x1b0: {  	[sflag:s19] =	ssyncadd.s32 $0xFFFFFFB0  }
0x1b1: {  	_ =	swait.ge [sflag:s19], $0x50  }
0x1b2: {  	[sflag:s19] =	ssyncset.done $0x0  }
0x1b3: {  	[sflag:s19] =	ssyncadd.s32 $0xFFFFFFB0  }
0x1b4: {  	_ =	swait.ge [sflag:s19], $0x50  }
0x1b5: {  	[sflag:s19] =	ssyncset.done $0x0  }
0x1b6: {  	[sflag:s19] =	ssyncadd.s32 $0xFFFFFFB0  }
0x1b7: {  	_ =	swait.ge [sflag:s19], $0x50  }
0x1b8: {  	[sflag:s19] =	ssyncset.done $0x0  }
0x1b9: {  	[sflag:s19] =	ssyncadd.s32 $0xFFFFFFB0  }
0x1ba: {  	_ =	swait.ge [sflag:s19], $0x50  }
0x1bb: {  	[sflag:s19] =	ssyncset.done $0x0  }
0x1bc: {  	[sflag:s19] =	ssyncadd.s32 $0xFFFFFFB0  }
0x1bd: {  	_ =	swait.ge [sflag:s19], $0x50  }
0x1be: {  	[sflag:s19] =	ssyncset.done $0x0  }
0x1bf: {  	[sflag:s19] =	ssyncadd.s32 $0xFFFFFFB0  }
0x1c0: {  	_ =	swait.ge [sflag:s19], $0x50  }
0x1c1: {  	[sflag:s19] =	ssyncset.done $0x0  }
0x1c2: {  	[sflag:s19] =	ssyncadd.s32 $0xFFFFFFB0  }
0x1c3: {  	_ =	swait.ge [sflag:s19], $0x50  }
0x1c4: {  	[sflag:s19] =	ssyncset.done $0x0  }
0x1c5: {  	[sflag:s19] =	ssyncadd.s32 $0xFFFFFFB0  }
0x1c6: {  	_ =	swait.ge [sflag:s19], $0x50  }
0x1c7: {  	[sflag:s19] =	ssyncset.done $0x0  }
0x1c8: {  	[sflag:s19] =	ssyncadd.s32 $0xFFFFFFB0  }
0x1c9: {  	_ =	swait.ge [sflag:s19], $0x50  }
0x1ca: {  	[sflag:s19] =	ssyncset.done $0x0  }
0x1cb: {  	[sflag:s19] =	ssyncadd.s32 $0xFFFFFFB0  }
0x1cc: {  	_ =	swait.ge [sflag:s19], $0x50  }
0x1cd: {  	[sflag:s19] =	ssyncset.done $0x0  }
0x1ce: {  	[sflag:s19] =	ssyncadd.s32 $0xFFFFFFB0  }
0x1cf: {  	_ =	swait.ge [sflag:s19], $0x50  }
0x1d0: {  	[sflag:s19] =	ssyncset.done $0x0  }
0x1d1: {  	[sflag:s19] =	ssyncadd.s32 $0xFFFFFFB0  }
0x1d2: {  	_ =	swait.ge [sflag:s19], $0x50  }
0x1d3: {  	[sflag:s19] =	ssyncset.done $0x0  }
0x1d4: {  	[sflag:s19] =	ssyncadd.s32 $0xFFFFFFB0  }
0x1d5: {  	_ =	swait.ge [sflag:s19], $0x50  }
0x1d6: {  	[sflag:s19] =	ssyncset.done $0x0  }
0x1d7: {  	[sflag:s19] =	ssyncadd.s32 $0xFFFFFFB0  }
0x1d8: {  	_ =	swait.ge [sflag:s19], $0x50  }
0x1d9: {  	[sflag:s19] =	ssyncset.done $0x0  }
0x1da: {  	[sflag:s19] =	ssyncadd.s32 $0xFFFFFFB0  }
0x1db: {  	_ =	swait.ge [sflag:s19], $0x50  }
0x1dc: {  	[sflag:s19] =	ssyncset.done $0x0  }
0x1dd: {  	[sflag:s19] =	ssyncadd.s32 $0xFFFFFFB0  }
0x1de: {  	_ =	swait.ge [sflag:s19], $0x50  }
0x1df: {  	[sflag:s19] =	ssyncset.done $0x0  }
0x1e0: {  	[sflag:s19] =	ssyncadd.s32 $0xFFFFFFB0  }
0x1e1: {  	_ =	swait.ge [sflag:s19], $0x50  }
0x1e2: {  	[sflag:s19] =	ssyncset.done $0x0  }
0x1e3: {  	[sflag:s19] =	ssyncadd.s32 $0xFFFFFFB0  }
0x1e4: {  	_ =	swait.ge [sflag:s19], $0x50  }
0x1e5: {  	[sflag:s19] =	ssyncset.done $0x0  }
0x1e6: {  	[sflag:s19] =	ssyncadd.s32 $0xFFFFFFB0  }
0x1e7: {  	_ =	swait.ge [sflag:s19], $0x50  }
0x1e8: {  	[sflag:s19] =	ssyncset.done $0x0  }
0x1e9: {  	[sflag:s19] =	ssyncadd.s32 $0xFFFFFFB0  }
0x1ea: {  	_ =	swait.ge [sflag:s19], $0x50  }
0x1eb: {  	[sflag:s19] =	ssyncset.done $0x0  }
0x1ec: {  	[sflag:s19] =	ssyncadd.s32 $0xFFFFFFB0  }
0x1ed: {  	_ =	swait.ge [sflag:s19], $0x50  }
0x1ee: {  	[sflag:s19] =	ssyncset.done $0x0  }
0x1ef: {  	[sflag:s19] =	ssyncadd.s32 $0xFFFFFFB0  }
.Ltmp4:
0x1f0: {  	_ =	swait.ge [sflag:s19], $0x50;
	(pc) =	sbr.rel @!p1 .LBB2_9-.Ltmp4, $4  }
0x1f1: {  	[sflag:s19] =	ssyncset.done $0x0  }
0x1f2: {  	[sflag:s19] =	ssyncadd.s32 $0xFFFFFFB0  }
0x1f3: {  	_ =	swait.ge [sflag:s20], $0x2800  }
0x1f4: {  	s0 =	sadd.s32 $0xFFFFFFFF, s8;
	[sflag:s20] =	ssyncset.done $0x0  }
.LBB2_8:
0x1f5: {  	p1 =	sne.s32 s0, $0x1;
	s0 =	sadd.s32 $0xFFFFFFFF, s0;
	[sflag:s20] =	ssyncadd.s32 $0xFFFFD800  }
.Ltmp5:
0x1f6: {  	(pc) =	sbr.rel @p1 .LBB2_8-.Ltmp5, $3  }
0x1f7: {  	_ =	sdelay $0x1  }
0x1f8: {  	_ =	swait.ge [sflag:s20], $0x2800  }
0x1f9: {  	[sflag:s20] =	ssyncset.done $0x0  }
.LBB2_9:
0x1fa: {  	[sflag:s20] =	ssyncadd.s32 $0xFFFFD800  }
0x1fb: {  	_ =	swait.ge [sflag:s20], $0x280  }
0x1fc: {  	[sflag:s20] =	ssyncset.done $0x0  }
0x1fd: {  	[sflag:s20] =	ssyncadd.s32 $0xFFFFFD80  }
0x1fe: {  	s0 =	simm.s32 $0x0;
	[bflag:$0x0] =	sbarrier.arrive $0xFFFF  }
0x1ff: {  	[tilespmem:s16], [sflag:$0x1] =	stream.indirect.gather [hbm4b:s1+s21], $0x80, s0, s21, $0xb8;
	[tilespmem:$0x1F580] =	vst v63  }
0x200: {  	_ = 	snop  }
0x201: {  	[tilespmem:s22], [sflag:$0x2] =	stream.indirect.gather [hbm4b:s1+s21], $0x80, s21, s21, $0xb8;
	[tilespmem:$0x1F580] =	vst v63  }
0x202: {  	_ =	swait.ge [sflag:s19], $0x2800  }
0x203: {  	[sflag:s19] =	ssyncset.done $0x0  }
0x204: {  	s12 =	simm.s32 $0x2780;
	[sflag:s19] =	ssyncadd.s32 $0xFFFFD800  }
0x205: {  	[spmem:s3] =	stream.indirect.scatter.add.f32 [tilespmem:s16], [sflag:$0x3], $0x80, s12, s21, $0xb8;
	[tilespmem:$0x1F580] =	vst v63  }
0x206: {  	_ = 	snop  }
0x207: {  	[spmem:s4] =	stream.indirect.scatter.add.f32 [tilespmem:s23], [sflag:$0x5], $0x1, s12, s21, $0xb8;
	[tilespmem:$0x1F580] =	vst v63  }
0x208: {  	_ =	swait.ge [sflag:s24], $0x2800  }
0x209: {  	[sflag:s24] =	ssyncset.done $0x0  }
0x20a: {  	s14 =	simm.s32 $0xA0;
	[sflag:s24] =	ssyncadd.s32 $0xFFFFD800  }
0x20b: {  	[tilespmem:s16], [sflag:$0x1] =	stream.indirect.gather [hbm4b:s1+s21], $0x80, s14, s21, $0xb8;
	[tilespmem:$0x1F580] =	vst v63  }
0x20c: {  	_ =	swait.ge [sflag:s20], $0x2800  }
0x20d: {  	[sflag:s20] =	ssyncset.done $0x0  }
0x20e: {  	s28 =	simm.s32 $0x2800;
	[sflag:s20] =	ssyncadd.s32 $0xFFFFD800  }
0x20f: {  	[spmem:s3] =	stream.indirect.scatter.add.f32 [tilespmem:s22], [sflag:$0x4], $0x80, s28, s21, $0xb8;
	[tilespmem:$0x1F580] =	vst v63  }
0x210: {  	_ = 	snop  }
0x211: {  	[spmem:s4] =	stream.indirect.scatter.add.f32 [tilespmem:s23], [sflag:$0x5], $0x1, s28, s21, $0xb8;
	[tilespmem:$0x1F580] =	vst v63  }
0x212: {  	_ =	swait.ge [sflag:s26], $0x2800  }
0x213: {  	s2 =	simm.s32 $0x400;
	[sflag:s26] =	ssyncset.done $0x0  }
0x214: {  	s6 =	simm.s32 $0xF0;
	s0 =	simm.s32 $0x140;
	[sflag:s26] =	ssyncadd.s32 $0xFFFFD800  }
.LBB2_10:
0x215: {  	[tilespmem:s22], [sflag:$0x2] =	stream.indirect.gather [hbm4b:s1+s21], $0x80, s6, s21, $0xb8;
	[tilespmem:$0x1F580] =	vst v63  }
0x216: {  	s6 =	smov.u32 s2  }
0x217: {  	p1 =	sne.s32 s2, $0xF000;
	s2 =	sadd.s32 $0x400, s2;
	_ =	swait.ge [sflag:s19], $0x2800  }
0x218: {  	s6 =	sshra.s32 s6, $0x2;
	[sflag:s19] =	ssyncset.done $0x0  }
0x219: {  	s10 =	sadd.s32 $0x2780, s6;
	[sflag:s19] =	ssyncadd.s32 $0xFFFFD800  }
0x21a: {  	[spmem:s3] =	stream.indirect.scatter.add.f32 [tilespmem:s16], [sflag:$0x3], $0x80, s10, s21, $0xb8;
	[tilespmem:$0x1F580] =	vst v63  }
0x21b: {  	_ = 	snop  }
0x21c: {  	[spmem:s4] =	stream.indirect.scatter.add.f32 [tilespmem:s23], [sflag:$0x5], $0x1, s10, s21, $0xb8;
	[tilespmem:$0x1F580] =	vst v63  }
0x21d: {  	_ =	swait.ge [sflag:s24], $0x2800  }
0x21e: {  	[sflag:s24] =	ssyncset.done $0x0  }
0x21f: {  	[sflag:s24] =	ssyncadd.s32 $0xFFFFD800  }
0x220: {  	[tilespmem:s16], [sflag:$0x1] =	stream.indirect.gather [hbm4b:s1+s21], $0x80, s0, s21, $0xb8;
	[tilespmem:$0x1F580] =	vst v63  }
0x221: {  	_ =	swait.ge [sflag:s20], $0x2800  }
0x222: {  	[sflag:s20] =	ssyncset.done $0x0  }
0x223: {  	s6 =	sadd.s32 $0x2800, s6;
	[sflag:s20] =	ssyncadd.s32 $0xFFFFD800  }
0x224: {  	[spmem:s3] =	stream.indirect.scatter.add.f32 [tilespmem:s22], [sflag:$0x4], $0x80, s6, s21, $0xb8;
	[tilespmem:$0x1F580] =	vst v63  }
.Ltmp6:
0x225: {  	(pc) =	sbr.rel @p1 .LBB2_10-.Ltmp6, $4  }
0x226: {  	[spmem:s4] =	stream.indirect.scatter.add.f32 [tilespmem:s23], [sflag:$0x5], $0x1, s6, s21, $0xb8;
	[tilespmem:$0x1F580] =	vst v63  }
0x227: {  	_ =	swait.ge [sflag:s26], $0x2800  }
0x228: {  	[sflag:s26] =	ssyncset.done $0x0  }
0x229: {  	s6 =	sadd.s32 $0x50, s0;
	s0 =	sadd.s32 $0xA0, s0;
	[sflag:s26] =	ssyncadd.s32 $0xFFFFD800  }
0x22a: {  	[tilespmem:s22], [sflag:$0x2] =	stream.indirect.gather [hbm4b:s1+s21], $0x80, s6, s21, $0xb8;
	[tilespmem:$0x1F580] =	vst v63  }
0x22b: {  	_ =	swait.ge [sflag:s19], $0x2800  }
0x22c: {  	[sflag:s19] =	ssyncset.done $0x0  }
0x22d: {  	s2 =	simm.s32 $0x6480;
	[sflag:s19] =	ssyncadd.s32 $0xFFFFD800  }
0x22e: {  	[spmem:s3] =	stream.indirect.scatter.add.f32 [tilespmem:s16], [sflag:$0x3], $0x80, s2, s21, $0xb8;
	[tilespmem:$0x1F580] =	vst v63  }
0x22f: {  	_ = 	snop  }
0x230: {  	[spmem:s4] =	stream.indirect.scatter.add.f32 [tilespmem:s23], [sflag:$0x5], $0x1, s2, s21, $0xb8;
	[tilespmem:$0x1F580] =	vst v63  }
0x231: {  	_ =	swait.ge [sflag:s24], $0x2800  }
0x232: {  	[sflag:s24] =	ssyncset.done $0x0  }
0x233: {  	[sflag:s24] =	ssyncadd.s32 $0xFFFFD800  }
0x234: {  	[tilespmem:s16], [sflag:$0x1] =	stream.indirect.gather [hbm4b:s1+s21], $0x80, s0, s21, $0xb8;
	[tilespmem:$0x1F580] =	vst v63  }
0x235: {  	_ =	swait.ge [sflag:s20], $0x2800  }
0x236: {  	[sflag:s20] =	ssyncset.done $0x0  }
0x237: {  	[sflag:s20] =	ssyncadd.s32 $0xFFFFD800  }
0x238: {  	[spmem:s3] =	stream.indirect.scatter.add.f32 [tilespmem:s22], [sflag:$0x4], $0x80, s29, s21, $0xb8;
	[tilespmem:$0x1F580] =	vst v63  }
0x239: {  	_ = 	snop  }
0x23a: {  	[spmem:s4] =	stream.indirect.scatter.add.f32 [tilespmem:s23], [sflag:$0x5], $0x1, s29, s21, $0xb8;
	[tilespmem:$0x1F580] =	vst v63  }
0x23b: {  	_ =	swait.ge [sflag:s26], $0x2800  }
0x23c: {  	[sflag:s26] =	ssyncset.done $0x0  }
0x23d: {  	[sflag:s26] =	ssyncadd.s32 $0xFFFFD800  }
0x23e: {  	_ =	swait.ge [sflag:s19], $0x2800  }
0x23f: {  	[sflag:s19] =	ssyncset.done $0x0  }
0x240: {  	[sflag:s19] =	ssyncadd.s32 $0xFFFFD800  }
0x241: {  	[spmem:s3] =	stream.indirect.scatter.add.f32 [tilespmem:s16], [sflag:$0x3], $0x80, s30, s21, $0xb8;
	[tilespmem:$0x1F580] =	vst v63  }
0x242: {  	_ = 	snop  }
0x243: {  	[spmem:s4] =	stream.indirect.scatter.add.f32 [tilespmem:s23], [sflag:$0x5], $0x1, s30, s21, $0xb8;
	[tilespmem:$0x1F580] =	vst v63  }
0x244: {  	_ =	swait.ge [sflag:s24], $0x2800  }
0x245: {  	[sflag:s24] =	ssyncset.done $0x0  }
0x246: {  	[sflag:s24] =	ssyncadd.s32 $0xFFFFD800  }
0x247: {  	_ =	swait.ge [sflag:s7], $0x50  }
0x248: {  	s0 =	simm.s32 $0x7C;
	[sflag:s7] =	ssyncset.done $0x0  }
.LBB2_12:
0x249: {  	p1 =	sne.s32 s0, $0x1;
	s0 =	sadd.s32 $0xFFFFFFFF, s0;
	[sflag:s7] =	ssyncadd.s32 $0xFFFFFFB0  }
.Ltmp7:
0x24a: {  	(pc) =	sbr.rel @p1 .LBB2_12-.Ltmp7, $3  }
0x24b: {  	_ =	sdelay $0x1  }
0x24c: {  	_ =	swait.ge [sflag:s7], $0x50  }
0x24d: {  	[sflag:s7] =	ssyncset.done $0x0  }
0x24e: {  	[sflag:s7] =	ssyncadd.s32 $0xFFFFFFB0;
	s0 =	stileid.u32  }
0x24f: {  	s0 =	sshll.u32 s0, $0x6;
	[bflag:$0x0] =	sbarrier.arrive $0xFFFF  }
0x250: {  	s2 =	sshrl.u32 s9, $0x3;
	s0 =	sor.u32 $0x1C06, s0;
	s6 =	rddreg [dreg:$0x1f]  }
0x251: {  	[hbm:s6], [sflag:s0] =	dma.local [spmem:s2], $0x50  }
0x252: {  	_ =	swait.ge [sflag:s18], $0x50  }
0x253: {  	s2 =	sld [smem:$0x7FD]  }
0x254: {  	[sflag:s18] =	ssyncset.done $0x0  }
0x255: {  	[sflag:s18] =	ssyncadd.s32 $0xFFFFFFB0  }
0x256: {  	[hbm:s2], [sflag:s0] =	dma.local @p0 [spmem:s25], $0x1900  }
0x257: {  	s2 =	simm.s32 @p0 $0x6  }
0x258: {  	_ =	swait.ge @p0 [sflag:s2], $0x1900  }
0x259: {  	s6 =	sld [smem:$0x7FC]  }
0x25a: {  	s31 =	sadd.s32 $0x1, s31;
	[sflag:s2] =	ssyncset.done @p0 $0x0  }
0x25b: {  	p1 =	sne.s32 s31, s15;
	[sflag:s2] =	ssyncadd.s32 @p0 $0xFFFFE700;
	s2 =	sshrl.u32 @!p0 s13, $0x3  }
0x25c: {  	[hbm:s6], [sflag:s0] =	dma.local @!p0 [spmem:s2], $0x2800  }
.Ltmp8:
0x25d: {  	_ = 	snop;
	(pc) =	sbr.rel @p1 .LBB2_1-.Ltmp8, $4  }
0x25e: {  	s0 =	simm.s32 @!p0 $0x6  }
0x25f: {  	_ =	swait.ge @!p0 [sflag:s0], $0x2800  }
0x260: {  	[sflag:s0] =	ssyncset.done @!p0 $0x0  }
0x261: {  	[sflag:s0] =	ssyncadd.s32 @!p0 $0xFFFFD800  }
0x262: {  	_ =	sfence.sel $0x180000  }
0x263: {  	[bflag:$0x0] =	sbarrier.arrive $0xFFFF  }
0x264: {  	_ =	strace $0x9000004A  }
0x265: {  	s0 =	stileid.u32;
	[bflag:$0x2] =	sbarrier.arrive $0xFFFF  }
0x266: {  	p0 =	sne.s32 s0, $0x0;
	s0 =	rddreg [dreg:$0x4]  }
0x267: {  	s0 =	sadd.s32 @!p0 $0x100000, s0  }
0x268: {  	[sflag:s0] =	ssyncadd.tile.s32 @!p0 $0x1;
	_ =	shalt  }
.Lfunc_end2:
_tile_overlayer_lowered:
.L_overlay_start_2:
0x269: {  	(tag) =	ssettag $0x2  }
0x26a: {  	s0 =	rddreg [dreg:$0x0];
	s2 =	stileid.u32  }
0x26b: {  	s1 =	rddreg [dreg:$0x1];
	p0 =	sne.s32 s2, $0x0  }
0x26c: {  	s3 =	rddreg [dreg:$0x2];
	[bflag:$0x3] =	sbarrier.arrive $0xFFFF;
	s2 =	simm.s32 @!p0 $0x1C06  }
0x26d: {  	[timem:s3], [sflag:s2] =	dma.local @!p0 [hbm:s0], s1  }
0x26e: {  	s0 =	simm.s32 @!p0 $0x6  }
0x26f: {  	_ =	swait.ge @!p0 [sflag:s0], s1  }
0x270: {  	s1 =	ssub.s32 @!p0 $0x0, s1;
	[sflag:s0] =	ssyncset.done @!p0 $0x0  }
0x271: {  	[sflag:s0] =	ssyncadd.s32 @!p0 s1  }
0x272: {  	[bflag:$0x3] =	sbarrier.arrive $0xFFFF  }
0x273: {  	_ =	shalt  }

</sc_bundles>
